<compile_context>
chip_gen: v7x
topology: tpu7x:2x2x1
jax: 0.10.2.dev20260603
libtpu: 0.0.44.dev20260713+nightly
codegen_flags: <defaults>
</compile_context>

<pallas_src>
import jax
import jax.numpy as jnp
from jax import lax
from jax.experimental import pallas as pl
from jax.experimental.pallas import tpu as pltpu
from jax.experimental.pallas import tpu_sc as plsc

_NUM_FIELDS = 26
_VOCAB_PER_FIELD = 100000
_EMBED_DIM = 128
_BATCH = 4096
_NC = 2
_NS = 16
_NW = _NC * _NS
_BPW = _BATCH // _NW
_NBUF = 7


def _fuse_row(idx_v, f):
    off = f * _VOCAB_PER_FIELD
    for k in range(_BPW // 16):
        idx_v[f, pl.ds(k * 16, 16)] = idx_v[f, pl.ds(k * 16, 16)] + off


def _sc_body(inp_hbm, table_hbm, out_hbm, idx_v, rows_v, *sems):
    wid = lax.axis_index("s") * _NC + lax.axis_index("c")
    b0 = wid * _BPW
    gsems = sems[:_NBUF]
    osems = sems[_NBUF:]

    _SPLIT = 8
    s1 = pltpu.make_async_copy(inp_hbm.at[pl.ds(0, _SPLIT), pl.ds(b0, _BPW)],
                               idx_v.at[pl.ds(0, _SPLIT)], osems[0])
    s2 = pltpu.make_async_copy(
        inp_hbm.at[pl.ds(_SPLIT, _NUM_FIELDS - _SPLIT), pl.ds(b0, _BPW)],
        idx_v.at[pl.ds(_SPLIT, _NUM_FIELDS - _SPLIT)], osems[1])
    s1.start()
    s2.start()
    s1.wait()

    def gather_copy(f, b):
        return pltpu.make_async_copy(
            table_hbm.at[idx_v.at[f]], rows_v.at[b], gsems[b])

    def out_copy(f, b):
        return pltpu.make_async_copy(
            rows_v.at[b], out_hbm.at[f, pl.ds(b0, _BPW)], osems[b])

    for b in range(_NBUF):
        _fuse_row(idx_v, b)
        gather_copy(b, b).start()
    s2.wait()
    for f in range(_NBUF, _NUM_FIELDS):
        _fuse_row(idx_v, f)

    for f in range(_NUM_FIELDS):
        b = f % _NBUF
        gather_copy(f, b).wait()
        out_copy(f, b).start()
        fn = f + _NBUF
        if fn < _NUM_FIELDS:
            out_copy(f, b).wait()
            gather_copy(fn, b).start()
    for f in range(_NUM_FIELDS - _NBUF, _NUM_FIELDS):
        out_copy(f, f % _NBUF).wait()


def kernel(inputs, table):
    inp_t = inputs.T
    mesh = plsc.VectorSubcoreMesh(core_axis_name="c", subcore_axis_name="s")
    run = pl.kernel(
        _sc_body,
        out_type=jax.ShapeDtypeStruct((_NUM_FIELDS, _BATCH, _EMBED_DIM),
                                      jnp.float32),
        mesh=mesh,
        scratch_types=[
            pltpu.VMEM((_NUM_FIELDS, _BPW), jnp.int32),
            pltpu.VMEM((_NBUF, _BPW, _EMBED_DIM), jnp.float32),
        ] + [pltpu.SemaphoreType.DMA] * (2 * _NBUF),
    )
    out = run(inp_t, table)
    return out.transpose(1, 0, 2)

# --- scband reference (transcript-rebuilt; emitter-appended) ---
"""Pipeline reference for scband-sokembedding-31688268709909 (READ-ONLY COPY).

The authoritative reference and input builder live on the scoring server;
editing this copy changes nothing except your own understanding.
"""

import jax, jax.numpy as jnp
import numpy as np

NUM_FIELDS = 26
VOCAB_PER_FIELD = 100000
EMBED_DIM = 128
BATCH = 4096
TOTAL_VOCAB = NUM_FIELDS * VOCAB_PER_FIELD


def setup_inputs(seed: int = 0) -> dict:
    key = jax.random.key(seed)
    k1, k2 = jax.random.split(key)
    inputs = jax.random.randint(k1, (BATCH, NUM_FIELDS), 0, VOCAB_PER_FIELD, dtype=jnp.int32)
    # Fused embedding table (sok.Variable with RandomUniform(-0.05, 0.05))
    table = jax.random.uniform(k2, (TOTAL_VOCAB, EMBED_DIM), dtype=jnp.float32, minval=-0.05, maxval=0.05)
    return {"inputs": inputs, "table": table}


def reference(inputs, table):
    # vocab prefix sum: offset of each field in the fused table
    prefix = (jnp.arange(NUM_FIELDS, dtype=jnp.int32) * VOCAB_PER_FIELD).reshape(1, -1)
    fused_inputs = inputs + prefix  # [B, 26]
    fused_flat = fused_inputs.reshape(-1)  # [B*26]
    # sok.lookup_sparse with one id per ragged row and 'sum' combiner == plain gather
    emb_vectors = jnp.take(table, fused_flat, axis=0)  # [B*26, D]
    emb_vectors = emb_vectors.reshape(-1, NUM_FIELDS, EMBED_DIM)  # [B, 26, D]
    return emb_vectors

if __name__ == "__main__":
    import jax
    _d = setup_inputs()
    print(jax.jit(kernel)(*tuple(_d.values())))

</pallas_src>

<mosaic_0001>
#map = affine_map<(d0, d1) -> (0, 0)>
#map1 = affine_map<(d0, d1) -> (0, 0, 0)>
module attributes {stable_mosaic.version = 14 : i64} {
  func.func @_sc_body(%arg0: i32, %arg1: i32, %arg2: memref<26x4096xi32, #tpu.memory_space<hbm>>, %arg3: memref<2600000x128xf32, #tpu.memory_space<hbm>>, %arg4: memref<26x4096x128xf32, #tpu.memory_space<hbm>>, %arg5: memref<26x128xi32, #tpu.memory_space<vmem>>, %arg6: memref<7x128x128xf32, #tpu.memory_space<vmem>>, %arg7: memref<!tpu.dma_semaphore, #tpu.memory_space<semaphore_mem>>, %arg8: memref<!tpu.dma_semaphore, #tpu.memory_space<semaphore_mem>>, %arg9: memref<!tpu.dma_semaphore, #tpu.memory_space<semaphore_mem>>, %arg10: memref<!tpu.dma_semaphore, #tpu.memory_space<semaphore_mem>>, %arg11: memref<!tpu.dma_semaphore, #tpu.memory_space<semaphore_mem>>, %arg12: memref<!tpu.dma_semaphore, #tpu.memory_space<semaphore_mem>>, %arg13: memref<!tpu.dma_semaphore, #tpu.memory_space<semaphore_mem>>, %arg14: memref<!tpu.dma_semaphore, #tpu.memory_space<semaphore_mem>>, %arg15: memref<!tpu.dma_semaphore, #tpu.memory_space<semaphore_mem>>, %arg16: memref<!tpu.dma_semaphore, #tpu.memory_space<semaphore_mem>>, %arg17: memref<!tpu.dma_semaphore, #tpu.memory_space<semaphore_mem>>, %arg18: memref<!tpu.dma_semaphore, #tpu.memory_space<semaphore_mem>>, %arg19: memref<!tpu.dma_semaphore, #tpu.memory_space<semaphore_mem>>, %arg20: memref<!tpu.dma_semaphore, #tpu.memory_space<semaphore_mem>>) attributes {dimension_semantics = [#tpu.dimension_semantics<core_parallel>, #tpu.dimension_semantics<subcore_parallel>], iteration_bounds = array<i64: 2, 16>, scalar_prefetch = 0 : i64, scratch_operands = 16 : i64, tpu.core_type = #tpu.core_type<sc_vector_subcore>, window_params = [{transform_indices = #map}, {transform_indices = #map}, {transform_indices = #map1}]} {
    %mul3A = arith.constant 2 : i32
    %mul3A_0 = arith.muli %arg1, %mul3A : i32
    %add3A = arith.addi %mul3A_0, %arg0 : i32
    %mul3A_1 = arith.constant 128 : i32
    %mul3A_2 = arith.muli %add3A, %mul3A_1 : i32
    %dma_start3A = arith.constant 0 : i32
    %dma_start3A_3 = arith.constant 0 : i32
    %dma_start3A_4 = tpu.memref_slice %arg5[%dma_start3A, %dma_start3A_3] : memref<26x128xi32, #tpu.memory_space<vmem>> -> memref<8x128xi32, #tpu.memory_space<vmem>>
    %dma_start3A_5 = arith.constant 0 : i32
    %dma_start3A_6 = tpu.memref_slice %arg2[%dma_start3A_5, %mul3A_2] : memref<26x4096xi32, #tpu.memory_space<hbm>> -> memref<8x128xi32, #tpu.memory_space<hbm>>
    %dma_start3A_7 = arith.constant 0 : i32
    %dma_start3A_8 = arith.constant 0 : i32
    %dma_start3A_9 = tpu.memref_slice %arg5[%dma_start3A_7, %dma_start3A_8] : memref<26x128xi32, #tpu.memory_space<vmem>> -> memref<8x128xi32, #tpu.memory_space<vmem>>
    %dma_start3A_10 = arith.constant 0 : i32
    %dma_start3A_11 = tpu.memref_slice %arg2[%dma_start3A_10, %mul3A_2] : memref<26x4096xi32, #tpu.memory_space<hbm>> -> memref<8x128xi32, #tpu.memory_space<hbm>>
    tpu.enqueue_dma source(%dma_start3A_11 : memref<8x128xi32, #tpu.memory_space<hbm>>) target(%dma_start3A_9 : memref<8x128xi32, #tpu.memory_space<vmem>>) target_semaphore(%arg14 : memref<!tpu.dma_semaphore, #tpu.memory_space<semaphore_mem>>)
    %dma_start3A_12 = arith.constant 8 : i32
    %dma_start3A_13 = arith.constant 0 : i32
    %dma_start3A_14 = tpu.memref_slice %arg5[%dma_start3A_12, %dma_start3A_13] : memref<26x128xi32, #tpu.memory_space<vmem>> -> memref<18x128xi32, #tpu.memory_space<vmem>>
    %dma_start3A_15 = arith.constant 8 : i32
    %dma_start3A_16 = tpu.memref_slice %arg2[%dma_start3A_15, %mul3A_2] : memref<26x4096xi32, #tpu.memory_space<hbm>> -> memref<18x128xi32, #tpu.memory_space<hbm>>
    %dma_start3A_17 = arith.constant 8 : i32
    %dma_start3A_18 = arith.constant 0 : i32
    %dma_start3A_19 = tpu.memref_slice %arg5[%dma_start3A_17, %dma_start3A_18] : memref<26x128xi32, #tpu.memory_space<vmem>> -> memref<18x128xi32, #tpu.memory_space<vmem>>
    %dma_start3A_20 = arith.constant 8 : i32
    %dma_start3A_21 = tpu.memref_slice %arg2[%dma_start3A_20, %mul3A_2] : memref<26x4096xi32, #tpu.memory_space<hbm>> -> memref<18x128xi32, #tpu.memory_space<hbm>>
    tpu.enqueue_dma source(%dma_start3A_21 : memref<18x128xi32, #tpu.memory_space<hbm>>) target(%dma_start3A_19 : memref<18x128xi32, #tpu.memory_space<vmem>>) target_semaphore(%arg15 : memref<!tpu.dma_semaphore, #tpu.memory_space<semaphore_mem>>)
    %dma_wait3A = arith.constant 0 : i32
    %dma_wait3A_22 = arith.constant 0 : i32
    %dma_wait3A_23 = tpu.memref_slice %arg5[%dma_wait3A, %dma_wait3A_22] : memref<26x128xi32, #tpu.memory_space<vmem>> -> memref<8x128xi32, #tpu.memory_space<vmem>>
    %dma_wait3A_24 = arith.constant 0 : i32
    %dma_wait3A_25 = tpu.memref_slice %arg2[%dma_wait3A_24, %mul3A_2] : memref<26x4096xi32, #tpu.memory_space<hbm>> -> memref<8x128xi32, #tpu.memory_space<hbm>>
    %dma_wait3A_26 = arith.constant 0 : i32
    %dma_wait3A_27 = arith.constant 0 : i32
    %dma_wait3A_28 = tpu.memref_slice %arg5[%dma_wait3A_26, %dma_wait3A_27] : memref<26x128xi32, #tpu.memory_space<vmem>> -> memref<8x128xi32, #tpu.memory_space<vmem>>
    %dma_wait3A_29 = arith.constant 0 : i32
    %dma_wait3A_30 = tpu.memref_slice %arg2[%dma_wait3A_29, %mul3A_2] : memref<26x4096xi32, #tpu.memory_space<hbm>> -> memref<8x128xi32, #tpu.memory_space<hbm>>
    tpu.wait_dma2 semaphore(%arg14 : memref<!tpu.dma_semaphore, #tpu.memory_space<semaphore_mem>>) src(%dma_wait3A_30 : memref<8x128xi32, #tpu.memory_space<hbm>>) dst(%dma_wait3A_28 : memref<8x128xi32, #tpu.memory_space<vmem>>)
    %get3A = arith.constant 0 : i32
    %get3A_31 = arith.index_cast %get3A : i32 to index
    %get3A_32 = arith.constant 0 : index
    %get3A_33 = tpu.vector_load %arg5[%get3A_31, %get3A_32] {strides = array<i32>} : memref<26x128xi32, #tpu.memory_space<vmem>>, vector<1x16xi32>,
    %get3A_34 = vector.shape_cast %get3A_33 : vector<1x16xi32> to vector<16xi32>
    %add3A_35 = arith.constant 0 : i32
    %add3A_36 = vector.broadcast %add3A_35 : i32 to vector<16xi32>
    %add3A_37 = arith.addi %get3A_34, %add3A_36 : vector<16xi32>
    %swap3A = arith.constant 0 : i32
    %swap3A_38 = arith.index_cast %swap3A : i32 to index
    %swap3A_39 = arith.constant 0 : index
    %swap3A_40 = tpu.vector_load %arg5[%swap3A_38, %swap3A_39] {strides = array<i32>} : memref<26x128xi32, #tpu.memory_space<vmem>>, vector<1x16xi32>,
    %swap3A_41 = vector.shape_cast %swap3A_40 : vector<1x16xi32> to vector<16xi32>
    %swap3A_42 = vector.shape_cast %add3A_37 : vector<16xi32> to vector<1x16xi32>
    tpu.vector_store %arg5[%swap3A_38, %swap3A_39], %swap3A_42 {strides = array<i32>} : memref<26x128xi32, #tpu.memory_space<vmem>>, vector<1x16xi32>,
    %get3A_43 = arith.constant 0 : i32
    %get3A_44 = arith.index_cast %get3A_43 : i32 to index
    %get3A_45 = arith.constant 16 : index
    %get3A_46 = tpu.vector_load %arg5[%get3A_44, %get3A_45] {strides = array<i32>} : memref<26x128xi32, #tpu.memory_space<vmem>>, vector<1x16xi32>,
    %get3A_47 = vector.shape_cast %get3A_46 : vector<1x16xi32> to vector<16xi32>
    %add3A_48 = arith.constant 0 : i32
    %add3A_49 = vector.broadcast %add3A_48 : i32 to vector<16xi32>
    %add3A_50 = arith.addi %get3A_47, %add3A_49 : vector<16xi32>
    %swap3A_51 = arith.constant 0 : i32
    %swap3A_52 = arith.index_cast %swap3A_51 : i32 to index
    %swap3A_53 = arith.constant 16 : index
    %swap3A_54 = tpu.vector_load %arg5[%swap3A_52, %swap3A_53] {strides = array<i32>} : memref<26x128xi32, #tpu.memory_space<vmem>>, vector<1x16xi32>,
    %swap3A_55 = vector.shape_cast %swap3A_54 : vector<1x16xi32> to vector<16xi32>
    %swap3A_56 = vector.shape_cast %add3A_50 : vector<16xi32> to vector<1x16xi32>
    tpu.vector_store %arg5[%swap3A_52, %swap3A_53], %swap3A_56 {strides = array<i32>} : memref<26x128xi32, #tpu.memory_space<vmem>>, vector<1x16xi32>,
    %get3A_57 = arith.constant 0 : i32
    %get3A_58 = arith.index_cast %get3A_57 : i32 to index
    %get3A_59 = arith.constant 32 : index
    %get3A_60 = tpu.vector_load %arg5[%get3A_58, %get3A_59] {strides = array<i32>} : memref<26x128xi32, #tpu.memory_space<vmem>>, vector<1x16xi32>,
    %get3A_61 = vector.shape_cast %get3A_60 : vector<1x16xi32> to vector<16xi32>
    %add3A_62 = arith.constant 0 : i32
    %add3A_63 = vector.broadcast %add3A_62 : i32 to vector<16xi32>
    %add3A_64 = arith.addi %get3A_61, %add3A_63 : vector<16xi32>
    %swap3A_65 = arith.constant 0 : i32
    %swap3A_66 = arith.index_cast %swap3A_65 : i32 to index
    %swap3A_67 = arith.constant 32 : index
    %swap3A_68 = tpu.vector_load %arg5[%swap3A_66, %swap3A_67] {strides = array<i32>} : memref<26x128xi32, #tpu.memory_space<vmem>>, vector<1x16xi32>,
    %swap3A_69 = vector.shape_cast %swap3A_68 : vector<1x16xi32> to vector<16xi32>
    %swap3A_70 = vector.shape_cast %add3A_64 : vector<16xi32> to vector<1x16xi32>
    tpu.vector_store %arg5[%swap3A_66, %swap3A_67], %swap3A_70 {strides = array<i32>} : memref<26x128xi32, #tpu.memory_space<vmem>>, vector<1x16xi32>,
    %get3A_71 = arith.constant 0 : i32
    %get3A_72 = arith.index_cast %get3A_71 : i32 to index
    %get3A_73 = arith.constant 48 : index
    %get3A_74 = tpu.vector_load %arg5[%get3A_72, %get3A_73] {strides = array<i32>} : memref<26x128xi32, #tpu.memory_space<vmem>>, vector<1x16xi32>,
    %get3A_75 = vector.shape_cast %get3A_74 : vector<1x16xi32> to vector<16xi32>
    %add3A_76 = arith.constant 0 : i32
    %add3A_77 = vector.broadcast %add3A_76 : i32 to vector<16xi32>
    %add3A_78 = arith.addi %get3A_75, %add3A_77 : vector<16xi32>
    %swap3A_79 = arith.constant 0 : i32
    %swap3A_80 = arith.index_cast %swap3A_79 : i32 to index
    %swap3A_81 = arith.constant 48 : index
    %swap3A_82 = tpu.vector_load %arg5[%swap3A_80, %swap3A_81] {strides = array<i32>} : memref<26x128xi32, #tpu.memory_space<vmem>>, vector<1x16xi32>,
    %swap3A_83 = vector.shape_cast %swap3A_82 : vector<1x16xi32> to vector<16xi32>
    %swap3A_84 = vector.shape_cast %add3A_78 : vector<16xi32> to vector<1x16xi32>
    tpu.vector_store %arg5[%swap3A_80, %swap3A_81], %swap3A_84 {strides = array<i32>} : memref<26x128xi32, #tpu.memory_space<vmem>>, vector<1x16xi32>,
    %get3A_85 = arith.constant 0 : i32
    %get3A_86 = arith.index_cast %get3A_85 : i32 to index
    %get3A_87 = arith.constant 64 : index
    %get3A_88 = tpu.vector_load %arg5[%get3A_86, %get3A_87] {strides = array<i32>} : memref<26x128xi32, #tpu.memory_space<vmem>>, vector<1x16xi32>,
    %get3A_89 = vector.shape_cast %get3A_88 : vector<1x16xi32> to vector<16xi32>
    %add3A_90 = arith.constant 0 : i32
    %add3A_91 = vector.broadcast %add3A_90 : i32 to vector<16xi32>
    %add3A_92 = arith.addi %get3A_89, %add3A_91 : vector<16xi32>
    %swap3A_93 = arith.constant 0 : i32
    %swap3A_94 = arith.index_cast %swap3A_93 : i32 to index
    %swap3A_95 = arith.constant 64 : index
    %swap3A_96 = tpu.vector_load %arg5[%swap3A_94, %swap3A_95] {strides = array<i32>} : memref<26x128xi32, #tpu.memory_space<vmem>>, vector<1x16xi32>,
    %swap3A_97 = vector.shape_cast %swap3A_96 : vector<1x16xi32> to vector<16xi32>
    %swap3A_98 = vector.shape_cast %add3A_92 : vector<16xi32> to vector<1x16xi32>
    tpu.vector_store %arg5[%swap3A_94, %swap3A_95], %swap3A_98 {strides = array<i32>} : memref<26x128xi32, #tpu.memory_space<vmem>>, vector<1x16xi32>,
    %get3A_99 = arith.constant 0 : i32
    %get3A_100 = arith.index_cast %get3A_99 : i32 to index
    %get3A_101 = arith.constant 80 : index
    %get3A_102 = tpu.vector_load %arg5[%get3A_100, %get3A_101] {strides = array<i32>} : memref<26x128xi32, #tpu.memory_space<vmem>>, vector<1x16xi32>,
    %get3A_103 = vector.shape_cast %get3A_102 : vector<1x16xi32> to vector<16xi32>
    %add3A_104 = arith.constant 0 : i32
    %add3A_105 = vector.broadcast %add3A_104 : i32 to vector<16xi32>
    %add3A_106 = arith.addi %get3A_103, %add3A_105 : vector<16xi32>
    %swap3A_107 = arith.constant 0 : i32
    %swap3A_108 = arith.index_cast %swap3A_107 : i32 to index
    %swap3A_109 = arith.constant 80 : index
    %swap3A_110 = tpu.vector_load %arg5[%swap3A_108, %swap3A_109] {strides = array<i32>} : memref<26x128xi32, #tpu.memory_space<vmem>>, vector<1x16xi32>,
    %swap3A_111 = vector.shape_cast %swap3A_110 : vector<1x16xi32> to vector<16xi32>
    %swap3A_112 = vector.shape_cast %add3A_106 : vector<16xi32> to vector<1x16xi32>
    tpu.vector_store %arg5[%swap3A_108, %swap3A_109], %swap3A_112 {strides = array<i32>} : memref<26x128xi32, #tpu.memory_space<vmem>>, vector<1x16xi32>,
    %get3A_113 = arith.constant 0 : i32
    %get3A_114 = arith.index_cast %get3A_113 : i32 to index
    %get3A_115 = arith.constant 96 : index
    %get3A_116 = tpu.vector_load %arg5[%get3A_114, %get3A_115] {strides = array<i32>} : memref<26x128xi32, #tpu.memory_space<vmem>>, vector<1x16xi32>,
    %get3A_117 = vector.shape_cast %get3A_116 : vector<1x16xi32> to vector<16xi32>
    %add3A_118 = arith.constant 0 : i32
    %add3A_119 = vector.broadcast %add3A_118 : i32 to vector<16xi32>
    %add3A_120 = arith.addi %get3A_117, %add3A_119 : vector<16xi32>
    %swap3A_121 = arith.constant 0 : i32
    %swap3A_122 = arith.index_cast %swap3A_121 : i32 to index
    %swap3A_123 = arith.constant 96 : index
    %swap3A_124 = tpu.vector_load %arg5[%swap3A_122, %swap3A_123] {strides = array<i32>} : memref<26x128xi32, #tpu.memory_space<vmem>>, vector<1x16xi32>,
    %swap3A_125 = vector.shape_cast %swap3A_124 : vector<1x16xi32> to vector<16xi32>
    %swap3A_126 = vector.shape_cast %add3A_120 : vector<16xi32> to vector<1x16xi32>
    tpu.vector_store %arg5[%swap3A_122, %swap3A_123], %swap3A_126 {strides = array<i32>} : memref<26x128xi32, #tpu.memory_space<vmem>>, vector<1x16xi32>,
    %get3A_127 = arith.constant 0 : i32
    %get3A_128 = arith.index_cast %get3A_127 : i32 to index
    %get3A_129 = arith.constant 112 : index
    %get3A_130 = tpu.vector_load %arg5[%get3A_128, %get3A_129] {strides = array<i32>} : memref<26x128xi32, #tpu.memory_space<vmem>>, vector<1x16xi32>,
    %get3A_131 = vector.shape_cast %get3A_130 : vector<1x16xi32> to vector<16xi32>
    %add3A_132 = arith.constant 0 : i32
    %add3A_133 = vector.broadcast %add3A_132 : i32 to vector<16xi32>
    %add3A_134 = arith.addi %get3A_131, %add3A_133 : vector<16xi32>
    %swap3A_135 = arith.constant 0 : i32
    %swap3A_136 = arith.index_cast %swap3A_135 : i32 to index
    %swap3A_137 = arith.constant 112 : index
    %swap3A_138 = tpu.vector_load %arg5[%swap3A_136, %swap3A_137] {strides = array<i32>} : memref<26x128xi32, #tpu.memory_space<vmem>>, vector<1x16xi32>,
    %swap3A_139 = vector.shape_cast %swap3A_138 : vector<1x16xi32> to vector<16xi32>
    %swap3A_140 = vector.shape_cast %add3A_134 : vector<16xi32> to vector<1x16xi32>
    tpu.vector_store %arg5[%swap3A_136, %swap3A_137], %swap3A_140 {strides = array<i32>} : memref<26x128xi32, #tpu.memory_space<vmem>>, vector<1x16xi32>,
    %dma_start3A_141 = arith.constant 0 : i32
    %dma_start3A_142 = arith.constant 0 : i32
    %dma_start3A_143 = arith.constant 0 : i32
    %dma_start3A_144 = arith.constant 0 : i32
    %dma_start3A_145 = tpu.memref_slice %arg6[%dma_start3A_142, %dma_start3A_143, %dma_start3A_144] : memref<7x128x128xf32, #tpu.memory_space<vmem>> -> memref<1x128x128xf32, #tpu.memory_space<vmem>>
    %dma_start3A_146 = tpu.memref_squeeze %dma_start3A_145 : memref<1x128x128xf32, #tpu.memory_space<vmem>> -> memref<128x128xf32, #tpu.memory_space<vmem>>
    %dma_start3A_147 = arith.constant 0 : i32
    %dma_start3A_148 = tpu.memref_slice %arg5[%dma_start3A_141, %dma_start3A_147] : memref<26x128xi32, #tpu.memory_space<vmem>> -> memref<1x128xi32, #tpu.memory_space<vmem>>
    %dma_start3A_149 = tpu.memref_squeeze %dma_start3A_148 : memref<1x128xi32, #tpu.memory_space<vmem>> -> memref<128xi32, #tpu.memory_space<vmem>>
    %dma_start3A_150 = arith.constant 0 : i32
    %dma_start3A_151 = arith.constant 0 : i32
    %dma_start3A_152 = tpu.memref_slice %arg3[%dma_start3A_150, %dma_start3A_151] : memref<2600000x128xf32, #tpu.memory_space<hbm>> -> memref<2600000x128xf32, #tpu.memory_space<hbm>>
    tpu.enqueue_indirect_dma source(%dma_start3A_152 : memref<2600000x128xf32, #tpu.memory_space<hbm>>) target(%dma_start3A_146 : memref<128x128xf32, #tpu.memory_space<vmem>>) offsets(%dma_start3A_149 : memref<128xi32, #tpu.memory_space<vmem>>) semaphore(%arg7 : memref<!tpu.dma_semaphore, #tpu.memory_space<semaphore_mem>>)
    %get3A_153 = arith.constant 1 : i32
    %get3A_154 = arith.index_cast %get3A_153 : i32 to index
    %get3A_155 = arith.constant 0 : index
    %get3A_156 = tpu.vector_load %arg5[%get3A_154, %get3A_155] {strides = array<i32>} : memref<26x128xi32, #tpu.memory_space<vmem>>, vector<1x16xi32>,
    %get3A_157 = vector.shape_cast %get3A_156 : vector<1x16xi32> to vector<16xi32>
    %add3A_158 = arith.constant 100000 : i32
    %add3A_159 = vector.broadcast %add3A_158 : i32 to vector<16xi32>
    %add3A_160 = arith.addi %get3A_157, %add3A_159 : vector<16xi32>
    %swap3A_161 = arith.constant 1 : i32
    %swap3A_162 = arith.index_cast %swap3A_161 : i32 to index
    %swap3A_163 = arith.constant 0 : index
    %swap3A_164 = tpu.vector_load %arg5[%swap3A_162, %swap3A_163] {strides = array<i32>} : memref<26x128xi32, #tpu.memory_space<vmem>>, vector<1x16xi32>,
    %swap3A_165 = vector.shape_cast %swap3A_164 : vector<1x16xi32> to vector<16xi32>
    %swap3A_166 = vector.shape_cast %add3A_160 : vector<16xi32> to vector<1x16xi32>
    tpu.vector_store %arg5[%swap3A_162, %swap3A_163], %swap3A_166 {strides = array<i32>} : memref<26x128xi32, #tpu.memory_space<vmem>>, vector<1x16xi32>,
    %get3A_167 = arith.constant 1 : i32
    %get3A_168 = arith.index_cast %get3A_167 : i32 to index
    %get3A_169 = arith.constant 16 : index
    %get3A_170 = tpu.vector_load %arg5[%get3A_168, %get3A_169] {strides = array<i32>} : memref<26x128xi32, #tpu.memory_space<vmem>>, vector<1x16xi32>,
    %get3A_171 = vector.shape_cast %get3A_170 : vector<1x16xi32> to vector<16xi32>
    %add3A_172 = arith.constant 100000 : i32
    %add3A_173 = vector.broadcast %add3A_172 : i32 to vector<16xi32>
    %add3A_174 = arith.addi %get3A_171, %add3A_173 : vector<16xi32>
    %swap3A_175 = arith.constant 1 : i32
    %swap3A_176 = arith.index_cast %swap3A_175 : i32 to index
    %swap3A_177 = arith.constant 16 : index
    %swap3A_178 = tpu.vector_load %arg5[%swap3A_176, %swap3A_177] {strides = array<i32>} : memref<26x128xi32, #tpu.memory_space<vmem>>, vector<1x16xi32>,
    %swap3A_179 = vector.shape_cast %swap3A_178 : vector<1x16xi32> to vector<16xi32>
    %swap3A_180 = vector.shape_cast %add3A_174 : vector<16xi32> to vector<1x16xi32>
    tpu.vector_store %arg5[%swap3A_176, %swap3A_177], %swap3A_180 {strides = array<i32>} : memref<26x128xi32, #tpu.memory_space<vmem>>, vector<1x16xi32>,
    %get3A_181 = arith.constant 1 : i32
    %get3A_182 = arith.index_cast %get3A_181 : i32 to index
    %get3A_183 = arith.constant 32 : index
    %get3A_184 = tpu.vector_load %arg5[%get3A_182, %get3A_183] {strides = array<i32>} : memref<26x128xi32, #tpu.memory_space<vmem>>, vector<1x16xi32>,
    %get3A_185 = vector.shape_cast %get3A_184 : vector<1x16xi32> to vector<16xi32>
    %add3A_186 = arith.constant 100000 : i32
    %add3A_187 = vector.broadcast %add3A_186 : i32 to vector<16xi32>
    %add3A_188 = arith.addi %get3A_185, %add3A_187 : vector<16xi32>
    %swap3A_189 = arith.constant 1 : i32
    %swap3A_190 = arith.index_cast %swap3A_189 : i32 to index
    %swap3A_191 = arith.constant 32 : index
    %swap3A_192 = tpu.vector_load %arg5[%swap3A_190, %swap3A_191] {strides = array<i32>} : memref<26x128xi32, #tpu.memory_space<vmem>>, vector<1x16xi32>,
    %swap3A_193 = vector.shape_cast %swap3A_192 : vector<1x16xi32> to vector<16xi32>
    %swap3A_194 = vector.shape_cast %add3A_188 : vector<16xi32> to vector<1x16xi32>
    tpu.vector_store %arg5[%swap3A_190, %swap3A_191], %swap3A_194 {strides = array<i32>} : memref<26x128xi32, #tpu.memory_space<vmem>>, vector<1x16xi32>,
    %get3A_195 = arith.constant 1 : i32
    %get3A_196 = arith.index_cast %get3A_195 : i32 to index
    %get3A_197 = arith.constant 48 : index
    %get3A_198 = tpu.vector_load %arg5[%get3A_196, %get3A_197] {strides = array<i32>} : memref<26x128xi32, #tpu.memory_space<vmem>>, vector<1x16xi32>,
    %get3A_199 = vector.shape_cast %get3A_198 : vector<1x16xi32> to vector<16xi32>
    %add3A_200 = arith.constant 100000 : i32
    %add3A_201 = vector.broadcast %add3A_200 : i32 to vector<16xi32>
    %add3A_202 = arith.addi %get3A_199, %add3A_201 : vector<16xi32>
    %swap3A_203 = arith.constant 1 : i32
    %swap3A_204 = arith.index_cast %swap3A_203 : i32 to index
    %swap3A_205 = arith.constant 48 : index
    %swap3A_206 = tpu.vector_load %arg5[%swap3A_204, %swap3A_205] {strides = array<i32>} : memref<26x128xi32, #tpu.memory_space<vmem>>, vector<1x16xi32>,
    %swap3A_207 = vector.shape_cast %swap3A_206 : vector<1x16xi32> to vector<16xi32>
    %swap3A_208 = vector.shape_cast %add3A_202 : vector<16xi32> to vector<1x16xi32>
    tpu.vector_store %arg5[%swap3A_204, %swap3A_205], %swap3A_208 {strides = array<i32>} : memref<26x128xi32, #tpu.memory_space<vmem>>, vector<1x16xi32>,
    %get3A_209 = arith.constant 1 : i32
    %get3A_210 = arith.index_cast %get3A_209 : i32 to index
    %get3A_211 = arith.constant 64 : index
    %get3A_212 = tpu.vector_load %arg5[%get3A_210, %get3A_211] {strides = array<i32>} : memref<26x128xi32, #tpu.memory_space<vmem>>, vector<1x16xi32>,
    %get3A_213 = vector.shape_cast %get3A_212 : vector<1x16xi32> to vector<16xi32>
    %add3A_214 = arith.constant 100000 : i32
    %add3A_215 = vector.broadcast %add3A_214 : i32 to vector<16xi32>
    %add3A_216 = arith.addi %get3A_213, %add3A_215 : vector<16xi32>
    %swap3A_217 = arith.constant 1 : i32
    %swap3A_218 = arith.index_cast %swap3A_217 : i32 to index
    %swap3A_219 = arith.constant 64 : index
    %swap3A_220 = tpu.vector_load %arg5[%swap3A_218, %swap3A_219] {strides = array<i32>} : memref<26x128xi32, #tpu.memory_space<vmem>>, vector<1x16xi32>,
    %swap3A_221 = vector.shape_cast %swap3A_220 : vector<1x16xi32> to vector<16xi32>
    %swap3A_222 = vector.shape_cast %add3A_216 : vector<16xi32> to vector<1x16xi32>
    tpu.vector_store %arg5[%swap3A_218, %swap3A_219], %swap3A_222 {strides = array<i32>} : memref<26x128xi32, #tpu.memory_space<vmem>>, vector<1x16xi32>,
    %get3A_223 = arith.constant 1 : i32
    %get3A_224 = arith.index_cast %get3A_223 : i32 to index
    %get3A_225 = arith.constant 80 : index
    %get3A_226 = tpu.vector_load %arg5[%get3A_224, %get3A_225] {strides = array<i32>} : memref<26x128xi32, #tpu.memory_space<vmem>>, vector<1x16xi32>,
    %get3A_227 = vector.shape_cast %get3A_226 : vector<1x16xi32> to vector<16xi32>
    %add3A_228 = arith.constant 100000 : i32
    %add3A_229 = vector.broadcast %add3A_228 : i32 to vector<16xi32>
    %add3A_230 = arith.addi %get3A_227, %add3A_229 : vector<16xi32>
    %swap3A_231 = arith.constant 1 : i32
    %swap3A_232 = arith.index_cast %swap3A_231 : i32 to index
    %swap3A_233 = arith.constant 80 : index
    %swap3A_234 = tpu.vector_load %arg5[%swap3A_232, %swap3A_233] {strides = array<i32>} : memref<26x128xi32, #tpu.memory_space<vmem>>, vector<1x16xi32>,
    %swap3A_235 = vector.shape_cast %swap3A_234 : vector<1x16xi32> to vector<16xi32>
    %swap3A_236 = vector.shape_cast %add3A_230 : vector<16xi32> to vector<1x16xi32>
    tpu.vector_store %arg5[%swap3A_232, %swap3A_233], %swap3A_236 {strides = array<i32>} : memref<26x128xi32, #tpu.memory_space<vmem>>, vector<1x16xi32>,
    %get3A_237 = arith.constant 1 : i32
    %get3A_238 = arith.index_cast %get3A_237 : i32 to index
    %get3A_239 = arith.constant 96 : index
    %get3A_240 = tpu.vector_load %arg5[%get3A_238, %get3A_239] {strides = array<i32>} : memref<26x128xi32, #tpu.memory_space<vmem>>, vector<1x16xi32>,
    %get3A_241 = vector.shape_cast %get3A_240 : vector<1x16xi32> to vector<16xi32>
    %add3A_242 = arith.constant 100000 : i32
    %add3A_243 = vector.broadcast %add3A_242 : i32 to vector<16xi32>
    %add3A_244 = arith.addi %get3A_241, %add3A_243 : vector<16xi32>
    %swap3A_245 = arith.constant 1 : i32
    %swap3A_246 = arith.index_cast %swap3A_245 : i32 to index
    %swap3A_247 = arith.constant 96 : index
    %swap3A_248 = tpu.vector_load %arg5[%swap3A_246, %swap3A_247] {strides = array<i32>} : memref<26x128xi32, #tpu.memory_space<vmem>>, vector<1x16xi32>,
    %swap3A_249 = vector.shape_cast %swap3A_248 : vector<1x16xi32> to vector<16xi32>
    %swap3A_250 = vector.shape_cast %add3A_244 : vector<16xi32> to vector<1x16xi32>
    tpu.vector_store %arg5[%swap3A_246, %swap3A_247], %swap3A_250 {strides = array<i32>} : memref<26x128xi32, #tpu.memory_space<vmem>>, vector<1x16xi32>,
    %get3A_251 = arith.constant 1 : i32
    %get3A_252 = arith.index_cast %get3A_251 : i32 to index
    %get3A_253 = arith.constant 112 : index
    %get3A_254 = tpu.vector_load %arg5[%get3A_252, %get3A_253] {strides = array<i32>} : memref<26x128xi32, #tpu.memory_space<vmem>>, vector<1x16xi32>,
    %get3A_255 = vector.shape_cast %get3A_254 : vector<1x16xi32> to vector<16xi32>
    %add3A_256 = arith.constant 100000 : i32
    %add3A_257 = vector.broadcast %add3A_256 : i32 to vector<16xi32>
    %add3A_258 = arith.addi %get3A_255, %add3A_257 : vector<16xi32>
    %swap3A_259 = arith.constant 1 : i32
    %swap3A_260 = arith.index_cast %swap3A_259 : i32 to index
    %swap3A_261 = arith.constant 112 : index
    %swap3A_262 = tpu.vector_load %arg5[%swap3A_260, %swap3A_261] {strides = array<i32>} : memref<26x128xi32, #tpu.memory_space<vmem>>, vector<1x16xi32>,
    %swap3A_263 = vector.shape_cast %swap3A_262 : vector<1x16xi32> to vector<16xi32>
    %swap3A_264 = vector.shape_cast %add3A_258 : vector<16xi32> to vector<1x16xi32>
    tpu.vector_store %arg5[%swap3A_260, %swap3A_261], %swap3A_264 {strides = array<i32>} : memref<26x128xi32, #tpu.memory_space<vmem>>, vector<1x16xi32>,
    %dma_start3A_265 = arith.constant 1 : i32
    %dma_start3A_266 = arith.constant 1 : i32
    %dma_start3A_267 = arith.constant 0 : i32
    %dma_start3A_268 = arith.constant 0 : i32
    %dma_start3A_269 = tpu.memref_slice %arg6[%dma_start3A_266, %dma_start3A_267, %dma_start3A_268] : memref<7x128x128xf32, #tpu.memory_space<vmem>> -> memref<1x128x128xf32, #tpu.memory_space<vmem>>
    %dma_start3A_270 = tpu.memref_squeeze %dma_start3A_269 : memref<1x128x128xf32, #tpu.memory_space<vmem>> -> memref<128x128xf32, #tpu.memory_space<vmem>>
    %dma_start3A_271 = arith.constant 0 : i32
    %dma_start3A_272 = tpu.memref_slice %arg5[%dma_start3A_265, %dma_start3A_271] : memref<26x128xi32, #tpu.memory_space<vmem>> -> memref<1x128xi32, #tpu.memory_space<vmem>>
    %dma_start3A_273 = tpu.memref_squeeze %dma_start3A_272 : memref<1x128xi32, #tpu.memory_space<vmem>> -> memref<128xi32, #tpu.memory_space<vmem>>
    %dma_start3A_274 = arith.constant 0 : i32
    %dma_start3A_275 = arith.constant 0 : i32
    %dma_start3A_276 = tpu.memref_slice %arg3[%dma_start3A_274, %dma_start3A_275] : memref<2600000x128xf32, #tpu.memory_space<hbm>> -> memref<2600000x128xf32, #tpu.memory_space<hbm>>
    tpu.enqueue_indirect_dma source(%dma_start3A_276 : memref<2600000x128xf32, #tpu.memory_space<hbm>>) target(%dma_start3A_270 : memref<128x128xf32, #tpu.memory_space<vmem>>) offsets(%dma_start3A_273 : memref<128xi32, #tpu.memory_space<vmem>>) semaphore(%arg8 : memref<!tpu.dma_semaphore, #tpu.memory_space<semaphore_mem>>)
    %get3A_277 = arith.constant 2 : i32
    %get3A_278 = arith.index_cast %get3A_277 : i32 to index
    %get3A_279 = arith.constant 0 : index
    %get3A_280 = tpu.vector_load %arg5[%get3A_278, %get3A_279] {strides = array<i32>} : memref<26x128xi32, #tpu.memory_space<vmem>>, vector<1x16xi32>,
    %get3A_281 = vector.shape_cast %get3A_280 : vector<1x16xi32> to vector<16xi32>
    %add3A_282 = arith.constant 200000 : i32
    %add3A_283 = vector.broadcast %add3A_282 : i32 to vector<16xi32>
    %add3A_284 = arith.addi %get3A_281, %add3A_283 : vector<16xi32>
    %swap3A_285 = arith.constant 2 : i32
    %swap3A_286 = arith.index_cast %swap3A_285 : i32 to index
    %swap3A_287 = arith.constant 0 : index
    %swap3A_288 = tpu.vector_load %arg5[%swap3A_286, %swap3A_287] {strides = array<i32>} : memref<26x128xi32, #tpu.memory_space<vmem>>, vector<1x16xi32>,
    %swap3A_289 = vector.shape_cast %swap3A_288 : vector<1x16xi32> to vector<16xi32>
    %swap3A_290 = vector.shape_cast %add3A_284 : vector<16xi32> to vector<1x16xi32>
    tpu.vector_store %arg5[%swap3A_286, %swap3A_287], %swap3A_290 {strides = array<i32>} : memref<26x128xi32, #tpu.memory_space<vmem>>, vector<1x16xi32>,
    %get3A_291 = arith.constant 2 : i32
    %get3A_292 = arith.index_cast %get3A_291 : i32 to index
    %get3A_293 = arith.constant 16 : index
    %get3A_294 = tpu.vector_load %arg5[%get3A_292, %get3A_293] {strides = array<i32>} : memref<26x128xi32, #tpu.memory_space<vmem>>, vector<1x16xi32>,
    %get3A_295 = vector.shape_cast %get3A_294 : vector<1x16xi32> to vector<16xi32>
    %add3A_296 = arith.constant 200000 : i32
    %add3A_297 = vector.broadcast %add3A_296 : i32 to vector<16xi32>
    %add3A_298 = arith.addi %get3A_295, %add3A_297 : vector<16xi32>
    %swap3A_299 = arith.constant 2 : i32
    %swap3A_300 = arith.index_cast %swap3A_299 : i32 to index
    %swap3A_301 = arith.constant 16 : index
    %swap3A_302 = tpu.vector_load %arg5[%swap3A_300, %swap3A_301] {strides = array<i32>} : memref<26x128xi32, #tpu.memory_space<vmem>>, vector<1x16xi32>,
    %swap3A_303 = vector.shape_cast %swap3A_302 : vector<1x16xi32> to vector<16xi32>
    %swap3A_304 = vector.shape_cast %add3A_298 : vector<16xi32> to vector<1x16xi32>
    tpu.vector_store %arg5[%swap3A_300, %swap3A_301], %swap3A_304 {strides = array<i32>} : memref<26x128xi32, #tpu.memory_space<vmem>>, vector<1x16xi32>,
    %get3A_305 = arith.constant 2 : i32
    %get3A_306 = arith.index_cast %get3A_305 : i32 to index
    %get3A_307 = arith.constant 32 : index
    %get3A_308 = tpu.vector_load %arg5[%get3A_306, %get3A_307] {strides = array<i32>} : memref<26x128xi32, #tpu.memory_space<vmem>>, vector<1x16xi32>,
    %get3A_309 = vector.shape_cast %get3A_308 : vector<1x16xi32> to vector<16xi32>
    %add3A_310 = arith.constant 200000 : i32
    %add3A_311 = vector.broadcast %add3A_310 : i32 to vector<16xi32>
    %add3A_312 = arith.addi %get3A_309, %add3A_311 : vector<16xi32>
    %swap3A_313 = arith.constant 2 : i32
    %swap3A_314 = arith.index_cast %swap3A_313 : i32 to index
    %swap3A_315 = arith.constant 32 : index
    %swap3A_316 = tpu.vector_load %arg5[%swap3A_314, %swap3A_315] {strides = array<i32>} : memref<26x128xi32, #tpu.memory_space<vmem>>, vector<1x16xi32>,
    %swap3A_317 = vector.shape_cast %swap3A_316 : vector<1x16xi32> to vector<16xi32>
    %swap3A_318 = vector.shape_cast %add3A_312 : vector<16xi32> to vector<1x16xi32>
    tpu.vector_store %arg5[%swap3A_314, %swap3A_315], %swap3A_318 {strides = array<i32>} : memref<26x128xi32, #tpu.memory_space<vmem>>, vector<1x16xi32>,
    %get3A_319 = arith.constant 2 : i32
    %get3A_320 = arith.index_cast %get3A_319 : i32 to index
    %get3A_321 = arith.constant 48 : index
    %get3A_322 = tpu.vector_load %arg5[%get3A_320, %get3A_321] {strides = array<i32>} : memref<26x128xi32, #tpu.memory_space<vmem>>, vector<1x16xi32>,
    %get3A_323 = vector.shape_cast %get3A_322 : vector<1x16xi32> to vector<16xi32>
    %add3A_324 = arith.constant 200000 : i32
    %add3A_325 = vector.broadcast %add3A_324 : i32 to vector<16xi32>
    %add3A_326 = arith.addi %get3A_323, %add3A_325 : vector<16xi32>
    %swap3A_327 = arith.constant 2 : i32
    %swap3A_328 = arith.index_cast %swap3A_327 : i32 to index
    %swap3A_329 = arith.constant 48 : index
    %swap3A_330 = tpu.vector_load %arg5[%swap3A_328, %swap3A_329] {strides = array<i32>} : memref<26x128xi32, #tpu.memory_space<vmem>>, vector<1x16xi32>,
    %swap3A_331 = vector.shape_cast %swap3A_330 : vector<1x16xi32> to vector<16xi32>
    %swap3A_332 = vector.shape_cast %add3A_326 : vector<16xi32> to vector<1x16xi32>
    tpu.vector_store %arg5[%swap3A_328, %swap3A_329], %swap3A_332 {strides = array<i32>} : memref<26x128xi32, #tpu.memory_space<vmem>>, vector<1x16xi32>,
    %get3A_333 = arith.constant 2 : i32
    %get3A_334 = arith.index_cast %get3A_333 : i32 to index
    %get3A_335 = arith.constant 64 : index
    %get3A_336 = tpu.vector_load %arg5[%get3A_334, %get3A_335] {strides = array<i32>} : memref<26x128xi32, #tpu.memory_space<vmem>>, vector<1x16xi32>,
    %get3A_337 = vector.shape_cast %get3A_336 : vector<1x16xi32> to vector<16xi32>
    %add3A_338 = arith.constant 200000 : i32
    %add3A_339 = vector.broadcast %add3A_338 : i32 to vector<16xi32>
    %add3A_340 = arith.addi %get3A_337, %add3A_339 : vector<16xi32>
    %swap3A_341 = arith.constant 2 : i32
    %swap3A_342 = arith.index_cast %swap3A_341 : i32 to index
    %swap3A_343 = arith.constant 64 : index
    %swap3A_344 = tpu.vector_load %arg5[%swap3A_342, %swap3A_343] {strides = array<i32>} : memref<26x128xi32, #tpu.memory_space<vmem>>, vector<1x16xi32>,
    %swap3A_345 = vector.shape_cast %swap3A_344 : vector<1x16xi32> to vector<16xi32>
    %swap3A_346 = vector.shape_cast %add3A_340 : vector<16xi32> to vector<1x16xi32>
    tpu.vector_store %arg5[%swap3A_342, %swap3A_343], %swap3A_346 {strides = array<i32>} : memref<26x128xi32, #tpu.memory_space<vmem>>, vector<1x16xi32>,
    %get3A_347 = arith.constant 2 : i32
    %get3A_348 = arith.index_cast %get3A_347 : i32 to index
    %get3A_349 = arith.constant 80 : index
    %get3A_350 = tpu.vector_load %arg5[%get3A_348, %get3A_349] {strides = array<i32>} : memref<26x128xi32, #tpu.memory_space<vmem>>, vector<1x16xi32>,
    %get3A_351 = vector.shape_cast %get3A_350 : vector<1x16xi32> to vector<16xi32>
    %add3A_352 = arith.constant 200000 : i32
    %add3A_353 = vector.broadcast %add3A_352 : i32 to vector<16xi32>
    %add3A_354 = arith.addi %get3A_351, %add3A_353 : vector<16xi32>
    %swap3A_355 = arith.constant 2 : i32
    %swap3A_356 = arith.index_cast %swap3A_355 : i32 to index
    %swap3A_357 = arith.constant 80 : index
    %swap3A_358 = tpu.vector_load %arg5[%swap3A_356, %swap3A_357] {strides = array<i32>} : memref<26x128xi32, #tpu.memory_space<vmem>>, vector<1x16xi32>,
    %swap3A_359 = vector.shape_cast %swap3A_358 : vector<1x16xi32> to vector<16xi32>
    %swap3A_360 = vector.shape_cast %add3A_354 : vector<16xi32> to vector<1x16xi32>
    tpu.vector_store %arg5[%swap3A_356, %swap3A_357], %swap3A_360 {strides = array<i32>} : memref<26x128xi32, #tpu.memory_space<vmem>>, vector<1x16xi32>,
    %get3A_361 = arith.constant 2 : i32
    %get3A_362 = arith.index_cast %get3A_361 : i32 to index
    %get3A_363 = arith.constant 96 : index
    %get3A_364 = tpu.vector_load %arg5[%get3A_362, %get3A_363] {strides = array<i32>} : memref<26x128xi32, #tpu.memory_space<vmem>>, vector<1x16xi32>,
    %get3A_365 = vector.shape_cast %get3A_364 : vector<1x16xi32> to vector<16xi32>
    %add3A_366 = arith.constant 200000 : i32
    %add3A_367 = vector.broadcast %add3A_366 : i32 to vector<16xi32>
    %add3A_368 = arith.addi %get3A_365, %add3A_367 : vector<16xi32>
    %swap3A_369 = arith.constant 2 : i32
    %swap3A_370 = arith.index_cast %swap3A_369 : i32 to index
    %swap3A_371 = arith.constant 96 : index
    %swap3A_372 = tpu.vector_load %arg5[%swap3A_370, %swap3A_371] {strides = array<i32>} : memref<26x128xi32, #tpu.memory_space<vmem>>, vector<1x16xi32>,
    %swap3A_373 = vector.shape_cast %swap3A_372 : vector<1x16xi32> to vector<16xi32>
    %swap3A_374 = vector.shape_cast %add3A_368 : vector<16xi32> to vector<1x16xi32>
    tpu.vector_store %arg5[%swap3A_370, %swap3A_371], %swap3A_374 {strides = array<i32>} : memref<26x128xi32, #tpu.memory_space<vmem>>, vector<1x16xi32>,
    %get3A_375 = arith.constant 2 : i32
    %get3A_376 = arith.index_cast %get3A_375 : i32 to index
    %get3A_377 = arith.constant 112 : index
    %get3A_378 = tpu.vector_load %arg5[%get3A_376, %get3A_377] {strides = array<i32>} : memref<26x128xi32, #tpu.memory_space<vmem>>, vector<1x16xi32>,
    %get3A_379 = vector.shape_cast %get3A_378 : vector<1x16xi32> to vector<16xi32>
    %add3A_380 = arith.constant 200000 : i32
    %add3A_381 = vector.broadcast %add3A_380 : i32 to vector<16xi32>
    %add3A_382 = arith.addi %get3A_379, %add3A_381 : vector<16xi32>
    %swap3A_383 = arith.constant 2 : i32
    %swap3A_384 = arith.index_cast %swap3A_383 : i32 to index
    %swap3A_385 = arith.constant 112 : index
    %swap3A_386 = tpu.vector_load %arg5[%swap3A_384, %swap3A_385] {strides = array<i32>} : memref<26x128xi32, #tpu.memory_space<vmem>>, vector<1x16xi32>,
    %swap3A_387 = vector.shape_cast %swap3A_386 : vector<1x16xi32> to vector<16xi32>
    %swap3A_388 = vector.shape_cast %add3A_382 : vector<16xi32> to vector<1x16xi32>
    tpu.vector_store %arg5[%swap3A_384, %swap3A_385], %swap3A_388 {strides = array<i32>} : memref<26x128xi32, #tpu.memory_space<vmem>>, vector<1x16xi32>,
    %dma_start3A_389 = arith.constant 2 : i32
    %dma_start3A_390 = arith.constant 2 : i32
    %dma_start3A_391 = arith.constant 0 : i32
    %dma_start3A_392 = arith.constant 0 : i32
    %dma_start3A_393 = tpu.memref_slice %arg6[%dma_start3A_390, %dma_start3A_391, %dma_start3A_392] : memref<7x128x128xf32, #tpu.memory_space<vmem>> -> memref<1x128x128xf32, #tpu.memory_space<vmem>>
    %dma_start3A_394 = tpu.memref_squeeze %dma_start3A_393 : memref<1x128x128xf32, #tpu.memory_space<vmem>> -> memref<128x128xf32, #tpu.memory_space<vmem>>
    %dma_start3A_395 = arith.constant 0 : i32
    %dma_start3A_396 = tpu.memref_slice %arg5[%dma_start3A_389, %dma_start3A_395] : memref<26x128xi32, #tpu.memory_space<vmem>> -> memref<1x128xi32, #tpu.memory_space<vmem>>
    %dma_start3A_397 = tpu.memref_squeeze %dma_start3A_396 : memref<1x128xi32, #tpu.memory_space<vmem>> -> memref<128xi32, #tpu.memory_space<vmem>>
    %dma_start3A_398 = arith.constant 0 : i32
    %dma_start3A_399 = arith.constant 0 : i32
    %dma_start3A_400 = tpu.memref_slice %arg3[%dma_start3A_398, %dma_start3A_399] : memref<2600000x128xf32, #tpu.memory_space<hbm>> -> memref<2600000x128xf32, #tpu.memory_space<hbm>>
    tpu.enqueue_indirect_dma source(%dma_start3A_400 : memref<2600000x128xf32, #tpu.memory_space<hbm>>) target(%dma_start3A_394 : memref<128x128xf32, #tpu.memory_space<vmem>>) offsets(%dma_start3A_397 : memref<128xi32, #tpu.memory_space<vmem>>) semaphore(%arg9 : memref<!tpu.dma_semaphore, #tpu.memory_space<semaphore_mem>>)
    %get3A_401 = arith.constant 3 : i32
    %get3A_402 = arith.index_cast %get3A_401 : i32 to index
    %get3A_403 = arith.constant 0 : index
    %get3A_404 = tpu.vector_load %arg5[%get3A_402, %get3A_403] {strides = array<i32>} : memref<26x128xi32, #tpu.memory_space<vmem>>, vector<1x16xi32>,
    %get3A_405 = vector.shape_cast %get3A_404 : vector<1x16xi32> to vector<16xi32>
    %add3A_406 = arith.constant 300000 : i32
    %add3A_407 = vector.broadcast %add3A_406 : i32 to vector<16xi32>
    %add3A_408 = arith.addi %get3A_405, %add3A_407 : vector<16xi32>
    %swap3A_409 = arith.constant 3 : i32
    %swap3A_410 = arith.index_cast %swap3A_409 : i32 to index
    %swap3A_411 = arith.constant 0 : index
    %swap3A_412 = tpu.vector_load %arg5[%swap3A_410, %swap3A_411] {strides = array<i32>} : memref<26x128xi32, #tpu.memory_space<vmem>>, vector<1x16xi32>,
    %swap3A_413 = vector.shape_cast %swap3A_412 : vector<1x16xi32> to vector<16xi32>
    %swap3A_414 = vector.shape_cast %add3A_408 : vector<16xi32> to vector<1x16xi32>
    tpu.vector_store %arg5[%swap3A_410, %swap3A_411], %swap3A_414 {strides = array<i32>} : memref<26x128xi32, #tpu.memory_space<vmem>>, vector<1x16xi32>,
    %get3A_415 = arith.constant 3 : i32
    %get3A_416 = arith.index_cast %get3A_415 : i32 to index
    %get3A_417 = arith.constant 16 : index
    %get3A_418 = tpu.vector_load %arg5[%get3A_416, %get3A_417] {strides = array<i32>} : memref<26x128xi32, #tpu.memory_space<vmem>>, vector<1x16xi32>,
    %get3A_419 = vector.shape_cast %get3A_418 : vector<1x16xi32> to vector<16xi32>
    %add3A_420 = arith.constant 300000 : i32
    %add3A_421 = vector.broadcast %add3A_420 : i32 to vector<16xi32>
    %add3A_422 = arith.addi %get3A_419, %add3A_421 : vector<16xi32>
    %swap3A_423 = arith.constant 3 : i32
    %swap3A_424 = arith.index_cast %swap3A_423 : i32 to index
    %swap3A_425 = arith.constant 16 : index
    %swap3A_426 = tpu.vector_load %arg5[%swap3A_424, %swap3A_425] {strides = array<i32>} : memref<26x128xi32, #tpu.memory_space<vmem>>, vector<1x16xi32>,
    %swap3A_427 = vector.shape_cast %swap3A_426 : vector<1x16xi32> to vector<16xi32>
    %swap3A_428 = vector.shape_cast %add3A_422 : vector<16xi32> to vector<1x16xi32>
    tpu.vector_store %arg5[%swap3A_424, %swap3A_425], %swap3A_428 {strides = array<i32>} : memref<26x128xi32, #tpu.memory_space<vmem>>, vector<1x16xi32>,
    %get3A_429 = arith.constant 3 : i32
    %get3A_430 = arith.index_cast %get3A_429 : i32 to index
    %get3A_431 = arith.constant 32 : index
    %get3A_432 = tpu.vector_load %arg5[%get3A_430, %get3A_431] {strides = array<i32>} : memref<26x128xi32, #tpu.memory_space<vmem>>, vector<1x16xi32>,
    %get3A_433 = vector.shape_cast %get3A_432 : vector<1x16xi32> to vector<16xi32>
    %add3A_434 = arith.constant 300000 : i32
    %add3A_435 = vector.broadcast %add3A_434 : i32 to vector<16xi32>
    %add3A_436 = arith.addi %get3A_433, %add3A_435 : vector<16xi32>
    %swap3A_437 = arith.constant 3 : i32
    %swap3A_438 = arith.index_cast %swap3A_437 : i32 to index
    %swap3A_439 = arith.constant 32 : index
    %swap3A_440 = tpu.vector_load %arg5[%swap3A_438, %swap3A_439] {strides = array<i32>} : memref<26x128xi32, #tpu.memory_space<vmem>>, vector<1x16xi32>,
    %swap3A_441 = vector.shape_cast %swap3A_440 : vector<1x16xi32> to vector<16xi32>
    %swap3A_442 = vector.shape_cast %add3A_436 : vector<16xi32> to vector<1x16xi32>
    tpu.vector_store %arg5[%swap3A_438, %swap3A_439], %swap3A_442 {strides = array<i32>} : memref<26x128xi32, #tpu.memory_space<vmem>>, vector<1x16xi32>,
    %get3A_443 = arith.constant 3 : i32
    %get3A_444 = arith.index_cast %get3A_443 : i32 to index
    %get3A_445 = arith.constant 48 : index
    %get3A_446 = tpu.vector_load %arg5[%get3A_444, %get3A_445] {strides = array<i32>} : memref<26x128xi32, #tpu.memory_space<vmem>>, vector<1x16xi32>,
    %get3A_447 = vector.shape_cast %get3A_446 : vector<1x16xi32> to vector<16xi32>
    %add3A_448 = arith.constant 300000 : i32
    %add3A_449 = vector.broadcast %add3A_448 : i32 to vector<16xi32>
    %add3A_450 = arith.addi %get3A_447, %add3A_449 : vector<16xi32>
    %swap3A_451 = arith.constant 3 : i32
    %swap3A_452 = arith.index_cast %swap3A_451 : i32 to index
    %swap3A_453 = arith.constant 48 : index
    %swap3A_454 = tpu.vector_load %arg5[%swap3A_452, %swap3A_453] {strides = array<i32>} : memref<26x128xi32, #tpu.memory_space<vmem>>, vector<1x16xi32>,
    %swap3A_455 = vector.shape_cast %swap3A_454 : vector<1x16xi32> to vector<16xi32>
    %swap3A_456 = vector.shape_cast %add3A_450 : vector<16xi32> to vector<1x16xi32>
    tpu.vector_store %arg5[%swap3A_452, %swap3A_453], %swap3A_456 {strides = array<i32>} : memref<26x128xi32, #tpu.memory_space<vmem>>, vector<1x16xi32>,
    %get3A_457 = arith.constant 3 : i32
    %get3A_458 = arith.index_cast %get3A_457 : i32 to index
    %get3A_459 = arith.constant 64 : index
    %get3A_460 = tpu.vector_load %arg5[%get3A_458, %get3A_459] {strides = array<i32>} : memref<26x128xi32, #tpu.memory_space<vmem>>, vector<1x16xi32>,
    %get3A_461 = vector.shape_cast %get3A_460 : vector<1x16xi32> to vector<16xi32>
    %add3A_462 = arith.constant 300000 : i32
    %add3A_463 = vector.broadcast %add3A_462 : i32 to vector<16xi32>
    %add3A_464 = arith.addi %get3A_461, %add3A_463 : vector<16xi32>
    %swap3A_465 = arith.constant 3 : i32
    %swap3A_466 = arith.index_cast %swap3A_465 : i32 to index
    %swap3A_467 = arith.constant 64 : index
    %swap3A_468 = tpu.vector_load %arg5[%swap3A_466, %swap3A_467] {strides = array<i32>} : memref<26x128xi32, #tpu.memory_space<vmem>>, vector<1x16xi32>,
    %swap3A_469 = vector.shape_cast %swap3A_468 : vector<1x16xi32> to vector<16xi32>
    %swap3A_470 = vector.shape_cast %add3A_464 : vector<16xi32> to vector<1x16xi32>
    tpu.vector_store %arg5[%swap3A_466, %swap3A_467], %swap3A_470 {strides = array<i32>} : memref<26x128xi32, #tpu.memory_space<vmem>>, vector<1x16xi32>,
    %get3A_471 = arith.constant 3 : i32
    %get3A_472 = arith.index_cast %get3A_471 : i32 to index
    %get3A_473 = arith.constant 80 : index
    %get3A_474 = tpu.vector_load %arg5[%get3A_472, %get3A_473] {strides = array<i32>} : memref<26x128xi32, #tpu.memory_space<vmem>>, vector<1x16xi32>,
    %get3A_475 = vector.shape_cast %get3A_474 : vector<1x16xi32> to vector<16xi32>
    %add3A_476 = arith.constant 300000 : i32
    %add3A_477 = vector.broadcast %add3A_476 : i32 to vector<16xi32>
    %add3A_478 = arith.addi %get3A_475, %add3A_477 : vector<16xi32>
    %swap3A_479 = arith.constant 3 : i32
    %swap3A_480 = arith.index_cast %swap3A_479 : i32 to index
    %swap3A_481 = arith.constant 80 : index
    %swap3A_482 = tpu.vector_load %arg5[%swap3A_480, %swap3A_481] {strides = array<i32>} : memref<26x128xi32, #tpu.memory_space<vmem>>, vector<1x16xi32>,
    %swap3A_483 = vector.shape_cast %swap3A_482 : vector<1x16xi32> to vector<16xi32>
    %swap3A_484 = vector.shape_cast %add3A_478 : vector<16xi32> to vector<1x16xi32>
    tpu.vector_store %arg5[%swap3A_480, %swap3A_481], %swap3A_484 {strides = array<i32>} : memref<26x128xi32, #tpu.memory_space<vmem>>, vector<1x16xi32>,
    %get3A_485 = arith.constant 3 : i32
    %get3A_486 = arith.index_cast %get3A_485 : i32 to index
    %get3A_487 = arith.constant 96 : index
    %get3A_488 = tpu.vector_load %arg5[%get3A_486, %get3A_487] {strides = array<i32>} : memref<26x128xi32, #tpu.memory_space<vmem>>, vector<1x16xi32>,
    %get3A_489 = vector.shape_cast %get3A_488 : vector<1x16xi32> to vector<16xi32>
    %add3A_490 = arith.constant 300000 : i32
    %add3A_491 = vector.broadcast %add3A_490 : i32 to vector<16xi32>
    %add3A_492 = arith.addi %get3A_489, %add3A_491 : vector<16xi32>
    %swap3A_493 = arith.constant 3 : i32
    %swap3A_494 = arith.index_cast %swap3A_493 : i32 to index
    %swap3A_495 = arith.constant 96 : index
    %swap3A_496 = tpu.vector_load %arg5[%swap3A_494, %swap3A_495] {strides = array<i32>} : memref<26x128xi32, #tpu.memory_space<vmem>>, vector<1x16xi32>,
    %swap3A_497 = vector.shape_cast %swap3A_496 : vector<1x16xi32> to vector<16xi32>
    %swap3A_498 = vector.shape_cast %add3A_492 : vector<16xi32> to vector<1x16xi32>
    tpu.vector_store %arg5[%swap3A_494, %swap3A_495], %swap3A_498 {strides = array<i32>} : memref<26x128xi32, #tpu.memory_space<vmem>>, vector<1x16xi32>,
    %get3A_499 = arith.constant 3 : i32
    %get3A_500 = arith.index_cast %get3A_499 : i32 to index
    %get3A_501 = arith.constant 112 : index
    %get3A_502 = tpu.vector_load %arg5[%get3A_500, %get3A_501] {strides = array<i32>} : memref<26x128xi32, #tpu.memory_space<vmem>>, vector<1x16xi32>,
    %get3A_503 = vector.shape_cast %get3A_502 : vector<1x16xi32> to vector<16xi32>
    %add3A_504 = arith.constant 300000 : i32
    %add3A_505 = vector.broadcast %add3A_504 : i32 to vector<16xi32>
    %add3A_506 = arith.addi %get3A_503, %add3A_505 : vector<16xi32>
    %swap3A_507 = arith.constant 3 : i32
    %swap3A_508 = arith.index_cast %swap3A_507 : i32 to index
    %swap3A_509 = arith.constant 112 : index
    %swap3A_510 = tpu.vector_load %arg5[%swap3A_508, %swap3A_509] {strides = array<i32>} : memref<26x128xi32, #tpu.memory_space<vmem>>, vector<1x16xi32>,
    %swap3A_511 = vector.shape_cast %swap3A_510 : vector<1x16xi32> to vector<16xi32>
    %swap3A_512 = vector.shape_cast %add3A_506 : vector<16xi32> to vector<1x16xi32>
    tpu.vector_store %arg5[%swap3A_508, %swap3A_509], %swap3A_512 {strides = array<i32>} : memref<26x128xi32, #tpu.memory_space<vmem>>, vector<1x16xi32>,
    %dma_start3A_513 = arith.constant 3 : i32
    %dma_start3A_514 = arith.constant 3 : i32
    %dma_start3A_515 = arith.constant 0 : i32
    %dma_start3A_516 = arith.constant 0 : i32
    %dma_start3A_517 = tpu.memref_slice %arg6[%dma_start3A_514, %dma_start3A_515, %dma_start3A_516] : memref<7x128x128xf32, #tpu.memory_space<vmem>> -> memref<1x128x128xf32, #tpu.memory_space<vmem>>
    %dma_start3A_518 = tpu.memref_squeeze %dma_start3A_517 : memref<1x128x128xf32, #tpu.memory_space<vmem>> -> memref<128x128xf32, #tpu.memory_space<vmem>>
    %dma_start3A_519 = arith.constant 0 : i32
    %dma_start3A_520 = tpu.memref_slice %arg5[%dma_start3A_513, %dma_start3A_519] : memref<26x128xi32, #tpu.memory_space<vmem>> -> memref<1x128xi32, #tpu.memory_space<vmem>>
    %dma_start3A_521 = tpu.memref_squeeze %dma_start3A_520 : memref<1x128xi32, #tpu.memory_space<vmem>> -> memref<128xi32, #tpu.memory_space<vmem>>
    %dma_start3A_522 = arith.constant 0 : i32
    %dma_start3A_523 = arith.constant 0 : i32
    %dma_start3A_524 = tpu.memref_slice %arg3[%dma_start3A_522, %dma_start3A_523] : memref<2600000x128xf32, #tpu.memory_space<hbm>> -> memref<2600000x128xf32, #tpu.memory_space<hbm>>
    tpu.enqueue_indirect_dma source(%dma_start3A_524 : memref<2600000x128xf32, #tpu.memory_space<hbm>>) target(%dma_start3A_518 : memref<128x128xf32, #tpu.memory_space<vmem>>) offsets(%dma_start3A_521 : memref<128xi32, #tpu.memory_space<vmem>>) semaphore(%arg10 : memref<!tpu.dma_semaphore, #tpu.memory_space<semaphore_mem>>)
    %get3A_525 = arith.constant 4 : i32
    %get3A_526 = arith.index_cast %get3A_525 : i32 to index
    %get3A_527 = arith.constant 0 : index
    %get3A_528 = tpu.vector_load %arg5[%get3A_526, %get3A_527] {strides = array<i32>} : memref<26x128xi32, #tpu.memory_space<vmem>>, vector<1x16xi32>,
    %get3A_529 = vector.shape_cast %get3A_528 : vector<1x16xi32> to vector<16xi32>
    %add3A_530 = arith.constant 400000 : i32
    %add3A_531 = vector.broadcast %add3A_530 : i32 to vector<16xi32>
    %add3A_532 = arith.addi %get3A_529, %add3A_531 : vector<16xi32>
    %swap3A_533 = arith.constant 4 : i32
    %swap3A_534 = arith.index_cast %swap3A_533 : i32 to index
    %swap3A_535 = arith.constant 0 : index
    %swap3A_536 = tpu.vector_load %arg5[%swap3A_534, %swap3A_535] {strides = array<i32>} : memref<26x128xi32, #tpu.memory_space<vmem>>, vector<1x16xi32>,
    %swap3A_537 = vector.shape_cast %swap3A_536 : vector<1x16xi32> to vector<16xi32>
    %swap3A_538 = vector.shape_cast %add3A_532 : vector<16xi32> to vector<1x16xi32>
    tpu.vector_store %arg5[%swap3A_534, %swap3A_535], %swap3A_538 {strides = array<i32>} : memref<26x128xi32, #tpu.memory_space<vmem>>, vector<1x16xi32>,
    %get3A_539 = arith.constant 4 : i32
    %get3A_540 = arith.index_cast %get3A_539 : i32 to index
    %get3A_541 = arith.constant 16 : index
    %get3A_542 = tpu.vector_load %arg5[%get3A_540, %get3A_541] {strides = array<i32>} : memref<26x128xi32, #tpu.memory_space<vmem>>, vector<1x16xi32>,
    %get3A_543 = vector.shape_cast %get3A_542 : vector<1x16xi32> to vector<16xi32>
    %add3A_544 = arith.constant 400000 : i32
    %add3A_545 = vector.broadcast %add3A_544 : i32 to vector<16xi32>
    %add3A_546 = arith.addi %get3A_543, %add3A_545 : vector<16xi32>
    %swap3A_547 = arith.constant 4 : i32
    %swap3A_548 = arith.index_cast %swap3A_547 : i32 to index
    %swap3A_549 = arith.constant 16 : index
    %swap3A_550 = tpu.vector_load %arg5[%swap3A_548, %swap3A_549] {strides = array<i32>} : memref<26x128xi32, #tpu.memory_space<vmem>>, vector<1x16xi32>,
    %swap3A_551 = vector.shape_cast %swap3A_550 : vector<1x16xi32> to vector<16xi32>
    %swap3A_552 = vector.shape_cast %add3A_546 : vector<16xi32> to vector<1x16xi32>
    tpu.vector_store %arg5[%swap3A_548, %swap3A_549], %swap3A_552 {strides = array<i32>} : memref<26x128xi32, #tpu.memory_space<vmem>>, vector<1x16xi32>,
    %get3A_553 = arith.constant 4 : i32
    %get3A_554 = arith.index_cast %get3A_553 : i32 to index
    %get3A_555 = arith.constant 32 : index
    %get3A_556 = tpu.vector_load %arg5[%get3A_554, %get3A_555] {strides = array<i32>} : memref<26x128xi32, #tpu.memory_space<vmem>>, vector<1x16xi32>,
    %get3A_557 = vector.shape_cast %get3A_556 : vector<1x16xi32> to vector<16xi32>
    %add3A_558 = arith.constant 400000 : i32
    %add3A_559 = vector.broadcast %add3A_558 : i32 to vector<16xi32>
    %add3A_560 = arith.addi %get3A_557, %add3A_559 : vector<16xi32>
    %swap3A_561 = arith.constant 4 : i32
    %swap3A_562 = arith.index_cast %swap3A_561 : i32 to index
    %swap3A_563 = arith.constant 32 : index
    %swap3A_564 = tpu.vector_load %arg5[%swap3A_562, %swap3A_563] {strides = array<i32>} : memref<26x128xi32, #tpu.memory_space<vmem>>, vector<1x16xi32>,
    %swap3A_565 = vector.shape_cast %swap3A_564 : vector<1x16xi32> to vector<16xi32>
    %swap3A_566 = vector.shape_cast %add3A_560 : vector<16xi32> to vector<1x16xi32>
    tpu.vector_store %arg5[%swap3A_562, %swap3A_563], %swap3A_566 {strides = array<i32>} : memref<26x128xi32, #tpu.memory_space<vmem>>, vector<1x16xi32>,
    %get3A_567 = arith.constant 4 : i32
    %get3A_568 = arith.index_cast %get3A_567 : i32 to index
    %get3A_569 = arith.constant 48 : index
    %get3A_570 = tpu.vector_load %arg5[%get3A_568, %get3A_569] {strides = array<i32>} : memref<26x128xi32, #tpu.memory_space<vmem>>, vector<1x16xi32>,
    %get3A_571 = vector.shape_cast %get3A_570 : vector<1x16xi32> to vector<16xi32>
    %add3A_572 = arith.constant 400000 : i32
    %add3A_573 = vector.broadcast %add3A_572 : i32 to vector<16xi32>
    %add3A_574 = arith.addi %get3A_571, %add3A_573 : vector<16xi32>
    %swap3A_575 = arith.constant 4 : i32
    %swap3A_576 = arith.index_cast %swap3A_575 : i32 to index
    %swap3A_577 = arith.constant 48 : index
    %swap3A_578 = tpu.vector_load %arg5[%swap3A_576, %swap3A_577] {strides = array<i32>} : memref<26x128xi32, #tpu.memory_space<vmem>>, vector<1x16xi32>,
    %swap3A_579 = vector.shape_cast %swap3A_578 : vector<1x16xi32> to vector<16xi32>
    %swap3A_580 = vector.shape_cast %add3A_574 : vector<16xi32> to vector<1x16xi32>
    tpu.vector_store %arg5[%swap3A_576, %swap3A_577], %swap3A_580 {strides = array<i32>} : memref<26x128xi32, #tpu.memory_space<vmem>>, vector<1x16xi32>,
    %get3A_581 = arith.constant 4 : i32
    %get3A_582 = arith.index_cast %get3A_581 : i32 to index
    %get3A_583 = arith.constant 64 : index
    %get3A_584 = tpu.vector_load %arg5[%get3A_582, %get3A_583] {strides = array<i32>} : memref<26x128xi32, #tpu.memory_space<vmem>>, vector<1x16xi32>,
    %get3A_585 = vector.shape_cast %get3A_584 : vector<1x16xi32> to vector<16xi32>
    %add3A_586 = arith.constant 400000 : i32
    %add3A_587 = vector.broadcast %add3A_586 : i32 to vector<16xi32>
    %add3A_588 = arith.addi %get3A_585, %add3A_587 : vector<16xi32>
    %swap3A_589 = arith.constant 4 : i32
    %swap3A_590 = arith.index_cast %swap3A_589 : i32 to index
    %swap3A_591 = arith.constant 64 : index
    %swap3A_592 = tpu.vector_load %arg5[%swap3A_590, %swap3A_591] {strides = array<i32>} : memref<26x128xi32, #tpu.memory_space<vmem>>, vector<1x16xi32>,
    %swap3A_593 = vector.shape_cast %swap3A_592 : vector<1x16xi32> to vector<16xi32>
    %swap3A_594 = vector.shape_cast %add3A_588 : vector<16xi32> to vector<1x16xi32>
    tpu.vector_store %arg5[%swap3A_590, %swap3A_591], %swap3A_594 {strides = array<i32>} : memref<26x128xi32, #tpu.memory_space<vmem>>, vector<1x16xi32>,
    %get3A_595 = arith.constant 4 : i32
    %get3A_596 = arith.index_cast %get3A_595 : i32 to index
    %get3A_597 = arith.constant 80 : index
    %get3A_598 = tpu.vector_load %arg5[%get3A_596, %get3A_597] {strides = array<i32>} : memref<26x128xi32, #tpu.memory_space<vmem>>, vector<1x16xi32>,
    %get3A_599 = vector.shape_cast %get3A_598 : vector<1x16xi32> to vector<16xi32>
    %add3A_600 = arith.constant 400000 : i32
    %add3A_601 = vector.broadcast %add3A_600 : i32 to vector<16xi32>
    %add3A_602 = arith.addi %get3A_599, %add3A_601 : vector<16xi32>
    %swap3A_603 = arith.constant 4 : i32
    %swap3A_604 = arith.index_cast %swap3A_603 : i32 to index
    %swap3A_605 = arith.constant 80 : index
    %swap3A_606 = tpu.vector_load %arg5[%swap3A_604, %swap3A_605] {strides = array<i32>} : memref<26x128xi32, #tpu.memory_space<vmem>>, vector<1x16xi32>,
    %swap3A_607 = vector.shape_cast %swap3A_606 : vector<1x16xi32> to vector<16xi32>
    %swap3A_608 = vector.shape_cast %add3A_602 : vector<16xi32> to vector<1x16xi32>
    tpu.vector_store %arg5[%swap3A_604, %swap3A_605], %swap3A_608 {strides = array<i32>} : memref<26x128xi32, #tpu.memory_space<vmem>>, vector<1x16xi32>,
    %get3A_609 = arith.constant 4 : i32
    %get3A_610 = arith.index_cast %get3A_609 : i32 to index
    %get3A_611 = arith.constant 96 : index
    %get3A_612 = tpu.vector_load %arg5[%get3A_610, %get3A_611] {strides = array<i32>} : memref<26x128xi32, #tpu.memory_space<vmem>>, vector<1x16xi32>,
    %get3A_613 = vector.shape_cast %get3A_612 : vector<1x16xi32> to vector<16xi32>
    %add3A_614 = arith.constant 400000 : i32
    %add3A_615 = vector.broadcast %add3A_614 : i32 to vector<16xi32>
    %add3A_616 = arith.addi %get3A_613, %add3A_615 : vector<16xi32>
    %swap3A_617 = arith.constant 4 : i32
    %swap3A_618 = arith.index_cast %swap3A_617 : i32 to index
    %swap3A_619 = arith.constant 96 : index
    %swap3A_620 = tpu.vector_load %arg5[%swap3A_618, %swap3A_619] {strides = array<i32>} : memref<26x128xi32, #tpu.memory_space<vmem>>, vector<1x16xi32>,
    %swap3A_621 = vector.shape_cast %swap3A_620 : vector<1x16xi32> to vector<16xi32>
    %swap3A_622 = vector.shape_cast %add3A_616 : vector<16xi32> to vector<1x16xi32>
    tpu.vector_store %arg5[%swap3A_618, %swap3A_619], %swap3A_622 {strides = array<i32>} : memref<26x128xi32, #tpu.memory_space<vmem>>, vector<1x16xi32>,
    %get3A_623 = arith.constant 4 : i32
    %get3A_624 = arith.index_cast %get3A_623 : i32 to index
    %get3A_625 = arith.constant 112 : index
    %get3A_626 = tpu.vector_load %arg5[%get3A_624, %get3A_625] {strides = array<i32>} : memref<26x128xi32, #tpu.memory_space<vmem>>, vector<1x16xi32>,
    %get3A_627 = vector.shape_cast %get3A_626 : vector<1x16xi32> to vector<16xi32>
    %add3A_628 = arith.constant 400000 : i32
    %add3A_629 = vector.broadcast %add3A_628 : i32 to vector<16xi32>
    %add3A_630 = arith.addi %get3A_627, %add3A_629 : vector<16xi32>
    %swap3A_631 = arith.constant 4 : i32
    %swap3A_632 = arith.index_cast %swap3A_631 : i32 to index
    %swap3A_633 = arith.constant 112 : index
    %swap3A_634 = tpu.vector_load %arg5[%swap3A_632, %swap3A_633] {strides = array<i32>} : memref<26x128xi32, #tpu.memory_space<vmem>>, vector<1x16xi32>,
    %swap3A_635 = vector.shape_cast %swap3A_634 : vector<1x16xi32> to vector<16xi32>
    %swap3A_636 = vector.shape_cast %add3A_630 : vector<16xi32> to vector<1x16xi32>
    tpu.vector_store %arg5[%swap3A_632, %swap3A_633], %swap3A_636 {strides = array<i32>} : memref<26x128xi32, #tpu.memory_space<vmem>>, vector<1x16xi32>,
    %dma_start3A_637 = arith.constant 4 : i32
    %dma_start3A_638 = arith.constant 4 : i32
    %dma_start3A_639 = arith.constant 0 : i32
    %dma_start3A_640 = arith.constant 0 : i32
    %dma_start3A_641 = tpu.memref_slice %arg6[%dma_start3A_638, %dma_start3A_639, %dma_start3A_640] : memref<7x128x128xf32, #tpu.memory_space<vmem>> -> memref<1x128x128xf32, #tpu.memory_space<vmem>>
    %dma_start3A_642 = tpu.memref_squeeze %dma_start3A_641 : memref<1x128x128xf32, #tpu.memory_space<vmem>> -> memref<128x128xf32, #tpu.memory_space<vmem>>
    %dma_start3A_643 = arith.constant 0 : i32
    %dma_start3A_644 = tpu.memref_slice %arg5[%dma_start3A_637, %dma_start3A_643] : memref<26x128xi32, #tpu.memory_space<vmem>> -> memref<1x128xi32, #tpu.memory_space<vmem>>
    %dma_start3A_645 = tpu.memref_squeeze %dma_start3A_644 : memref<1x128xi32, #tpu.memory_space<vmem>> -> memref<128xi32, #tpu.memory_space<vmem>>
    %dma_start3A_646 = arith.constant 0 : i32
    %dma_start3A_647 = arith.constant 0 : i32
    %dma_start3A_648 = tpu.memref_slice %arg3[%dma_start3A_646, %dma_start3A_647] : memref<2600000x128xf32, #tpu.memory_space<hbm>> -> memref<2600000x128xf32, #tpu.memory_space<hbm>>
    tpu.enqueue_indirect_dma source(%dma_start3A_648 : memref<2600000x128xf32, #tpu.memory_space<hbm>>) target(%dma_start3A_642 : memref<128x128xf32, #tpu.memory_space<vmem>>) offsets(%dma_start3A_645 : memref<128xi32, #tpu.memory_space<vmem>>) semaphore(%arg11 : memref<!tpu.dma_semaphore, #tpu.memory_space<semaphore_mem>>)
    %get3A_649 = arith.constant 5 : i32
    %get3A_650 = arith.index_cast %get3A_649 : i32 to index
    %get3A_651 = arith.constant 0 : index
    %get3A_652 = tpu.vector_load %arg5[%get3A_650, %get3A_651] {strides = array<i32>} : memref<26x128xi32, #tpu.memory_space<vmem>>, vector<1x16xi32>,
    %get3A_653 = vector.shape_cast %get3A_652 : vector<1x16xi32> to vector<16xi32>
    %add3A_654 = arith.constant 500000 : i32
    %add3A_655 = vector.broadcast %add3A_654 : i32 to vector<16xi32>
    %add3A_656 = arith.addi %get3A_653, %add3A_655 : vector<16xi32>
    %swap3A_657 = arith.constant 5 : i32
    %swap3A_658 = arith.index_cast %swap3A_657 : i32 to index
    %swap3A_659 = arith.constant 0 : index
    %swap3A_660 = tpu.vector_load %arg5[%swap3A_658, %swap3A_659] {strides = array<i32>} : memref<26x128xi32, #tpu.memory_space<vmem>>, vector<1x16xi32>,
    %swap3A_661 = vector.shape_cast %swap3A_660 : vector<1x16xi32> to vector<16xi32>
    %swap3A_662 = vector.shape_cast %add3A_656 : vector<16xi32> to vector<1x16xi32>
    tpu.vector_store %arg5[%swap3A_658, %swap3A_659], %swap3A_662 {strides = array<i32>} : memref<26x128xi32, #tpu.memory_space<vmem>>, vector<1x16xi32>,
    %get3A_663 = arith.constant 5 : i32
    %get3A_664 = arith.index_cast %get3A_663 : i32 to index
    %get3A_665 = arith.constant 16 : index
    %get3A_666 = tpu.vector_load %arg5[%get3A_664, %get3A_665] {strides = array<i32>} : memref<26x128xi32, #tpu.memory_space<vmem>>, vector<1x16xi32>,
    %get3A_667 = vector.shape_cast %get3A_666 : vector<1x16xi32> to vector<16xi32>
    %add3A_668 = arith.constant 500000 : i32
    %add3A_669 = vector.broadcast %add3A_668 : i32 to vector<16xi32>
    %add3A_670 = arith.addi %get3A_667, %add3A_669 : vector<16xi32>
    %swap3A_671 = arith.constant 5 : i32
    %swap3A_672 = arith.index_cast %swap3A_671 : i32 to index
    %swap3A_673 = arith.constant 16 : index
    %swap3A_674 = tpu.vector_load %arg5[%swap3A_672, %swap3A_673] {strides = array<i32>} : memref<26x128xi32, #tpu.memory_space<vmem>>, vector<1x16xi32>,
    %swap3A_675 = vector.shape_cast %swap3A_674 : vector<1x16xi32> to vector<16xi32>
    %swap3A_676 = vector.shape_cast %add3A_670 : vector<16xi32> to vector<1x16xi32>
    tpu.vector_store %arg5[%swap3A_672, %swap3A_673], %swap3A_676 {strides = array<i32>} : memref<26x128xi32, #tpu.memory_space<vmem>>, vector<1x16xi32>,
    %get3A_677 = arith.constant 5 : i32
    %get3A_678 = arith.index_cast %get3A_677 : i32 to index
    %get3A_679 = arith.constant 32 : index
    %get3A_680 = tpu.vector_load %arg5[%get3A_678, %get3A_679] {strides = array<i32>} : memref<26x128xi32, #tpu.memory_space<vmem>>, vector<1x16xi32>,
    %get3A_681 = vector.shape_cast %get3A_680 : vector<1x16xi32> to vector<16xi32>
    %add3A_682 = arith.constant 500000 : i32
    %add3A_683 = vector.broadcast %add3A_682 : i32 to vector<16xi32>
    %add3A_684 = arith.addi %get3A_681, %add3A_683 : vector<16xi32>
    %swap3A_685 = arith.constant 5 : i32
    %swap3A_686 = arith.index_cast %swap3A_685 : i32 to index
    %swap3A_687 = arith.constant 32 : index
    %swap3A_688 = tpu.vector_load %arg5[%swap3A_686, %swap3A_687] {strides = array<i32>} : memref<26x128xi32, #tpu.memory_space<vmem>>, vector<1x16xi32>,
    %swap3A_689 = vector.shape_cast %swap3A_688 : vector<1x16xi32> to vector<16xi32>
    %swap3A_690 = vector.shape_cast %add3A_684 : vector<16xi32> to vector<1x16xi32>
    tpu.vector_store %arg5[%swap3A_686, %swap3A_687], %swap3A_690 {strides = array<i32>} : memref<26x128xi32, #tpu.memory_space<vmem>>, vector<1x16xi32>,
    %get3A_691 = arith.constant 5 : i32
    %get3A_692 = arith.index_cast %get3A_691 : i32 to index
    %get3A_693 = arith.constant 48 : index
    %get3A_694 = tpu.vector_load %arg5[%get3A_692, %get3A_693] {strides = array<i32>} : memref<26x128xi32, #tpu.memory_space<vmem>>, vector<1x16xi32>,
    %get3A_695 = vector.shape_cast %get3A_694 : vector<1x16xi32> to vector<16xi32>
    %add3A_696 = arith.constant 500000 : i32
    %add3A_697 = vector.broadcast %add3A_696 : i32 to vector<16xi32>
    %add3A_698 = arith.addi %get3A_695, %add3A_697 : vector<16xi32>
    %swap3A_699 = arith.constant 5 : i32
    %swap3A_700 = arith.index_cast %swap3A_699 : i32 to index
    %swap3A_701 = arith.constant 48 : index
    %swap3A_702 = tpu.vector_load %arg5[%swap3A_700, %swap3A_701] {strides = array<i32>} : memref<26x128xi32, #tpu.memory_space<vmem>>, vector<1x16xi32>,
    %swap3A_703 = vector.shape_cast %swap3A_702 : vector<1x16xi32> to vector<16xi32>
    %swap3A_704 = vector.shape_cast %add3A_698 : vector<16xi32> to vector<1x16xi32>
    tpu.vector_store %arg5[%swap3A_700, %swap3A_701], %swap3A_704 {strides = array<i32>} : memref<26x128xi32, #tpu.memory_space<vmem>>, vector<1x16xi32>,
    %get3A_705 = arith.constant 5 : i32
    %get3A_706 = arith.index_cast %get3A_705 : i32 to index
    %get3A_707 = arith.constant 64 : index
    %get3A_708 = tpu.vector_load %arg5[%get3A_706, %get3A_707] {strides = array<i32>} : memref<26x128xi32, #tpu.memory_space<vmem>>, vector<1x16xi32>,
    %get3A_709 = vector.shape_cast %get3A_708 : vector<1x16xi32> to vector<16xi32>
    %add3A_710 = arith.constant 500000 : i32
    %add3A_711 = vector.broadcast %add3A_710 : i32 to vector<16xi32>
    %add3A_712 = arith.addi %get3A_709, %add3A_711 : vector<16xi32>
    %swap3A_713 = arith.constant 5 : i32
    %swap3A_714 = arith.index_cast %swap3A_713 : i32 to index
    %swap3A_715 = arith.constant 64 : index
    %swap3A_716 = tpu.vector_load %arg5[%swap3A_714, %swap3A_715] {strides = array<i32>} : memref<26x128xi32, #tpu.memory_space<vmem>>, vector<1x16xi32>,
    %swap3A_717 = vector.shape_cast %swap3A_716 : vector<1x16xi32> to vector<16xi32>
    %swap3A_718 = vector.shape_cast %add3A_712 : vector<16xi32> to vector<1x16xi32>
    tpu.vector_store %arg5[%swap3A_714, %swap3A_715], %swap3A_718 {strides = array<i32>} : memref<26x128xi32, #tpu.memory_space<vmem>>, vector<1x16xi32>,
    %get3A_719 = arith.constant 5 : i32
    %get3A_720 = arith.index_cast %get3A_719 : i32 to index
    %get3A_721 = arith.constant 80 : index
    %get3A_722 = tpu.vector_load %arg5[%get3A_720, %get3A_721] {strides = array<i32>} : memref<26x128xi32, #tpu.memory_space<vmem>>, vector<1x16xi32>,
    %get3A_723 = vector.shape_cast %get3A_722 : vector<1x16xi32> to vector<16xi32>
    %add3A_724 = arith.constant 500000 : i32
    %add3A_725 = vector.broadcast %add3A_724 : i32 to vector<16xi32>
    %add3A_726 = arith.addi %get3A_723, %add3A_725 : vector<16xi32>
    %swap3A_727 = arith.constant 5 : i32
    %swap3A_728 = arith.index_cast %swap3A_727 : i32 to index
    %swap3A_729 = arith.constant 80 : index
    %swap3A_730 = tpu.vector_load %arg5[%swap3A_728, %swap3A_729] {strides = array<i32>} : memref<26x128xi32, #tpu.memory_space<vmem>>, vector<1x16xi32>,
    %swap3A_731 = vector.shape_cast %swap3A_730 : vector<1x16xi32> to vector<16xi32>
    %swap3A_732 = vector.shape_cast %add3A_726 : vector<16xi32> to vector<1x16xi32>
    tpu.vector_store %arg5[%swap3A_728, %swap3A_729], %swap3A_732 {strides = array<i32>} : memref<26x128xi32, #tpu.memory_space<vmem>>, vector<1x16xi32>,
    %get3A_733 = arith.constant 5 : i32
    %get3A_734 = arith.index_cast %get3A_733 : i32 to index
    %get3A_735 = arith.constant 96 : index
    %get3A_736 = tpu.vector_load %arg5[%get3A_734, %get3A_735] {strides = array<i32>} : memref<26x128xi32, #tpu.memory_space<vmem>>, vector<1x16xi32>,
    %get3A_737 = vector.shape_cast %get3A_736 : vector<1x16xi32> to vector<16xi32>
    %add3A_738 = arith.constant 500000 : i32
    %add3A_739 = vector.broadcast %add3A_738 : i32 to vector<16xi32>
    %add3A_740 = arith.addi %get3A_737, %add3A_739 : vector<16xi32>
    %swap3A_741 = arith.constant 5 : i32
    %swap3A_742 = arith.index_cast %swap3A_741 : i32 to index
    %swap3A_743 = arith.constant 96 : index
    %swap3A_744 = tpu.vector_load %arg5[%swap3A_742, %swap3A_743] {strides = array<i32>} : memref<26x128xi32, #tpu.memory_space<vmem>>, vector<1x16xi32>,
    %swap3A_745 = vector.shape_cast %swap3A_744 : vector<1x16xi32> to vector<16xi32>
    %swap3A_746 = vector.shape_cast %add3A_740 : vector<16xi32> to vector<1x16xi32>
    tpu.vector_store %arg5[%swap3A_742, %swap3A_743], %swap3A_746 {strides = array<i32>} : memref<26x128xi32, #tpu.memory_space<vmem>>, vector<1x16xi32>,
    %get3A_747 = arith.constant 5 : i32
    %get3A_748 = arith.index_cast %get3A_747 : i32 to index
    %get3A_749 = arith.constant 112 : index
    %get3A_750 = tpu.vector_load %arg5[%get3A_748, %get3A_749] {strides = array<i32>} : memref<26x128xi32, #tpu.memory_space<vmem>>, vector<1x16xi32>,
    %get3A_751 = vector.shape_cast %get3A_750 : vector<1x16xi32> to vector<16xi32>
    %add3A_752 = arith.constant 500000 : i32
    %add3A_753 = vector.broadcast %add3A_752 : i32 to vector<16xi32>
    %add3A_754 = arith.addi %get3A_751, %add3A_753 : vector<16xi32>
    %swap3A_755 = arith.constant 5 : i32
    %swap3A_756 = arith.index_cast %swap3A_755 : i32 to index
    %swap3A_757 = arith.constant 112 : index
    %swap3A_758 = tpu.vector_load %arg5[%swap3A_756, %swap3A_757] {strides = array<i32>} : memref<26x128xi32, #tpu.memory_space<vmem>>, vector<1x16xi32>,
    %swap3A_759 = vector.shape_cast %swap3A_758 : vector<1x16xi32> to vector<16xi32>
    %swap3A_760 = vector.shape_cast %add3A_754 : vector<16xi32> to vector<1x16xi32>
    tpu.vector_store %arg5[%swap3A_756, %swap3A_757], %swap3A_760 {strides = array<i32>} : memref<26x128xi32, #tpu.memory_space<vmem>>, vector<1x16xi32>,
    %dma_start3A_761 = arith.constant 5 : i32
    %dma_start3A_762 = arith.constant 5 : i32
    %dma_start3A_763 = arith.constant 0 : i32
    %dma_start3A_764 = arith.constant 0 : i32
    %dma_start3A_765 = tpu.memref_slice %arg6[%dma_start3A_762, %dma_start3A_763, %dma_start3A_764] : memref<7x128x128xf32, #tpu.memory_space<vmem>> -> memref<1x128x128xf32, #tpu.memory_space<vmem>>
    %dma_start3A_766 = tpu.memref_squeeze %dma_start3A_765 : memref<1x128x128xf32, #tpu.memory_space<vmem>> -> memref<128x128xf32, #tpu.memory_space<vmem>>
    %dma_start3A_767 = arith.constant 0 : i32
    %dma_start3A_768 = tpu.memref_slice %arg5[%dma_start3A_761, %dma_start3A_767] : memref<26x128xi32, #tpu.memory_space<vmem>> -> memref<1x128xi32, #tpu.memory_space<vmem>>
    %dma_start3A_769 = tpu.memref_squeeze %dma_start3A_768 : memref<1x128xi32, #tpu.memory_space<vmem>> -> memref<128xi32, #tpu.memory_space<vmem>>
    %dma_start3A_770 = arith.constant 0 : i32
    %dma_start3A_771 = arith.constant 0 : i32
    %dma_start3A_772 = tpu.memref_slice %arg3[%dma_start3A_770, %dma_start3A_771] : memref<2600000x128xf32, #tpu.memory_space<hbm>> -> memref<2600000x128xf32, #tpu.memory_space<hbm>>
    tpu.enqueue_indirect_dma source(%dma_start3A_772 : memref<2600000x128xf32, #tpu.memory_space<hbm>>) target(%dma_start3A_766 : memref<128x128xf32, #tpu.memory_space<vmem>>) offsets(%dma_start3A_769 : memref<128xi32, #tpu.memory_space<vmem>>) semaphore(%arg12 : memref<!tpu.dma_semaphore, #tpu.memory_space<semaphore_mem>>)
    %get3A_773 = arith.constant 6 : i32
    %get3A_774 = arith.index_cast %get3A_773 : i32 to index
    %get3A_775 = arith.constant 0 : index
    %get3A_776 = tpu.vector_load %arg5[%get3A_774, %get3A_775] {strides = array<i32>} : memref<26x128xi32, #tpu.memory_space<vmem>>, vector<1x16xi32>,
    %get3A_777 = vector.shape_cast %get3A_776 : vector<1x16xi32> to vector<16xi32>
    %add3A_778 = arith.constant 600000 : i32
    %add3A_779 = vector.broadcast %add3A_778 : i32 to vector<16xi32>
    %add3A_780 = arith.addi %get3A_777, %add3A_779 : vector<16xi32>
    %swap3A_781 = arith.constant 6 : i32
    %swap3A_782 = arith.index_cast %swap3A_781 : i32 to index
    %swap3A_783 = arith.constant 0 : index
    %swap3A_784 = tpu.vector_load %arg5[%swap3A_782, %swap3A_783] {strides = array<i32>} : memref<26x128xi32, #tpu.memory_space<vmem>>, vector<1x16xi32>,
    %swap3A_785 = vector.shape_cast %swap3A_784 : vector<1x16xi32> to vector<16xi32>
    %swap3A_786 = vector.shape_cast %add3A_780 : vector<16xi32> to vector<1x16xi32>
    tpu.vector_store %arg5[%swap3A_782, %swap3A_783], %swap3A_786 {strides = array<i32>} : memref<26x128xi32, #tpu.memory_space<vmem>>, vector<1x16xi32>,
    %get3A_787 = arith.constant 6 : i32
    %get3A_788 = arith.index_cast %get3A_787 : i32 to index
    %get3A_789 = arith.constant 16 : index
    %get3A_790 = tpu.vector_load %arg5[%get3A_788, %get3A_789] {strides = array<i32>} : memref<26x128xi32, #tpu.memory_space<vmem>>, vector<1x16xi32>,
    %get3A_791 = vector.shape_cast %get3A_790 : vector<1x16xi32> to vector<16xi32>
    %add3A_792 = arith.constant 600000 : i32
    %add3A_793 = vector.broadcast %add3A_792 : i32 to vector<16xi32>
    %add3A_794 = arith.addi %get3A_791, %add3A_793 : vector<16xi32>
    %swap3A_795 = arith.constant 6 : i32
    %swap3A_796 = arith.index_cast %swap3A_795 : i32 to index
    %swap3A_797 = arith.constant 16 : index
    %swap3A_798 = tpu.vector_load %arg5[%swap3A_796, %swap3A_797] {strides = array<i32>} : memref<26x128xi32, #tpu.memory_space<vmem>>, vector<1x16xi32>,
    %swap3A_799 = vector.shape_cast %swap3A_798 : vector<1x16xi32> to vector<16xi32>
    %swap3A_800 = vector.shape_cast %add3A_794 : vector<16xi32> to vector<1x16xi32>
    tpu.vector_store %arg5[%swap3A_796, %swap3A_797], %swap3A_800 {strides = array<i32>} : memref<26x128xi32, #tpu.memory_space<vmem>>, vector<1x16xi32>,
    %get3A_801 = arith.constant 6 : i32
    %get3A_802 = arith.index_cast %get3A_801 : i32 to index
    %get3A_803 = arith.constant 32 : index
    %get3A_804 = tpu.vector_load %arg5[%get3A_802, %get3A_803] {strides = array<i32>} : memref<26x128xi32, #tpu.memory_space<vmem>>, vector<1x16xi32>,
    %get3A_805 = vector.shape_cast %get3A_804 : vector<1x16xi32> to vector<16xi32>
    %add3A_806 = arith.constant 600000 : i32
    %add3A_807 = vector.broadcast %add3A_806 : i32 to vector<16xi32>
    %add3A_808 = arith.addi %get3A_805, %add3A_807 : vector<16xi32>
    %swap3A_809 = arith.constant 6 : i32
    %swap3A_810 = arith.index_cast %swap3A_809 : i32 to index
    %swap3A_811 = arith.constant 32 : index
    %swap3A_812 = tpu.vector_load %arg5[%swap3A_810, %swap3A_811] {strides = array<i32>} : memref<26x128xi32, #tpu.memory_space<vmem>>, vector<1x16xi32>,
    %swap3A_813 = vector.shape_cast %swap3A_812 : vector<1x16xi32> to vector<16xi32>
    %swap3A_814 = vector.shape_cast %add3A_808 : vector<16xi32> to vector<1x16xi32>
    tpu.vector_store %arg5[%swap3A_810, %swap3A_811], %swap3A_814 {strides = array<i32>} : memref<26x128xi32, #tpu.memory_space<vmem>>, vector<1x16xi32>,
    %get3A_815 = arith.constant 6 : i32
    %get3A_816 = arith.index_cast %get3A_815 : i32 to index
    %get3A_817 = arith.constant 48 : index
    %get3A_818 = tpu.vector_load %arg5[%get3A_816, %get3A_817] {strides = array<i32>} : memref<26x128xi32, #tpu.memory_space<vmem>>, vector<1x16xi32>,
    %get3A_819 = vector.shape_cast %get3A_818 : vector<1x16xi32> to vector<16xi32>
    %add3A_820 = arith.constant 600000 : i32
    %add3A_821 = vector.broadcast %add3A_820 : i32 to vector<16xi32>
    %add3A_822 = arith.addi %get3A_819, %add3A_821 : vector<16xi32>
    %swap3A_823 = arith.constant 6 : i32
    %swap3A_824 = arith.index_cast %swap3A_823 : i32 to index
    %swap3A_825 = arith.constant 48 : index
    %swap3A_826 = tpu.vector_load %arg5[%swap3A_824, %swap3A_825] {strides = array<i32>} : memref<26x128xi32, #tpu.memory_space<vmem>>, vector<1x16xi32>,
    %swap3A_827 = vector.shape_cast %swap3A_826 : vector<1x16xi32> to vector<16xi32>
    %swap3A_828 = vector.shape_cast %add3A_822 : vector<16xi32> to vector<1x16xi32>
    tpu.vector_store %arg5[%swap3A_824, %swap3A_825], %swap3A_828 {strides = array<i32>} : memref<26x128xi32, #tpu.memory_space<vmem>>, vector<1x16xi32>,
    %get3A_829 = arith.constant 6 : i32
    %get3A_830 = arith.index_cast %get3A_829 : i32 to index
    %get3A_831 = arith.constant 64 : index
    %get3A_832 = tpu.vector_load %arg5[%get3A_830, %get3A_831] {strides = array<i32>} : memref<26x128xi32, #tpu.memory_space<vmem>>, vector<1x16xi32>,
    %get3A_833 = vector.shape_cast %get3A_832 : vector<1x16xi32> to vector<16xi32>
    %add3A_834 = arith.constant 600000 : i32
    %add3A_835 = vector.broadcast %add3A_834 : i32 to vector<16xi32>
    %add3A_836 = arith.addi %get3A_833, %add3A_835 : vector<16xi32>
    %swap3A_837 = arith.constant 6 : i32
    %swap3A_838 = arith.index_cast %swap3A_837 : i32 to index
    %swap3A_839 = arith.constant 64 : index
    %swap3A_840 = tpu.vector_load %arg5[%swap3A_838, %swap3A_839] {strides = array<i32>} : memref<26x128xi32, #tpu.memory_space<vmem>>, vector<1x16xi32>,
    %swap3A_841 = vector.shape_cast %swap3A_840 : vector<1x16xi32> to vector<16xi32>
    %swap3A_842 = vector.shape_cast %add3A_836 : vector<16xi32> to vector<1x16xi32>
    tpu.vector_store %arg5[%swap3A_838, %swap3A_839], %swap3A_842 {strides = array<i32>} : memref<26x128xi32, #tpu.memory_space<vmem>>, vector<1x16xi32>,
    %get3A_843 = arith.constant 6 : i32
    %get3A_844 = arith.index_cast %get3A_843 : i32 to index
    %get3A_845 = arith.constant 80 : index
    %get3A_846 = tpu.vector_load %arg5[%get3A_844, %get3A_845] {strides = array<i32>} : memref<26x128xi32, #tpu.memory_space<vmem>>, vector<1x16xi32>,
    %get3A_847 = vector.shape_cast %get3A_846 : vector<1x16xi32> to vector<16xi32>
    %add3A_848 = arith.constant 600000 : i32
    %add3A_849 = vector.broadcast %add3A_848 : i32 to vector<16xi32>
    %add3A_850 = arith.addi %get3A_847, %add3A_849 : vector<16xi32>
    %swap3A_851 = arith.constant 6 : i32
    %swap3A_852 = arith.index_cast %swap3A_851 : i32 to index
    %swap3A_853 = arith.constant 80 : index
    %swap3A_854 = tpu.vector_load %arg5[%swap3A_852, %swap3A_853] {strides = array<i32>} : memref<26x128xi32, #tpu.memory_space<vmem>>, vector<1x16xi32>,
    %swap3A_855 = vector.shape_cast %swap3A_854 : vector<1x16xi32> to vector<16xi32>
    %swap3A_856 = vector.shape_cast %add3A_850 : vector<16xi32> to vector<1x16xi32>
    tpu.vector_store %arg5[%swap3A_852, %swap3A_853], %swap3A_856 {strides = array<i32>} : memref<26x128xi32, #tpu.memory_space<vmem>>, vector<1x16xi32>,
    %get3A_857 = arith.constant 6 : i32
    %get3A_858 = arith.index_cast %get3A_857 : i32 to index
    %get3A_859 = arith.constant 96 : index
    %get3A_860 = tpu.vector_load %arg5[%get3A_858, %get3A_859] {strides = array<i32>} : memref<26x128xi32, #tpu.memory_space<vmem>>, vector<1x16xi32>,
    %get3A_861 = vector.shape_cast %get3A_860 : vector<1x16xi32> to vector<16xi32>
    %add3A_862 = arith.constant 600000 : i32
    %add3A_863 = vector.broadcast %add3A_862 : i32 to vector<16xi32>
    %add3A_864 = arith.addi %get3A_861, %add3A_863 : vector<16xi32>
    %swap3A_865 = arith.constant 6 : i32
    %swap3A_866 = arith.index_cast %swap3A_865 : i32 to index
    %swap3A_867 = arith.constant 96 : index
    %swap3A_868 = tpu.vector_load %arg5[%swap3A_866, %swap3A_867] {strides = array<i32>} : memref<26x128xi32, #tpu.memory_space<vmem>>, vector<1x16xi32>,
    %swap3A_869 = vector.shape_cast %swap3A_868 : vector<1x16xi32> to vector<16xi32>
    %swap3A_870 = vector.shape_cast %add3A_864 : vector<16xi32> to vector<1x16xi32>
    tpu.vector_store %arg5[%swap3A_866, %swap3A_867], %swap3A_870 {strides = array<i32>} : memref<26x128xi32, #tpu.memory_space<vmem>>, vector<1x16xi32>,
    %get3A_871 = arith.constant 6 : i32
    %get3A_872 = arith.index_cast %get3A_871 : i32 to index
    %get3A_873 = arith.constant 112 : index
    %get3A_874 = tpu.vector_load %arg5[%get3A_872, %get3A_873] {strides = array<i32>} : memref<26x128xi32, #tpu.memory_space<vmem>>, vector<1x16xi32>,
    %get3A_875 = vector.shape_cast %get3A_874 : vector<1x16xi32> to vector<16xi32>
    %add3A_876 = arith.constant 600000 : i32
    %add3A_877 = vector.broadcast %add3A_876 : i32 to vector<16xi32>
    %add3A_878 = arith.addi %get3A_875, %add3A_877 : vector<16xi32>
    %swap3A_879 = arith.constant 6 : i32
    %swap3A_880 = arith.index_cast %swap3A_879 : i32 to index
    %swap3A_881 = arith.constant 112 : index
    %swap3A_882 = tpu.vector_load %arg5[%swap3A_880, %swap3A_881] {strides = array<i32>} : memref<26x128xi32, #tpu.memory_space<vmem>>, vector<1x16xi32>,
    %swap3A_883 = vector.shape_cast %swap3A_882 : vector<1x16xi32> to vector<16xi32>
    %swap3A_884 = vector.shape_cast %add3A_878 : vector<16xi32> to vector<1x16xi32>
    tpu.vector_store %arg5[%swap3A_880, %swap3A_881], %swap3A_884 {strides = array<i32>} : memref<26x128xi32, #tpu.memory_space<vmem>>, vector<1x16xi32>,
    %dma_start3A_885 = arith.constant 6 : i32
    %dma_start3A_886 = arith.constant 6 : i32
    %dma_start3A_887 = arith.constant 0 : i32
    %dma_start3A_888 = arith.constant 0 : i32
    %dma_start3A_889 = tpu.memref_slice %arg6[%dma_start3A_886, %dma_start3A_887, %dma_start3A_888] : memref<7x128x128xf32, #tpu.memory_space<vmem>> -> memref<1x128x128xf32, #tpu.memory_space<vmem>>
    %dma_start3A_890 = tpu.memref_squeeze %dma_start3A_889 : memref<1x128x128xf32, #tpu.memory_space<vmem>> -> memref<128x128xf32, #tpu.memory_space<vmem>>
    %dma_start3A_891 = arith.constant 0 : i32
    %dma_start3A_892 = tpu.memref_slice %arg5[%dma_start3A_885, %dma_start3A_891] : memref<26x128xi32, #tpu.memory_space<vmem>> -> memref<1x128xi32, #tpu.memory_space<vmem>>
    %dma_start3A_893 = tpu.memref_squeeze %dma_start3A_892 : memref<1x128xi32, #tpu.memory_space<vmem>> -> memref<128xi32, #tpu.memory_space<vmem>>
    %dma_start3A_894 = arith.constant 0 : i32
    %dma_start3A_895 = arith.constant 0 : i32
    %dma_start3A_896 = tpu.memref_slice %arg3[%dma_start3A_894, %dma_start3A_895] : memref<2600000x128xf32, #tpu.memory_space<hbm>> -> memref<2600000x128xf32, #tpu.memory_space<hbm>>
    tpu.enqueue_indirect_dma source(%dma_start3A_896 : memref<2600000x128xf32, #tpu.memory_space<hbm>>) target(%dma_start3A_890 : memref<128x128xf32, #tpu.memory_space<vmem>>) offsets(%dma_start3A_893 : memref<128xi32, #tpu.memory_space<vmem>>) semaphore(%arg13 : memref<!tpu.dma_semaphore, #tpu.memory_space<semaphore_mem>>)
    %dma_wait3A_897 = arith.constant 8 : i32
    %dma_wait3A_898 = arith.constant 0 : i32
    %dma_wait3A_899 = tpu.memref_slice %arg5[%dma_wait3A_897, %dma_wait3A_898] : memref<26x128xi32, #tpu.memory_space<vmem>> -> memref<18x128xi32, #tpu.memory_space<vmem>>
    %dma_wait3A_900 = arith.constant 8 : i32
    %dma_wait3A_901 = tpu.memref_slice %arg2[%dma_wait3A_900, %mul3A_2] : memref<26x4096xi32, #tpu.memory_space<hbm>> -> memref<18x128xi32, #tpu.memory_space<hbm>>
    %dma_wait3A_902 = arith.constant 8 : i32
    %dma_wait3A_903 = arith.constant 0 : i32
    %dma_wait3A_904 = tpu.memref_slice %arg5[%dma_wait3A_902, %dma_wait3A_903] : memref<26x128xi32, #tpu.memory_space<vmem>> -> memref<18x128xi32, #tpu.memory_space<vmem>>
    %dma_wait3A_905 = arith.constant 8 : i32
    %dma_wait3A_906 = tpu.memref_slice %arg2[%dma_wait3A_905, %mul3A_2] : memref<26x4096xi32, #tpu.memory_space<hbm>> -> memref<18x128xi32, #tpu.memory_space<hbm>>
    tpu.wait_dma2 semaphore(%arg15 : memref<!tpu.dma_semaphore, #tpu.memory_space<semaphore_mem>>) src(%dma_wait3A_906 : memref<18x128xi32, #tpu.memory_space<hbm>>) dst(%dma_wait3A_904 : memref<18x128xi32, #tpu.memory_space<vmem>>)
    %get3A_907 = arith.constant 7 : i32
    %get3A_908 = arith.index_cast %get3A_907 : i32 to index
    %get3A_909 = arith.constant 0 : index
    %get3A_910 = tpu.vector_load %arg5[%get3A_908, %get3A_909] {strides = array<i32>} : memref<26x128xi32, #tpu.memory_space<vmem>>, vector<1x16xi32>,
    %get3A_911 = vector.shape_cast %get3A_910 : vector<1x16xi32> to vector<16xi32>
    %add3A_912 = arith.constant 700000 : i32
    %add3A_913 = vector.broadcast %add3A_912 : i32 to vector<16xi32>
    %add3A_914 = arith.addi %get3A_911, %add3A_913 : vector<16xi32>
    %swap3A_915 = arith.constant 7 : i32
    %swap3A_916 = arith.index_cast %swap3A_915 : i32 to index
    %swap3A_917 = arith.constant 0 : index
    %swap3A_918 = tpu.vector_load %arg5[%swap3A_916, %swap3A_917] {strides = array<i32>} : memref<26x128xi32, #tpu.memory_space<vmem>>, vector<1x16xi32>,
    %swap3A_919 = vector.shape_cast %swap3A_918 : vector<1x16xi32> to vector<16xi32>
    %swap3A_920 = vector.shape_cast %add3A_914 : vector<16xi32> to vector<1x16xi32>
    tpu.vector_store %arg5[%swap3A_916, %swap3A_917], %swap3A_920 {strides = array<i32>} : memref<26x128xi32, #tpu.memory_space<vmem>>, vector<1x16xi32>,
    %get3A_921 = arith.constant 7 : i32
    %get3A_922 = arith.index_cast %get3A_921 : i32 to index
    %get3A_923 = arith.constant 16 : index
    %get3A_924 = tpu.vector_load %arg5[%get3A_922, %get3A_923] {strides = array<i32>} : memref<26x128xi32, #tpu.memory_space<vmem>>, vector<1x16xi32>,
    %get3A_925 = vector.shape_cast %get3A_924 : vector<1x16xi32> to vector<16xi32>
    %add3A_926 = arith.constant 700000 : i32
    %add3A_927 = vector.broadcast %add3A_926 : i32 to vector<16xi32>
    %add3A_928 = arith.addi %get3A_925, %add3A_927 : vector<16xi32>
    %swap3A_929 = arith.constant 7 : i32
    %swap3A_930 = arith.index_cast %swap3A_929 : i32 to index
    %swap3A_931 = arith.constant 16 : index
    %swap3A_932 = tpu.vector_load %arg5[%swap3A_930, %swap3A_931] {strides = array<i32>} : memref<26x128xi32, #tpu.memory_space<vmem>>, vector<1x16xi32>,
    %swap3A_933 = vector.shape_cast %swap3A_932 : vector<1x16xi32> to vector<16xi32>
    %swap3A_934 = vector.shape_cast %add3A_928 : vector<16xi32> to vector<1x16xi32>
    tpu.vector_store %arg5[%swap3A_930, %swap3A_931], %swap3A_934 {strides = array<i32>} : memref<26x128xi32, #tpu.memory_space<vmem>>, vector<1x16xi32>,
    %get3A_935 = arith.constant 7 : i32
    %get3A_936 = arith.index_cast %get3A_935 : i32 to index
    %get3A_937 = arith.constant 32 : index
    %get3A_938 = tpu.vector_load %arg5[%get3A_936, %get3A_937] {strides = array<i32>} : memref<26x128xi32, #tpu.memory_space<vmem>>, vector<1x16xi32>,
    %get3A_939 = vector.shape_cast %get3A_938 : vector<1x16xi32> to vector<16xi32>
    %add3A_940 = arith.constant 700000 : i32
    %add3A_941 = vector.broadcast %add3A_940 : i32 to vector<16xi32>
    %add3A_942 = arith.addi %get3A_939, %add3A_941 : vector<16xi32>
    %swap3A_943 = arith.constant 7 : i32
    %swap3A_944 = arith.index_cast %swap3A_943 : i32 to index
    %swap3A_945 = arith.constant 32 : index
    %swap3A_946 = tpu.vector_load %arg5[%swap3A_944, %swap3A_945] {strides = array<i32>} : memref<26x128xi32, #tpu.memory_space<vmem>>, vector<1x16xi32>,
    %swap3A_947 = vector.shape_cast %swap3A_946 : vector<1x16xi32> to vector<16xi32>
    %swap3A_948 = vector.shape_cast %add3A_942 : vector<16xi32> to vector<1x16xi32>
    tpu.vector_store %arg5[%swap3A_944, %swap3A_945], %swap3A_948 {strides = array<i32>} : memref<26x128xi32, #tpu.memory_space<vmem>>, vector<1x16xi32>,
    %get3A_949 = arith.constant 7 : i32
    %get3A_950 = arith.index_cast %get3A_949 : i32 to index
    %get3A_951 = arith.constant 48 : index
    %get3A_952 = tpu.vector_load %arg5[%get3A_950, %get3A_951] {strides = array<i32>} : memref<26x128xi32, #tpu.memory_space<vmem>>, vector<1x16xi32>,
    %get3A_953 = vector.shape_cast %get3A_952 : vector<1x16xi32> to vector<16xi32>
    %add3A_954 = arith.constant 700000 : i32
    %add3A_955 = vector.broadcast %add3A_954 : i32 to vector<16xi32>
    %add3A_956 = arith.addi %get3A_953, %add3A_955 : vector<16xi32>
    %swap3A_957 = arith.constant 7 : i32
    %swap3A_958 = arith.index_cast %swap3A_957 : i32 to index
    %swap3A_959 = arith.constant 48 : index
    %swap3A_960 = tpu.vector_load %arg5[%swap3A_958, %swap3A_959] {strides = array<i32>} : memref<26x128xi32, #tpu.memory_space<vmem>>, vector<1x16xi32>,
    %swap3A_961 = vector.shape_cast %swap3A_960 : vector<1x16xi32> to vector<16xi32>
    %swap3A_962 = vector.shape_cast %add3A_956 : vector<16xi32> to vector<1x16xi32>
    tpu.vector_store %arg5[%swap3A_958, %swap3A_959], %swap3A_962 {strides = array<i32>} : memref<26x128xi32, #tpu.memory_space<vmem>>, vector<1x16xi32>,
    %get3A_963 = arith.constant 7 : i32
    %get3A_964 = arith.index_cast %get3A_963 : i32 to index
    %get3A_965 = arith.constant 64 : index
    %get3A_966 = tpu.vector_load %arg5[%get3A_964, %get3A_965] {strides = array<i32>} : memref<26x128xi32, #tpu.memory_space<vmem>>, vector<1x16xi32>,
    %get3A_967 = vector.shape_cast %get3A_966 : vector<1x16xi32> to vector<16xi32>
    %add3A_968 = arith.constant 700000 : i32
    %add3A_969 = vector.broadcast %add3A_968 : i32 to vector<16xi32>
    %add3A_970 = arith.addi %get3A_967, %add3A_969 : vector<16xi32>
    %swap3A_971 = arith.constant 7 : i32
    %swap3A_972 = arith.index_cast %swap3A_971 : i32 to index
    %swap3A_973 = arith.constant 64 : index
    %swap3A_974 = tpu.vector_load %arg5[%swap3A_972, %swap3A_973] {strides = array<i32>} : memref<26x128xi32, #tpu.memory_space<vmem>>, vector<1x16xi32>,
    %swap3A_975 = vector.shape_cast %swap3A_974 : vector<1x16xi32> to vector<16xi32>
    %swap3A_976 = vector.shape_cast %add3A_970 : vector<16xi32> to vector<1x16xi32>
    tpu.vector_store %arg5[%swap3A_972, %swap3A_973], %swap3A_976 {strides = array<i32>} : memref<26x128xi32, #tpu.memory_space<vmem>>, vector<1x16xi32>,
    %get3A_977 = arith.constant 7 : i32
    %get3A_978 = arith.index_cast %get3A_977 : i32 to index
    %get3A_979 = arith.constant 80 : index
    %get3A_980 = tpu.vector_load %arg5[%get3A_978, %get3A_979] {strides = array<i32>} : memref<26x128xi32, #tpu.memory_space<vmem>>, vector<1x16xi32>,
    %get3A_981 = vector.shape_cast %get3A_980 : vector<1x16xi32> to vector<16xi32>
    %add3A_982 = arith.constant 700000 : i32
    %add3A_983 = vector.broadcast %add3A_982 : i32 to vector<16xi32>
    %add3A_984 = arith.addi %get3A_981, %add3A_983 : vector<16xi32>
    %swap3A_985 = arith.constant 7 : i32
    %swap3A_986 = arith.index_cast %swap3A_985 : i32 to index
    %swap3A_987 = arith.constant 80 : index
    %swap3A_988 = tpu.vector_load %arg5[%swap3A_986, %swap3A_987] {strides = array<i32>} : memref<26x128xi32, #tpu.memory_space<vmem>>, vector<1x16xi32>,
    %swap3A_989 = vector.shape_cast %swap3A_988 : vector<1x16xi32> to vector<16xi32>
    %swap3A_990 = vector.shape_cast %add3A_984 : vector<16xi32> to vector<1x16xi32>
    tpu.vector_store %arg5[%swap3A_986, %swap3A_987], %swap3A_990 {strides = array<i32>} : memref<26x128xi32, #tpu.memory_space<vmem>>, vector<1x16xi32>,
    %get3A_991 = arith.constant 7 : i32
    %get3A_992 = arith.index_cast %get3A_991 : i32 to index
    %get3A_993 = arith.constant 96 : index
    %get3A_994 = tpu.vector_load %arg5[%get3A_992, %get3A_993] {strides = array<i32>} : memref<26x128xi32, #tpu.memory_space<vmem>>, vector<1x16xi32>,
    %get3A_995 = vector.shape_cast %get3A_994 : vector<1x16xi32> to vector<16xi32>
    %add3A_996 = arith.constant 700000 : i32
    %add3A_997 = vector.broadcast %add3A_996 : i32 to vector<16xi32>
    %add3A_998 = arith.addi %get3A_995, %add3A_997 : vector<16xi32>
    %swap3A_999 = arith.constant 7 : i32
    %swap3A_1000 = arith.index_cast %swap3A_999 : i32 to index
    %swap3A_1001 = arith.constant 96 : index
    %swap3A_1002 = tpu.vector_load %arg5[%swap3A_1000, %swap3A_1001] {strides = array<i32>} : memref<26x128xi32, #tpu.memory_space<vmem>>, vector<1x16xi32>,
    %swap3A_1003 = vector.shape_cast %swap3A_1002 : vector<1x16xi32> to vector<16xi32>
    %swap3A_1004 = vector.shape_cast %add3A_998 : vector<16xi32> to vector<1x16xi32>
    tpu.vector_store %arg5[%swap3A_1000, %swap3A_1001], %swap3A_1004 {strides = array<i32>} : memref<26x128xi32, #tpu.memory_space<vmem>>, vector<1x16xi32>,
    %get3A_1005 = arith.constant 7 : i32
    %get3A_1006 = arith.index_cast %get3A_1005 : i32 to index
    %get3A_1007 = arith.constant 112 : index
    %get3A_1008 = tpu.vector_load %arg5[%get3A_1006, %get3A_1007] {strides = array<i32>} : memref<26x128xi32, #tpu.memory_space<vmem>>, vector<1x16xi32>,
    %get3A_1009 = vector.shape_cast %get3A_1008 : vector<1x16xi32> to vector<16xi32>
    %add3A_1010 = arith.constant 700000 : i32
    %add3A_1011 = vector.broadcast %add3A_1010 : i32 to vector<16xi32>
    %add3A_1012 = arith.addi %get3A_1009, %add3A_1011 : vector<16xi32>
    %swap3A_1013 = arith.constant 7 : i32
    %swap3A_1014 = arith.index_cast %swap3A_1013 : i32 to index
    %swap3A_1015 = arith.constant 112 : index
    %swap3A_1016 = tpu.vector_load %arg5[%swap3A_1014, %swap3A_1015] {strides = array<i32>} : memref<26x128xi32, #tpu.memory_space<vmem>>, vector<1x16xi32>,
    %swap3A_1017 = vector.shape_cast %swap3A_1016 : vector<1x16xi32> to vector<16xi32>
    %swap3A_1018 = vector.shape_cast %add3A_1012 : vector<16xi32> to vector<1x16xi32>
    tpu.vector_store %arg5[%swap3A_1014, %swap3A_1015], %swap3A_1018 {strides = array<i32>} : memref<26x128xi32, #tpu.memory_space<vmem>>, vector<1x16xi32>,
    %get3A_1019 = arith.constant 8 : i32
    %get3A_1020 = arith.index_cast %get3A_1019 : i32 to index
    %get3A_1021 = arith.constant 0 : index
    %get3A_1022 = tpu.vector_load %arg5[%get3A_1020, %get3A_1021] {strides = array<i32>} : memref<26x128xi32, #tpu.memory_space<vmem>>, vector<1x16xi32>,
    %get3A_1023 = vector.shape_cast %get3A_1022 : vector<1x16xi32> to vector<16xi32>
    %add3A_1024 = arith.constant 800000 : i32
    %add3A_1025 = vector.broadcast %add3A_1024 : i32 to vector<16xi32>
    %add3A_1026 = arith.addi %get3A_1023, %add3A_1025 : vector<16xi32>
    %swap3A_1027 = arith.constant 8 : i32
    %swap3A_1028 = arith.index_cast %swap3A_1027 : i32 to index
    %swap3A_1029 = arith.constant 0 : index
    %swap3A_1030 = tpu.vector_load %arg5[%swap3A_1028, %swap3A_1029] {strides = array<i32>} : memref<26x128xi32, #tpu.memory_space<vmem>>, vector<1x16xi32>,
    %swap3A_1031 = vector.shape_cast %swap3A_1030 : vector<1x16xi32> to vector<16xi32>
    %swap3A_1032 = vector.shape_cast %add3A_1026 : vector<16xi32> to vector<1x16xi32>
    tpu.vector_store %arg5[%swap3A_1028, %swap3A_1029], %swap3A_1032 {strides = array<i32>} : memref<26x128xi32, #tpu.memory_space<vmem>>, vector<1x16xi32>,
    %get3A_1033 = arith.constant 8 : i32
    %get3A_1034 = arith.index_cast %get3A_1033 : i32 to index
    %get3A_1035 = arith.constant 16 : index
    %get3A_1036 = tpu.vector_load %arg5[%get3A_1034, %get3A_1035] {strides = array<i32>} : memref<26x128xi32, #tpu.memory_space<vmem>>, vector<1x16xi32>,
    %get3A_1037 = vector.shape_cast %get3A_1036 : vector<1x16xi32> to vector<16xi32>
    %add3A_1038 = arith.constant 800000 : i32
    %add3A_1039 = vector.broadcast %add3A_1038 : i32 to vector<16xi32>
    %add3A_1040 = arith.addi %get3A_1037, %add3A_1039 : vector<16xi32>
    %swap3A_1041 = arith.constant 8 : i32
    %swap3A_1042 = arith.index_cast %swap3A_1041 : i32 to index
    %swap3A_1043 = arith.constant 16 : index
    %swap3A_1044 = tpu.vector_load %arg5[%swap3A_1042, %swap3A_1043] {strides = array<i32>} : memref<26x128xi32, #tpu.memory_space<vmem>>, vector<1x16xi32>,
    %swap3A_1045 = vector.shape_cast %swap3A_1044 : vector<1x16xi32> to vector<16xi32>
    %swap3A_1046 = vector.shape_cast %add3A_1040 : vector<16xi32> to vector<1x16xi32>
    tpu.vector_store %arg5[%swap3A_1042, %swap3A_1043], %swap3A_1046 {strides = array<i32>} : memref<26x128xi32, #tpu.memory_space<vmem>>, vector<1x16xi32>,
    %get3A_1047 = arith.constant 8 : i32
    %get3A_1048 = arith.index_cast %get3A_1047 : i32 to index
    %get3A_1049 = arith.constant 32 : index
    %get3A_1050 = tpu.vector_load %arg5[%get3A_1048, %get3A_1049] {strides = array<i32>} : memref<26x128xi32, #tpu.memory_space<vmem>>, vector<1x16xi32>,
    %get3A_1051 = vector.shape_cast %get3A_1050 : vector<1x16xi32> to vector<16xi32>
    %add3A_1052 = arith.constant 800000 : i32
    %add3A_1053 = vector.broadcast %add3A_1052 : i32 to vector<16xi32>
    %add3A_1054 = arith.addi %get3A_1051, %add3A_1053 : vector<16xi32>
    %swap3A_1055 = arith.constant 8 : i32
    %swap3A_1056 = arith.index_cast %swap3A_1055 : i32 to index
    %swap3A_1057 = arith.constant 32 : index
    %swap3A_1058 = tpu.vector_load %arg5[%swap3A_1056, %swap3A_1057] {strides = array<i32>} : memref<26x128xi32, #tpu.memory_space<vmem>>, vector<1x16xi32>,
    %swap3A_1059 = vector.shape_cast %swap3A_1058 : vector<1x16xi32> to vector<16xi32>
    %swap3A_1060 = vector.shape_cast %add3A_1054 : vector<16xi32> to vector<1x16xi32>
    tpu.vector_store %arg5[%swap3A_1056, %swap3A_1057], %swap3A_1060 {strides = array<i32>} : memref<26x128xi32, #tpu.memory_space<vmem>>, vector<1x16xi32>,
    %get3A_1061 = arith.constant 8 : i32
    %get3A_1062 = arith.index_cast %get3A_1061 : i32 to index
    %get3A_1063 = arith.constant 48 : index
    %get3A_1064 = tpu.vector_load %arg5[%get3A_1062, %get3A_1063] {strides = array<i32>} : memref<26x128xi32, #tpu.memory_space<vmem>>, vector<1x16xi32>,
    %get3A_1065 = vector.shape_cast %get3A_1064 : vector<1x16xi32> to vector<16xi32>
    %add3A_1066 = arith.constant 800000 : i32
    %add3A_1067 = vector.broadcast %add3A_1066 : i32 to vector<16xi32>
    %add3A_1068 = arith.addi %get3A_1065, %add3A_1067 : vector<16xi32>
    %swap3A_1069 = arith.constant 8 : i32
    %swap3A_1070 = arith.index_cast %swap3A_1069 : i32 to index
    %swap3A_1071 = arith.constant 48 : index
    %swap3A_1072 = tpu.vector_load %arg5[%swap3A_1070, %swap3A_1071] {strides = array<i32>} : memref<26x128xi32, #tpu.memory_space<vmem>>, vector<1x16xi32>,
    %swap3A_1073 = vector.shape_cast %swap3A_1072 : vector<1x16xi32> to vector<16xi32>
    %swap3A_1074 = vector.shape_cast %add3A_1068 : vector<16xi32> to vector<1x16xi32>
    tpu.vector_store %arg5[%swap3A_1070, %swap3A_1071], %swap3A_1074 {strides = array<i32>} : memref<26x128xi32, #tpu.memory_space<vmem>>, vector<1x16xi32>,
    %get3A_1075 = arith.constant 8 : i32
    %get3A_1076 = arith.index_cast %get3A_1075 : i32 to index
    %get3A_1077 = arith.constant 64 : index
    %get3A_1078 = tpu.vector_load %arg5[%get3A_1076, %get3A_1077] {strides = array<i32>} : memref<26x128xi32, #tpu.memory_space<vmem>>, vector<1x16xi32>,
    %get3A_1079 = vector.shape_cast %get3A_1078 : vector<1x16xi32> to vector<16xi32>
    %add3A_1080 = arith.constant 800000 : i32
    %add3A_1081 = vector.broadcast %add3A_1080 : i32 to vector<16xi32>
    %add3A_1082 = arith.addi %get3A_1079, %add3A_1081 : vector<16xi32>
    %swap3A_1083 = arith.constant 8 : i32
    %swap3A_1084 = arith.index_cast %swap3A_1083 : i32 to index
    %swap3A_1085 = arith.constant 64 : index
    %swap3A_1086 = tpu.vector_load %arg5[%swap3A_1084, %swap3A_1085] {strides = array<i32>} : memref<26x128xi32, #tpu.memory_space<vmem>>, vector<1x16xi32>,
    %swap3A_1087 = vector.shape_cast %swap3A_1086 : vector<1x16xi32> to vector<16xi32>
    %swap3A_1088 = vector.shape_cast %add3A_1082 : vector<16xi32> to vector<1x16xi32>
    tpu.vector_store %arg5[%swap3A_1084, %swap3A_1085], %swap3A_1088 {strides = array<i32>} : memref<26x128xi32, #tpu.memory_space<vmem>>, vector<1x16xi32>,
    %get3A_1089 = arith.constant 8 : i32
    %get3A_1090 = arith.index_cast %get3A_1089 : i32 to index
    %get3A_1091 = arith.constant 80 : index
    %get3A_1092 = tpu.vector_load %arg5[%get3A_1090, %get3A_1091] {strides = array<i32>} : memref<26x128xi32, #tpu.memory_space<vmem>>, vector<1x16xi32>,
    %get3A_1093 = vector.shape_cast %get3A_1092 : vector<1x16xi32> to vector<16xi32>
    %add3A_1094 = arith.constant 800000 : i32
    %add3A_1095 = vector.broadcast %add3A_1094 : i32 to vector<16xi32>
    %add3A_1096 = arith.addi %get3A_1093, %add3A_1095 : vector<16xi32>
    %swap3A_1097 = arith.constant 8 : i32
    %swap3A_1098 = arith.index_cast %swap3A_1097 : i32 to index
    %swap3A_1099 = arith.constant 80 : index
    %swap3A_1100 = tpu.vector_load %arg5[%swap3A_1098, %swap3A_1099] {strides = array<i32>} : memref<26x128xi32, #tpu.memory_space<vmem>>, vector<1x16xi32>,
    %swap3A_1101 = vector.shape_cast %swap3A_1100 : vector<1x16xi32> to vector<16xi32>
    %swap3A_1102 = vector.shape_cast %add3A_1096 : vector<16xi32> to vector<1x16xi32>
    tpu.vector_store %arg5[%swap3A_1098, %swap3A_1099], %swap3A_1102 {strides = array<i32>} : memref<26x128xi32, #tpu.memory_space<vmem>>, vector<1x16xi32>,
    %get3A_1103 = arith.constant 8 : i32
    %get3A_1104 = arith.index_cast %get3A_1103 : i32 to index
    %get3A_1105 = arith.constant 96 : index
    %get3A_1106 = tpu.vector_load %arg5[%get3A_1104, %get3A_1105] {strides = array<i32>} : memref<26x128xi32, #tpu.memory_space<vmem>>, vector<1x16xi32>,
    %get3A_1107 = vector.shape_cast %get3A_1106 : vector<1x16xi32> to vector<16xi32>
    %add3A_1108 = arith.constant 800000 : i32
    %add3A_1109 = vector.broadcast %add3A_1108 : i32 to vector<16xi32>
    %add3A_1110 = arith.addi %get3A_1107, %add3A_1109 : vector<16xi32>
    %swap3A_1111 = arith.constant 8 : i32
    %swap3A_1112 = arith.index_cast %swap3A_1111 : i32 to index
    %swap3A_1113 = arith.constant 96 : index
    %swap3A_1114 = tpu.vector_load %arg5[%swap3A_1112, %swap3A_1113] {strides = array<i32>} : memref<26x128xi32, #tpu.memory_space<vmem>>, vector<1x16xi32>,
    %swap3A_1115 = vector.shape_cast %swap3A_1114 : vector<1x16xi32> to vector<16xi32>
    %swap3A_1116 = vector.shape_cast %add3A_1110 : vector<16xi32> to vector<1x16xi32>
    tpu.vector_store %arg5[%swap3A_1112, %swap3A_1113], %swap3A_1116 {strides = array<i32>} : memref<26x128xi32, #tpu.memory_space<vmem>>, vector<1x16xi32>,
    %get3A_1117 = arith.constant 8 : i32
    %get3A_1118 = arith.index_cast %get3A_1117 : i32 to index
    %get3A_1119 = arith.constant 112 : index
    %get3A_1120 = tpu.vector_load %arg5[%get3A_1118, %get3A_1119] {strides = array<i32>} : memref<26x128xi32, #tpu.memory_space<vmem>>, vector<1x16xi32>,
    %get3A_1121 = vector.shape_cast %get3A_1120 : vector<1x16xi32> to vector<16xi32>
    %add3A_1122 = arith.constant 800000 : i32
    %add3A_1123 = vector.broadcast %add3A_1122 : i32 to vector<16xi32>
    %add3A_1124 = arith.addi %get3A_1121, %add3A_1123 : vector<16xi32>
    %swap3A_1125 = arith.constant 8 : i32
    %swap3A_1126 = arith.index_cast %swap3A_1125 : i32 to index
    %swap3A_1127 = arith.constant 112 : index
    %swap3A_1128 = tpu.vector_load %arg5[%swap3A_1126, %swap3A_1127] {strides = array<i32>} : memref<26x128xi32, #tpu.memory_space<vmem>>, vector<1x16xi32>,
    %swap3A_1129 = vector.shape_cast %swap3A_1128 : vector<1x16xi32> to vector<16xi32>
    %swap3A_1130 = vector.shape_cast %add3A_1124 : vector<16xi32> to vector<1x16xi32>
    tpu.vector_store %arg5[%swap3A_1126, %swap3A_1127], %swap3A_1130 {strides = array<i32>} : memref<26x128xi32, #tpu.memory_space<vmem>>, vector<1x16xi32>,
    %get3A_1131 = arith.constant 9 : i32
    %get3A_1132 = arith.index_cast %get3A_1131 : i32 to index
    %get3A_1133 = arith.constant 0 : index
    %get3A_1134 = tpu.vector_load %arg5[%get3A_1132, %get3A_1133] {strides = array<i32>} : memref<26x128xi32, #tpu.memory_space<vmem>>, vector<1x16xi32>,
    %get3A_1135 = vector.shape_cast %get3A_1134 : vector<1x16xi32> to vector<16xi32>
    %add3A_1136 = arith.constant 900000 : i32
    %add3A_1137 = vector.broadcast %add3A_1136 : i32 to vector<16xi32>
    %add3A_1138 = arith.addi %get3A_1135, %add3A_1137 : vector<16xi32>
    %swap3A_1139 = arith.constant 9 : i32
    %swap3A_1140 = arith.index_cast %swap3A_1139 : i32 to index
    %swap3A_1141 = arith.constant 0 : index
    %swap3A_1142 = tpu.vector_load %arg5[%swap3A_1140, %swap3A_1141] {strides = array<i32>} : memref<26x128xi32, #tpu.memory_space<vmem>>, vector<1x16xi32>,
    %swap3A_1143 = vector.shape_cast %swap3A_1142 : vector<1x16xi32> to vector<16xi32>
    %swap3A_1144 = vector.shape_cast %add3A_1138 : vector<16xi32> to vector<1x16xi32>
    tpu.vector_store %arg5[%swap3A_1140, %swap3A_1141], %swap3A_1144 {strides = array<i32>} : memref<26x128xi32, #tpu.memory_space<vmem>>, vector<1x16xi32>,
    %get3A_1145 = arith.constant 9 : i32
    %get3A_1146 = arith.index_cast %get3A_1145 : i32 to index
    %get3A_1147 = arith.constant 16 : index
    %get3A_1148 = tpu.vector_load %arg5[%get3A_1146, %get3A_1147] {strides = array<i32>} : memref<26x128xi32, #tpu.memory_space<vmem>>, vector<1x16xi32>,
    %get3A_1149 = vector.shape_cast %get3A_1148 : vector<1x16xi32> to vector<16xi32>
    %add3A_1150 = arith.constant 900000 : i32
    %add3A_1151 = vector.broadcast %add3A_1150 : i32 to vector<16xi32>
    %add3A_1152 = arith.addi %get3A_1149, %add3A_1151 : vector<16xi32>
    %swap3A_1153 = arith.constant 9 : i32
    %swap3A_1154 = arith.index_cast %swap3A_1153 : i32 to index
    %swap3A_1155 = arith.constant 16 : index
    %swap3A_1156 = tpu.vector_load %arg5[%swap3A_1154, %swap3A_1155] {strides = array<i32>} : memref<26x128xi32, #tpu.memory_space<vmem>>, vector<1x16xi32>,
    %swap3A_1157 = vector.shape_cast %swap3A_1156 : vector<1x16xi32> to vector<16xi32>
    %swap3A_1158 = vector.shape_cast %add3A_1152 : vector<16xi32> to vector<1x16xi32>
    tpu.vector_store %arg5[%swap3A_1154, %swap3A_1155], %swap3A_1158 {strides = array<i32>} : memref<26x128xi32, #tpu.memory_space<vmem>>, vector<1x16xi32>,
    %get3A_1159 = arith.constant 9 : i32
    %get3A_1160 = arith.index_cast %get3A_1159 : i32 to index
    %get3A_1161 = arith.constant 32 : index
    %get3A_1162 = tpu.vector_load %arg5[%get3A_1160, %get3A_1161] {strides = array<i32>} : memref<26x128xi32, #tpu.memory_space<vmem>>, vector<1x16xi32>,
    %get3A_1163 = vector.shape_cast %get3A_1162 : vector<1x16xi32> to vector<16xi32>
    %add3A_1164 = arith.constant 900000 : i32
    %add3A_1165 = vector.broadcast %add3A_1164 : i32 to vector<16xi32>
    %add3A_1166 = arith.addi %get3A_1163, %add3A_1165 : vector<16xi32>
    %swap3A_1167 = arith.constant 9 : i32
    %swap3A_1168 = arith.index_cast %swap3A_1167 : i32 to index
    %swap3A_1169 = arith.constant 32 : index
    %swap3A_1170 = tpu.vector_load %arg5[%swap3A_1168, %swap3A_1169] {strides = array<i32>} : memref<26x128xi32, #tpu.memory_space<vmem>>, vector<1x16xi32>,
    %swap3A_1171 = vector.shape_cast %swap3A_1170 : vector<1x16xi32> to vector<16xi32>
    %swap3A_1172 = vector.shape_cast %add3A_1166 : vector<16xi32> to vector<1x16xi32>
    tpu.vector_store %arg5[%swap3A_1168, %swap3A_1169], %swap3A_1172 {strides = array<i32>} : memref<26x128xi32, #tpu.memory_space<vmem>>, vector<1x16xi32>,
    %get3A_1173 = arith.constant 9 : i32
    %get3A_1174 = arith.index_cast %get3A_1173 : i32 to index
    %get3A_1175 = arith.constant 48 : index
    %get3A_1176 = tpu.vector_load %arg5[%get3A_1174, %get3A_1175] {strides = array<i32>} : memref<26x128xi32, #tpu.memory_space<vmem>>, vector<1x16xi32>,
    %get3A_1177 = vector.shape_cast %get3A_1176 : vector<1x16xi32> to vector<16xi32>
    %add3A_1178 = arith.constant 900000 : i32
    %add3A_1179 = vector.broadcast %add3A_1178 : i32 to vector<16xi32>
    %add3A_1180 = arith.addi %get3A_1177, %add3A_1179 : vector<16xi32>
    %swap3A_1181 = arith.constant 9 : i32
    %swap3A_1182 = arith.index_cast %swap3A_1181 : i32 to index
    %swap3A_1183 = arith.constant 48 : index
    %swap3A_1184 = tpu.vector_load %arg5[%swap3A_1182, %swap3A_1183] {strides = array<i32>} : memref<26x128xi32, #tpu.memory_space<vmem>>, vector<1x16xi32>,
    %swap3A_1185 = vector.shape_cast %swap3A_1184 : vector<1x16xi32> to vector<16xi32>
    %swap3A_1186 = vector.shape_cast %add3A_1180 : vector<16xi32> to vector<1x16xi32>
    tpu.vector_store %arg5[%swap3A_1182, %swap3A_1183], %swap3A_1186 {strides = array<i32>} : memref<26x128xi32, #tpu.memory_space<vmem>>, vector<1x16xi32>,
    %get3A_1187 = arith.constant 9 : i32
    %get3A_1188 = arith.index_cast %get3A_1187 : i32 to index
    %get3A_1189 = arith.constant 64 : index
    %get3A_1190 = tpu.vector_load %arg5[%get3A_1188, %get3A_1189] {strides = array<i32>} : memref<26x128xi32, #tpu.memory_space<vmem>>, vector<1x16xi32>,
    %get3A_1191 = vector.shape_cast %get3A_1190 : vector<1x16xi32> to vector<16xi32>
    %add3A_1192 = arith.constant 900000 : i32
    %add3A_1193 = vector.broadcast %add3A_1192 : i32 to vector<16xi32>
    %add3A_1194 = arith.addi %get3A_1191, %add3A_1193 : vector<16xi32>
    %swap3A_1195 = arith.constant 9 : i32
    %swap3A_1196 = arith.index_cast %swap3A_1195 : i32 to index
    %swap3A_1197 = arith.constant 64 : index
    %swap3A_1198 = tpu.vector_load %arg5[%swap3A_1196, %swap3A_1197] {strides = array<i32>} : memref<26x128xi32, #tpu.memory_space<vmem>>, vector<1x16xi32>,
    %swap3A_1199 = vector.shape_cast %swap3A_1198 : vector<1x16xi32> to vector<16xi32>
    %swap3A_1200 = vector.shape_cast %add3A_1194 : vector<16xi32> to vector<1x16xi32>
    tpu.vector_store %arg5[%swap3A_1196, %swap3A_1197], %swap3A_1200 {strides = array<i32>} : memref<26x128xi32, #tpu.memory_space<vmem>>, vector<1x16xi32>,
    %get3A_1201 = arith.constant 9 : i32
    %get3A_1202 = arith.index_cast %get3A_1201 : i32 to index
    %get3A_1203 = arith.constant 80 : index
    %get3A_1204 = tpu.vector_load %arg5[%get3A_1202, %get3A_1203] {strides = array<i32>} : memref<26x128xi32, #tpu.memory_space<vmem>>, vector<1x16xi32>,
    %get3A_1205 = vector.shape_cast %get3A_1204 : vector<1x16xi32> to vector<16xi32>
    %add3A_1206 = arith.constant 900000 : i32
    %add3A_1207 = vector.broadcast %add3A_1206 : i32 to vector<16xi32>
    %add3A_1208 = arith.addi %get3A_1205, %add3A_1207 : vector<16xi32>
    %swap3A_1209 = arith.constant 9 : i32
    %swap3A_1210 = arith.index_cast %swap3A_1209 : i32 to index
    %swap3A_1211 = arith.constant 80 : index
    %swap3A_1212 = tpu.vector_load %arg5[%swap3A_1210, %swap3A_1211] {strides = array<i32>} : memref<26x128xi32, #tpu.memory_space<vmem>>, vector<1x16xi32>,
    %swap3A_1213 = vector.shape_cast %swap3A_1212 : vector<1x16xi32> to vector<16xi32>
    %swap3A_1214 = vector.shape_cast %add3A_1208 : vector<16xi32> to vector<1x16xi32>
    tpu.vector_store %arg5[%swap3A_1210, %swap3A_1211], %swap3A_1214 {strides = array<i32>} : memref<26x128xi32, #tpu.memory_space<vmem>>, vector<1x16xi32>,
    %get3A_1215 = arith.constant 9 : i32
    %get3A_1216 = arith.index_cast %get3A_1215 : i32 to index
    %get3A_1217 = arith.constant 96 : index
    %get3A_1218 = tpu.vector_load %arg5[%get3A_1216, %get3A_1217] {strides = array<i32>} : memref<26x128xi32, #tpu.memory_space<vmem>>, vector<1x16xi32>,
    %get3A_1219 = vector.shape_cast %get3A_1218 : vector<1x16xi32> to vector<16xi32>
    %add3A_1220 = arith.constant 900000 : i32
    %add3A_1221 = vector.broadcast %add3A_1220 : i32 to vector<16xi32>
    %add3A_1222 = arith.addi %get3A_1219, %add3A_1221 : vector<16xi32>
    %swap3A_1223 = arith.constant 9 : i32
    %swap3A_1224 = arith.index_cast %swap3A_1223 : i32 to index
    %swap3A_1225 = arith.constant 96 : index
    %swap3A_1226 = tpu.vector_load %arg5[%swap3A_1224, %swap3A_1225] {strides = array<i32>} : memref<26x128xi32, #tpu.memory_space<vmem>>, vector<1x16xi32>,
    %swap3A_1227 = vector.shape_cast %swap3A_1226 : vector<1x16xi32> to vector<16xi32>
    %swap3A_1228 = vector.shape_cast %add3A_1222 : vector<16xi32> to vector<1x16xi32>
    tpu.vector_store %arg5[%swap3A_1224, %swap3A_1225], %swap3A_1228 {strides = array<i32>} : memref<26x128xi32, #tpu.memory_space<vmem>>, vector<1x16xi32>,
    %get3A_1229 = arith.constant 9 : i32
    %get3A_1230 = arith.index_cast %get3A_1229 : i32 to index
    %get3A_1231 = arith.constant 112 : index
    %get3A_1232 = tpu.vector_load %arg5[%get3A_1230, %get3A_1231] {strides = array<i32>} : memref<26x128xi32, #tpu.memory_space<vmem>>, vector<1x16xi32>,
    %get3A_1233 = vector.shape_cast %get3A_1232 : vector<1x16xi32> to vector<16xi32>
    %add3A_1234 = arith.constant 900000 : i32
    %add3A_1235 = vector.broadcast %add3A_1234 : i32 to vector<16xi32>
    %add3A_1236 = arith.addi %get3A_1233, %add3A_1235 : vector<16xi32>
    %swap3A_1237 = arith.constant 9 : i32
    %swap3A_1238 = arith.index_cast %swap3A_1237 : i32 to index
    %swap3A_1239 = arith.constant 112 : index
    %swap3A_1240 = tpu.vector_load %arg5[%swap3A_1238, %swap3A_1239] {strides = array<i32>} : memref<26x128xi32, #tpu.memory_space<vmem>>, vector<1x16xi32>,
    %swap3A_1241 = vector.shape_cast %swap3A_1240 : vector<1x16xi32> to vector<16xi32>
    %swap3A_1242 = vector.shape_cast %add3A_1236 : vector<16xi32> to vector<1x16xi32>
    tpu.vector_store %arg5[%swap3A_1238, %swap3A_1239], %swap3A_1242 {strides = array<i32>} : memref<26x128xi32, #tpu.memory_space<vmem>>, vector<1x16xi32>,
    %get3A_1243 = arith.constant 10 : i32
    %get3A_1244 = arith.index_cast %get3A_1243 : i32 to index
    %get3A_1245 = arith.constant 0 : index
    %get3A_1246 = tpu.vector_load %arg5[%get3A_1244, %get3A_1245] {strides = array<i32>} : memref<26x128xi32, #tpu.memory_space<vmem>>, vector<1x16xi32>,
    %get3A_1247 = vector.shape_cast %get3A_1246 : vector<1x16xi32> to vector<16xi32>
    %add3A_1248 = arith.constant 1000000 : i32
    %add3A_1249 = vector.broadcast %add3A_1248 : i32 to vector<16xi32>
    %add3A_1250 = arith.addi %get3A_1247, %add3A_1249 : vector<16xi32>
    %swap3A_1251 = arith.constant 10 : i32
    %swap3A_1252 = arith.index_cast %swap3A_1251 : i32 to index
    %swap3A_1253 = arith.constant 0 : index
    %swap3A_1254 = tpu.vector_load %arg5[%swap3A_1252, %swap3A_1253] {strides = array<i32>} : memref<26x128xi32, #tpu.memory_space<vmem>>, vector<1x16xi32>,
    %swap3A_1255 = vector.shape_cast %swap3A_1254 : vector<1x16xi32> to vector<16xi32>
    %swap3A_1256 = vector.shape_cast %add3A_1250 : vector<16xi32> to vector<1x16xi32>
    tpu.vector_store %arg5[%swap3A_1252, %swap3A_1253], %swap3A_1256 {strides = array<i32>} : memref<26x128xi32, #tpu.memory_space<vmem>>, vector<1x16xi32>,
    %get3A_1257 = arith.constant 10 : i32
    %get3A_1258 = arith.index_cast %get3A_1257 : i32 to index
    %get3A_1259 = arith.constant 16 : index
    %get3A_1260 = tpu.vector_load %arg5[%get3A_1258, %get3A_1259] {strides = array<i32>} : memref<26x128xi32, #tpu.memory_space<vmem>>, vector<1x16xi32>,
    %get3A_1261 = vector.shape_cast %get3A_1260 : vector<1x16xi32> to vector<16xi32>
    %add3A_1262 = arith.constant 1000000 : i32
    %add3A_1263 = vector.broadcast %add3A_1262 : i32 to vector<16xi32>
    %add3A_1264 = arith.addi %get3A_1261, %add3A_1263 : vector<16xi32>
    %swap3A_1265 = arith.constant 10 : i32
    %swap3A_1266 = arith.index_cast %swap3A_1265 : i32 to index
    %swap3A_1267 = arith.constant 16 : index
    %swap3A_1268 = tpu.vector_load %arg5[%swap3A_1266, %swap3A_1267] {strides = array<i32>} : memref<26x128xi32, #tpu.memory_space<vmem>>, vector<1x16xi32>,
    %swap3A_1269 = vector.shape_cast %swap3A_1268 : vector<1x16xi32> to vector<16xi32>
    %swap3A_1270 = vector.shape_cast %add3A_1264 : vector<16xi32> to vector<1x16xi32>
    tpu.vector_store %arg5[%swap3A_1266, %swap3A_1267], %swap3A_1270 {strides = array<i32>} : memref<26x128xi32, #tpu.memory_space<vmem>>, vector<1x16xi32>,
    %get3A_1271 = arith.constant 10 : i32
    %get3A_1272 = arith.index_cast %get3A_1271 : i32 to index
    %get3A_1273 = arith.constant 32 : index
    %get3A_1274 = tpu.vector_load %arg5[%get3A_1272, %get3A_1273] {strides = array<i32>} : memref<26x128xi32, #tpu.memory_space<vmem>>, vector<1x16xi32>,
    %get3A_1275 = vector.shape_cast %get3A_1274 : vector<1x16xi32> to vector<16xi32>
    %add3A_1276 = arith.constant 1000000 : i32
    %add3A_1277 = vector.broadcast %add3A_1276 : i32 to vector<16xi32>
    %add3A_1278 = arith.addi %get3A_1275, %add3A_1277 : vector<16xi32>
    %swap3A_1279 = arith.constant 10 : i32
    %swap3A_1280 = arith.index_cast %swap3A_1279 : i32 to index
    %swap3A_1281 = arith.constant 32 : index
    %swap3A_1282 = tpu.vector_load %arg5[%swap3A_1280, %swap3A_1281] {strides = array<i32>} : memref<26x128xi32, #tpu.memory_space<vmem>>, vector<1x16xi32>,
    %swap3A_1283 = vector.shape_cast %swap3A_1282 : vector<1x16xi32> to vector<16xi32>
    %swap3A_1284 = vector.shape_cast %add3A_1278 : vector<16xi32> to vector<1x16xi32>
    tpu.vector_store %arg5[%swap3A_1280, %swap3A_1281], %swap3A_1284 {strides = array<i32>} : memref<26x128xi32, #tpu.memory_space<vmem>>, vector<1x16xi32>,
    %get3A_1285 = arith.constant 10 : i32
    %get3A_1286 = arith.index_cast %get3A_1285 : i32 to index
    %get3A_1287 = arith.constant 48 : index
    %get3A_1288 = tpu.vector_load %arg5[%get3A_1286, %get3A_1287] {strides = array<i32>} : memref<26x128xi32, #tpu.memory_space<vmem>>, vector<1x16xi32>,
    %get3A_1289 = vector.shape_cast %get3A_1288 : vector<1x16xi32> to vector<16xi32>
    %add3A_1290 = arith.constant 1000000 : i32
    %add3A_1291 = vector.broadcast %add3A_1290 : i32 to vector<16xi32>
    %add3A_1292 = arith.addi %get3A_1289, %add3A_1291 : vector<16xi32>
    %swap3A_1293 = arith.constant 10 : i32
    %swap3A_1294 = arith.index_cast %swap3A_1293 : i32 to index
    %swap3A_1295 = arith.constant 48 : index
    %swap3A_1296 = tpu.vector_load %arg5[%swap3A_1294, %swap3A_1295] {strides = array<i32>} : memref<26x128xi32, #tpu.memory_space<vmem>>, vector<1x16xi32>,
    %swap3A_1297 = vector.shape_cast %swap3A_1296 : vector<1x16xi32> to vector<16xi32>
    %swap3A_1298 = vector.shape_cast %add3A_1292 : vector<16xi32> to vector<1x16xi32>
    tpu.vector_store %arg5[%swap3A_1294, %swap3A_1295], %swap3A_1298 {strides = array<i32>} : memref<26x128xi32, #tpu.memory_space<vmem>>, vector<1x16xi32>,
    %get3A_1299 = arith.constant 10 : i32
    %get3A_1300 = arith.index_cast %get3A_1299 : i32 to index
    %get3A_1301 = arith.constant 64 : index
    %get3A_1302 = tpu.vector_load %arg5[%get3A_1300, %get3A_1301] {strides = array<i32>} : memref<26x128xi32, #tpu.memory_space<vmem>>, vector<1x16xi32>,
    %get3A_1303 = vector.shape_cast %get3A_1302 : vector<1x16xi32> to vector<16xi32>
    %add3A_1304 = arith.constant 1000000 : i32
    %add3A_1305 = vector.broadcast %add3A_1304 : i32 to vector<16xi32>
    %add3A_1306 = arith.addi %get3A_1303, %add3A_1305 : vector<16xi32>
    %swap3A_1307 = arith.constant 10 : i32
    %swap3A_1308 = arith.index_cast %swap3A_1307 : i32 to index
    %swap3A_1309 = arith.constant 64 : index
    %swap3A_1310 = tpu.vector_load %arg5[%swap3A_1308, %swap3A_1309] {strides = array<i32>} : memref<26x128xi32, #tpu.memory_space<vmem>>, vector<1x16xi32>,
    %swap3A_1311 = vector.shape_cast %swap3A_1310 : vector<1x16xi32> to vector<16xi32>
    %swap3A_1312 = vector.shape_cast %add3A_1306 : vector<16xi32> to vector<1x16xi32>
    tpu.vector_store %arg5[%swap3A_1308, %swap3A_1309], %swap3A_1312 {strides = array<i32>} : memref<26x128xi32, #tpu.memory_space<vmem>>, vector<1x16xi32>,
    %get3A_1313 = arith.constant 10 : i32
    %get3A_1314 = arith.index_cast %get3A_1313 : i32 to index
    %get3A_1315 = arith.constant 80 : index
    %get3A_1316 = tpu.vector_load %arg5[%get3A_1314, %get3A_1315] {strides = array<i32>} : memref<26x128xi32, #tpu.memory_space<vmem>>, vector<1x16xi32>,
    %get3A_1317 = vector.shape_cast %get3A_1316 : vector<1x16xi32> to vector<16xi32>
    %add3A_1318 = arith.constant 1000000 : i32
    %add3A_1319 = vector.broadcast %add3A_1318 : i32 to vector<16xi32>
    %add3A_1320 = arith.addi %get3A_1317, %add3A_1319 : vector<16xi32>
    %swap3A_1321 = arith.constant 10 : i32
    %swap3A_1322 = arith.index_cast %swap3A_1321 : i32 to index
    %swap3A_1323 = arith.constant 80 : index
    %swap3A_1324 = tpu.vector_load %arg5[%swap3A_1322, %swap3A_1323] {strides = array<i32>} : memref<26x128xi32, #tpu.memory_space<vmem>>, vector<1x16xi32>,
    %swap3A_1325 = vector.shape_cast %swap3A_1324 : vector<1x16xi32> to vector<16xi32>
    %swap3A_1326 = vector.shape_cast %add3A_1320 : vector<16xi32> to vector<1x16xi32>
    tpu.vector_store %arg5[%swap3A_1322, %swap3A_1323], %swap3A_1326 {strides = array<i32>} : memref<26x128xi32, #tpu.memory_space<vmem>>, vector<1x16xi32>,
    %get3A_1327 = arith.constant 10 : i32
    %get3A_1328 = arith.index_cast %get3A_1327 : i32 to index
    %get3A_1329 = arith.constant 96 : index
    %get3A_1330 = tpu.vector_load %arg5[%get3A_1328, %get3A_1329] {strides = array<i32>} : memref<26x128xi32, #tpu.memory_space<vmem>>, vector<1x16xi32>,
    %get3A_1331 = vector.shape_cast %get3A_1330 : vector<1x16xi32> to vector<16xi32>
    %add3A_1332 = arith.constant 1000000 : i32
    %add3A_1333 = vector.broadcast %add3A_1332 : i32 to vector<16xi32>
    %add3A_1334 = arith.addi %get3A_1331, %add3A_1333 : vector<16xi32>
    %swap3A_1335 = arith.constant 10 : i32
    %swap3A_1336 = arith.index_cast %swap3A_1335 : i32 to index
    %swap3A_1337 = arith.constant 96 : index
    %swap3A_1338 = tpu.vector_load %arg5[%swap3A_1336, %swap3A_1337] {strides = array<i32>} : memref<26x128xi32, #tpu.memory_space<vmem>>, vector<1x16xi32>,
    %swap3A_1339 = vector.shape_cast %swap3A_1338 : vector<1x16xi32> to vector<16xi32>
    %swap3A_1340 = vector.shape_cast %add3A_1334 : vector<16xi32> to vector<1x16xi32>
    tpu.vector_store %arg5[%swap3A_1336, %swap3A_1337], %swap3A_1340 {strides = array<i32>} : memref<26x128xi32, #tpu.memory_space<vmem>>, vector<1x16xi32>,
    %get3A_1341 = arith.constant 10 : i32
    %get3A_1342 = arith.index_cast %get3A_1341 : i32 to index
    %get3A_1343 = arith.constant 112 : index
    %get3A_1344 = tpu.vector_load %arg5[%get3A_1342, %get3A_1343] {strides = array<i32>} : memref<26x128xi32, #tpu.memory_space<vmem>>, vector<1x16xi32>,
    %get3A_1345 = vector.shape_cast %get3A_1344 : vector<1x16xi32> to vector<16xi32>
    %add3A_1346 = arith.constant 1000000 : i32
    %add3A_1347 = vector.broadcast %add3A_1346 : i32 to vector<16xi32>
    %add3A_1348 = arith.addi %get3A_1345, %add3A_1347 : vector<16xi32>
    %swap3A_1349 = arith.constant 10 : i32
    %swap3A_1350 = arith.index_cast %swap3A_1349 : i32 to index
    %swap3A_1351 = arith.constant 112 : index
    %swap3A_1352 = tpu.vector_load %arg5[%swap3A_1350, %swap3A_1351] {strides = array<i32>} : memref<26x128xi32, #tpu.memory_space<vmem>>, vector<1x16xi32>,
    %swap3A_1353 = vector.shape_cast %swap3A_1352 : vector<1x16xi32> to vector<16xi32>
    %swap3A_1354 = vector.shape_cast %add3A_1348 : vector<16xi32> to vector<1x16xi32>
    tpu.vector_store %arg5[%swap3A_1350, %swap3A_1351], %swap3A_1354 {strides = array<i32>} : memref<26x128xi32, #tpu.memory_space<vmem>>, vector<1x16xi32>,
    %get3A_1355 = arith.constant 11 : i32
    %get3A_1356 = arith.index_cast %get3A_1355 : i32 to index
    %get3A_1357 = arith.constant 0 : index
    %get3A_1358 = tpu.vector_load %arg5[%get3A_1356, %get3A_1357] {strides = array<i32>} : memref<26x128xi32, #tpu.memory_space<vmem>>, vector<1x16xi32>,
    %get3A_1359 = vector.shape_cast %get3A_1358 : vector<1x16xi32> to vector<16xi32>
    %add3A_1360 = arith.constant 1100000 : i32
    %add3A_1361 = vector.broadcast %add3A_1360 : i32 to vector<16xi32>
    %add3A_1362 = arith.addi %get3A_1359, %add3A_1361 : vector<16xi32>
    %swap3A_1363 = arith.constant 11 : i32
    %swap3A_1364 = arith.index_cast %swap3A_1363 : i32 to index
    %swap3A_1365 = arith.constant 0 : index
    %swap3A_1366 = tpu.vector_load %arg5[%swap3A_1364, %swap3A_1365] {strides = array<i32>} : memref<26x128xi32, #tpu.memory_space<vmem>>, vector<1x16xi32>,
    %swap3A_1367 = vector.shape_cast %swap3A_1366 : vector<1x16xi32> to vector<16xi32>
    %swap3A_1368 = vector.shape_cast %add3A_1362 : vector<16xi32> to vector<1x16xi32>
    tpu.vector_store %arg5[%swap3A_1364, %swap3A_1365], %swap3A_1368 {strides = array<i32>} : memref<26x128xi32, #tpu.memory_space<vmem>>, vector<1x16xi32>,
    %get3A_1369 = arith.constant 11 : i32
    %get3A_1370 = arith.index_cast %get3A_1369 : i32 to index
    %get3A_1371 = arith.constant 16 : index
    %get3A_1372 = tpu.vector_load %arg5[%get3A_1370, %get3A_1371] {strides = array<i32>} : memref<26x128xi32, #tpu.memory_space<vmem>>, vector<1x16xi32>,
    %get3A_1373 = vector.shape_cast %get3A_1372 : vector<1x16xi32> to vector<16xi32>
    %add3A_1374 = arith.constant 1100000 : i32
    %add3A_1375 = vector.broadcast %add3A_1374 : i32 to vector<16xi32>
    %add3A_1376 = arith.addi %get3A_1373, %add3A_1375 : vector<16xi32>
    %swap3A_1377 = arith.constant 11 : i32
    %swap3A_1378 = arith.index_cast %swap3A_1377 : i32 to index
    %swap3A_1379 = arith.constant 16 : index
    %swap3A_1380 = tpu.vector_load %arg5[%swap3A_1378, %swap3A_1379] {strides = array<i32>} : memref<26x128xi32, #tpu.memory_space<vmem>>, vector<1x16xi32>,
    %swap3A_1381 = vector.shape_cast %swap3A_1380 : vector<1x16xi32> to vector<16xi32>
    %swap3A_1382 = vector.shape_cast %add3A_1376 : vector<16xi32> to vector<1x16xi32>
    tpu.vector_store %arg5[%swap3A_1378, %swap3A_1379], %swap3A_1382 {strides = array<i32>} : memref<26x128xi32, #tpu.memory_space<vmem>>, vector<1x16xi32>,
    %get3A_1383 = arith.constant 11 : i32
    %get3A_1384 = arith.index_cast %get3A_1383 : i32 to index
    %get3A_1385 = arith.constant 32 : index
    %get3A_1386 = tpu.vector_load %arg5[%get3A_1384, %get3A_1385] {strides = array<i32>} : memref<26x128xi32, #tpu.memory_space<vmem>>, vector<1x16xi32>,
    %get3A_1387 = vector.shape_cast %get3A_1386 : vector<1x16xi32> to vector<16xi32>
    %add3A_1388 = arith.constant 1100000 : i32
    %add3A_1389 = vector.broadcast %add3A_1388 : i32 to vector<16xi32>
    %add3A_1390 = arith.addi %get3A_1387, %add3A_1389 : vector<16xi32>
    %swap3A_1391 = arith.constant 11 : i32
    %swap3A_1392 = arith.index_cast %swap3A_1391 : i32 to index
    %swap3A_1393 = arith.constant 32 : index
    %swap3A_1394 = tpu.vector_load %arg5[%swap3A_1392, %swap3A_1393] {strides = array<i32>} : memref<26x128xi32, #tpu.memory_space<vmem>>, vector<1x16xi32>,
    %swap3A_1395 = vector.shape_cast %swap3A_1394 : vector<1x16xi32> to vector<16xi32>
    %swap3A_1396 = vector.shape_cast %add3A_1390 : vector<16xi32> to vector<1x16xi32>
    tpu.vector_store %arg5[%swap3A_1392, %swap3A_1393], %swap3A_1396 {strides = array<i32>} : memref<26x128xi32, #tpu.memory_space<vmem>>, vector<1x16xi32>,
    %get3A_1397 = arith.constant 11 : i32
    %get3A_1398 = arith.index_cast %get3A_1397 : i32 to index
    %get3A_1399 = arith.constant 48 : index
    %get3A_1400 = tpu.vector_load %arg5[%get3A_1398, %get3A_1399] {strides = array<i32>} : memref<26x128xi32, #tpu.memory_space<vmem>>, vector<1x16xi32>,
    %get3A_1401 = vector.shape_cast %get3A_1400 : vector<1x16xi32> to vector<16xi32>
    %add3A_1402 = arith.constant 1100000 : i32
    %add3A_1403 = vector.broadcast %add3A_1402 : i32 to vector<16xi32>
    %add3A_1404 = arith.addi %get3A_1401, %add3A_1403 : vector<16xi32>
    %swap3A_1405 = arith.constant 11 : i32
    %swap3A_1406 = arith.index_cast %swap3A_1405 : i32 to index
    %swap3A_1407 = arith.constant 48 : index
    %swap3A_1408 = tpu.vector_load %arg5[%swap3A_1406, %swap3A_1407] {strides = array<i32>} : memref<26x128xi32, #tpu.memory_space<vmem>>, vector<1x16xi32>,
    %swap3A_1409 = vector.shape_cast %swap3A_1408 : vector<1x16xi32> to vector<16xi32>
    %swap3A_1410 = vector.shape_cast %add3A_1404 : vector<16xi32> to vector<1x16xi32>
    tpu.vector_store %arg5[%swap3A_1406, %swap3A_1407], %swap3A_1410 {strides = array<i32>} : memref<26x128xi32, #tpu.memory_space<vmem>>, vector<1x16xi32>,
    %get3A_1411 = arith.constant 11 : i32
    %get3A_1412 = arith.index_cast %get3A_1411 : i32 to index
    %get3A_1413 = arith.constant 64 : index
    %get3A_1414 = tpu.vector_load %arg5[%get3A_1412, %get3A_1413] {strides = array<i32>} : memref<26x128xi32, #tpu.memory_space<vmem>>, vector<1x16xi32>,
    %get3A_1415 = vector.shape_cast %get3A_1414 : vector<1x16xi32> to vector<16xi32>
    %add3A_1416 = arith.constant 1100000 : i32
    %add3A_1417 = vector.broadcast %add3A_1416 : i32 to vector<16xi32>
    %add3A_1418 = arith.addi %get3A_1415, %add3A_1417 : vector<16xi32>
    %swap3A_1419 = arith.constant 11 : i32
    %swap3A_1420 = arith.index_cast %swap3A_1419 : i32 to index
    %swap3A_1421 = arith.constant 64 : index
    %swap3A_1422 = tpu.vector_load %arg5[%swap3A_1420, %swap3A_1421] {strides = array<i32>} : memref<26x128xi32, #tpu.memory_space<vmem>>, vector<1x16xi32>,
    %swap3A_1423 = vector.shape_cast %swap3A_1422 : vector<1x16xi32> to vector<16xi32>
    %swap3A_1424 = vector.shape_cast %add3A_1418 : vector<16xi32> to vector<1x16xi32>
    tpu.vector_store %arg5[%swap3A_1420, %swap3A_1421], %swap3A_1424 {strides = array<i32>} : memref<26x128xi32, #tpu.memory_space<vmem>>, vector<1x16xi32>,
    %get3A_1425 = arith.constant 11 : i32
    %get3A_1426 = arith.index_cast %get3A_1425 : i32 to index
    %get3A_1427 = arith.constant 80 : index
    %get3A_1428 = tpu.vector_load %arg5[%get3A_1426, %get3A_1427] {strides = array<i32>} : memref<26x128xi32, #tpu.memory_space<vmem>>, vector<1x16xi32>,
    %get3A_1429 = vector.shape_cast %get3A_1428 : vector<1x16xi32> to vector<16xi32>
    %add3A_1430 = arith.constant 1100000 : i32
    %add3A_1431 = vector.broadcast %add3A_1430 : i32 to vector<16xi32>
    %add3A_1432 = arith.addi %get3A_1429, %add3A_1431 : vector<16xi32>
    %swap3A_1433 = arith.constant 11 : i32
    %swap3A_1434 = arith.index_cast %swap3A_1433 : i32 to index
    %swap3A_1435 = arith.constant 80 : index
    %swap3A_1436 = tpu.vector_load %arg5[%swap3A_1434, %swap3A_1435] {strides = array<i32>} : memref<26x128xi32, #tpu.memory_space<vmem>>, vector<1x16xi32>,
    %swap3A_1437 = vector.shape_cast %swap3A_1436 : vector<1x16xi32> to vector<16xi32>
    %swap3A_1438 = vector.shape_cast %add3A_1432 : vector<16xi32> to vector<1x16xi32>
    tpu.vector_store %arg5[%swap3A_1434, %swap3A_1435], %swap3A_1438 {strides = array<i32>} : memref<26x128xi32, #tpu.memory_space<vmem>>, vector<1x16xi32>,
    %get3A_1439 = arith.constant 11 : i32
    %get3A_1440 = arith.index_cast %get3A_1439 : i32 to index
    %get3A_1441 = arith.constant 96 : index
    %get3A_1442 = tpu.vector_load %arg5[%get3A_1440, %get3A_1441] {strides = array<i32>} : memref<26x128xi32, #tpu.memory_space<vmem>>, vector<1x16xi32>,
    %get3A_1443 = vector.shape_cast %get3A_1442 : vector<1x16xi32> to vector<16xi32>
    %add3A_1444 = arith.constant 1100000 : i32
    %add3A_1445 = vector.broadcast %add3A_1444 : i32 to vector<16xi32>
    %add3A_1446 = arith.addi %get3A_1443, %add3A_1445 : vector<16xi32>
    %swap3A_1447 = arith.constant 11 : i32
    %swap3A_1448 = arith.index_cast %swap3A_1447 : i32 to index
    %swap3A_1449 = arith.constant 96 : index
    %swap3A_1450 = tpu.vector_load %arg5[%swap3A_1448, %swap3A_1449] {strides = array<i32>} : memref<26x128xi32, #tpu.memory_space<vmem>>, vector<1x16xi32>,
    %swap3A_1451 = vector.shape_cast %swap3A_1450 : vector<1x16xi32> to vector<16xi32>
    %swap3A_1452 = vector.shape_cast %add3A_1446 : vector<16xi32> to vector<1x16xi32>
    tpu.vector_store %arg5[%swap3A_1448, %swap3A_1449], %swap3A_1452 {strides = array<i32>} : memref<26x128xi32, #tpu.memory_space<vmem>>, vector<1x16xi32>,
    %get3A_1453 = arith.constant 11 : i32
    %get3A_1454 = arith.index_cast %get3A_1453 : i32 to index
    %get3A_1455 = arith.constant 112 : index
    %get3A_1456 = tpu.vector_load %arg5[%get3A_1454, %get3A_1455] {strides = array<i32>} : memref<26x128xi32, #tpu.memory_space<vmem>>, vector<1x16xi32>,
    %get3A_1457 = vector.shape_cast %get3A_1456 : vector<1x16xi32> to vector<16xi32>
    %add3A_1458 = arith.constant 1100000 : i32
    %add3A_1459 = vector.broadcast %add3A_1458 : i32 to vector<16xi32>
    %add3A_1460 = arith.addi %get3A_1457, %add3A_1459 : vector<16xi32>
    %swap3A_1461 = arith.constant 11 : i32
    %swap3A_1462 = arith.index_cast %swap3A_1461 : i32 to index
    %swap3A_1463 = arith.constant 112 : index
    %swap3A_1464 = tpu.vector_load %arg5[%swap3A_1462, %swap3A_1463] {strides = array<i32>} : memref<26x128xi32, #tpu.memory_space<vmem>>, vector<1x16xi32>,
    %swap3A_1465 = vector.shape_cast %swap3A_1464 : vector<1x16xi32> to vector<16xi32>
    %swap3A_1466 = vector.shape_cast %add3A_1460 : vector<16xi32> to vector<1x16xi32>
    tpu.vector_store %arg5[%swap3A_1462, %swap3A_1463], %swap3A_1466 {strides = array<i32>} : memref<26x128xi32, #tpu.memory_space<vmem>>, vector<1x16xi32>,
    %get3A_1467 = arith.constant 12 : i32
    %get3A_1468 = arith.index_cast %get3A_1467 : i32 to index
    %get3A_1469 = arith.constant 0 : index
    %get3A_1470 = tpu.vector_load %arg5[%get3A_1468, %get3A_1469] {strides = array<i32>} : memref<26x128xi32, #tpu.memory_space<vmem>>, vector<1x16xi32>,
    %get3A_1471 = vector.shape_cast %get3A_1470 : vector<1x16xi32> to vector<16xi32>
    %add3A_1472 = arith.constant 1200000 : i32
    %add3A_1473 = vector.broadcast %add3A_1472 : i32 to vector<16xi32>
    %add3A_1474 = arith.addi %get3A_1471, %add3A_1473 : vector<16xi32>
    %swap3A_1475 = arith.constant 12 : i32
    %swap3A_1476 = arith.index_cast %swap3A_1475 : i32 to index
    %swap3A_1477 = arith.constant 0 : index
    %swap3A_1478 = tpu.vector_load %arg5[%swap3A_1476, %swap3A_1477] {strides = array<i32>} : memref<26x128xi32, #tpu.memory_space<vmem>>, vector<1x16xi32>,
    %swap3A_1479 = vector.shape_cast %swap3A_1478 : vector<1x16xi32> to vector<16xi32>
    %swap3A_1480 = vector.shape_cast %add3A_1474 : vector<16xi32> to vector<1x16xi32>
    tpu.vector_store %arg5[%swap3A_1476, %swap3A_1477], %swap3A_1480 {strides = array<i32>} : memref<26x128xi32, #tpu.memory_space<vmem>>, vector<1x16xi32>,
    %get3A_1481 = arith.constant 12 : i32
    %get3A_1482 = arith.index_cast %get3A_1481 : i32 to index
    %get3A_1483 = arith.constant 16 : index
    %get3A_1484 = tpu.vector_load %arg5[%get3A_1482, %get3A_1483] {strides = array<i32>} : memref<26x128xi32, #tpu.memory_space<vmem>>, vector<1x16xi32>,
    %get3A_1485 = vector.shape_cast %get3A_1484 : vector<1x16xi32> to vector<16xi32>
    %add3A_1486 = arith.constant 1200000 : i32
    %add3A_1487 = vector.broadcast %add3A_1486 : i32 to vector<16xi32>
    %add3A_1488 = arith.addi %get3A_1485, %add3A_1487 : vector<16xi32>
    %swap3A_1489 = arith.constant 12 : i32
    %swap3A_1490 = arith.index_cast %swap3A_1489 : i32 to index
    %swap3A_1491 = arith.constant 16 : index
    %swap3A_1492 = tpu.vector_load %arg5[%swap3A_1490, %swap3A_1491] {strides = array<i32>} : memref<26x128xi32, #tpu.memory_space<vmem>>, vector<1x16xi32>,
    %swap3A_1493 = vector.shape_cast %swap3A_1492 : vector<1x16xi32> to vector<16xi32>
    %swap3A_1494 = vector.shape_cast %add3A_1488 : vector<16xi32> to vector<1x16xi32>
    tpu.vector_store %arg5[%swap3A_1490, %swap3A_1491], %swap3A_1494 {strides = array<i32>} : memref<26x128xi32, #tpu.memory_space<vmem>>, vector<1x16xi32>,
    %get3A_1495 = arith.constant 12 : i32
    %get3A_1496 = arith.index_cast %get3A_1495 : i32 to index
    %get3A_1497 = arith.constant 32 : index
    %get3A_1498 = tpu.vector_load %arg5[%get3A_1496, %get3A_1497] {strides = array<i32>} : memref<26x128xi32, #tpu.memory_space<vmem>>, vector<1x16xi32>,
    %get3A_1499 = vector.shape_cast %get3A_1498 : vector<1x16xi32> to vector<16xi32>
    %add3A_1500 = arith.constant 1200000 : i32
    %add3A_1501 = vector.broadcast %add3A_1500 : i32 to vector<16xi32>
    %add3A_1502 = arith.addi %get3A_1499, %add3A_1501 : vector<16xi32>
    %swap3A_1503 = arith.constant 12 : i32
    %swap3A_1504 = arith.index_cast %swap3A_1503 : i32 to index
    %swap3A_1505 = arith.constant 32 : index
    %swap3A_1506 = tpu.vector_load %arg5[%swap3A_1504, %swap3A_1505] {strides = array<i32>} : memref<26x128xi32, #tpu.memory_space<vmem>>, vector<1x16xi32>,
    %swap3A_1507 = vector.shape_cast %swap3A_1506 : vector<1x16xi32> to vector<16xi32>
    %swap3A_1508 = vector.shape_cast %add3A_1502 : vector<16xi32> to vector<1x16xi32>
    tpu.vector_store %arg5[%swap3A_1504, %swap3A_1505], %swap3A_1508 {strides = array<i32>} : memref<26x128xi32, #tpu.memory_space<vmem>>, vector<1x16xi32>,
    %get3A_1509 = arith.constant 12 : i32
    %get3A_1510 = arith.index_cast %get3A_1509 : i32 to index
    %get3A_1511 = arith.constant 48 : index
    %get3A_1512 = tpu.vector_load %arg5[%get3A_1510, %get3A_1511] {strides = array<i32>} : memref<26x128xi32, #tpu.memory_space<vmem>>, vector<1x16xi32>,
    %get3A_1513 = vector.shape_cast %get3A_1512 : vector<1x16xi32> to vector<16xi32>
    %add3A_1514 = arith.constant 1200000 : i32
    %add3A_1515 = vector.broadcast %add3A_1514 : i32 to vector<16xi32>
    %add3A_1516 = arith.addi %get3A_1513, %add3A_1515 : vector<16xi32>
    %swap3A_1517 = arith.constant 12 : i32
    %swap3A_1518 = arith.index_cast %swap3A_1517 : i32 to index
    %swap3A_1519 = arith.constant 48 : index
    %swap3A_1520 = tpu.vector_load %arg5[%swap3A_1518, %swap3A_1519] {strides = array<i32>} : memref<26x128xi32, #tpu.memory_space<vmem>>, vector<1x16xi32>,
    %swap3A_1521 = vector.shape_cast %swap3A_1520 : vector<1x16xi32> to vector<16xi32>
    %swap3A_1522 = vector.shape_cast %add3A_1516 : vector<16xi32> to vector<1x16xi32>
    tpu.vector_store %arg5[%swap3A_1518, %swap3A_1519], %swap3A_1522 {strides = array<i32>} : memref<26x128xi32, #tpu.memory_space<vmem>>, vector<1x16xi32>,
    %get3A_1523 = arith.constant 12 : i32
    %get3A_1524 = arith.index_cast %get3A_1523 : i32 to index
    %get3A_1525 = arith.constant 64 : index
    %get3A_1526 = tpu.vector_load %arg5[%get3A_1524, %get3A_1525] {strides = array<i32>} : memref<26x128xi32, #tpu.memory_space<vmem>>, vector<1x16xi32>,
    %get3A_1527 = vector.shape_cast %get3A_1526 : vector<1x16xi32> to vector<16xi32>
    %add3A_1528 = arith.constant 1200000 : i32
    %add3A_1529 = vector.broadcast %add3A_1528 : i32 to vector<16xi32>
    %add3A_1530 = arith.addi %get3A_1527, %add3A_1529 : vector<16xi32>
    %swap3A_1531 = arith.constant 12 : i32
    %swap3A_1532 = arith.index_cast %swap3A_1531 : i32 to index
    %swap3A_1533 = arith.constant 64 : index
    %swap3A_1534 = tpu.vector_load %arg5[%swap3A_1532, %swap3A_1533] {strides = array<i32>} : memref<26x128xi32, #tpu.memory_space<vmem>>, vector<1x16xi32>,
    %swap3A_1535 = vector.shape_cast %swap3A_1534 : vector<1x16xi32> to vector<16xi32>
    %swap3A_1536 = vector.shape_cast %add3A_1530 : vector<16xi32> to vector<1x16xi32>
    tpu.vector_store %arg5[%swap3A_1532, %swap3A_1533], %swap3A_1536 {strides = array<i32>} : memref<26x128xi32, #tpu.memory_space<vmem>>, vector<1x16xi32>,
    %get3A_1537 = arith.constant 12 : i32
    %get3A_1538 = arith.index_cast %get3A_1537 : i32 to index
    %get3A_1539 = arith.constant 80 : index
    %get3A_1540 = tpu.vector_load %arg5[%get3A_1538, %get3A_1539] {strides = array<i32>} : memref<26x128xi32, #tpu.memory_space<vmem>>, vector<1x16xi32>,
    %get3A_1541 = vector.shape_cast %get3A_1540 : vector<1x16xi32> to vector<16xi32>
    %add3A_1542 = arith.constant 1200000 : i32
    %add3A_1543 = vector.broadcast %add3A_1542 : i32 to vector<16xi32>
    %add3A_1544 = arith.addi %get3A_1541, %add3A_1543 : vector<16xi32>
    %swap3A_1545 = arith.constant 12 : i32
    %swap3A_1546 = arith.index_cast %swap3A_1545 : i32 to index
    %swap3A_1547 = arith.constant 80 : index
    %swap3A_1548 = tpu.vector_load %arg5[%swap3A_1546, %swap3A_1547] {strides = array<i32>} : memref<26x128xi32, #tpu.memory_space<vmem>>, vector<1x16xi32>,
    %swap3A_1549 = vector.shape_cast %swap3A_1548 : vector<1x16xi32> to vector<16xi32>
    %swap3A_1550 = vector.shape_cast %add3A_1544 : vector<16xi32> to vector<1x16xi32>
    tpu.vector_store %arg5[%swap3A_1546, %swap3A_1547], %swap3A_1550 {strides = array<i32>} : memref<26x128xi32, #tpu.memory_space<vmem>>, vector<1x16xi32>,
    %get3A_1551 = arith.constant 12 : i32
    %get3A_1552 = arith.index_cast %get3A_1551 : i32 to index
    %get3A_1553 = arith.constant 96 : index
    %get3A_1554 = tpu.vector_load %arg5[%get3A_1552, %get3A_1553] {strides = array<i32>} : memref<26x128xi32, #tpu.memory_space<vmem>>, vector<1x16xi32>,
    %get3A_1555 = vector.shape_cast %get3A_1554 : vector<1x16xi32> to vector<16xi32>
    %add3A_1556 = arith.constant 1200000 : i32
    %add3A_1557 = vector.broadcast %add3A_1556 : i32 to vector<16xi32>
    %add3A_1558 = arith.addi %get3A_1555, %add3A_1557 : vector<16xi32>
    %swap3A_1559 = arith.constant 12 : i32
    %swap3A_1560 = arith.index_cast %swap3A_1559 : i32 to index
    %swap3A_1561 = arith.constant 96 : index
    %swap3A_1562 = tpu.vector_load %arg5[%swap3A_1560, %swap3A_1561] {strides = array<i32>} : memref<26x128xi32, #tpu.memory_space<vmem>>, vector<1x16xi32>,
    %swap3A_1563 = vector.shape_cast %swap3A_1562 : vector<1x16xi32> to vector<16xi32>
    %swap3A_1564 = vector.shape_cast %add3A_1558 : vector<16xi32> to vector<1x16xi32>
    tpu.vector_store %arg5[%swap3A_1560, %swap3A_1561], %swap3A_1564 {strides = array<i32>} : memref<26x128xi32, #tpu.memory_space<vmem>>, vector<1x16xi32>,
    %get3A_1565 = arith.constant 12 : i32
    %get3A_1566 = arith.index_cast %get3A_1565 : i32 to index
    %get3A_1567 = arith.constant 112 : index
    %get3A_1568 = tpu.vector_load %arg5[%get3A_1566, %get3A_1567] {strides = array<i32>} : memref<26x128xi32, #tpu.memory_space<vmem>>, vector<1x16xi32>,
    %get3A_1569 = vector.shape_cast %get3A_1568 : vector<1x16xi32> to vector<16xi32>
    %add3A_1570 = arith.constant 1200000 : i32
    %add3A_1571 = vector.broadcast %add3A_1570 : i32 to vector<16xi32>
    %add3A_1572 = arith.addi %get3A_1569, %add3A_1571 : vector<16xi32>
    %swap3A_1573 = arith.constant 12 : i32
    %swap3A_1574 = arith.index_cast %swap3A_1573 : i32 to index
    %swap3A_1575 = arith.constant 112 : index
    %swap3A_1576 = tpu.vector_load %arg5[%swap3A_1574, %swap3A_1575] {strides = array<i32>} : memref<26x128xi32, #tpu.memory_space<vmem>>, vector<1x16xi32>,
    %swap3A_1577 = vector.shape_cast %swap3A_1576 : vector<1x16xi32> to vector<16xi32>
    %swap3A_1578 = vector.shape_cast %add3A_1572 : vector<16xi32> to vector<1x16xi32>
    tpu.vector_store %arg5[%swap3A_1574, %swap3A_1575], %swap3A_1578 {strides = array<i32>} : memref<26x128xi32, #tpu.memory_space<vmem>>, vector<1x16xi32>,
    %get3A_1579 = arith.constant 13 : i32
    %get3A_1580 = arith.index_cast %get3A_1579 : i32 to index
    %get3A_1581 = arith.constant 0 : index
    %get3A_1582 = tpu.vector_load %arg5[%get3A_1580, %get3A_1581] {strides = array<i32>} : memref<26x128xi32, #tpu.memory_space<vmem>>, vector<1x16xi32>,
    %get3A_1583 = vector.shape_cast %get3A_1582 : vector<1x16xi32> to vector<16xi32>
    %add3A_1584 = arith.constant 1300000 : i32
    %add3A_1585 = vector.broadcast %add3A_1584 : i32 to vector<16xi32>
    %add3A_1586 = arith.addi %get3A_1583, %add3A_1585 : vector<16xi32>
    %swap3A_1587 = arith.constant 13 : i32
    %swap3A_1588 = arith.index_cast %swap3A_1587 : i32 to index
    %swap3A_1589 = arith.constant 0 : index
    %swap3A_1590 = tpu.vector_load %arg5[%swap3A_1588, %swap3A_1589] {strides = array<i32>} : memref<26x128xi32, #tpu.memory_space<vmem>>, vector<1x16xi32>,
    %swap3A_1591 = vector.shape_cast %swap3A_1590 : vector<1x16xi32> to vector<16xi32>
    %swap3A_1592 = vector.shape_cast %add3A_1586 : vector<16xi32> to vector<1x16xi32>
    tpu.vector_store %arg5[%swap3A_1588, %swap3A_1589], %swap3A_1592 {strides = array<i32>} : memref<26x128xi32, #tpu.memory_space<vmem>>, vector<1x16xi32>,
    %get3A_1593 = arith.constant 13 : i32
    %get3A_1594 = arith.index_cast %get3A_1593 : i32 to index
    %get3A_1595 = arith.constant 16 : index
    %get3A_1596 = tpu.vector_load %arg5[%get3A_1594, %get3A_1595] {strides = array<i32>} : memref<26x128xi32, #tpu.memory_space<vmem>>, vector<1x16xi32>,
    %get3A_1597 = vector.shape_cast %get3A_1596 : vector<1x16xi32> to vector<16xi32>
    %add3A_1598 = arith.constant 1300000 : i32
    %add3A_1599 = vector.broadcast %add3A_1598 : i32 to vector<16xi32>
    %add3A_1600 = arith.addi %get3A_1597, %add3A_1599 : vector<16xi32>
    %swap3A_1601 = arith.constant 13 : i32
    %swap3A_1602 = arith.index_cast %swap3A_1601 : i32 to index
    %swap3A_1603 = arith.constant 16 : index
    %swap3A_1604 = tpu.vector_load %arg5[%swap3A_1602, %swap3A_1603] {strides = array<i32>} : memref<26x128xi32, #tpu.memory_space<vmem>>, vector<1x16xi32>,
    %swap3A_1605 = vector.shape_cast %swap3A_1604 : vector<1x16xi32> to vector<16xi32>
    %swap3A_1606 = vector.shape_cast %add3A_1600 : vector<16xi32> to vector<1x16xi32>
    tpu.vector_store %arg5[%swap3A_1602, %swap3A_1603], %swap3A_1606 {strides = array<i32>} : memref<26x128xi32, #tpu.memory_space<vmem>>, vector<1x16xi32>,
    %get3A_1607 = arith.constant 13 : i32
    %get3A_1608 = arith.index_cast %get3A_1607 : i32 to index
    %get3A_1609 = arith.constant 32 : index
    %get3A_1610 = tpu.vector_load %arg5[%get3A_1608, %get3A_1609] {strides = array<i32>} : memref<26x128xi32, #tpu.memory_space<vmem>>, vector<1x16xi32>,
    %get3A_1611 = vector.shape_cast %get3A_1610 : vector<1x16xi32> to vector<16xi32>
    %add3A_1612 = arith.constant 1300000 : i32
    %add3A_1613 = vector.broadcast %add3A_1612 : i32 to vector<16xi32>
    %add3A_1614 = arith.addi %get3A_1611, %add3A_1613 : vector<16xi32>
    %swap3A_1615 = arith.constant 13 : i32
    %swap3A_1616 = arith.index_cast %swap3A_1615 : i32 to index
    %swap3A_1617 = arith.constant 32 : index
    %swap3A_1618 = tpu.vector_load %arg5[%swap3A_1616, %swap3A_1617] {strides = array<i32>} : memref<26x128xi32, #tpu.memory_space<vmem>>, vector<1x16xi32>,
    %swap3A_1619 = vector.shape_cast %swap3A_1618 : vector<1x16xi32> to vector<16xi32>
    %swap3A_1620 = vector.shape_cast %add3A_1614 : vector<16xi32> to vector<1x16xi32>
    tpu.vector_store %arg5[%swap3A_1616, %swap3A_1617], %swap3A_1620 {strides = array<i32>} : memref<26x128xi32, #tpu.memory_space<vmem>>, vector<1x16xi32>,
    %get3A_1621 = arith.constant 13 : i32
    %get3A_1622 = arith.index_cast %get3A_1621 : i32 to index
    %get3A_1623 = arith.constant 48 : index
    %get3A_1624 = tpu.vector_load %arg5[%get3A_1622, %get3A_1623] {strides = array<i32>} : memref<26x128xi32, #tpu.memory_space<vmem>>, vector<1x16xi32>,
    %get3A_1625 = vector.shape_cast %get3A_1624 : vector<1x16xi32> to vector<16xi32>
    %add3A_1626 = arith.constant 1300000 : i32
    %add3A_1627 = vector.broadcast %add3A_1626 : i32 to vector<16xi32>
    %add3A_1628 = arith.addi %get3A_1625, %add3A_1627 : vector<16xi32>
    %swap3A_1629 = arith.constant 13 : i32
    %swap3A_1630 = arith.index_cast %swap3A_1629 : i32 to index
    %swap3A_1631 = arith.constant 48 : index
    %swap3A_1632 = tpu.vector_load %arg5[%swap3A_1630, %swap3A_1631] {strides = array<i32>} : memref<26x128xi32, #tpu.memory_space<vmem>>, vector<1x16xi32>,
    %swap3A_1633 = vector.shape_cast %swap3A_1632 : vector<1x16xi32> to vector<16xi32>
    %swap3A_1634 = vector.shape_cast %add3A_1628 : vector<16xi32> to vector<1x16xi32>
    tpu.vector_store %arg5[%swap3A_1630, %swap3A_1631], %swap3A_1634 {strides = array<i32>} : memref<26x128xi32, #tpu.memory_space<vmem>>, vector<1x16xi32>,
    %get3A_1635 = arith.constant 13 : i32
    %get3A_1636 = arith.index_cast %get3A_1635 : i32 to index
    %get3A_1637 = arith.constant 64 : index
    %get3A_1638 = tpu.vector_load %arg5[%get3A_1636, %get3A_1637] {strides = array<i32>} : memref<26x128xi32, #tpu.memory_space<vmem>>, vector<1x16xi32>,
    %get3A_1639 = vector.shape_cast %get3A_1638 : vector<1x16xi32> to vector<16xi32>
    %add3A_1640 = arith.constant 1300000 : i32
    %add3A_1641 = vector.broadcast %add3A_1640 : i32 to vector<16xi32>
    %add3A_1642 = arith.addi %get3A_1639, %add3A_1641 : vector<16xi32>
    %swap3A_1643 = arith.constant 13 : i32
    %swap3A_1644 = arith.index_cast %swap3A_1643 : i32 to index
    %swap3A_1645 = arith.constant 64 : index
    %swap3A_1646 = tpu.vector_load %arg5[%swap3A_1644, %swap3A_1645] {strides = array<i32>} : memref<26x128xi32, #tpu.memory_space<vmem>>, vector<1x16xi32>,
    %swap3A_1647 = vector.shape_cast %swap3A_1646 : vector<1x16xi32> to vector<16xi32>
    %swap3A_1648 = vector.shape_cast %add3A_1642 : vector<16xi32> to vector<1x16xi32>
    tpu.vector_store %arg5[%swap3A_1644, %swap3A_1645], %swap3A_1648 {strides = array<i32>} : memref<26x128xi32, #tpu.memory_space<vmem>>, vector<1x16xi32>,
    %get3A_1649 = arith.constant 13 : i32
    %get3A_1650 = arith.index_cast %get3A_1649 : i32 to index
    %get3A_1651 = arith.constant 80 : index
    %get3A_1652 = tpu.vector_load %arg5[%get3A_1650, %get3A_1651] {strides = array<i32>} : memref<26x128xi32, #tpu.memory_space<vmem>>, vector<1x16xi32>,
    %get3A_1653 = vector.shape_cast %get3A_1652 : vector<1x16xi32> to vector<16xi32>
    %add3A_1654 = arith.constant 1300000 : i32
    %add3A_1655 = vector.broadcast %add3A_1654 : i32 to vector<16xi32>
    %add3A_1656 = arith.addi %get3A_1653, %add3A_1655 : vector<16xi32>
    %swap3A_1657 = arith.constant 13 : i32
    %swap3A_1658 = arith.index_cast %swap3A_1657 : i32 to index
    %swap3A_1659 = arith.constant 80 : index
    %swap3A_1660 = tpu.vector_load %arg5[%swap3A_1658, %swap3A_1659] {strides = array<i32>} : memref<26x128xi32, #tpu.memory_space<vmem>>, vector<1x16xi32>,
    %swap3A_1661 = vector.shape_cast %swap3A_1660 : vector<1x16xi32> to vector<16xi32>
    %swap3A_1662 = vector.shape_cast %add3A_1656 : vector<16xi32> to vector<1x16xi32>
    tpu.vector_store %arg5[%swap3A_1658, %swap3A_1659], %swap3A_1662 {strides = array<i32>} : memref<26x128xi32, #tpu.memory_space<vmem>>, vector<1x16xi32>,
    %get3A_1663 = arith.constant 13 : i32
    %get3A_1664 = arith.index_cast %get3A_1663 : i32 to index
    %get3A_1665 = arith.constant 96 : index
    %get3A_1666 = tpu.vector_load %arg5[%get3A_1664, %get3A_1665] {strides = array<i32>} : memref<26x128xi32, #tpu.memory_space<vmem>>, vector<1x16xi32>,
    %get3A_1667 = vector.shape_cast %get3A_1666 : vector<1x16xi32> to vector<16xi32>
    %add3A_1668 = arith.constant 1300000 : i32
    %add3A_1669 = vector.broadcast %add3A_1668 : i32 to vector<16xi32>
    %add3A_1670 = arith.addi %get3A_1667, %add3A_1669 : vector<16xi32>
    %swap3A_1671 = arith.constant 13 : i32
    %swap3A_1672 = arith.index_cast %swap3A_1671 : i32 to index
    %swap3A_1673 = arith.constant 96 : index
    %swap3A_1674 = tpu.vector_load %arg5[%swap3A_1672, %swap3A_1673] {strides = array<i32>} : memref<26x128xi32, #tpu.memory_space<vmem>>, vector<1x16xi32>,
    %swap3A_1675 = vector.shape_cast %swap3A_1674 : vector<1x16xi32> to vector<16xi32>
    %swap3A_1676 = vector.shape_cast %add3A_1670 : vector<16xi32> to vector<1x16xi32>
    tpu.vector_store %arg5[%swap3A_1672, %swap3A_1673], %swap3A_1676 {strides = array<i32>} : memref<26x128xi32, #tpu.memory_space<vmem>>, vector<1x16xi32>,
    %get3A_1677 = arith.constant 13 : i32
    %get3A_1678 = arith.index_cast %get3A_1677 : i32 to index
    %get3A_1679 = arith.constant 112 : index
    %get3A_1680 = tpu.vector_load %arg5[%get3A_1678, %get3A_1679] {strides = array<i32>} : memref<26x128xi32, #tpu.memory_space<vmem>>, vector<1x16xi32>,
    %get3A_1681 = vector.shape_cast %get3A_1680 : vector<1x16xi32> to vector<16xi32>
    %add3A_1682 = arith.constant 1300000 : i32
    %add3A_1683 = vector.broadcast %add3A_1682 : i32 to vector<16xi32>
    %add3A_1684 = arith.addi %get3A_1681, %add3A_1683 : vector<16xi32>
    %swap3A_1685 = arith.constant 13 : i32
    %swap3A_1686 = arith.index_cast %swap3A_1685 : i32 to index
    %swap3A_1687 = arith.constant 112 : index
    %swap3A_1688 = tpu.vector_load %arg5[%swap3A_1686, %swap3A_1687] {strides = array<i32>} : memref<26x128xi32, #tpu.memory_space<vmem>>, vector<1x16xi32>,
    %swap3A_1689 = vector.shape_cast %swap3A_1688 : vector<1x16xi32> to vector<16xi32>
    %swap3A_1690 = vector.shape_cast %add3A_1684 : vector<16xi32> to vector<1x16xi32>
    tpu.vector_store %arg5[%swap3A_1686, %swap3A_1687], %swap3A_1690 {strides = array<i32>} : memref<26x128xi32, #tpu.memory_space<vmem>>, vector<1x16xi32>,
    %get3A_1691 = arith.constant 14 : i32
    %get3A_1692 = arith.index_cast %get3A_1691 : i32 to index
    %get3A_1693 = arith.constant 0 : index
    %get3A_1694 = tpu.vector_load %arg5[%get3A_1692, %get3A_1693] {strides = array<i32>} : memref<26x128xi32, #tpu.memory_space<vmem>>, vector<1x16xi32>,
    %get3A_1695 = vector.shape_cast %get3A_1694 : vector<1x16xi32> to vector<16xi32>
    %add3A_1696 = arith.constant 1400000 : i32
    %add3A_1697 = vector.broadcast %add3A_1696 : i32 to vector<16xi32>
    %add3A_1698 = arith.addi %get3A_1695, %add3A_1697 : vector<16xi32>
    %swap3A_1699 = arith.constant 14 : i32
    %swap3A_1700 = arith.index_cast %swap3A_1699 : i32 to index
    %swap3A_1701 = arith.constant 0 : index
    %swap3A_1702 = tpu.vector_load %arg5[%swap3A_1700, %swap3A_1701] {strides = array<i32>} : memref<26x128xi32, #tpu.memory_space<vmem>>, vector<1x16xi32>,
    %swap3A_1703 = vector.shape_cast %swap3A_1702 : vector<1x16xi32> to vector<16xi32>
    %swap3A_1704 = vector.shape_cast %add3A_1698 : vector<16xi32> to vector<1x16xi32>
    tpu.vector_store %arg5[%swap3A_1700, %swap3A_1701], %swap3A_1704 {strides = array<i32>} : memref<26x128xi32, #tpu.memory_space<vmem>>, vector<1x16xi32>,
    %get3A_1705 = arith.constant 14 : i32
    %get3A_1706 = arith.index_cast %get3A_1705 : i32 to index
    %get3A_1707 = arith.constant 16 : index
    %get3A_1708 = tpu.vector_load %arg5[%get3A_1706, %get3A_1707] {strides = array<i32>} : memref<26x128xi32, #tpu.memory_space<vmem>>, vector<1x16xi32>,
    %get3A_1709 = vector.shape_cast %get3A_1708 : vector<1x16xi32> to vector<16xi32>
    %add3A_1710 = arith.constant 1400000 : i32
    %add3A_1711 = vector.broadcast %add3A_1710 : i32 to vector<16xi32>
    %add3A_1712 = arith.addi %get3A_1709, %add3A_1711 : vector<16xi32>
    %swap3A_1713 = arith.constant 14 : i32
    %swap3A_1714 = arith.index_cast %swap3A_1713 : i32 to index
    %swap3A_1715 = arith.constant 16 : index
    %swap3A_1716 = tpu.vector_load %arg5[%swap3A_1714, %swap3A_1715] {strides = array<i32>} : memref<26x128xi32, #tpu.memory_space<vmem>>, vector<1x16xi32>,
    %swap3A_1717 = vector.shape_cast %swap3A_1716 : vector<1x16xi32> to vector<16xi32>
    %swap3A_1718 = vector.shape_cast %add3A_1712 : vector<16xi32> to vector<1x16xi32>
    tpu.vector_store %arg5[%swap3A_1714, %swap3A_1715], %swap3A_1718 {strides = array<i32>} : memref<26x128xi32, #tpu.memory_space<vmem>>, vector<1x16xi32>,
    %get3A_1719 = arith.constant 14 : i32
    %get3A_1720 = arith.index_cast %get3A_1719 : i32 to index
    %get3A_1721 = arith.constant 32 : index
    %get3A_1722 = tpu.vector_load %arg5[%get3A_1720, %get3A_1721] {strides = array<i32>} : memref<26x128xi32, #tpu.memory_space<vmem>>, vector<1x16xi32>,
    %get3A_1723 = vector.shape_cast %get3A_1722 : vector<1x16xi32> to vector<16xi32>
    %add3A_1724 = arith.constant 1400000 : i32
    %add3A_1725 = vector.broadcast %add3A_1724 : i32 to vector<16xi32>
    %add3A_1726 = arith.addi %get3A_1723, %add3A_1725 : vector<16xi32>
    %swap3A_1727 = arith.constant 14 : i32
    %swap3A_1728 = arith.index_cast %swap3A_1727 : i32 to index
    %swap3A_1729 = arith.constant 32 : index
    %swap3A_1730 = tpu.vector_load %arg5[%swap3A_1728, %swap3A_1729] {strides = array<i32>} : memref<26x128xi32, #tpu.memory_space<vmem>>, vector<1x16xi32>,
    %swap3A_1731 = vector.shape_cast %swap3A_1730 : vector<1x16xi32> to vector<16xi32>
    %swap3A_1732 = vector.shape_cast %add3A_1726 : vector<16xi32> to vector<1x16xi32>
    tpu.vector_store %arg5[%swap3A_1728, %swap3A_1729], %swap3A_1732 {strides = array<i32>} : memref<26x128xi32, #tpu.memory_space<vmem>>, vector<1x16xi32>,
    %get3A_1733 = arith.constant 14 : i32
    %get3A_1734 = arith.index_cast %get3A_1733 : i32 to index
    %get3A_1735 = arith.constant 48 : index
    %get3A_1736 = tpu.vector_load %arg5[%get3A_1734, %get3A_1735] {strides = array<i32>} : memref<26x128xi32, #tpu.memory_space<vmem>>, vector<1x16xi32>,
    %get3A_1737 = vector.shape_cast %get3A_1736 : vector<1x16xi32> to vector<16xi32>
    %add3A_1738 = arith.constant 1400000 : i32
    %add3A_1739 = vector.broadcast %add3A_1738 : i32 to vector<16xi32>
    %add3A_1740 = arith.addi %get3A_1737, %add3A_1739 : vector<16xi32>
    %swap3A_1741 = arith.constant 14 : i32
    %swap3A_1742 = arith.index_cast %swap3A_1741 : i32 to index
    %swap3A_1743 = arith.constant 48 : index
    %swap3A_1744 = tpu.vector_load %arg5[%swap3A_1742, %swap3A_1743] {strides = array<i32>} : memref<26x128xi32, #tpu.memory_space<vmem>>, vector<1x16xi32>,
    %swap3A_1745 = vector.shape_cast %swap3A_1744 : vector<1x16xi32> to vector<16xi32>
    %swap3A_1746 = vector.shape_cast %add3A_1740 : vector<16xi32> to vector<1x16xi32>
    tpu.vector_store %arg5[%swap3A_1742, %swap3A_1743], %swap3A_1746 {strides = array<i32>} : memref<26x128xi32, #tpu.memory_space<vmem>>, vector<1x16xi32>,
    %get3A_1747 = arith.constant 14 : i32
    %get3A_1748 = arith.index_cast %get3A_1747 : i32 to index
    %get3A_1749 = arith.constant 64 : index
    %get3A_1750 = tpu.vector_load %arg5[%get3A_1748, %get3A_1749] {strides = array<i32>} : memref<26x128xi32, #tpu.memory_space<vmem>>, vector<1x16xi32>,
    %get3A_1751 = vector.shape_cast %get3A_1750 : vector<1x16xi32> to vector<16xi32>
    %add3A_1752 = arith.constant 1400000 : i32
    %add3A_1753 = vector.broadcast %add3A_1752 : i32 to vector<16xi32>
    %add3A_1754 = arith.addi %get3A_1751, %add3A_1753 : vector<16xi32>
    %swap3A_1755 = arith.constant 14 : i32
    %swap3A_1756 = arith.index_cast %swap3A_1755 : i32 to index
    %swap3A_1757 = arith.constant 64 : index
    %swap3A_1758 = tpu.vector_load %arg5[%swap3A_1756, %swap3A_1757] {strides = array<i32>} : memref<26x128xi32, #tpu.memory_space<vmem>>, vector<1x16xi32>,
    %swap3A_1759 = vector.shape_cast %swap3A_1758 : vector<1x16xi32> to vector<16xi32>
    %swap3A_1760 = vector.shape_cast %add3A_1754 : vector<16xi32> to vector<1x16xi32>
    tpu.vector_store %arg5[%swap3A_1756, %swap3A_1757], %swap3A_1760 {strides = array<i32>} : memref<26x128xi32, #tpu.memory_space<vmem>>, vector<1x16xi32>,
    %get3A_1761 = arith.constant 14 : i32
    %get3A_1762 = arith.index_cast %get3A_1761 : i32 to index
    %get3A_1763 = arith.constant 80 : index
    %get3A_1764 = tpu.vector_load %arg5[%get3A_1762, %get3A_1763] {strides = array<i32>} : memref<26x128xi32, #tpu.memory_space<vmem>>, vector<1x16xi32>,
    %get3A_1765 = vector.shape_cast %get3A_1764 : vector<1x16xi32> to vector<16xi32>
    %add3A_1766 = arith.constant 1400000 : i32
    %add3A_1767 = vector.broadcast %add3A_1766 : i32 to vector<16xi32>
    %add3A_1768 = arith.addi %get3A_1765, %add3A_1767 : vector<16xi32>
    %swap3A_1769 = arith.constant 14 : i32
    %swap3A_1770 = arith.index_cast %swap3A_1769 : i32 to index
    %swap3A_1771 = arith.constant 80 : index
    %swap3A_1772 = tpu.vector_load %arg5[%swap3A_1770, %swap3A_1771] {strides = array<i32>} : memref<26x128xi32, #tpu.memory_space<vmem>>, vector<1x16xi32>,
    %swap3A_1773 = vector.shape_cast %swap3A_1772 : vector<1x16xi32> to vector<16xi32>
    %swap3A_1774 = vector.shape_cast %add3A_1768 : vector<16xi32> to vector<1x16xi32>
    tpu.vector_store %arg5[%swap3A_1770, %swap3A_1771], %swap3A_1774 {strides = array<i32>} : memref<26x128xi32, #tpu.memory_space<vmem>>, vector<1x16xi32>,
    %get3A_1775 = arith.constant 14 : i32
    %get3A_1776 = arith.index_cast %get3A_1775 : i32 to index
    %get3A_1777 = arith.constant 96 : index
    %get3A_1778 = tpu.vector_load %arg5[%get3A_1776, %get3A_1777] {strides = array<i32>} : memref<26x128xi32, #tpu.memory_space<vmem>>, vector<1x16xi32>,
    %get3A_1779 = vector.shape_cast %get3A_1778 : vector<1x16xi32> to vector<16xi32>
    %add3A_1780 = arith.constant 1400000 : i32
    %add3A_1781 = vector.broadcast %add3A_1780 : i32 to vector<16xi32>
    %add3A_1782 = arith.addi %get3A_1779, %add3A_1781 : vector<16xi32>
    %swap3A_1783 = arith.constant 14 : i32
    %swap3A_1784 = arith.index_cast %swap3A_1783 : i32 to index
    %swap3A_1785 = arith.constant 96 : index
    %swap3A_1786 = tpu.vector_load %arg5[%swap3A_1784, %swap3A_1785] {strides = array<i32>} : memref<26x128xi32, #tpu.memory_space<vmem>>, vector<1x16xi32>,
    %swap3A_1787 = vector.shape_cast %swap3A_1786 : vector<1x16xi32> to vector<16xi32>
    %swap3A_1788 = vector.shape_cast %add3A_1782 : vector<16xi32> to vector<1x16xi32>
    tpu.vector_store %arg5[%swap3A_1784, %swap3A_1785], %swap3A_1788 {strides = array<i32>} : memref<26x128xi32, #tpu.memory_space<vmem>>, vector<1x16xi32>,
    %get3A_1789 = arith.constant 14 : i32
    %get3A_1790 = arith.index_cast %get3A_1789 : i32 to index
    %get3A_1791 = arith.constant 112 : index
    %get3A_1792 = tpu.vector_load %arg5[%get3A_1790, %get3A_1791] {strides = array<i32>} : memref<26x128xi32, #tpu.memory_space<vmem>>, vector<1x16xi32>,
    %get3A_1793 = vector.shape_cast %get3A_1792 : vector<1x16xi32> to vector<16xi32>
    %add3A_1794 = arith.constant 1400000 : i32
    %add3A_1795 = vector.broadcast %add3A_1794 : i32 to vector<16xi32>
    %add3A_1796 = arith.addi %get3A_1793, %add3A_1795 : vector<16xi32>
    %swap3A_1797 = arith.constant 14 : i32
    %swap3A_1798 = arith.index_cast %swap3A_1797 : i32 to index
    %swap3A_1799 = arith.constant 112 : index
    %swap3A_1800 = tpu.vector_load %arg5[%swap3A_1798, %swap3A_1799] {strides = array<i32>} : memref<26x128xi32, #tpu.memory_space<vmem>>, vector<1x16xi32>,
    %swap3A_1801 = vector.shape_cast %swap3A_1800 : vector<1x16xi32> to vector<16xi32>
    %swap3A_1802 = vector.shape_cast %add3A_1796 : vector<16xi32> to vector<1x16xi32>
    tpu.vector_store %arg5[%swap3A_1798, %swap3A_1799], %swap3A_1802 {strides = array<i32>} : memref<26x128xi32, #tpu.memory_space<vmem>>, vector<1x16xi32>,
    %get3A_1803 = arith.constant 15 : i32
    %get3A_1804 = arith.index_cast %get3A_1803 : i32 to index
    %get3A_1805 = arith.constant 0 : index
    %get3A_1806 = tpu.vector_load %arg5[%get3A_1804, %get3A_1805] {strides = array<i32>} : memref<26x128xi32, #tpu.memory_space<vmem>>, vector<1x16xi32>,
    %get3A_1807 = vector.shape_cast %get3A_1806 : vector<1x16xi32> to vector<16xi32>
    %add3A_1808 = arith.constant 1500000 : i32
    %add3A_1809 = vector.broadcast %add3A_1808 : i32 to vector<16xi32>
    %add3A_1810 = arith.addi %get3A_1807, %add3A_1809 : vector<16xi32>
    %swap3A_1811 = arith.constant 15 : i32
    %swap3A_1812 = arith.index_cast %swap3A_1811 : i32 to index
    %swap3A_1813 = arith.constant 0 : index
    %swap3A_1814 = tpu.vector_load %arg5[%swap3A_1812, %swap3A_1813] {strides = array<i32>} : memref<26x128xi32, #tpu.memory_space<vmem>>, vector<1x16xi32>,
    %swap3A_1815 = vector.shape_cast %swap3A_1814 : vector<1x16xi32> to vector<16xi32>
    %swap3A_1816 = vector.shape_cast %add3A_1810 : vector<16xi32> to vector<1x16xi32>
    tpu.vector_store %arg5[%swap3A_1812, %swap3A_1813], %swap3A_1816 {strides = array<i32>} : memref<26x128xi32, #tpu.memory_space<vmem>>, vector<1x16xi32>,
    %get3A_1817 = arith.constant 15 : i32
    %get3A_1818 = arith.index_cast %get3A_1817 : i32 to index
    %get3A_1819 = arith.constant 16 : index
    %get3A_1820 = tpu.vector_load %arg5[%get3A_1818, %get3A_1819] {strides = array<i32>} : memref<26x128xi32, #tpu.memory_space<vmem>>, vector<1x16xi32>,
    %get3A_1821 = vector.shape_cast %get3A_1820 : vector<1x16xi32> to vector<16xi32>
    %add3A_1822 = arith.constant 1500000 : i32
    %add3A_1823 = vector.broadcast %add3A_1822 : i32 to vector<16xi32>
    %add3A_1824 = arith.addi %get3A_1821, %add3A_1823 : vector<16xi32>
    %swap3A_1825 = arith.constant 15 : i32
    %swap3A_1826 = arith.index_cast %swap3A_1825 : i32 to index
    %swap3A_1827 = arith.constant 16 : index
    %swap3A_1828 = tpu.vector_load %arg5[%swap3A_1826, %swap3A_1827] {strides = array<i32>} : memref<26x128xi32, #tpu.memory_space<vmem>>, vector<1x16xi32>,
    %swap3A_1829 = vector.shape_cast %swap3A_1828 : vector<1x16xi32> to vector<16xi32>
    %swap3A_1830 = vector.shape_cast %add3A_1824 : vector<16xi32> to vector<1x16xi32>
    tpu.vector_store %arg5[%swap3A_1826, %swap3A_1827], %swap3A_1830 {strides = array<i32>} : memref<26x128xi32, #tpu.memory_space<vmem>>, vector<1x16xi32>,
    %get3A_1831 = arith.constant 15 : i32
    %get3A_1832 = arith.index_cast %get3A_1831 : i32 to index
    %get3A_1833 = arith.constant 32 : index
    %get3A_1834 = tpu.vector_load %arg5[%get3A_1832, %get3A_1833] {strides = array<i32>} : memref<26x128xi32, #tpu.memory_space<vmem>>, vector<1x16xi32>,
    %get3A_1835 = vector.shape_cast %get3A_1834 : vector<1x16xi32> to vector<16xi32>
    %add3A_1836 = arith.constant 1500000 : i32
    %add3A_1837 = vector.broadcast %add3A_1836 : i32 to vector<16xi32>
    %add3A_1838 = arith.addi %get3A_1835, %add3A_1837 : vector<16xi32>
    %swap3A_1839 = arith.constant 15 : i32
    %swap3A_1840 = arith.index_cast %swap3A_1839 : i32 to index
    %swap3A_1841 = arith.constant 32 : index
    %swap3A_1842 = tpu.vector_load %arg5[%swap3A_1840, %swap3A_1841] {strides = array<i32>} : memref<26x128xi32, #tpu.memory_space<vmem>>, vector<1x16xi32>,
    %swap3A_1843 = vector.shape_cast %swap3A_1842 : vector<1x16xi32> to vector<16xi32>
    %swap3A_1844 = vector.shape_cast %add3A_1838 : vector<16xi32> to vector<1x16xi32>
    tpu.vector_store %arg5[%swap3A_1840, %swap3A_1841], %swap3A_1844 {strides = array<i32>} : memref<26x128xi32, #tpu.memory_space<vmem>>, vector<1x16xi32>,
    %get3A_1845 = arith.constant 15 : i32
    %get3A_1846 = arith.index_cast %get3A_1845 : i32 to index
    %get3A_1847 = arith.constant 48 : index
    %get3A_1848 = tpu.vector_load %arg5[%get3A_1846, %get3A_1847] {strides = array<i32>} : memref<26x128xi32, #tpu.memory_space<vmem>>, vector<1x16xi32>,
    %get3A_1849 = vector.shape_cast %get3A_1848 : vector<1x16xi32> to vector<16xi32>
    %add3A_1850 = arith.constant 1500000 : i32
    %add3A_1851 = vector.broadcast %add3A_1850 : i32 to vector<16xi32>
    %add3A_1852 = arith.addi %get3A_1849, %add3A_1851 : vector<16xi32>
    %swap3A_1853 = arith.constant 15 : i32
    %swap3A_1854 = arith.index_cast %swap3A_1853 : i32 to index
    %swap3A_1855 = arith.constant 48 : index
    %swap3A_1856 = tpu.vector_load %arg5[%swap3A_1854, %swap3A_1855] {strides = array<i32>} : memref<26x128xi32, #tpu.memory_space<vmem>>, vector<1x16xi32>,
    %swap3A_1857 = vector.shape_cast %swap3A_1856 : vector<1x16xi32> to vector<16xi32>
    %swap3A_1858 = vector.shape_cast %add3A_1852 : vector<16xi32> to vector<1x16xi32>
    tpu.vector_store %arg5[%swap3A_1854, %swap3A_1855], %swap3A_1858 {strides = array<i32>} : memref<26x128xi32, #tpu.memory_space<vmem>>, vector<1x16xi32>,
    %get3A_1859 = arith.constant 15 : i32
    %get3A_1860 = arith.index_cast %get3A_1859 : i32 to index
    %get3A_1861 = arith.constant 64 : index
    %get3A_1862 = tpu.vector_load %arg5[%get3A_1860, %get3A_1861] {strides = array<i32>} : memref<26x128xi32, #tpu.memory_space<vmem>>, vector<1x16xi32>,
    %get3A_1863 = vector.shape_cast %get3A_1862 : vector<1x16xi32> to vector<16xi32>
    %add3A_1864 = arith.constant 1500000 : i32
    %add3A_1865 = vector.broadcast %add3A_1864 : i32 to vector<16xi32>
    %add3A_1866 = arith.addi %get3A_1863, %add3A_1865 : vector<16xi32>
    %swap3A_1867 = arith.constant 15 : i32
    %swap3A_1868 = arith.index_cast %swap3A_1867 : i32 to index
    %swap3A_1869 = arith.constant 64 : index
    %swap3A_1870 = tpu.vector_load %arg5[%swap3A_1868, %swap3A_1869] {strides = array<i32>} : memref<26x128xi32, #tpu.memory_space<vmem>>, vector<1x16xi32>,
    %swap3A_1871 = vector.shape_cast %swap3A_1870 : vector<1x16xi32> to vector<16xi32>
    %swap3A_1872 = vector.shape_cast %add3A_1866 : vector<16xi32> to vector<1x16xi32>
    tpu.vector_store %arg5[%swap3A_1868, %swap3A_1869], %swap3A_1872 {strides = array<i32>} : memref<26x128xi32, #tpu.memory_space<vmem>>, vector<1x16xi32>,
    %get3A_1873 = arith.constant 15 : i32
    %get3A_1874 = arith.index_cast %get3A_1873 : i32 to index
    %get3A_1875 = arith.constant 80 : index
    %get3A_1876 = tpu.vector_load %arg5[%get3A_1874, %get3A_1875] {strides = array<i32>} : memref<26x128xi32, #tpu.memory_space<vmem>>, vector<1x16xi32>,
    %get3A_1877 = vector.shape_cast %get3A_1876 : vector<1x16xi32> to vector<16xi32>
    %add3A_1878 = arith.constant 1500000 : i32
    %add3A_1879 = vector.broadcast %add3A_1878 : i32 to vector<16xi32>
    %add3A_1880 = arith.addi %get3A_1877, %add3A_1879 : vector<16xi32>
    %swap3A_1881 = arith.constant 15 : i32
    %swap3A_1882 = arith.index_cast %swap3A_1881 : i32 to index
    %swap3A_1883 = arith.constant 80 : index
    %swap3A_1884 = tpu.vector_load %arg5[%swap3A_1882, %swap3A_1883] {strides = array<i32>} : memref<26x128xi32, #tpu.memory_space<vmem>>, vector<1x16xi32>,
    %swap3A_1885 = vector.shape_cast %swap3A_1884 : vector<1x16xi32> to vector<16xi32>
    %swap3A_1886 = vector.shape_cast %add3A_1880 : vector<16xi32> to vector<1x16xi32>
    tpu.vector_store %arg5[%swap3A_1882, %swap3A_1883], %swap3A_1886 {strides = array<i32>} : memref<26x128xi32, #tpu.memory_space<vmem>>, vector<1x16xi32>,
    %get3A_1887 = arith.constant 15 : i32
    %get3A_1888 = arith.index_cast %get3A_1887 : i32 to index
    %get3A_1889 = arith.constant 96 : index
    %get3A_1890 = tpu.vector_load %arg5[%get3A_1888, %get3A_1889] {strides = array<i32>} : memref<26x128xi32, #tpu.memory_space<vmem>>, vector<1x16xi32>,
    %get3A_1891 = vector.shape_cast %get3A_1890 : vector<1x16xi32> to vector<16xi32>
    %add3A_1892 = arith.constant 1500000 : i32
    %add3A_1893 = vector.broadcast %add3A_1892 : i32 to vector<16xi32>
    %add3A_1894 = arith.addi %get3A_1891, %add3A_1893 : vector<16xi32>
    %swap3A_1895 = arith.constant 15 : i32
    %swap3A_1896 = arith.index_cast %swap3A_1895 : i32 to index
    %swap3A_1897 = arith.constant 96 : index
    %swap3A_1898 = tpu.vector_load %arg5[%swap3A_1896, %swap3A_1897] {strides = array<i32>} : memref<26x128xi32, #tpu.memory_space<vmem>>, vector<1x16xi32>,
    %swap3A_1899 = vector.shape_cast %swap3A_1898 : vector<1x16xi32> to vector<16xi32>
    %swap3A_1900 = vector.shape_cast %add3A_1894 : vector<16xi32> to vector<1x16xi32>
    tpu.vector_store %arg5[%swap3A_1896, %swap3A_1897], %swap3A_1900 {strides = array<i32>} : memref<26x128xi32, #tpu.memory_space<vmem>>, vector<1x16xi32>,
    %get3A_1901 = arith.constant 15 : i32
    %get3A_1902 = arith.index_cast %get3A_1901 : i32 to index
    %get3A_1903 = arith.constant 112 : index
    %get3A_1904 = tpu.vector_load %arg5[%get3A_1902, %get3A_1903] {strides = array<i32>} : memref<26x128xi32, #tpu.memory_space<vmem>>, vector<1x16xi32>,
    %get3A_1905 = vector.shape_cast %get3A_1904 : vector<1x16xi32> to vector<16xi32>
    %add3A_1906 = arith.constant 1500000 : i32
    %add3A_1907 = vector.broadcast %add3A_1906 : i32 to vector<16xi32>
    %add3A_1908 = arith.addi %get3A_1905, %add3A_1907 : vector<16xi32>
    %swap3A_1909 = arith.constant 15 : i32
    %swap3A_1910 = arith.index_cast %swap3A_1909 : i32 to index
    %swap3A_1911 = arith.constant 112 : index
    %swap3A_1912 = tpu.vector_load %arg5[%swap3A_1910, %swap3A_1911] {strides = array<i32>} : memref<26x128xi32, #tpu.memory_space<vmem>>, vector<1x16xi32>,
    %swap3A_1913 = vector.shape_cast %swap3A_1912 : vector<1x16xi32> to vector<16xi32>
    %swap3A_1914 = vector.shape_cast %add3A_1908 : vector<16xi32> to vector<1x16xi32>
    tpu.vector_store %arg5[%swap3A_1910, %swap3A_1911], %swap3A_1914 {strides = array<i32>} : memref<26x128xi32, #tpu.memory_space<vmem>>, vector<1x16xi32>,
    %get3A_1915 = arith.constant 16 : i32
    %get3A_1916 = arith.index_cast %get3A_1915 : i32 to index
    %get3A_1917 = arith.constant 0 : index
    %get3A_1918 = tpu.vector_load %arg5[%get3A_1916, %get3A_1917] {strides = array<i32>} : memref<26x128xi32, #tpu.memory_space<vmem>>, vector<1x16xi32>,
    %get3A_1919 = vector.shape_cast %get3A_1918 : vector<1x16xi32> to vector<16xi32>
    %add3A_1920 = arith.constant 1600000 : i32
    %add3A_1921 = vector.broadcast %add3A_1920 : i32 to vector<16xi32>
    %add3A_1922 = arith.addi %get3A_1919, %add3A_1921 : vector<16xi32>
    %swap3A_1923 = arith.constant 16 : i32
    %swap3A_1924 = arith.index_cast %swap3A_1923 : i32 to index
    %swap3A_1925 = arith.constant 0 : index
    %swap3A_1926 = tpu.vector_load %arg5[%swap3A_1924, %swap3A_1925] {strides = array<i32>} : memref<26x128xi32, #tpu.memory_space<vmem>>, vector<1x16xi32>,
    %swap3A_1927 = vector.shape_cast %swap3A_1926 : vector<1x16xi32> to vector<16xi32>
    %swap3A_1928 = vector.shape_cast %add3A_1922 : vector<16xi32> to vector<1x16xi32>
    tpu.vector_store %arg5[%swap3A_1924, %swap3A_1925], %swap3A_1928 {strides = array<i32>} : memref<26x128xi32, #tpu.memory_space<vmem>>, vector<1x16xi32>,
    %get3A_1929 = arith.constant 16 : i32
    %get3A_1930 = arith.index_cast %get3A_1929 : i32 to index
    %get3A_1931 = arith.constant 16 : index
    %get3A_1932 = tpu.vector_load %arg5[%get3A_1930, %get3A_1931] {strides = array<i32>} : memref<26x128xi32, #tpu.memory_space<vmem>>, vector<1x16xi32>,
    %get3A_1933 = vector.shape_cast %get3A_1932 : vector<1x16xi32> to vector<16xi32>
    %add3A_1934 = arith.constant 1600000 : i32
    %add3A_1935 = vector.broadcast %add3A_1934 : i32 to vector<16xi32>
    %add3A_1936 = arith.addi %get3A_1933, %add3A_1935 : vector<16xi32>
    %swap3A_1937 = arith.constant 16 : i32
    %swap3A_1938 = arith.index_cast %swap3A_1937 : i32 to index
    %swap3A_1939 = arith.constant 16 : index
    %swap3A_1940 = tpu.vector_load %arg5[%swap3A_1938, %swap3A_1939] {strides = array<i32>} : memref<26x128xi32, #tpu.memory_space<vmem>>, vector<1x16xi32>,
    %swap3A_1941 = vector.shape_cast %swap3A_1940 : vector<1x16xi32> to vector<16xi32>
    %swap3A_1942 = vector.shape_cast %add3A_1936 : vector<16xi32> to vector<1x16xi32>
    tpu.vector_store %arg5[%swap3A_1938, %swap3A_1939], %swap3A_1942 {strides = array<i32>} : memref<26x128xi32, #tpu.memory_space<vmem>>, vector<1x16xi32>,
    %get3A_1943 = arith.constant 16 : i32
    %get3A_1944 = arith.index_cast %get3A_1943 : i32 to index
    %get3A_1945 = arith.constant 32 : index
    %get3A_1946 = tpu.vector_load %arg5[%get3A_1944, %get3A_1945] {strides = array<i32>} : memref<26x128xi32, #tpu.memory_space<vmem>>, vector<1x16xi32>,
    %get3A_1947 = vector.shape_cast %get3A_1946 : vector<1x16xi32> to vector<16xi32>
    %add3A_1948 = arith.constant 1600000 : i32
    %add3A_1949 = vector.broadcast %add3A_1948 : i32 to vector<16xi32>
    %add3A_1950 = arith.addi %get3A_1947, %add3A_1949 : vector<16xi32>
    %swap3A_1951 = arith.constant 16 : i32
    %swap3A_1952 = arith.index_cast %swap3A_1951 : i32 to index
    %swap3A_1953 = arith.constant 32 : index
    %swap3A_1954 = tpu.vector_load %arg5[%swap3A_1952, %swap3A_1953] {strides = array<i32>} : memref<26x128xi32, #tpu.memory_space<vmem>>, vector<1x16xi32>,
    %swap3A_1955 = vector.shape_cast %swap3A_1954 : vector<1x16xi32> to vector<16xi32>
    %swap3A_1956 = vector.shape_cast %add3A_1950 : vector<16xi32> to vector<1x16xi32>
    tpu.vector_store %arg5[%swap3A_1952, %swap3A_1953], %swap3A_1956 {strides = array<i32>} : memref<26x128xi32, #tpu.memory_space<vmem>>, vector<1x16xi32>,
    %get3A_1957 = arith.constant 16 : i32
    %get3A_1958 = arith.index_cast %get3A_1957 : i32 to index
    %get3A_1959 = arith.constant 48 : index
    %get3A_1960 = tpu.vector_load %arg5[%get3A_1958, %get3A_1959] {strides = array<i32>} : memref<26x128xi32, #tpu.memory_space<vmem>>, vector<1x16xi32>,
    %get3A_1961 = vector.shape_cast %get3A_1960 : vector<1x16xi32> to vector<16xi32>
    %add3A_1962 = arith.constant 1600000 : i32
    %add3A_1963 = vector.broadcast %add3A_1962 : i32 to vector<16xi32>
    %add3A_1964 = arith.addi %get3A_1961, %add3A_1963 : vector<16xi32>
    %swap3A_1965 = arith.constant 16 : i32
    %swap3A_1966 = arith.index_cast %swap3A_1965 : i32 to index
    %swap3A_1967 = arith.constant 48 : index
    %swap3A_1968 = tpu.vector_load %arg5[%swap3A_1966, %swap3A_1967] {strides = array<i32>} : memref<26x128xi32, #tpu.memory_space<vmem>>, vector<1x16xi32>,
    %swap3A_1969 = vector.shape_cast %swap3A_1968 : vector<1x16xi32> to vector<16xi32>
    %swap3A_1970 = vector.shape_cast %add3A_1964 : vector<16xi32> to vector<1x16xi32>
    tpu.vector_store %arg5[%swap3A_1966, %swap3A_1967], %swap3A_1970 {strides = array<i32>} : memref<26x128xi32, #tpu.memory_space<vmem>>, vector<1x16xi32>,
    %get3A_1971 = arith.constant 16 : i32
    %get3A_1972 = arith.index_cast %get3A_1971 : i32 to index
    %get3A_1973 = arith.constant 64 : index
    %get3A_1974 = tpu.vector_load %arg5[%get3A_1972, %get3A_1973] {strides = array<i32>} : memref<26x128xi32, #tpu.memory_space<vmem>>, vector<1x16xi32>,
    %get3A_1975 = vector.shape_cast %get3A_1974 : vector<1x16xi32> to vector<16xi32>
    %add3A_1976 = arith.constant 1600000 : i32
    %add3A_1977 = vector.broadcast %add3A_1976 : i32 to vector<16xi32>
    %add3A_1978 = arith.addi %get3A_1975, %add3A_1977 : vector<16xi32>
    %swap3A_1979 = arith.constant 16 : i32
    %swap3A_1980 = arith.index_cast %swap3A_1979 : i32 to index
    %swap3A_1981 = arith.constant 64 : index
    %swap3A_1982 = tpu.vector_load %arg5[%swap3A_1980, %swap3A_1981] {strides = array<i32>} : memref<26x128xi32, #tpu.memory_space<vmem>>, vector<1x16xi32>,
    %swap3A_1983 = vector.shape_cast %swap3A_1982 : vector<1x16xi32> to vector<16xi32>
    %swap3A_1984 = vector.shape_cast %add3A_1978 : vector<16xi32> to vector<1x16xi32>
    tpu.vector_store %arg5[%swap3A_1980, %swap3A_1981], %swap3A_1984 {strides = array<i32>} : memref<26x128xi32, #tpu.memory_space<vmem>>, vector<1x16xi32>,
    %get3A_1985 = arith.constant 16 : i32
    %get3A_1986 = arith.index_cast %get3A_1985 : i32 to index
    %get3A_1987 = arith.constant 80 : index
    %get3A_1988 = tpu.vector_load %arg5[%get3A_1986, %get3A_1987] {strides = array<i32>} : memref<26x128xi32, #tpu.memory_space<vmem>>, vector<1x16xi32>,
    %get3A_1989 = vector.shape_cast %get3A_1988 : vector<1x16xi32> to vector<16xi32>
    %add3A_1990 = arith.constant 1600000 : i32
    %add3A_1991 = vector.broadcast %add3A_1990 : i32 to vector<16xi32>
    %add3A_1992 = arith.addi %get3A_1989, %add3A_1991 : vector<16xi32>
    %swap3A_1993 = arith.constant 16 : i32
    %swap3A_1994 = arith.index_cast %swap3A_1993 : i32 to index
    %swap3A_1995 = arith.constant 80 : index
    %swap3A_1996 = tpu.vector_load %arg5[%swap3A_1994, %swap3A_1995] {strides = array<i32>} : memref<26x128xi32, #tpu.memory_space<vmem>>, vector<1x16xi32>,
    %swap3A_1997 = vector.shape_cast %swap3A_1996 : vector<1x16xi32> to vector<16xi32>
    %swap3A_1998 = vector.shape_cast %add3A_1992 : vector<16xi32> to vector<1x16xi32>
    tpu.vector_store %arg5[%swap3A_1994, %swap3A_1995], %swap3A_1998 {strides = array<i32>} : memref<26x128xi32, #tpu.memory_space<vmem>>, vector<1x16xi32>,
    %get3A_1999 = arith.constant 16 : i32
    %get3A_2000 = arith.index_cast %get3A_1999 : i32 to index
    %get3A_2001 = arith.constant 96 : index
    %get3A_2002 = tpu.vector_load %arg5[%get3A_2000, %get3A_2001] {strides = array<i32>} : memref<26x128xi32, #tpu.memory_space<vmem>>, vector<1x16xi32>,
    %get3A_2003 = vector.shape_cast %get3A_2002 : vector<1x16xi32> to vector<16xi32>
    %add3A_2004 = arith.constant 1600000 : i32
    %add3A_2005 = vector.broadcast %add3A_2004 : i32 to vector<16xi32>
    %add3A_2006 = arith.addi %get3A_2003, %add3A_2005 : vector<16xi32>
    %swap3A_2007 = arith.constant 16 : i32
    %swap3A_2008 = arith.index_cast %swap3A_2007 : i32 to index
    %swap3A_2009 = arith.constant 96 : index
    %swap3A_2010 = tpu.vector_load %arg5[%swap3A_2008, %swap3A_2009] {strides = array<i32>} : memref<26x128xi32, #tpu.memory_space<vmem>>, vector<1x16xi32>,
    %swap3A_2011 = vector.shape_cast %swap3A_2010 : vector<1x16xi32> to vector<16xi32>
    %swap3A_2012 = vector.shape_cast %add3A_2006 : vector<16xi32> to vector<1x16xi32>
    tpu.vector_store %arg5[%swap3A_2008, %swap3A_2009], %swap3A_2012 {strides = array<i32>} : memref<26x128xi32, #tpu.memory_space<vmem>>, vector<1x16xi32>,
    %get3A_2013 = arith.constant 16 : i32
    %get3A_2014 = arith.index_cast %get3A_2013 : i32 to index
    %get3A_2015 = arith.constant 112 : index
    %get3A_2016 = tpu.vector_load %arg5[%get3A_2014, %get3A_2015] {strides = array<i32>} : memref<26x128xi32, #tpu.memory_space<vmem>>, vector<1x16xi32>,
    %get3A_2017 = vector.shape_cast %get3A_2016 : vector<1x16xi32> to vector<16xi32>
    %add3A_2018 = arith.constant 1600000 : i32
    %add3A_2019 = vector.broadcast %add3A_2018 : i32 to vector<16xi32>
    %add3A_2020 = arith.addi %get3A_2017, %add3A_2019 : vector<16xi32>
    %swap3A_2021 = arith.constant 16 : i32
    %swap3A_2022 = arith.index_cast %swap3A_2021 : i32 to index
    %swap3A_2023 = arith.constant 112 : index
    %swap3A_2024 = tpu.vector_load %arg5[%swap3A_2022, %swap3A_2023] {strides = array<i32>} : memref<26x128xi32, #tpu.memory_space<vmem>>, vector<1x16xi32>,
    %swap3A_2025 = vector.shape_cast %swap3A_2024 : vector<1x16xi32> to vector<16xi32>
    %swap3A_2026 = vector.shape_cast %add3A_2020 : vector<16xi32> to vector<1x16xi32>
    tpu.vector_store %arg5[%swap3A_2022, %swap3A_2023], %swap3A_2026 {strides = array<i32>} : memref<26x128xi32, #tpu.memory_space<vmem>>, vector<1x16xi32>,
    %get3A_2027 = arith.constant 17 : i32
    %get3A_2028 = arith.index_cast %get3A_2027 : i32 to index
    %get3A_2029 = arith.constant 0 : index
    %get3A_2030 = tpu.vector_load %arg5[%get3A_2028, %get3A_2029] {strides = array<i32>} : memref<26x128xi32, #tpu.memory_space<vmem>>, vector<1x16xi32>,
    %get3A_2031 = vector.shape_cast %get3A_2030 : vector<1x16xi32> to vector<16xi32>
    %add3A_2032 = arith.constant 1700000 : i32
    %add3A_2033 = vector.broadcast %add3A_2032 : i32 to vector<16xi32>
    %add3A_2034 = arith.addi %get3A_2031, %add3A_2033 : vector<16xi32>
    %swap3A_2035 = arith.constant 17 : i32
    %swap3A_2036 = arith.index_cast %swap3A_2035 : i32 to index
    %swap3A_2037 = arith.constant 0 : index
    %swap3A_2038 = tpu.vector_load %arg5[%swap3A_2036, %swap3A_2037] {strides = array<i32>} : memref<26x128xi32, #tpu.memory_space<vmem>>, vector<1x16xi32>,
    %swap3A_2039 = vector.shape_cast %swap3A_2038 : vector<1x16xi32> to vector<16xi32>
    %swap3A_2040 = vector.shape_cast %add3A_2034 : vector<16xi32> to vector<1x16xi32>
    tpu.vector_store %arg5[%swap3A_2036, %swap3A_2037], %swap3A_2040 {strides = array<i32>} : memref<26x128xi32, #tpu.memory_space<vmem>>, vector<1x16xi32>,
    %get3A_2041 = arith.constant 17 : i32
    %get3A_2042 = arith.index_cast %get3A_2041 : i32 to index
    %get3A_2043 = arith.constant 16 : index
    %get3A_2044 = tpu.vector_load %arg5[%get3A_2042, %get3A_2043] {strides = array<i32>} : memref<26x128xi32, #tpu.memory_space<vmem>>, vector<1x16xi32>,
    %get3A_2045 = vector.shape_cast %get3A_2044 : vector<1x16xi32> to vector<16xi32>
    %add3A_2046 = arith.constant 1700000 : i32
    %add3A_2047 = vector.broadcast %add3A_2046 : i32 to vector<16xi32>
    %add3A_2048 = arith.addi %get3A_2045, %add3A_2047 : vector<16xi32>
    %swap3A_2049 = arith.constant 17 : i32
    %swap3A_2050 = arith.index_cast %swap3A_2049 : i32 to index
    %swap3A_2051 = arith.constant 16 : index
    %swap3A_2052 = tpu.vector_load %arg5[%swap3A_2050, %swap3A_2051] {strides = array<i32>} : memref<26x128xi32, #tpu.memory_space<vmem>>, vector<1x16xi32>,
    %swap3A_2053 = vector.shape_cast %swap3A_2052 : vector<1x16xi32> to vector<16xi32>
    %swap3A_2054 = vector.shape_cast %add3A_2048 : vector<16xi32> to vector<1x16xi32>
    tpu.vector_store %arg5[%swap3A_2050, %swap3A_2051], %swap3A_2054 {strides = array<i32>} : memref<26x128xi32, #tpu.memory_space<vmem>>, vector<1x16xi32>,
    %get3A_2055 = arith.constant 17 : i32
    %get3A_2056 = arith.index_cast %get3A_2055 : i32 to index
    %get3A_2057 = arith.constant 32 : index
    %get3A_2058 = tpu.vector_load %arg5[%get3A_2056, %get3A_2057] {strides = array<i32>} : memref<26x128xi32, #tpu.memory_space<vmem>>, vector<1x16xi32>,
    %get3A_2059 = vector.shape_cast %get3A_2058 : vector<1x16xi32> to vector<16xi32>
    %add3A_2060 = arith.constant 1700000 : i32
    %add3A_2061 = vector.broadcast %add3A_2060 : i32 to vector<16xi32>
    %add3A_2062 = arith.addi %get3A_2059, %add3A_2061 : vector<16xi32>
    %swap3A_2063 = arith.constant 17 : i32
    %swap3A_2064 = arith.index_cast %swap3A_2063 : i32 to index
    %swap3A_2065 = arith.constant 32 : index
    %swap3A_2066 = tpu.vector_load %arg5[%swap3A_2064, %swap3A_2065] {strides = array<i32>} : memref<26x128xi32, #tpu.memory_space<vmem>>, vector<1x16xi32>,
    %swap3A_2067 = vector.shape_cast %swap3A_2066 : vector<1x16xi32> to vector<16xi32>
    %swap3A_2068 = vector.shape_cast %add3A_2062 : vector<16xi32> to vector<1x16xi32>
    tpu.vector_store %arg5[%swap3A_2064, %swap3A_2065], %swap3A_2068 {strides = array<i32>} : memref<26x128xi32, #tpu.memory_space<vmem>>, vector<1x16xi32>,
    %get3A_2069 = arith.constant 17 : i32
    %get3A_2070 = arith.index_cast %get3A_2069 : i32 to index
    %get3A_2071 = arith.constant 48 : index
    %get3A_2072 = tpu.vector_load %arg5[%get3A_2070, %get3A_2071] {strides = array<i32>} : memref<26x128xi32, #tpu.memory_space<vmem>>, vector<1x16xi32>,
    %get3A_2073 = vector.shape_cast %get3A_2072 : vector<1x16xi32> to vector<16xi32>
    %add3A_2074 = arith.constant 1700000 : i32
    %add3A_2075 = vector.broadcast %add3A_2074 : i32 to vector<16xi32>
    %add3A_2076 = arith.addi %get3A_2073, %add3A_2075 : vector<16xi32>
    %swap3A_2077 = arith.constant 17 : i32
    %swap3A_2078 = arith.index_cast %swap3A_2077 : i32 to index
    %swap3A_2079 = arith.constant 48 : index
    %swap3A_2080 = tpu.vector_load %arg5[%swap3A_2078, %swap3A_2079] {strides = array<i32>} : memref<26x128xi32, #tpu.memory_space<vmem>>, vector<1x16xi32>,
    %swap3A_2081 = vector.shape_cast %swap3A_2080 : vector<1x16xi32> to vector<16xi32>
    %swap3A_2082 = vector.shape_cast %add3A_2076 : vector<16xi32> to vector<1x16xi32>
    tpu.vector_store %arg5[%swap3A_2078, %swap3A_2079], %swap3A_2082 {strides = array<i32>} : memref<26x128xi32, #tpu.memory_space<vmem>>, vector<1x16xi32>,
    %get3A_2083 = arith.constant 17 : i32
    %get3A_2084 = arith.index_cast %get3A_2083 : i32 to index
    %get3A_2085 = arith.constant 64 : index
    %get3A_2086 = tpu.vector_load %arg5[%get3A_2084, %get3A_2085] {strides = array<i32>} : memref<26x128xi32, #tpu.memory_space<vmem>>, vector<1x16xi32>,
    %get3A_2087 = vector.shape_cast %get3A_2086 : vector<1x16xi32> to vector<16xi32>
    %add3A_2088 = arith.constant 1700000 : i32
    %add3A_2089 = vector.broadcast %add3A_2088 : i32 to vector<16xi32>
    %add3A_2090 = arith.addi %get3A_2087, %add3A_2089 : vector<16xi32>
    %swap3A_2091 = arith.constant 17 : i32
    %swap3A_2092 = arith.index_cast %swap3A_2091 : i32 to index
    %swap3A_2093 = arith.constant 64 : index
    %swap3A_2094 = tpu.vector_load %arg5[%swap3A_2092, %swap3A_2093] {strides = array<i32>} : memref<26x128xi32, #tpu.memory_space<vmem>>, vector<1x16xi32>,
    %swap3A_2095 = vector.shape_cast %swap3A_2094 : vector<1x16xi32> to vector<16xi32>
    %swap3A_2096 = vector.shape_cast %add3A_2090 : vector<16xi32> to vector<1x16xi32>
    tpu.vector_store %arg5[%swap3A_2092, %swap3A_2093], %swap3A_2096 {strides = array<i32>} : memref<26x128xi32, #tpu.memory_space<vmem>>, vector<1x16xi32>,
    %get3A_2097 = arith.constant 17 : i32
    %get3A_2098 = arith.index_cast %get3A_2097 : i32 to index
    %get3A_2099 = arith.constant 80 : index
    %get3A_2100 = tpu.vector_load %arg5[%get3A_2098, %get3A_2099] {strides = array<i32>} : memref<26x128xi32, #tpu.memory_space<vmem>>, vector<1x16xi32>,
    %get3A_2101 = vector.shape_cast %get3A_2100 : vector<1x16xi32> to vector<16xi32>
    %add3A_2102 = arith.constant 1700000 : i32
    %add3A_2103 = vector.broadcast %add3A_2102 : i32 to vector<16xi32>
    %add3A_2104 = arith.addi %get3A_2101, %add3A_2103 : vector<16xi32>
    %swap3A_2105 = arith.constant 17 : i32
    %swap3A_2106 = arith.index_cast %swap3A_2105 : i32 to index
    %swap3A_2107 = arith.constant 80 : index
    %swap3A_2108 = tpu.vector_load %arg5[%swap3A_2106, %swap3A_2107] {strides = array<i32>} : memref<26x128xi32, #tpu.memory_space<vmem>>, vector<1x16xi32>,
    %swap3A_2109 = vector.shape_cast %swap3A_2108 : vector<1x16xi32> to vector<16xi32>
    %swap3A_2110 = vector.shape_cast %add3A_2104 : vector<16xi32> to vector<1x16xi32>
    tpu.vector_store %arg5[%swap3A_2106, %swap3A_2107], %swap3A_2110 {strides = array<i32>} : memref<26x128xi32, #tpu.memory_space<vmem>>, vector<1x16xi32>,
    %get3A_2111 = arith.constant 17 : i32
    %get3A_2112 = arith.index_cast %get3A_2111 : i32 to index
    %get3A_2113 = arith.constant 96 : index
    %get3A_2114 = tpu.vector_load %arg5[%get3A_2112, %get3A_2113] {strides = array<i32>} : memref<26x128xi32, #tpu.memory_space<vmem>>, vector<1x16xi32>,
    %get3A_2115 = vector.shape_cast %get3A_2114 : vector<1x16xi32> to vector<16xi32>
    %add3A_2116 = arith.constant 1700000 : i32
    %add3A_2117 = vector.broadcast %add3A_2116 : i32 to vector<16xi32>
    %add3A_2118 = arith.addi %get3A_2115, %add3A_2117 : vector<16xi32>
    %swap3A_2119 = arith.constant 17 : i32
    %swap3A_2120 = arith.index_cast %swap3A_2119 : i32 to index
    %swap3A_2121 = arith.constant 96 : index
    %swap3A_2122 = tpu.vector_load %arg5[%swap3A_2120, %swap3A_2121] {strides = array<i32>} : memref<26x128xi32, #tpu.memory_space<vmem>>, vector<1x16xi32>,
    %swap3A_2123 = vector.shape_cast %swap3A_2122 : vector<1x16xi32> to vector<16xi32>
    %swap3A_2124 = vector.shape_cast %add3A_2118 : vector<16xi32> to vector<1x16xi32>
    tpu.vector_store %arg5[%swap3A_2120, %swap3A_2121], %swap3A_2124 {strides = array<i32>} : memref<26x128xi32, #tpu.memory_space<vmem>>, vector<1x16xi32>,
    %get3A_2125 = arith.constant 17 : i32
    %get3A_2126 = arith.index_cast %get3A_2125 : i32 to index
    %get3A_2127 = arith.constant 112 : index
    %get3A_2128 = tpu.vector_load %arg5[%get3A_2126, %get3A_2127] {strides = array<i32>} : memref<26x128xi32, #tpu.memory_space<vmem>>, vector<1x16xi32>,
    %get3A_2129 = vector.shape_cast %get3A_2128 : vector<1x16xi32> to vector<16xi32>
    %add3A_2130 = arith.constant 1700000 : i32
    %add3A_2131 = vector.broadcast %add3A_2130 : i32 to vector<16xi32>
    %add3A_2132 = arith.addi %get3A_2129, %add3A_2131 : vector<16xi32>
    %swap3A_2133 = arith.constant 17 : i32
    %swap3A_2134 = arith.index_cast %swap3A_2133 : i32 to index
    %swap3A_2135 = arith.constant 112 : index
    %swap3A_2136 = tpu.vector_load %arg5[%swap3A_2134, %swap3A_2135] {strides = array<i32>} : memref<26x128xi32, #tpu.memory_space<vmem>>, vector<1x16xi32>,
    %swap3A_2137 = vector.shape_cast %swap3A_2136 : vector<1x16xi32> to vector<16xi32>
    %swap3A_2138 = vector.shape_cast %add3A_2132 : vector<16xi32> to vector<1x16xi32>
    tpu.vector_store %arg5[%swap3A_2134, %swap3A_2135], %swap3A_2138 {strides = array<i32>} : memref<26x128xi32, #tpu.memory_space<vmem>>, vector<1x16xi32>,
    %get3A_2139 = arith.constant 18 : i32
    %get3A_2140 = arith.index_cast %get3A_2139 : i32 to index
    %get3A_2141 = arith.constant 0 : index
    %get3A_2142 = tpu.vector_load %arg5[%get3A_2140, %get3A_2141] {strides = array<i32>} : memref<26x128xi32, #tpu.memory_space<vmem>>, vector<1x16xi32>,
    %get3A_2143 = vector.shape_cast %get3A_2142 : vector<1x16xi32> to vector<16xi32>
    %add3A_2144 = arith.constant 1800000 : i32
    %add3A_2145 = vector.broadcast %add3A_2144 : i32 to vector<16xi32>
    %add3A_2146 = arith.addi %get3A_2143, %add3A_2145 : vector<16xi32>
    %swap3A_2147 = arith.constant 18 : i32
    %swap3A_2148 = arith.index_cast %swap3A_2147 : i32 to index
    %swap3A_2149 = arith.constant 0 : index
    %swap3A_2150 = tpu.vector_load %arg5[%swap3A_2148, %swap3A_2149] {strides = array<i32>} : memref<26x128xi32, #tpu.memory_space<vmem>>, vector<1x16xi32>,
    %swap3A_2151 = vector.shape_cast %swap3A_2150 : vector<1x16xi32> to vector<16xi32>
    %swap3A_2152 = vector.shape_cast %add3A_2146 : vector<16xi32> to vector<1x16xi32>
    tpu.vector_store %arg5[%swap3A_2148, %swap3A_2149], %swap3A_2152 {strides = array<i32>} : memref<26x128xi32, #tpu.memory_space<vmem>>, vector<1x16xi32>,
    %get3A_2153 = arith.constant 18 : i32
    %get3A_2154 = arith.index_cast %get3A_2153 : i32 to index
    %get3A_2155 = arith.constant 16 : index
    %get3A_2156 = tpu.vector_load %arg5[%get3A_2154, %get3A_2155] {strides = array<i32>} : memref<26x128xi32, #tpu.memory_space<vmem>>, vector<1x16xi32>,
    %get3A_2157 = vector.shape_cast %get3A_2156 : vector<1x16xi32> to vector<16xi32>
    %add3A_2158 = arith.constant 1800000 : i32
    %add3A_2159 = vector.broadcast %add3A_2158 : i32 to vector<16xi32>
    %add3A_2160 = arith.addi %get3A_2157, %add3A_2159 : vector<16xi32>
    %swap3A_2161 = arith.constant 18 : i32
    %swap3A_2162 = arith.index_cast %swap3A_2161 : i32 to index
    %swap3A_2163 = arith.constant 16 : index
    %swap3A_2164 = tpu.vector_load %arg5[%swap3A_2162, %swap3A_2163] {strides = array<i32>} : memref<26x128xi32, #tpu.memory_space<vmem>>, vector<1x16xi32>,
    %swap3A_2165 = vector.shape_cast %swap3A_2164 : vector<1x16xi32> to vector<16xi32>
    %swap3A_2166 = vector.shape_cast %add3A_2160 : vector<16xi32> to vector<1x16xi32>
    tpu.vector_store %arg5[%swap3A_2162, %swap3A_2163], %swap3A_2166 {strides = array<i32>} : memref<26x128xi32, #tpu.memory_space<vmem>>, vector<1x16xi32>,
    %get3A_2167 = arith.constant 18 : i32
    %get3A_2168 = arith.index_cast %get3A_2167 : i32 to index
    %get3A_2169 = arith.constant 32 : index
    %get3A_2170 = tpu.vector_load %arg5[%get3A_2168, %get3A_2169] {strides = array<i32>} : memref<26x128xi32, #tpu.memory_space<vmem>>, vector<1x16xi32>,
    %get3A_2171 = vector.shape_cast %get3A_2170 : vector<1x16xi32> to vector<16xi32>
    %add3A_2172 = arith.constant 1800000 : i32
    %add3A_2173 = vector.broadcast %add3A_2172 : i32 to vector<16xi32>
    %add3A_2174 = arith.addi %get3A_2171, %add3A_2173 : vector<16xi32>
    %swap3A_2175 = arith.constant 18 : i32
    %swap3A_2176 = arith.index_cast %swap3A_2175 : i32 to index
    %swap3A_2177 = arith.constant 32 : index
    %swap3A_2178 = tpu.vector_load %arg5[%swap3A_2176, %swap3A_2177] {strides = array<i32>} : memref<26x128xi32, #tpu.memory_space<vmem>>, vector<1x16xi32>,
    %swap3A_2179 = vector.shape_cast %swap3A_2178 : vector<1x16xi32> to vector<16xi32>
    %swap3A_2180 = vector.shape_cast %add3A_2174 : vector<16xi32> to vector<1x16xi32>
    tpu.vector_store %arg5[%swap3A_2176, %swap3A_2177], %swap3A_2180 {strides = array<i32>} : memref<26x128xi32, #tpu.memory_space<vmem>>, vector<1x16xi32>,
    %get3A_2181 = arith.constant 18 : i32
    %get3A_2182 = arith.index_cast %get3A_2181 : i32 to index
    %get3A_2183 = arith.constant 48 : index
    %get3A_2184 = tpu.vector_load %arg5[%get3A_2182, %get3A_2183] {strides = array<i32>} : memref<26x128xi32, #tpu.memory_space<vmem>>, vector<1x16xi32>,
    %get3A_2185 = vector.shape_cast %get3A_2184 : vector<1x16xi32> to vector<16xi32>
    %add3A_2186 = arith.constant 1800000 : i32
    %add3A_2187 = vector.broadcast %add3A_2186 : i32 to vector<16xi32>
    %add3A_2188 = arith.addi %get3A_2185, %add3A_2187 : vector<16xi32>
    %swap3A_2189 = arith.constant 18 : i32
    %swap3A_2190 = arith.index_cast %swap3A_2189 : i32 to index
    %swap3A_2191 = arith.constant 48 : index
    %swap3A_2192 = tpu.vector_load %arg5[%swap3A_2190, %swap3A_2191] {strides = array<i32>} : memref<26x128xi32, #tpu.memory_space<vmem>>, vector<1x16xi32>,
    %swap3A_2193 = vector.shape_cast %swap3A_2192 : vector<1x16xi32> to vector<16xi32>
    %swap3A_2194 = vector.shape_cast %add3A_2188 : vector<16xi32> to vector<1x16xi32>
    tpu.vector_store %arg5[%swap3A_2190, %swap3A_2191], %swap3A_2194 {strides = array<i32>} : memref<26x128xi32, #tpu.memory_space<vmem>>, vector<1x16xi32>,
    %get3A_2195 = arith.constant 18 : i32
    %get3A_2196 = arith.index_cast %get3A_2195 : i32 to index
    %get3A_2197 = arith.constant 64 : index
    %get3A_2198 = tpu.vector_load %arg5[%get3A_2196, %get3A_2197] {strides = array<i32>} : memref<26x128xi32, #tpu.memory_space<vmem>>, vector<1x16xi32>,
    %get3A_2199 = vector.shape_cast %get3A_2198 : vector<1x16xi32> to vector<16xi32>
    %add3A_2200 = arith.constant 1800000 : i32
    %add3A_2201 = vector.broadcast %add3A_2200 : i32 to vector<16xi32>
    %add3A_2202 = arith.addi %get3A_2199, %add3A_2201 : vector<16xi32>
    %swap3A_2203 = arith.constant 18 : i32
    %swap3A_2204 = arith.index_cast %swap3A_2203 : i32 to index
    %swap3A_2205 = arith.constant 64 : index
    %swap3A_2206 = tpu.vector_load %arg5[%swap3A_2204, %swap3A_2205] {strides = array<i32>} : memref<26x128xi32, #tpu.memory_space<vmem>>, vector<1x16xi32>,
    %swap3A_2207 = vector.shape_cast %swap3A_2206 : vector<1x16xi32> to vector<16xi32>
    %swap3A_2208 = vector.shape_cast %add3A_2202 : vector<16xi32> to vector<1x16xi32>
    tpu.vector_store %arg5[%swap3A_2204, %swap3A_2205], %swap3A_2208 {strides = array<i32>} : memref<26x128xi32, #tpu.memory_space<vmem>>, vector<1x16xi32>,
    %get3A_2209 = arith.constant 18 : i32
    %get3A_2210 = arith.index_cast %get3A_2209 : i32 to index
    %get3A_2211 = arith.constant 80 : index
    %get3A_2212 = tpu.vector_load %arg5[%get3A_2210, %get3A_2211] {strides = array<i32>} : memref<26x128xi32, #tpu.memory_space<vmem>>, vector<1x16xi32>,
    %get3A_2213 = vector.shape_cast %get3A_2212 : vector<1x16xi32> to vector<16xi32>
    %add3A_2214 = arith.constant 1800000 : i32
    %add3A_2215 = vector.broadcast %add3A_2214 : i32 to vector<16xi32>
    %add3A_2216 = arith.addi %get3A_2213, %add3A_2215 : vector<16xi32>
    %swap3A_2217 = arith.constant 18 : i32
    %swap3A_2218 = arith.index_cast %swap3A_2217 : i32 to index
    %swap3A_2219 = arith.constant 80 : index
    %swap3A_2220 = tpu.vector_load %arg5[%swap3A_2218, %swap3A_2219] {strides = array<i32>} : memref<26x128xi32, #tpu.memory_space<vmem>>, vector<1x16xi32>,
    %swap3A_2221 = vector.shape_cast %swap3A_2220 : vector<1x16xi32> to vector<16xi32>
    %swap3A_2222 = vector.shape_cast %add3A_2216 : vector<16xi32> to vector<1x16xi32>
    tpu.vector_store %arg5[%swap3A_2218, %swap3A_2219], %swap3A_2222 {strides = array<i32>} : memref<26x128xi32, #tpu.memory_space<vmem>>, vector<1x16xi32>,
    %get3A_2223 = arith.constant 18 : i32
    %get3A_2224 = arith.index_cast %get3A_2223 : i32 to index
    %get3A_2225 = arith.constant 96 : index
    %get3A_2226 = tpu.vector_load %arg5[%get3A_2224, %get3A_2225] {strides = array<i32>} : memref<26x128xi32, #tpu.memory_space<vmem>>, vector<1x16xi32>,
    %get3A_2227 = vector.shape_cast %get3A_2226 : vector<1x16xi32> to vector<16xi32>
    %add3A_2228 = arith.constant 1800000 : i32
    %add3A_2229 = vector.broadcast %add3A_2228 : i32 to vector<16xi32>
    %add3A_2230 = arith.addi %get3A_2227, %add3A_2229 : vector<16xi32>
    %swap3A_2231 = arith.constant 18 : i32
    %swap3A_2232 = arith.index_cast %swap3A_2231 : i32 to index
    %swap3A_2233 = arith.constant 96 : index
    %swap3A_2234 = tpu.vector_load %arg5[%swap3A_2232, %swap3A_2233] {strides = array<i32>} : memref<26x128xi32, #tpu.memory_space<vmem>>, vector<1x16xi32>,
    %swap3A_2235 = vector.shape_cast %swap3A_2234 : vector<1x16xi32> to vector<16xi32>
    %swap3A_2236 = vector.shape_cast %add3A_2230 : vector<16xi32> to vector<1x16xi32>
    tpu.vector_store %arg5[%swap3A_2232, %swap3A_2233], %swap3A_2236 {strides = array<i32>} : memref<26x128xi32, #tpu.memory_space<vmem>>, vector<1x16xi32>,
    %get3A_2237 = arith.constant 18 : i32
    %get3A_2238 = arith.index_cast %get3A_2237 : i32 to index
    %get3A_2239 = arith.constant 112 : index
    %get3A_2240 = tpu.vector_load %arg5[%get3A_2238, %get3A_2239] {strides = array<i32>} : memref<26x128xi32, #tpu.memory_space<vmem>>, vector<1x16xi32>,
    %get3A_2241 = vector.shape_cast %get3A_2240 : vector<1x16xi32> to vector<16xi32>
    %add3A_2242 = arith.constant 1800000 : i32
    %add3A_2243 = vector.broadcast %add3A_2242 : i32 to vector<16xi32>
    %add3A_2244 = arith.addi %get3A_2241, %add3A_2243 : vector<16xi32>
    %swap3A_2245 = arith.constant 18 : i32
    %swap3A_2246 = arith.index_cast %swap3A_2245 : i32 to index
    %swap3A_2247 = arith.constant 112 : index
    %swap3A_2248 = tpu.vector_load %arg5[%swap3A_2246, %swap3A_2247] {strides = array<i32>} : memref<26x128xi32, #tpu.memory_space<vmem>>, vector<1x16xi32>,
    %swap3A_2249 = vector.shape_cast %swap3A_2248 : vector<1x16xi32> to vector<16xi32>
    %swap3A_2250 = vector.shape_cast %add3A_2244 : vector<16xi32> to vector<1x16xi32>
    tpu.vector_store %arg5[%swap3A_2246, %swap3A_2247], %swap3A_2250 {strides = array<i32>} : memref<26x128xi32, #tpu.memory_space<vmem>>, vector<1x16xi32>,
    %get3A_2251 = arith.constant 19 : i32
    %get3A_2252 = arith.index_cast %get3A_2251 : i32 to index
    %get3A_2253 = arith.constant 0 : index
    %get3A_2254 = tpu.vector_load %arg5[%get3A_2252, %get3A_2253] {strides = array<i32>} : memref<26x128xi32, #tpu.memory_space<vmem>>, vector<1x16xi32>,
    %get3A_2255 = vector.shape_cast %get3A_2254 : vector<1x16xi32> to vector<16xi32>
    %add3A_2256 = arith.constant 1900000 : i32
    %add3A_2257 = vector.broadcast %add3A_2256 : i32 to vector<16xi32>
    %add3A_2258 = arith.addi %get3A_2255, %add3A_2257 : vector<16xi32>
    %swap3A_2259 = arith.constant 19 : i32
    %swap3A_2260 = arith.index_cast %swap3A_2259 : i32 to index
    %swap3A_2261 = arith.constant 0 : index
    %swap3A_2262 = tpu.vector_load %arg5[%swap3A_2260, %swap3A_2261] {strides = array<i32>} : memref<26x128xi32, #tpu.memory_space<vmem>>, vector<1x16xi32>,
    %swap3A_2263 = vector.shape_cast %swap3A_2262 : vector<1x16xi32> to vector<16xi32>
    %swap3A_2264 = vector.shape_cast %add3A_2258 : vector<16xi32> to vector<1x16xi32>
    tpu.vector_store %arg5[%swap3A_2260, %swap3A_2261], %swap3A_2264 {strides = array<i32>} : memref<26x128xi32, #tpu.memory_space<vmem>>, vector<1x16xi32>,
    %get3A_2265 = arith.constant 19 : i32
    %get3A_2266 = arith.index_cast %get3A_2265 : i32 to index
    %get3A_2267 = arith.constant 16 : index
    %get3A_2268 = tpu.vector_load %arg5[%get3A_2266, %get3A_2267] {strides = array<i32>} : memref<26x128xi32, #tpu.memory_space<vmem>>, vector<1x16xi32>,
    %get3A_2269 = vector.shape_cast %get3A_2268 : vector<1x16xi32> to vector<16xi32>
    %add3A_2270 = arith.constant 1900000 : i32
    %add3A_2271 = vector.broadcast %add3A_2270 : i32 to vector<16xi32>
    %add3A_2272 = arith.addi %get3A_2269, %add3A_2271 : vector<16xi32>
    %swap3A_2273 = arith.constant 19 : i32
    %swap3A_2274 = arith.index_cast %swap3A_2273 : i32 to index
    %swap3A_2275 = arith.constant 16 : index
    %swap3A_2276 = tpu.vector_load %arg5[%swap3A_2274, %swap3A_2275] {strides = array<i32>} : memref<26x128xi32, #tpu.memory_space<vmem>>, vector<1x16xi32>,
    %swap3A_2277 = vector.shape_cast %swap3A_2276 : vector<1x16xi32> to vector<16xi32>
    %swap3A_2278 = vector.shape_cast %add3A_2272 : vector<16xi32> to vector<1x16xi32>
    tpu.vector_store %arg5[%swap3A_2274, %swap3A_2275], %swap3A_2278 {strides = array<i32>} : memref<26x128xi32, #tpu.memory_space<vmem>>, vector<1x16xi32>,
    %get3A_2279 = arith.constant 19 : i32
    %get3A_2280 = arith.index_cast %get3A_2279 : i32 to index
    %get3A_2281 = arith.constant 32 : index
    %get3A_2282 = tpu.vector_load %arg5[%get3A_2280, %get3A_2281] {strides = array<i32>} : memref<26x128xi32, #tpu.memory_space<vmem>>, vector<1x16xi32>,
    %get3A_2283 = vector.shape_cast %get3A_2282 : vector<1x16xi32> to vector<16xi32>
    %add3A_2284 = arith.constant 1900000 : i32
    %add3A_2285 = vector.broadcast %add3A_2284 : i32 to vector<16xi32>
    %add3A_2286 = arith.addi %get3A_2283, %add3A_2285 : vector<16xi32>
    %swap3A_2287 = arith.constant 19 : i32
    %swap3A_2288 = arith.index_cast %swap3A_2287 : i32 to index
    %swap3A_2289 = arith.constant 32 : index
    %swap3A_2290 = tpu.vector_load %arg5[%swap3A_2288, %swap3A_2289] {strides = array<i32>} : memref<26x128xi32, #tpu.memory_space<vmem>>, vector<1x16xi32>,
    %swap3A_2291 = vector.shape_cast %swap3A_2290 : vector<1x16xi32> to vector<16xi32>
    %swap3A_2292 = vector.shape_cast %add3A_2286 : vector<16xi32> to vector<1x16xi32>
    tpu.vector_store %arg5[%swap3A_2288, %swap3A_2289], %swap3A_2292 {strides = array<i32>} : memref<26x128xi32, #tpu.memory_space<vmem>>, vector<1x16xi32>,
    %get3A_2293 = arith.constant 19 : i32
    %get3A_2294 = arith.index_cast %get3A_2293 : i32 to index
    %get3A_2295 = arith.constant 48 : index
    %get3A_2296 = tpu.vector_load %arg5[%get3A_2294, %get3A_2295] {strides = array<i32>} : memref<26x128xi32, #tpu.memory_space<vmem>>, vector<1x16xi32>,
    %get3A_2297 = vector.shape_cast %get3A_2296 : vector<1x16xi32> to vector<16xi32>
    %add3A_2298 = arith.constant 1900000 : i32
    %add3A_2299 = vector.broadcast %add3A_2298 : i32 to vector<16xi32>
    %add3A_2300 = arith.addi %get3A_2297, %add3A_2299 : vector<16xi32>
    %swap3A_2301 = arith.constant 19 : i32
    %swap3A_2302 = arith.index_cast %swap3A_2301 : i32 to index
    %swap3A_2303 = arith.constant 48 : index
    %swap3A_2304 = tpu.vector_load %arg5[%swap3A_2302, %swap3A_2303] {strides = array<i32>} : memref<26x128xi32, #tpu.memory_space<vmem>>, vector<1x16xi32>,
    %swap3A_2305 = vector.shape_cast %swap3A_2304 : vector<1x16xi32> to vector<16xi32>
    %swap3A_2306 = vector.shape_cast %add3A_2300 : vector<16xi32> to vector<1x16xi32>
    tpu.vector_store %arg5[%swap3A_2302, %swap3A_2303], %swap3A_2306 {strides = array<i32>} : memref<26x128xi32, #tpu.memory_space<vmem>>, vector<1x16xi32>,
    %get3A_2307 = arith.constant 19 : i32
    %get3A_2308 = arith.index_cast %get3A_2307 : i32 to index
    %get3A_2309 = arith.constant 64 : index
    %get3A_2310 = tpu.vector_load %arg5[%get3A_2308, %get3A_2309] {strides = array<i32>} : memref<26x128xi32, #tpu.memory_space<vmem>>, vector<1x16xi32>,
    %get3A_2311 = vector.shape_cast %get3A_2310 : vector<1x16xi32> to vector<16xi32>
    %add3A_2312 = arith.constant 1900000 : i32
    %add3A_2313 = vector.broadcast %add3A_2312 : i32 to vector<16xi32>
    %add3A_2314 = arith.addi %get3A_2311, %add3A_2313 : vector<16xi32>
    %swap3A_2315 = arith.constant 19 : i32
    %swap3A_2316 = arith.index_cast %swap3A_2315 : i32 to index
    %swap3A_2317 = arith.constant 64 : index
    %swap3A_2318 = tpu.vector_load %arg5[%swap3A_2316, %swap3A_2317] {strides = array<i32>} : memref<26x128xi32, #tpu.memory_space<vmem>>, vector<1x16xi32>,
    %swap3A_2319 = vector.shape_cast %swap3A_2318 : vector<1x16xi32> to vector<16xi32>
    %swap3A_2320 = vector.shape_cast %add3A_2314 : vector<16xi32> to vector<1x16xi32>
    tpu.vector_store %arg5[%swap3A_2316, %swap3A_2317], %swap3A_2320 {strides = array<i32>} : memref<26x128xi32, #tpu.memory_space<vmem>>, vector<1x16xi32>,
    %get3A_2321 = arith.constant 19 : i32
    %get3A_2322 = arith.index_cast %get3A_2321 : i32 to index
    %get3A_2323 = arith.constant 80 : index
    %get3A_2324 = tpu.vector_load %arg5[%get3A_2322, %get3A_2323] {strides = array<i32>} : memref<26x128xi32, #tpu.memory_space<vmem>>, vector<1x16xi32>,
    %get3A_2325 = vector.shape_cast %get3A_2324 : vector<1x16xi32> to vector<16xi32>
    %add3A_2326 = arith.constant 1900000 : i32
    %add3A_2327 = vector.broadcast %add3A_2326 : i32 to vector<16xi32>
    %add3A_2328 = arith.addi %get3A_2325, %add3A_2327 : vector<16xi32>
    %swap3A_2329 = arith.constant 19 : i32
    %swap3A_2330 = arith.index_cast %swap3A_2329 : i32 to index
    %swap3A_2331 = arith.constant 80 : index
    %swap3A_2332 = tpu.vector_load %arg5[%swap3A_2330, %swap3A_2331] {strides = array<i32>} : memref<26x128xi32, #tpu.memory_space<vmem>>, vector<1x16xi32>,
    %swap3A_2333 = vector.shape_cast %swap3A_2332 : vector<1x16xi32> to vector<16xi32>
    %swap3A_2334 = vector.shape_cast %add3A_2328 : vector<16xi32> to vector<1x16xi32>
    tpu.vector_store %arg5[%swap3A_2330, %swap3A_2331], %swap3A_2334 {strides = array<i32>} : memref<26x128xi32, #tpu.memory_space<vmem>>, vector<1x16xi32>,
    %get3A_2335 = arith.constant 19 : i32
    %get3A_2336 = arith.index_cast %get3A_2335 : i32 to index
    %get3A_2337 = arith.constant 96 : index
    %get3A_2338 = tpu.vector_load %arg5[%get3A_2336, %get3A_2337] {strides = array<i32>} : memref<26x128xi32, #tpu.memory_space<vmem>>, vector<1x16xi32>,
    %get3A_2339 = vector.shape_cast %get3A_2338 : vector<1x16xi32> to vector<16xi32>
    %add3A_2340 = arith.constant 1900000 : i32
    %add3A_2341 = vector.broadcast %add3A_2340 : i32 to vector<16xi32>
    %add3A_2342 = arith.addi %get3A_2339, %add3A_2341 : vector<16xi32>
    %swap3A_2343 = arith.constant 19 : i32
    %swap3A_2344 = arith.index_cast %swap3A_2343 : i32 to index
    %swap3A_2345 = arith.constant 96 : index
    %swap3A_2346 = tpu.vector_load %arg5[%swap3A_2344, %swap3A_2345] {strides = array<i32>} : memref<26x128xi32, #tpu.memory_space<vmem>>, vector<1x16xi32>,
    %swap3A_2347 = vector.shape_cast %swap3A_2346 : vector<1x16xi32> to vector<16xi32>
    %swap3A_2348 = vector.shape_cast %add3A_2342 : vector<16xi32> to vector<1x16xi32>
    tpu.vector_store %arg5[%swap3A_2344, %swap3A_2345], %swap3A_2348 {strides = array<i32>} : memref<26x128xi32, #tpu.memory_space<vmem>>, vector<1x16xi32>,
    %get3A_2349 = arith.constant 19 : i32
    %get3A_2350 = arith.index_cast %get3A_2349 : i32 to index
    %get3A_2351 = arith.constant 112 : index
    %get3A_2352 = tpu.vector_load %arg5[%get3A_2350, %get3A_2351] {strides = array<i32>} : memref<26x128xi32, #tpu.memory_space<vmem>>, vector<1x16xi32>,
    %get3A_2353 = vector.shape_cast %get3A_2352 : vector<1x16xi32> to vector<16xi32>
    %add3A_2354 = arith.constant 1900000 : i32
    %add3A_2355 = vector.broadcast %add3A_2354 : i32 to vector<16xi32>
    %add3A_2356 = arith.addi %get3A_2353, %add3A_2355 : vector<16xi32>
    %swap3A_2357 = arith.constant 19 : i32
    %swap3A_2358 = arith.index_cast %swap3A_2357 : i32 to index
    %swap3A_2359 = arith.constant 112 : index
    %swap3A_2360 = tpu.vector_load %arg5[%swap3A_2358, %swap3A_2359] {strides = array<i32>} : memref<26x128xi32, #tpu.memory_space<vmem>>, vector<1x16xi32>,
    %swap3A_2361 = vector.shape_cast %swap3A_2360 : vector<1x16xi32> to vector<16xi32>
    %swap3A_2362 = vector.shape_cast %add3A_2356 : vector<16xi32> to vector<1x16xi32>
    tpu.vector_store %arg5[%swap3A_2358, %swap3A_2359], %swap3A_2362 {strides = array<i32>} : memref<26x128xi32, #tpu.memory_space<vmem>>, vector<1x16xi32>,
    %get3A_2363 = arith.constant 20 : i32
    %get3A_2364 = arith.index_cast %get3A_2363 : i32 to index
    %get3A_2365 = arith.constant 0 : index
    %get3A_2366 = tpu.vector_load %arg5[%get3A_2364, %get3A_2365] {strides = array<i32>} : memref<26x128xi32, #tpu.memory_space<vmem>>, vector<1x16xi32>,
    %get3A_2367 = vector.shape_cast %get3A_2366 : vector<1x16xi32> to vector<16xi32>
    %add3A_2368 = arith.constant 2000000 : i32
    %add3A_2369 = vector.broadcast %add3A_2368 : i32 to vector<16xi32>
    %add3A_2370 = arith.addi %get3A_2367, %add3A_2369 : vector<16xi32>
    %swap3A_2371 = arith.constant 20 : i32
    %swap3A_2372 = arith.index_cast %swap3A_2371 : i32 to index
    %swap3A_2373 = arith.constant 0 : index
    %swap3A_2374 = tpu.vector_load %arg5[%swap3A_2372, %swap3A_2373] {strides = array<i32>} : memref<26x128xi32, #tpu.memory_space<vmem>>, vector<1x16xi32>,
    %swap3A_2375 = vector.shape_cast %swap3A_2374 : vector<1x16xi32> to vector<16xi32>
    %swap3A_2376 = vector.shape_cast %add3A_2370 : vector<16xi32> to vector<1x16xi32>
    tpu.vector_store %arg5[%swap3A_2372, %swap3A_2373], %swap3A_2376 {strides = array<i32>} : memref<26x128xi32, #tpu.memory_space<vmem>>, vector<1x16xi32>,
    %get3A_2377 = arith.constant 20 : i32
    %get3A_2378 = arith.index_cast %get3A_2377 : i32 to index
    %get3A_2379 = arith.constant 16 : index
    %get3A_2380 = tpu.vector_load %arg5[%get3A_2378, %get3A_2379] {strides = array<i32>} : memref<26x128xi32, #tpu.memory_space<vmem>>, vector<1x16xi32>,
    %get3A_2381 = vector.shape_cast %get3A_2380 : vector<1x16xi32> to vector<16xi32>
    %add3A_2382 = arith.constant 2000000 : i32
    %add3A_2383 = vector.broadcast %add3A_2382 : i32 to vector<16xi32>
    %add3A_2384 = arith.addi %get3A_2381, %add3A_2383 : vector<16xi32>
    %swap3A_2385 = arith.constant 20 : i32
    %swap3A_2386 = arith.index_cast %swap3A_2385 : i32 to index
    %swap3A_2387 = arith.constant 16 : index
    %swap3A_2388 = tpu.vector_load %arg5[%swap3A_2386, %swap3A_2387] {strides = array<i32>} : memref<26x128xi32, #tpu.memory_space<vmem>>, vector<1x16xi32>,
    %swap3A_2389 = vector.shape_cast %swap3A_2388 : vector<1x16xi32> to vector<16xi32>
    %swap3A_2390 = vector.shape_cast %add3A_2384 : vector<16xi32> to vector<1x16xi32>
    tpu.vector_store %arg5[%swap3A_2386, %swap3A_2387], %swap3A_2390 {strides = array<i32>} : memref<26x128xi32, #tpu.memory_space<vmem>>, vector<1x16xi32>,
    %get3A_2391 = arith.constant 20 : i32
    %get3A_2392 = arith.index_cast %get3A_2391 : i32 to index
    %get3A_2393 = arith.constant 32 : index
    %get3A_2394 = tpu.vector_load %arg5[%get3A_2392, %get3A_2393] {strides = array<i32>} : memref<26x128xi32, #tpu.memory_space<vmem>>, vector<1x16xi32>,
    %get3A_2395 = vector.shape_cast %get3A_2394 : vector<1x16xi32> to vector<16xi32>
    %add3A_2396 = arith.constant 2000000 : i32
    %add3A_2397 = vector.broadcast %add3A_2396 : i32 to vector<16xi32>
    %add3A_2398 = arith.addi %get3A_2395, %add3A_2397 : vector<16xi32>
    %swap3A_2399 = arith.constant 20 : i32
    %swap3A_2400 = arith.index_cast %swap3A_2399 : i32 to index
    %swap3A_2401 = arith.constant 32 : index
    %swap3A_2402 = tpu.vector_load %arg5[%swap3A_2400, %swap3A_2401] {strides = array<i32>} : memref<26x128xi32, #tpu.memory_space<vmem>>, vector<1x16xi32>,
    %swap3A_2403 = vector.shape_cast %swap3A_2402 : vector<1x16xi32> to vector<16xi32>
    %swap3A_2404 = vector.shape_cast %add3A_2398 : vector<16xi32> to vector<1x16xi32>
    tpu.vector_store %arg5[%swap3A_2400, %swap3A_2401], %swap3A_2404 {strides = array<i32>} : memref<26x128xi32, #tpu.memory_space<vmem>>, vector<1x16xi32>,
    %get3A_2405 = arith.constant 20 : i32
    %get3A_2406 = arith.index_cast %get3A_2405 : i32 to index
    %get3A_2407 = arith.constant 48 : index
    %get3A_2408 = tpu.vector_load %arg5[%get3A_2406, %get3A_2407] {strides = array<i32>} : memref<26x128xi32, #tpu.memory_space<vmem>>, vector<1x16xi32>,
    %get3A_2409 = vector.shape_cast %get3A_2408 : vector<1x16xi32> to vector<16xi32>
    %add3A_2410 = arith.constant 2000000 : i32
    %add3A_2411 = vector.broadcast %add3A_2410 : i32 to vector<16xi32>
    %add3A_2412 = arith.addi %get3A_2409, %add3A_2411 : vector<16xi32>
    %swap3A_2413 = arith.constant 20 : i32
    %swap3A_2414 = arith.index_cast %swap3A_2413 : i32 to index
    %swap3A_2415 = arith.constant 48 : index
    %swap3A_2416 = tpu.vector_load %arg5[%swap3A_2414, %swap3A_2415] {strides = array<i32>} : memref<26x128xi32, #tpu.memory_space<vmem>>, vector<1x16xi32>,
    %swap3A_2417 = vector.shape_cast %swap3A_2416 : vector<1x16xi32> to vector<16xi32>
    %swap3A_2418 = vector.shape_cast %add3A_2412 : vector<16xi32> to vector<1x16xi32>
    tpu.vector_store %arg5[%swap3A_2414, %swap3A_2415], %swap3A_2418 {strides = array<i32>} : memref<26x128xi32, #tpu.memory_space<vmem>>, vector<1x16xi32>,
    %get3A_2419 = arith.constant 20 : i32
    %get3A_2420 = arith.index_cast %get3A_2419 : i32 to index
    %get3A_2421 = arith.constant 64 : index
    %get3A_2422 = tpu.vector_load %arg5[%get3A_2420, %get3A_2421] {strides = array<i32>} : memref<26x128xi32, #tpu.memory_space<vmem>>, vector<1x16xi32>,
    %get3A_2423 = vector.shape_cast %get3A_2422 : vector<1x16xi32> to vector<16xi32>
    %add3A_2424 = arith.constant 2000000 : i32
    %add3A_2425 = vector.broadcast %add3A_2424 : i32 to vector<16xi32>
    %add3A_2426 = arith.addi %get3A_2423, %add3A_2425 : vector<16xi32>
    %swap3A_2427 = arith.constant 20 : i32
    %swap3A_2428 = arith.index_cast %swap3A_2427 : i32 to index
    %swap3A_2429 = arith.constant 64 : index
    %swap3A_2430 = tpu.vector_load %arg5[%swap3A_2428, %swap3A_2429] {strides = array<i32>} : memref<26x128xi32, #tpu.memory_space<vmem>>, vector<1x16xi32>,
    %swap3A_2431 = vector.shape_cast %swap3A_2430 : vector<1x16xi32> to vector<16xi32>
    %swap3A_2432 = vector.shape_cast %add3A_2426 : vector<16xi32> to vector<1x16xi32>
    tpu.vector_store %arg5[%swap3A_2428, %swap3A_2429], %swap3A_2432 {strides = array<i32>} : memref<26x128xi32, #tpu.memory_space<vmem>>, vector<1x16xi32>,
    %get3A_2433 = arith.constant 20 : i32
    %get3A_2434 = arith.index_cast %get3A_2433 : i32 to index
    %get3A_2435 = arith.constant 80 : index
    %get3A_2436 = tpu.vector_load %arg5[%get3A_2434, %get3A_2435] {strides = array<i32>} : memref<26x128xi32, #tpu.memory_space<vmem>>, vector<1x16xi32>,
    %get3A_2437 = vector.shape_cast %get3A_2436 : vector<1x16xi32> to vector<16xi32>
    %add3A_2438 = arith.constant 2000000 : i32
    %add3A_2439 = vector.broadcast %add3A_2438 : i32 to vector<16xi32>
    %add3A_2440 = arith.addi %get3A_2437, %add3A_2439 : vector<16xi32>
    %swap3A_2441 = arith.constant 20 : i32
    %swap3A_2442 = arith.index_cast %swap3A_2441 : i32 to index
    %swap3A_2443 = arith.constant 80 : index
    %swap3A_2444 = tpu.vector_load %arg5[%swap3A_2442, %swap3A_2443] {strides = array<i32>} : memref<26x128xi32, #tpu.memory_space<vmem>>, vector<1x16xi32>,
    %swap3A_2445 = vector.shape_cast %swap3A_2444 : vector<1x16xi32> to vector<16xi32>
    %swap3A_2446 = vector.shape_cast %add3A_2440 : vector<16xi32> to vector<1x16xi32>
    tpu.vector_store %arg5[%swap3A_2442, %swap3A_2443], %swap3A_2446 {strides = array<i32>} : memref<26x128xi32, #tpu.memory_space<vmem>>, vector<1x16xi32>,
    %get3A_2447 = arith.constant 20 : i32
    %get3A_2448 = arith.index_cast %get3A_2447 : i32 to index
    %get3A_2449 = arith.constant 96 : index
    %get3A_2450 = tpu.vector_load %arg5[%get3A_2448, %get3A_2449] {strides = array<i32>} : memref<26x128xi32, #tpu.memory_space<vmem>>, vector<1x16xi32>,
    %get3A_2451 = vector.shape_cast %get3A_2450 : vector<1x16xi32> to vector<16xi32>
    %add3A_2452 = arith.constant 2000000 : i32
    %add3A_2453 = vector.broadcast %add3A_2452 : i32 to vector<16xi32>
    %add3A_2454 = arith.addi %get3A_2451, %add3A_2453 : vector<16xi32>
    %swap3A_2455 = arith.constant 20 : i32
    %swap3A_2456 = arith.index_cast %swap3A_2455 : i32 to index
    %swap3A_2457 = arith.constant 96 : index
    %swap3A_2458 = tpu.vector_load %arg5[%swap3A_2456, %swap3A_2457] {strides = array<i32>} : memref<26x128xi32, #tpu.memory_space<vmem>>, vector<1x16xi32>,
    %swap3A_2459 = vector.shape_cast %swap3A_2458 : vector<1x16xi32> to vector<16xi32>
    %swap3A_2460 = vector.shape_cast %add3A_2454 : vector<16xi32> to vector<1x16xi32>
    tpu.vector_store %arg5[%swap3A_2456, %swap3A_2457], %swap3A_2460 {strides = array<i32>} : memref<26x128xi32, #tpu.memory_space<vmem>>, vector<1x16xi32>,
    %get3A_2461 = arith.constant 20 : i32
    %get3A_2462 = arith.index_cast %get3A_2461 : i32 to index
    %get3A_2463 = arith.constant 112 : index
    %get3A_2464 = tpu.vector_load %arg5[%get3A_2462, %get3A_2463] {strides = array<i32>} : memref<26x128xi32, #tpu.memory_space<vmem>>, vector<1x16xi32>,
    %get3A_2465 = vector.shape_cast %get3A_2464 : vector<1x16xi32> to vector<16xi32>
    %add3A_2466 = arith.constant 2000000 : i32
    %add3A_2467 = vector.broadcast %add3A_2466 : i32 to vector<16xi32>
    %add3A_2468 = arith.addi %get3A_2465, %add3A_2467 : vector<16xi32>
    %swap3A_2469 = arith.constant 20 : i32
    %swap3A_2470 = arith.index_cast %swap3A_2469 : i32 to index
    %swap3A_2471 = arith.constant 112 : index
    %swap3A_2472 = tpu.vector_load %arg5[%swap3A_2470, %swap3A_2471] {strides = array<i32>} : memref<26x128xi32, #tpu.memory_space<vmem>>, vector<1x16xi32>,
    %swap3A_2473 = vector.shape_cast %swap3A_2472 : vector<1x16xi32> to vector<16xi32>
    %swap3A_2474 = vector.shape_cast %add3A_2468 : vector<16xi32> to vector<1x16xi32>
    tpu.vector_store %arg5[%swap3A_2470, %swap3A_2471], %swap3A_2474 {strides = array<i32>} : memref<26x128xi32, #tpu.memory_space<vmem>>, vector<1x16xi32>,
    %get3A_2475 = arith.constant 21 : i32
    %get3A_2476 = arith.index_cast %get3A_2475 : i32 to index
    %get3A_2477 = arith.constant 0 : index
    %get3A_2478 = tpu.vector_load %arg5[%get3A_2476, %get3A_2477] {strides = array<i32>} : memref<26x128xi32, #tpu.memory_space<vmem>>, vector<1x16xi32>,
    %get3A_2479 = vector.shape_cast %get3A_2478 : vector<1x16xi32> to vector<16xi32>
    %add3A_2480 = arith.constant 2100000 : i32
    %add3A_2481 = vector.broadcast %add3A_2480 : i32 to vector<16xi32>
    %add3A_2482 = arith.addi %get3A_2479, %add3A_2481 : vector<16xi32>
    %swap3A_2483 = arith.constant 21 : i32
    %swap3A_2484 = arith.index_cast %swap3A_2483 : i32 to index
    %swap3A_2485 = arith.constant 0 : index
    %swap3A_2486 = tpu.vector_load %arg5[%swap3A_2484, %swap3A_2485] {strides = array<i32>} : memref<26x128xi32, #tpu.memory_space<vmem>>, vector<1x16xi32>,
    %swap3A_2487 = vector.shape_cast %swap3A_2486 : vector<1x16xi32> to vector<16xi32>
    %swap3A_2488 = vector.shape_cast %add3A_2482 : vector<16xi32> to vector<1x16xi32>
    tpu.vector_store %arg5[%swap3A_2484, %swap3A_2485], %swap3A_2488 {strides = array<i32>} : memref<26x128xi32, #tpu.memory_space<vmem>>, vector<1x16xi32>,
    %get3A_2489 = arith.constant 21 : i32
    %get3A_2490 = arith.index_cast %get3A_2489 : i32 to index
    %get3A_2491 = arith.constant 16 : index
    %get3A_2492 = tpu.vector_load %arg5[%get3A_2490, %get3A_2491] {strides = array<i32>} : memref<26x128xi32, #tpu.memory_space<vmem>>, vector<1x16xi32>,
    %get3A_2493 = vector.shape_cast %get3A_2492 : vector<1x16xi32> to vector<16xi32>
    %add3A_2494 = arith.constant 2100000 : i32
    %add3A_2495 = vector.broadcast %add3A_2494 : i32 to vector<16xi32>
    %add3A_2496 = arith.addi %get3A_2493, %add3A_2495 : vector<16xi32>
    %swap3A_2497 = arith.constant 21 : i32
    %swap3A_2498 = arith.index_cast %swap3A_2497 : i32 to index
    %swap3A_2499 = arith.constant 16 : index
    %swap3A_2500 = tpu.vector_load %arg5[%swap3A_2498, %swap3A_2499] {strides = array<i32>} : memref<26x128xi32, #tpu.memory_space<vmem>>, vector<1x16xi32>,
    %swap3A_2501 = vector.shape_cast %swap3A_2500 : vector<1x16xi32> to vector<16xi32>
    %swap3A_2502 = vector.shape_cast %add3A_2496 : vector<16xi32> to vector<1x16xi32>
    tpu.vector_store %arg5[%swap3A_2498, %swap3A_2499], %swap3A_2502 {strides = array<i32>} : memref<26x128xi32, #tpu.memory_space<vmem>>, vector<1x16xi32>,
    %get3A_2503 = arith.constant 21 : i32
    %get3A_2504 = arith.index_cast %get3A_2503 : i32 to index
    %get3A_2505 = arith.constant 32 : index
    %get3A_2506 = tpu.vector_load %arg5[%get3A_2504, %get3A_2505] {strides = array<i32>} : memref<26x128xi32, #tpu.memory_space<vmem>>, vector<1x16xi32>,
    %get3A_2507 = vector.shape_cast %get3A_2506 : vector<1x16xi32> to vector<16xi32>
    %add3A_2508 = arith.constant 2100000 : i32
    %add3A_2509 = vector.broadcast %add3A_2508 : i32 to vector<16xi32>
    %add3A_2510 = arith.addi %get3A_2507, %add3A_2509 : vector<16xi32>
    %swap3A_2511 = arith.constant 21 : i32
    %swap3A_2512 = arith.index_cast %swap3A_2511 : i32 to index
    %swap3A_2513 = arith.constant 32 : index
    %swap3A_2514 = tpu.vector_load %arg5[%swap3A_2512, %swap3A_2513] {strides = array<i32>} : memref<26x128xi32, #tpu.memory_space<vmem>>, vector<1x16xi32>,
    %swap3A_2515 = vector.shape_cast %swap3A_2514 : vector<1x16xi32> to vector<16xi32>
    %swap3A_2516 = vector.shape_cast %add3A_2510 : vector<16xi32> to vector<1x16xi32>
    tpu.vector_store %arg5[%swap3A_2512, %swap3A_2513], %swap3A_2516 {strides = array<i32>} : memref<26x128xi32, #tpu.memory_space<vmem>>, vector<1x16xi32>,
    %get3A_2517 = arith.constant 21 : i32
    %get3A_2518 = arith.index_cast %get3A_2517 : i32 to index
    %get3A_2519 = arith.constant 48 : index
    %get3A_2520 = tpu.vector_load %arg5[%get3A_2518, %get3A_2519] {strides = array<i32>} : memref<26x128xi32, #tpu.memory_space<vmem>>, vector<1x16xi32>,
    %get3A_2521 = vector.shape_cast %get3A_2520 : vector<1x16xi32> to vector<16xi32>
    %add3A_2522 = arith.constant 2100000 : i32
    %add3A_2523 = vector.broadcast %add3A_2522 : i32 to vector<16xi32>
    %add3A_2524 = arith.addi %get3A_2521, %add3A_2523 : vector<16xi32>
    %swap3A_2525 = arith.constant 21 : i32
    %swap3A_2526 = arith.index_cast %swap3A_2525 : i32 to index
    %swap3A_2527 = arith.constant 48 : index
    %swap3A_2528 = tpu.vector_load %arg5[%swap3A_2526, %swap3A_2527] {strides = array<i32>} : memref<26x128xi32, #tpu.memory_space<vmem>>, vector<1x16xi32>,
    %swap3A_2529 = vector.shape_cast %swap3A_2528 : vector<1x16xi32> to vector<16xi32>
    %swap3A_2530 = vector.shape_cast %add3A_2524 : vector<16xi32> to vector<1x16xi32>
    tpu.vector_store %arg5[%swap3A_2526, %swap3A_2527], %swap3A_2530 {strides = array<i32>} : memref<26x128xi32, #tpu.memory_space<vmem>>, vector<1x16xi32>,
    %get3A_2531 = arith.constant 21 : i32
    %get3A_2532 = arith.index_cast %get3A_2531 : i32 to index
    %get3A_2533 = arith.constant 64 : index
    %get3A_2534 = tpu.vector_load %arg5[%get3A_2532, %get3A_2533] {strides = array<i32>} : memref<26x128xi32, #tpu.memory_space<vmem>>, vector<1x16xi32>,
    %get3A_2535 = vector.shape_cast %get3A_2534 : vector<1x16xi32> to vector<16xi32>
    %add3A_2536 = arith.constant 2100000 : i32
    %add3A_2537 = vector.broadcast %add3A_2536 : i32 to vector<16xi32>
    %add3A_2538 = arith.addi %get3A_2535, %add3A_2537 : vector<16xi32>
    %swap3A_2539 = arith.constant 21 : i32
    %swap3A_2540 = arith.index_cast %swap3A_2539 : i32 to index
    %swap3A_2541 = arith.constant 64 : index
    %swap3A_2542 = tpu.vector_load %arg5[%swap3A_2540, %swap3A_2541] {strides = array<i32>} : memref<26x128xi32, #tpu.memory_space<vmem>>, vector<1x16xi32>,
    %swap3A_2543 = vector.shape_cast %swap3A_2542 : vector<1x16xi32> to vector<16xi32>
    %swap3A_2544 = vector.shape_cast %add3A_2538 : vector<16xi32> to vector<1x16xi32>
    tpu.vector_store %arg5[%swap3A_2540, %swap3A_2541], %swap3A_2544 {strides = array<i32>} : memref<26x128xi32, #tpu.memory_space<vmem>>, vector<1x16xi32>,
    %get3A_2545 = arith.constant 21 : i32
    %get3A_2546 = arith.index_cast %get3A_2545 : i32 to index
    %get3A_2547 = arith.constant 80 : index
    %get3A_2548 = tpu.vector_load %arg5[%get3A_2546, %get3A_2547] {strides = array<i32>} : memref<26x128xi32, #tpu.memory_space<vmem>>, vector<1x16xi32>,
    %get3A_2549 = vector.shape_cast %get3A_2548 : vector<1x16xi32> to vector<16xi32>
    %add3A_2550 = arith.constant 2100000 : i32
    %add3A_2551 = vector.broadcast %add3A_2550 : i32 to vector<16xi32>
    %add3A_2552 = arith.addi %get3A_2549, %add3A_2551 : vector<16xi32>
    %swap3A_2553 = arith.constant 21 : i32
    %swap3A_2554 = arith.index_cast %swap3A_2553 : i32 to index
    %swap3A_2555 = arith.constant 80 : index
    %swap3A_2556 = tpu.vector_load %arg5[%swap3A_2554, %swap3A_2555] {strides = array<i32>} : memref<26x128xi32, #tpu.memory_space<vmem>>, vector<1x16xi32>,
    %swap3A_2557 = vector.shape_cast %swap3A_2556 : vector<1x16xi32> to vector<16xi32>
    %swap3A_2558 = vector.shape_cast %add3A_2552 : vector<16xi32> to vector<1x16xi32>
    tpu.vector_store %arg5[%swap3A_2554, %swap3A_2555], %swap3A_2558 {strides = array<i32>} : memref<26x128xi32, #tpu.memory_space<vmem>>, vector<1x16xi32>,
    %get3A_2559 = arith.constant 21 : i32
    %get3A_2560 = arith.index_cast %get3A_2559 : i32 to index
    %get3A_2561 = arith.constant 96 : index
    %get3A_2562 = tpu.vector_load %arg5[%get3A_2560, %get3A_2561] {strides = array<i32>} : memref<26x128xi32, #tpu.memory_space<vmem>>, vector<1x16xi32>,
    %get3A_2563 = vector.shape_cast %get3A_2562 : vector<1x16xi32> to vector<16xi32>
    %add3A_2564 = arith.constant 2100000 : i32
    %add3A_2565 = vector.broadcast %add3A_2564 : i32 to vector<16xi32>
    %add3A_2566 = arith.addi %get3A_2563, %add3A_2565 : vector<16xi32>
    %swap3A_2567 = arith.constant 21 : i32
    %swap3A_2568 = arith.index_cast %swap3A_2567 : i32 to index
    %swap3A_2569 = arith.constant 96 : index
    %swap3A_2570 = tpu.vector_load %arg5[%swap3A_2568, %swap3A_2569] {strides = array<i32>} : memref<26x128xi32, #tpu.memory_space<vmem>>, vector<1x16xi32>,
    %swap3A_2571 = vector.shape_cast %swap3A_2570 : vector<1x16xi32> to vector<16xi32>
    %swap3A_2572 = vector.shape_cast %add3A_2566 : vector<16xi32> to vector<1x16xi32>
    tpu.vector_store %arg5[%swap3A_2568, %swap3A_2569], %swap3A_2572 {strides = array<i32>} : memref<26x128xi32, #tpu.memory_space<vmem>>, vector<1x16xi32>,
    %get3A_2573 = arith.constant 21 : i32
    %get3A_2574 = arith.index_cast %get3A_2573 : i32 to index
    %get3A_2575 = arith.constant 112 : index
    %get3A_2576 = tpu.vector_load %arg5[%get3A_2574, %get3A_2575] {strides = array<i32>} : memref<26x128xi32, #tpu.memory_space<vmem>>, vector<1x16xi32>,
    %get3A_2577 = vector.shape_cast %get3A_2576 : vector<1x16xi32> to vector<16xi32>
    %add3A_2578 = arith.constant 2100000 : i32
    %add3A_2579 = vector.broadcast %add3A_2578 : i32 to vector<16xi32>
    %add3A_2580 = arith.addi %get3A_2577, %add3A_2579 : vector<16xi32>
    %swap3A_2581 = arith.constant 21 : i32
    %swap3A_2582 = arith.index_cast %swap3A_2581 : i32 to index
    %swap3A_2583 = arith.constant 112 : index
    %swap3A_2584 = tpu.vector_load %arg5[%swap3A_2582, %swap3A_2583] {strides = array<i32>} : memref<26x128xi32, #tpu.memory_space<vmem>>, vector<1x16xi32>,
    %swap3A_2585 = vector.shape_cast %swap3A_2584 : vector<1x16xi32> to vector<16xi32>
    %swap3A_2586 = vector.shape_cast %add3A_2580 : vector<16xi32> to vector<1x16xi32>
    tpu.vector_store %arg5[%swap3A_2582, %swap3A_2583], %swap3A_2586 {strides = array<i32>} : memref<26x128xi32, #tpu.memory_space<vmem>>, vector<1x16xi32>,
    %get3A_2587 = arith.constant 22 : i32
    %get3A_2588 = arith.index_cast %get3A_2587 : i32 to index
    %get3A_2589 = arith.constant 0 : index
    %get3A_2590 = tpu.vector_load %arg5[%get3A_2588, %get3A_2589] {strides = array<i32>} : memref<26x128xi32, #tpu.memory_space<vmem>>, vector<1x16xi32>,
    %get3A_2591 = vector.shape_cast %get3A_2590 : vector<1x16xi32> to vector<16xi32>
    %add3A_2592 = arith.constant 2200000 : i32
    %add3A_2593 = vector.broadcast %add3A_2592 : i32 to vector<16xi32>
    %add3A_2594 = arith.addi %get3A_2591, %add3A_2593 : vector<16xi32>
    %swap3A_2595 = arith.constant 22 : i32
    %swap3A_2596 = arith.index_cast %swap3A_2595 : i32 to index
    %swap3A_2597 = arith.constant 0 : index
    %swap3A_2598 = tpu.vector_load %arg5[%swap3A_2596, %swap3A_2597] {strides = array<i32>} : memref<26x128xi32, #tpu.memory_space<vmem>>, vector<1x16xi32>,
    %swap3A_2599 = vector.shape_cast %swap3A_2598 : vector<1x16xi32> to vector<16xi32>
    %swap3A_2600 = vector.shape_cast %add3A_2594 : vector<16xi32> to vector<1x16xi32>
    tpu.vector_store %arg5[%swap3A_2596, %swap3A_2597], %swap3A_2600 {strides = array<i32>} : memref<26x128xi32, #tpu.memory_space<vmem>>, vector<1x16xi32>,
    %get3A_2601 = arith.constant 22 : i32
    %get3A_2602 = arith.index_cast %get3A_2601 : i32 to index
    %get3A_2603 = arith.constant 16 : index
    %get3A_2604 = tpu.vector_load %arg5[%get3A_2602, %get3A_2603] {strides = array<i32>} : memref<26x128xi32, #tpu.memory_space<vmem>>, vector<1x16xi32>,
    %get3A_2605 = vector.shape_cast %get3A_2604 : vector<1x16xi32> to vector<16xi32>
    %add3A_2606 = arith.constant 2200000 : i32
    %add3A_2607 = vector.broadcast %add3A_2606 : i32 to vector<16xi32>
    %add3A_2608 = arith.addi %get3A_2605, %add3A_2607 : vector<16xi32>
    %swap3A_2609 = arith.constant 22 : i32
    %swap3A_2610 = arith.index_cast %swap3A_2609 : i32 to index
    %swap3A_2611 = arith.constant 16 : index
    %swap3A_2612 = tpu.vector_load %arg5[%swap3A_2610, %swap3A_2611] {strides = array<i32>} : memref<26x128xi32, #tpu.memory_space<vmem>>, vector<1x16xi32>,
    %swap3A_2613 = vector.shape_cast %swap3A_2612 : vector<1x16xi32> to vector<16xi32>
    %swap3A_2614 = vector.shape_cast %add3A_2608 : vector<16xi32> to vector<1x16xi32>
    tpu.vector_store %arg5[%swap3A_2610, %swap3A_2611], %swap3A_2614 {strides = array<i32>} : memref<26x128xi32, #tpu.memory_space<vmem>>, vector<1x16xi32>,
    %get3A_2615 = arith.constant 22 : i32
    %get3A_2616 = arith.index_cast %get3A_2615 : i32 to index
    %get3A_2617 = arith.constant 32 : index
    %get3A_2618 = tpu.vector_load %arg5[%get3A_2616, %get3A_2617] {strides = array<i32>} : memref<26x128xi32, #tpu.memory_space<vmem>>, vector<1x16xi32>,
    %get3A_2619 = vector.shape_cast %get3A_2618 : vector<1x16xi32> to vector<16xi32>
    %add3A_2620 = arith.constant 2200000 : i32
    %add3A_2621 = vector.broadcast %add3A_2620 : i32 to vector<16xi32>
    %add3A_2622 = arith.addi %get3A_2619, %add3A_2621 : vector<16xi32>
    %swap3A_2623 = arith.constant 22 : i32
    %swap3A_2624 = arith.index_cast %swap3A_2623 : i32 to index
    %swap3A_2625 = arith.constant 32 : index
    %swap3A_2626 = tpu.vector_load %arg5[%swap3A_2624, %swap3A_2625] {strides = array<i32>} : memref<26x128xi32, #tpu.memory_space<vmem>>, vector<1x16xi32>,
    %swap3A_2627 = vector.shape_cast %swap3A_2626 : vector<1x16xi32> to vector<16xi32>
    %swap3A_2628 = vector.shape_cast %add3A_2622 : vector<16xi32> to vector<1x16xi32>
    tpu.vector_store %arg5[%swap3A_2624, %swap3A_2625], %swap3A_2628 {strides = array<i32>} : memref<26x128xi32, #tpu.memory_space<vmem>>, vector<1x16xi32>,
    %get3A_2629 = arith.constant 22 : i32
    %get3A_2630 = arith.index_cast %get3A_2629 : i32 to index
    %get3A_2631 = arith.constant 48 : index
    %get3A_2632 = tpu.vector_load %arg5[%get3A_2630, %get3A_2631] {strides = array<i32>} : memref<26x128xi32, #tpu.memory_space<vmem>>, vector<1x16xi32>,
    %get3A_2633 = vector.shape_cast %get3A_2632 : vector<1x16xi32> to vector<16xi32>
    %add3A_2634 = arith.constant 2200000 : i32
    %add3A_2635 = vector.broadcast %add3A_2634 : i32 to vector<16xi32>
    %add3A_2636 = arith.addi %get3A_2633, %add3A_2635 : vector<16xi32>
    %swap3A_2637 = arith.constant 22 : i32
    %swap3A_2638 = arith.index_cast %swap3A_2637 : i32 to index
    %swap3A_2639 = arith.constant 48 : index
    %swap3A_2640 = tpu.vector_load %arg5[%swap3A_2638, %swap3A_2639] {strides = array<i32>} : memref<26x128xi32, #tpu.memory_space<vmem>>, vector<1x16xi32>,
    %swap3A_2641 = vector.shape_cast %swap3A_2640 : vector<1x16xi32> to vector<16xi32>
    %swap3A_2642 = vector.shape_cast %add3A_2636 : vector<16xi32> to vector<1x16xi32>
    tpu.vector_store %arg5[%swap3A_2638, %swap3A_2639], %swap3A_2642 {strides = array<i32>} : memref<26x128xi32, #tpu.memory_space<vmem>>, vector<1x16xi32>,
    %get3A_2643 = arith.constant 22 : i32
    %get3A_2644 = arith.index_cast %get3A_2643 : i32 to index
    %get3A_2645 = arith.constant 64 : index
    %get3A_2646 = tpu.vector_load %arg5[%get3A_2644, %get3A_2645] {strides = array<i32>} : memref<26x128xi32, #tpu.memory_space<vmem>>, vector<1x16xi32>,
    %get3A_2647 = vector.shape_cast %get3A_2646 : vector<1x16xi32> to vector<16xi32>
    %add3A_2648 = arith.constant 2200000 : i32
    %add3A_2649 = vector.broadcast %add3A_2648 : i32 to vector<16xi32>
    %add3A_2650 = arith.addi %get3A_2647, %add3A_2649 : vector<16xi32>
    %swap3A_2651 = arith.constant 22 : i32
    %swap3A_2652 = arith.index_cast %swap3A_2651 : i32 to index
    %swap3A_2653 = arith.constant 64 : index
    %swap3A_2654 = tpu.vector_load %arg5[%swap3A_2652, %swap3A_2653] {strides = array<i32>} : memref<26x128xi32, #tpu.memory_space<vmem>>, vector<1x16xi32>,
    %swap3A_2655 = vector.shape_cast %swap3A_2654 : vector<1x16xi32> to vector<16xi32>
    %swap3A_2656 = vector.shape_cast %add3A_2650 : vector<16xi32> to vector<1x16xi32>
    tpu.vector_store %arg5[%swap3A_2652, %swap3A_2653], %swap3A_2656 {strides = array<i32>} : memref<26x128xi32, #tpu.memory_space<vmem>>, vector<1x16xi32>,
    %get3A_2657 = arith.constant 22 : i32
    %get3A_2658 = arith.index_cast %get3A_2657 : i32 to index
    %get3A_2659 = arith.constant 80 : index
    %get3A_2660 = tpu.vector_load %arg5[%get3A_2658, %get3A_2659] {strides = array<i32>} : memref<26x128xi32, #tpu.memory_space<vmem>>, vector<1x16xi32>,
    %get3A_2661 = vector.shape_cast %get3A_2660 : vector<1x16xi32> to vector<16xi32>
    %add3A_2662 = arith.constant 2200000 : i32
    %add3A_2663 = vector.broadcast %add3A_2662 : i32 to vector<16xi32>
    %add3A_2664 = arith.addi %get3A_2661, %add3A_2663 : vector<16xi32>
    %swap3A_2665 = arith.constant 22 : i32
    %swap3A_2666 = arith.index_cast %swap3A_2665 : i32 to index
    %swap3A_2667 = arith.constant 80 : index
    %swap3A_2668 = tpu.vector_load %arg5[%swap3A_2666, %swap3A_2667] {strides = array<i32>} : memref<26x128xi32, #tpu.memory_space<vmem>>, vector<1x16xi32>,
    %swap3A_2669 = vector.shape_cast %swap3A_2668 : vector<1x16xi32> to vector<16xi32>
    %swap3A_2670 = vector.shape_cast %add3A_2664 : vector<16xi32> to vector<1x16xi32>
    tpu.vector_store %arg5[%swap3A_2666, %swap3A_2667], %swap3A_2670 {strides = array<i32>} : memref<26x128xi32, #tpu.memory_space<vmem>>, vector<1x16xi32>,
    %get3A_2671 = arith.constant 22 : i32
    %get3A_2672 = arith.index_cast %get3A_2671 : i32 to index
    %get3A_2673 = arith.constant 96 : index
    %get3A_2674 = tpu.vector_load %arg5[%get3A_2672, %get3A_2673] {strides = array<i32>} : memref<26x128xi32, #tpu.memory_space<vmem>>, vector<1x16xi32>,
    %get3A_2675 = vector.shape_cast %get3A_2674 : vector<1x16xi32> to vector<16xi32>
    %add3A_2676 = arith.constant 2200000 : i32
    %add3A_2677 = vector.broadcast %add3A_2676 : i32 to vector<16xi32>
    %add3A_2678 = arith.addi %get3A_2675, %add3A_2677 : vector<16xi32>
    %swap3A_2679 = arith.constant 22 : i32
    %swap3A_2680 = arith.index_cast %swap3A_2679 : i32 to index
    %swap3A_2681 = arith.constant 96 : index
    %swap3A_2682 = tpu.vector_load %arg5[%swap3A_2680, %swap3A_2681] {strides = array<i32>} : memref<26x128xi32, #tpu.memory_space<vmem>>, vector<1x16xi32>,
    %swap3A_2683 = vector.shape_cast %swap3A_2682 : vector<1x16xi32> to vector<16xi32>
    %swap3A_2684 = vector.shape_cast %add3A_2678 : vector<16xi32> to vector<1x16xi32>
    tpu.vector_store %arg5[%swap3A_2680, %swap3A_2681], %swap3A_2684 {strides = array<i32>} : memref<26x128xi32, #tpu.memory_space<vmem>>, vector<1x16xi32>,
    %get3A_2685 = arith.constant 22 : i32
    %get3A_2686 = arith.index_cast %get3A_2685 : i32 to index
    %get3A_2687 = arith.constant 112 : index
    %get3A_2688 = tpu.vector_load %arg5[%get3A_2686, %get3A_2687] {strides = array<i32>} : memref<26x128xi32, #tpu.memory_space<vmem>>, vector<1x16xi32>,
    %get3A_2689 = vector.shape_cast %get3A_2688 : vector<1x16xi32> to vector<16xi32>
    %add3A_2690 = arith.constant 2200000 : i32
    %add3A_2691 = vector.broadcast %add3A_2690 : i32 to vector<16xi32>
    %add3A_2692 = arith.addi %get3A_2689, %add3A_2691 : vector<16xi32>
    %swap3A_2693 = arith.constant 22 : i32
    %swap3A_2694 = arith.index_cast %swap3A_2693 : i32 to index
    %swap3A_2695 = arith.constant 112 : index
    %swap3A_2696 = tpu.vector_load %arg5[%swap3A_2694, %swap3A_2695] {strides = array<i32>} : memref<26x128xi32, #tpu.memory_space<vmem>>, vector<1x16xi32>,
    %swap3A_2697 = vector.shape_cast %swap3A_2696 : vector<1x16xi32> to vector<16xi32>
    %swap3A_2698 = vector.shape_cast %add3A_2692 : vector<16xi32> to vector<1x16xi32>
    tpu.vector_store %arg5[%swap3A_2694, %swap3A_2695], %swap3A_2698 {strides = array<i32>} : memref<26x128xi32, #tpu.memory_space<vmem>>, vector<1x16xi32>,
    %get3A_2699 = arith.constant 23 : i32
    %get3A_2700 = arith.index_cast %get3A_2699 : i32 to index
    %get3A_2701 = arith.constant 0 : index
    %get3A_2702 = tpu.vector_load %arg5[%get3A_2700, %get3A_2701] {strides = array<i32>} : memref<26x128xi32, #tpu.memory_space<vmem>>, vector<1x16xi32>,
    %get3A_2703 = vector.shape_cast %get3A_2702 : vector<1x16xi32> to vector<16xi32>
    %add3A_2704 = arith.constant 2300000 : i32
    %add3A_2705 = vector.broadcast %add3A_2704 : i32 to vector<16xi32>
    %add3A_2706 = arith.addi %get3A_2703, %add3A_2705 : vector<16xi32>
    %swap3A_2707 = arith.constant 23 : i32
    %swap3A_2708 = arith.index_cast %swap3A_2707 : i32 to index
    %swap3A_2709 = arith.constant 0 : index
    %swap3A_2710 = tpu.vector_load %arg5[%swap3A_2708, %swap3A_2709] {strides = array<i32>} : memref<26x128xi32, #tpu.memory_space<vmem>>, vector<1x16xi32>,
    %swap3A_2711 = vector.shape_cast %swap3A_2710 : vector<1x16xi32> to vector<16xi32>
    %swap3A_2712 = vector.shape_cast %add3A_2706 : vector<16xi32> to vector<1x16xi32>
    tpu.vector_store %arg5[%swap3A_2708, %swap3A_2709], %swap3A_2712 {strides = array<i32>} : memref<26x128xi32, #tpu.memory_space<vmem>>, vector<1x16xi32>,
    %get3A_2713 = arith.constant 23 : i32
    %get3A_2714 = arith.index_cast %get3A_2713 : i32 to index
    %get3A_2715 = arith.constant 16 : index
    %get3A_2716 = tpu.vector_load %arg5[%get3A_2714, %get3A_2715] {strides = array<i32>} : memref<26x128xi32, #tpu.memory_space<vmem>>, vector<1x16xi32>,
    %get3A_2717 = vector.shape_cast %get3A_2716 : vector<1x16xi32> to vector<16xi32>
    %add3A_2718 = arith.constant 2300000 : i32
    %add3A_2719 = vector.broadcast %add3A_2718 : i32 to vector<16xi32>
    %add3A_2720 = arith.addi %get3A_2717, %add3A_2719 : vector<16xi32>
    %swap3A_2721 = arith.constant 23 : i32
    %swap3A_2722 = arith.index_cast %swap3A_2721 : i32 to index
    %swap3A_2723 = arith.constant 16 : index
    %swap3A_2724 = tpu.vector_load %arg5[%swap3A_2722, %swap3A_2723] {strides = array<i32>} : memref<26x128xi32, #tpu.memory_space<vmem>>, vector<1x16xi32>,
    %swap3A_2725 = vector.shape_cast %swap3A_2724 : vector<1x16xi32> to vector<16xi32>
    %swap3A_2726 = vector.shape_cast %add3A_2720 : vector<16xi32> to vector<1x16xi32>
    tpu.vector_store %arg5[%swap3A_2722, %swap3A_2723], %swap3A_2726 {strides = array<i32>} : memref<26x128xi32, #tpu.memory_space<vmem>>, vector<1x16xi32>,
    %get3A_2727 = arith.constant 23 : i32
    %get3A_2728 = arith.index_cast %get3A_2727 : i32 to index
    %get3A_2729 = arith.constant 32 : index
    %get3A_2730 = tpu.vector_load %arg5[%get3A_2728, %get3A_2729] {strides = array<i32>} : memref<26x128xi32, #tpu.memory_space<vmem>>, vector<1x16xi32>,
    %get3A_2731 = vector.shape_cast %get3A_2730 : vector<1x16xi32> to vector<16xi32>
    %add3A_2732 = arith.constant 2300000 : i32
    %add3A_2733 = vector.broadcast %add3A_2732 : i32 to vector<16xi32>
    %add3A_2734 = arith.addi %get3A_2731, %add3A_2733 : vector<16xi32>
    %swap3A_2735 = arith.constant 23 : i32
    %swap3A_2736 = arith.index_cast %swap3A_2735 : i32 to index
    %swap3A_2737 = arith.constant 32 : index
    %swap3A_2738 = tpu.vector_load %arg5[%swap3A_2736, %swap3A_2737] {strides = array<i32>} : memref<26x128xi32, #tpu.memory_space<vmem>>, vector<1x16xi32>,
    %swap3A_2739 = vector.shape_cast %swap3A_2738 : vector<1x16xi32> to vector<16xi32>
    %swap3A_2740 = vector.shape_cast %add3A_2734 : vector<16xi32> to vector<1x16xi32>
    tpu.vector_store %arg5[%swap3A_2736, %swap3A_2737], %swap3A_2740 {strides = array<i32>} : memref<26x128xi32, #tpu.memory_space<vmem>>, vector<1x16xi32>,
    %get3A_2741 = arith.constant 23 : i32
    %get3A_2742 = arith.index_cast %get3A_2741 : i32 to index
    %get3A_2743 = arith.constant 48 : index
    %get3A_2744 = tpu.vector_load %arg5[%get3A_2742, %get3A_2743] {strides = array<i32>} : memref<26x128xi32, #tpu.memory_space<vmem>>, vector<1x16xi32>,
    %get3A_2745 = vector.shape_cast %get3A_2744 : vector<1x16xi32> to vector<16xi32>
    %add3A_2746 = arith.constant 2300000 : i32
    %add3A_2747 = vector.broadcast %add3A_2746 : i32 to vector<16xi32>
    %add3A_2748 = arith.addi %get3A_2745, %add3A_2747 : vector<16xi32>
    %swap3A_2749 = arith.constant 23 : i32
    %swap3A_2750 = arith.index_cast %swap3A_2749 : i32 to index
    %swap3A_2751 = arith.constant 48 : index
    %swap3A_2752 = tpu.vector_load %arg5[%swap3A_2750, %swap3A_2751] {strides = array<i32>} : memref<26x128xi32, #tpu.memory_space<vmem>>, vector<1x16xi32>,
    %swap3A_2753 = vector.shape_cast %swap3A_2752 : vector<1x16xi32> to vector<16xi32>
    %swap3A_2754 = vector.shape_cast %add3A_2748 : vector<16xi32> to vector<1x16xi32>
    tpu.vector_store %arg5[%swap3A_2750, %swap3A_2751], %swap3A_2754 {strides = array<i32>} : memref<26x128xi32, #tpu.memory_space<vmem>>, vector<1x16xi32>,
    %get3A_2755 = arith.constant 23 : i32
    %get3A_2756 = arith.index_cast %get3A_2755 : i32 to index
    %get3A_2757 = arith.constant 64 : index
    %get3A_2758 = tpu.vector_load %arg5[%get3A_2756, %get3A_2757] {strides = array<i32>} : memref<26x128xi32, #tpu.memory_space<vmem>>, vector<1x16xi32>,
    %get3A_2759 = vector.shape_cast %get3A_2758 : vector<1x16xi32> to vector<16xi32>
    %add3A_2760 = arith.constant 2300000 : i32
    %add3A_2761 = vector.broadcast %add3A_2760 : i32 to vector<16xi32>
    %add3A_2762 = arith.addi %get3A_2759, %add3A_2761 : vector<16xi32>
    %swap3A_2763 = arith.constant 23 : i32
    %swap3A_2764 = arith.index_cast %swap3A_2763 : i32 to index
    %swap3A_2765 = arith.constant 64 : index
    %swap3A_2766 = tpu.vector_load %arg5[%swap3A_2764, %swap3A_2765] {strides = array<i32>} : memref<26x128xi32, #tpu.memory_space<vmem>>, vector<1x16xi32>,
    %swap3A_2767 = vector.shape_cast %swap3A_2766 : vector<1x16xi32> to vector<16xi32>
    %swap3A_2768 = vector.shape_cast %add3A_2762 : vector<16xi32> to vector<1x16xi32>
    tpu.vector_store %arg5[%swap3A_2764, %swap3A_2765], %swap3A_2768 {strides = array<i32>} : memref<26x128xi32, #tpu.memory_space<vmem>>, vector<1x16xi32>,
    %get3A_2769 = arith.constant 23 : i32
    %get3A_2770 = arith.index_cast %get3A_2769 : i32 to index
    %get3A_2771 = arith.constant 80 : index
    %get3A_2772 = tpu.vector_load %arg5[%get3A_2770, %get3A_2771] {strides = array<i32>} : memref<26x128xi32, #tpu.memory_space<vmem>>, vector<1x16xi32>,
    %get3A_2773 = vector.shape_cast %get3A_2772 : vector<1x16xi32> to vector<16xi32>
    %add3A_2774 = arith.constant 2300000 : i32
    %add3A_2775 = vector.broadcast %add3A_2774 : i32 to vector<16xi32>
    %add3A_2776 = arith.addi %get3A_2773, %add3A_2775 : vector<16xi32>
    %swap3A_2777 = arith.constant 23 : i32
    %swap3A_2778 = arith.index_cast %swap3A_2777 : i32 to index
    %swap3A_2779 = arith.constant 80 : index
    %swap3A_2780 = tpu.vector_load %arg5[%swap3A_2778, %swap3A_2779] {strides = array<i32>} : memref<26x128xi32, #tpu.memory_space<vmem>>, vector<1x16xi32>,
    %swap3A_2781 = vector.shape_cast %swap3A_2780 : vector<1x16xi32> to vector<16xi32>
    %swap3A_2782 = vector.shape_cast %add3A_2776 : vector<16xi32> to vector<1x16xi32>
    tpu.vector_store %arg5[%swap3A_2778, %swap3A_2779], %swap3A_2782 {strides = array<i32>} : memref<26x128xi32, #tpu.memory_space<vmem>>, vector<1x16xi32>,
    %get3A_2783 = arith.constant 23 : i32
    %get3A_2784 = arith.index_cast %get3A_2783 : i32 to index
    %get3A_2785 = arith.constant 96 : index
    %get3A_2786 = tpu.vector_load %arg5[%get3A_2784, %get3A_2785] {strides = array<i32>} : memref<26x128xi32, #tpu.memory_space<vmem>>, vector<1x16xi32>,
    %get3A_2787 = vector.shape_cast %get3A_2786 : vector<1x16xi32> to vector<16xi32>
    %add3A_2788 = arith.constant 2300000 : i32
    %add3A_2789 = vector.broadcast %add3A_2788 : i32 to vector<16xi32>
    %add3A_2790 = arith.addi %get3A_2787, %add3A_2789 : vector<16xi32>
    %swap3A_2791 = arith.constant 23 : i32
    %swap3A_2792 = arith.index_cast %swap3A_2791 : i32 to index
    %swap3A_2793 = arith.constant 96 : index
    %swap3A_2794 = tpu.vector_load %arg5[%swap3A_2792, %swap3A_2793] {strides = array<i32>} : memref<26x128xi32, #tpu.memory_space<vmem>>, vector<1x16xi32>,
    %swap3A_2795 = vector.shape_cast %swap3A_2794 : vector<1x16xi32> to vector<16xi32>
    %swap3A_2796 = vector.shape_cast %add3A_2790 : vector<16xi32> to vector<1x16xi32>
    tpu.vector_store %arg5[%swap3A_2792, %swap3A_2793], %swap3A_2796 {strides = array<i32>} : memref<26x128xi32, #tpu.memory_space<vmem>>, vector<1x16xi32>,
    %get3A_2797 = arith.constant 23 : i32
    %get3A_2798 = arith.index_cast %get3A_2797 : i32 to index
    %get3A_2799 = arith.constant 112 : index
    %get3A_2800 = tpu.vector_load %arg5[%get3A_2798, %get3A_2799] {strides = array<i32>} : memref<26x128xi32, #tpu.memory_space<vmem>>, vector<1x16xi32>,
    %get3A_2801 = vector.shape_cast %get3A_2800 : vector<1x16xi32> to vector<16xi32>
    %add3A_2802 = arith.constant 2300000 : i32
    %add3A_2803 = vector.broadcast %add3A_2802 : i32 to vector<16xi32>
    %add3A_2804 = arith.addi %get3A_2801, %add3A_2803 : vector<16xi32>
    %swap3A_2805 = arith.constant 23 : i32
    %swap3A_2806 = arith.index_cast %swap3A_2805 : i32 to index
    %swap3A_2807 = arith.constant 112 : index
    %swap3A_2808 = tpu.vector_load %arg5[%swap3A_2806, %swap3A_2807] {strides = array<i32>} : memref<26x128xi32, #tpu.memory_space<vmem>>, vector<1x16xi32>,
    %swap3A_2809 = vector.shape_cast %swap3A_2808 : vector<1x16xi32> to vector<16xi32>
    %swap3A_2810 = vector.shape_cast %add3A_2804 : vector<16xi32> to vector<1x16xi32>
    tpu.vector_store %arg5[%swap3A_2806, %swap3A_2807], %swap3A_2810 {strides = array<i32>} : memref<26x128xi32, #tpu.memory_space<vmem>>, vector<1x16xi32>,
    %get3A_2811 = arith.constant 24 : i32
    %get3A_2812 = arith.index_cast %get3A_2811 : i32 to index
    %get3A_2813 = arith.constant 0 : index
    %get3A_2814 = tpu.vector_load %arg5[%get3A_2812, %get3A_2813] {strides = array<i32>} : memref<26x128xi32, #tpu.memory_space<vmem>>, vector<1x16xi32>,
    %get3A_2815 = vector.shape_cast %get3A_2814 : vector<1x16xi32> to vector<16xi32>
    %add3A_2816 = arith.constant 2400000 : i32
    %add3A_2817 = vector.broadcast %add3A_2816 : i32 to vector<16xi32>
    %add3A_2818 = arith.addi %get3A_2815, %add3A_2817 : vector<16xi32>
    %swap3A_2819 = arith.constant 24 : i32
    %swap3A_2820 = arith.index_cast %swap3A_2819 : i32 to index
    %swap3A_2821 = arith.constant 0 : index
    %swap3A_2822 = tpu.vector_load %arg5[%swap3A_2820, %swap3A_2821] {strides = array<i32>} : memref<26x128xi32, #tpu.memory_space<vmem>>, vector<1x16xi32>,
    %swap3A_2823 = vector.shape_cast %swap3A_2822 : vector<1x16xi32> to vector<16xi32>
    %swap3A_2824 = vector.shape_cast %add3A_2818 : vector<16xi32> to vector<1x16xi32>
    tpu.vector_store %arg5[%swap3A_2820, %swap3A_2821], %swap3A_2824 {strides = array<i32>} : memref<26x128xi32, #tpu.memory_space<vmem>>, vector<1x16xi32>,
    %get3A_2825 = arith.constant 24 : i32
    %get3A_2826 = arith.index_cast %get3A_2825 : i32 to index
    %get3A_2827 = arith.constant 16 : index
    %get3A_2828 = tpu.vector_load %arg5[%get3A_2826, %get3A_2827] {strides = array<i32>} : memref<26x128xi32, #tpu.memory_space<vmem>>, vector<1x16xi32>,
    %get3A_2829 = vector.shape_cast %get3A_2828 : vector<1x16xi32> to vector<16xi32>
    %add3A_2830 = arith.constant 2400000 : i32
    %add3A_2831 = vector.broadcast %add3A_2830 : i32 to vector<16xi32>
    %add3A_2832 = arith.addi %get3A_2829, %add3A_2831 : vector<16xi32>
    %swap3A_2833 = arith.constant 24 : i32
    %swap3A_2834 = arith.index_cast %swap3A_2833 : i32 to index
    %swap3A_2835 = arith.constant 16 : index
    %swap3A_2836 = tpu.vector_load %arg5[%swap3A_2834, %swap3A_2835] {strides = array<i32>} : memref<26x128xi32, #tpu.memory_space<vmem>>, vector<1x16xi32>,
    %swap3A_2837 = vector.shape_cast %swap3A_2836 : vector<1x16xi32> to vector<16xi32>
    %swap3A_2838 = vector.shape_cast %add3A_2832 : vector<16xi32> to vector<1x16xi32>
    tpu.vector_store %arg5[%swap3A_2834, %swap3A_2835], %swap3A_2838 {strides = array<i32>} : memref<26x128xi32, #tpu.memory_space<vmem>>, vector<1x16xi32>,
    %get3A_2839 = arith.constant 24 : i32
    %get3A_2840 = arith.index_cast %get3A_2839 : i32 to index
    %get3A_2841 = arith.constant 32 : index
    %get3A_2842 = tpu.vector_load %arg5[%get3A_2840, %get3A_2841] {strides = array<i32>} : memref<26x128xi32, #tpu.memory_space<vmem>>, vector<1x16xi32>,
    %get3A_2843 = vector.shape_cast %get3A_2842 : vector<1x16xi32> to vector<16xi32>
    %add3A_2844 = arith.constant 2400000 : i32
    %add3A_2845 = vector.broadcast %add3A_2844 : i32 to vector<16xi32>
    %add3A_2846 = arith.addi %get3A_2843, %add3A_2845 : vector<16xi32>
    %swap3A_2847 = arith.constant 24 : i32
    %swap3A_2848 = arith.index_cast %swap3A_2847 : i32 to index
    %swap3A_2849 = arith.constant 32 : index
    %swap3A_2850 = tpu.vector_load %arg5[%swap3A_2848, %swap3A_2849] {strides = array<i32>} : memref<26x128xi32, #tpu.memory_space<vmem>>, vector<1x16xi32>,
    %swap3A_2851 = vector.shape_cast %swap3A_2850 : vector<1x16xi32> to vector<16xi32>
    %swap3A_2852 = vector.shape_cast %add3A_2846 : vector<16xi32> to vector<1x16xi32>
    tpu.vector_store %arg5[%swap3A_2848, %swap3A_2849], %swap3A_2852 {strides = array<i32>} : memref<26x128xi32, #tpu.memory_space<vmem>>, vector<1x16xi32>,
    %get3A_2853 = arith.constant 24 : i32
    %get3A_2854 = arith.index_cast %get3A_2853 : i32 to index
    %get3A_2855 = arith.constant 48 : index
    %get3A_2856 = tpu.vector_load %arg5[%get3A_2854, %get3A_2855] {strides = array<i32>} : memref<26x128xi32, #tpu.memory_space<vmem>>, vector<1x16xi32>,
    %get3A_2857 = vector.shape_cast %get3A_2856 : vector<1x16xi32> to vector<16xi32>
    %add3A_2858 = arith.constant 2400000 : i32
    %add3A_2859 = vector.broadcast %add3A_2858 : i32 to vector<16xi32>
    %add3A_2860 = arith.addi %get3A_2857, %add3A_2859 : vector<16xi32>
    %swap3A_2861 = arith.constant 24 : i32
    %swap3A_2862 = arith.index_cast %swap3A_2861 : i32 to index
    %swap3A_2863 = arith.constant 48 : index
    %swap3A_2864 = tpu.vector_load %arg5[%swap3A_2862, %swap3A_2863] {strides = array<i32>} : memref<26x128xi32, #tpu.memory_space<vmem>>, vector<1x16xi32>,
    %swap3A_2865 = vector.shape_cast %swap3A_2864 : vector<1x16xi32> to vector<16xi32>
    %swap3A_2866 = vector.shape_cast %add3A_2860 : vector<16xi32> to vector<1x16xi32>
    tpu.vector_store %arg5[%swap3A_2862, %swap3A_2863], %swap3A_2866 {strides = array<i32>} : memref<26x128xi32, #tpu.memory_space<vmem>>, vector<1x16xi32>,
    %get3A_2867 = arith.constant 24 : i32
    %get3A_2868 = arith.index_cast %get3A_2867 : i32 to index
    %get3A_2869 = arith.constant 64 : index
    %get3A_2870 = tpu.vector_load %arg5[%get3A_2868, %get3A_2869] {strides = array<i32>} : memref<26x128xi32, #tpu.memory_space<vmem>>, vector<1x16xi32>,
    %get3A_2871 = vector.shape_cast %get3A_2870 : vector<1x16xi32> to vector<16xi32>
    %add3A_2872 = arith.constant 2400000 : i32
    %add3A_2873 = vector.broadcast %add3A_2872 : i32 to vector<16xi32>
    %add3A_2874 = arith.addi %get3A_2871, %add3A_2873 : vector<16xi32>
    %swap3A_2875 = arith.constant 24 : i32
    %swap3A_2876 = arith.index_cast %swap3A_2875 : i32 to index
    %swap3A_2877 = arith.constant 64 : index
    %swap3A_2878 = tpu.vector_load %arg5[%swap3A_2876, %swap3A_2877] {strides = array<i32>} : memref<26x128xi32, #tpu.memory_space<vmem>>, vector<1x16xi32>,
    %swap3A_2879 = vector.shape_cast %swap3A_2878 : vector<1x16xi32> to vector<16xi32>
    %swap3A_2880 = vector.shape_cast %add3A_2874 : vector<16xi32> to vector<1x16xi32>
    tpu.vector_store %arg5[%swap3A_2876, %swap3A_2877], %swap3A_2880 {strides = array<i32>} : memref<26x128xi32, #tpu.memory_space<vmem>>, vector<1x16xi32>,
    %get3A_2881 = arith.constant 24 : i32
    %get3A_2882 = arith.index_cast %get3A_2881 : i32 to index
    %get3A_2883 = arith.constant 80 : index
    %get3A_2884 = tpu.vector_load %arg5[%get3A_2882, %get3A_2883] {strides = array<i32>} : memref<26x128xi32, #tpu.memory_space<vmem>>, vector<1x16xi32>,
    %get3A_2885 = vector.shape_cast %get3A_2884 : vector<1x16xi32> to vector<16xi32>
    %add3A_2886 = arith.constant 2400000 : i32
    %add3A_2887 = vector.broadcast %add3A_2886 : i32 to vector<16xi32>
    %add3A_2888 = arith.addi %get3A_2885, %add3A_2887 : vector<16xi32>
    %swap3A_2889 = arith.constant 24 : i32
    %swap3A_2890 = arith.index_cast %swap3A_2889 : i32 to index
    %swap3A_2891 = arith.constant 80 : index
    %swap3A_2892 = tpu.vector_load %arg5[%swap3A_2890, %swap3A_2891] {strides = array<i32>} : memref<26x128xi32, #tpu.memory_space<vmem>>, vector<1x16xi32>,
    %swap3A_2893 = vector.shape_cast %swap3A_2892 : vector<1x16xi32> to vector<16xi32>
    %swap3A_2894 = vector.shape_cast %add3A_2888 : vector<16xi32> to vector<1x16xi32>
    tpu.vector_store %arg5[%swap3A_2890, %swap3A_2891], %swap3A_2894 {strides = array<i32>} : memref<26x128xi32, #tpu.memory_space<vmem>>, vector<1x16xi32>,
    %get3A_2895 = arith.constant 24 : i32
    %get3A_2896 = arith.index_cast %get3A_2895 : i32 to index
    %get3A_2897 = arith.constant 96 : index
    %get3A_2898 = tpu.vector_load %arg5[%get3A_2896, %get3A_2897] {strides = array<i32>} : memref<26x128xi32, #tpu.memory_space<vmem>>, vector<1x16xi32>,
    %get3A_2899 = vector.shape_cast %get3A_2898 : vector<1x16xi32> to vector<16xi32>
    %add3A_2900 = arith.constant 2400000 : i32
    %add3A_2901 = vector.broadcast %add3A_2900 : i32 to vector<16xi32>
    %add3A_2902 = arith.addi %get3A_2899, %add3A_2901 : vector<16xi32>
    %swap3A_2903 = arith.constant 24 : i32
    %swap3A_2904 = arith.index_cast %swap3A_2903 : i32 to index
    %swap3A_2905 = arith.constant 96 : index
    %swap3A_2906 = tpu.vector_load %arg5[%swap3A_2904, %swap3A_2905] {strides = array<i32>} : memref<26x128xi32, #tpu.memory_space<vmem>>, vector<1x16xi32>,
    %swap3A_2907 = vector.shape_cast %swap3A_2906 : vector<1x16xi32> to vector<16xi32>
    %swap3A_2908 = vector.shape_cast %add3A_2902 : vector<16xi32> to vector<1x16xi32>
    tpu.vector_store %arg5[%swap3A_2904, %swap3A_2905], %swap3A_2908 {strides = array<i32>} : memref<26x128xi32, #tpu.memory_space<vmem>>, vector<1x16xi32>,
    %get3A_2909 = arith.constant 24 : i32
    %get3A_2910 = arith.index_cast %get3A_2909 : i32 to index
    %get3A_2911 = arith.constant 112 : index
    %get3A_2912 = tpu.vector_load %arg5[%get3A_2910, %get3A_2911] {strides = array<i32>} : memref<26x128xi32, #tpu.memory_space<vmem>>, vector<1x16xi32>,
    %get3A_2913 = vector.shape_cast %get3A_2912 : vector<1x16xi32> to vector<16xi32>
    %add3A_2914 = arith.constant 2400000 : i32
    %add3A_2915 = vector.broadcast %add3A_2914 : i32 to vector<16xi32>
    %add3A_2916 = arith.addi %get3A_2913, %add3A_2915 : vector<16xi32>
    %swap3A_2917 = arith.constant 24 : i32
    %swap3A_2918 = arith.index_cast %swap3A_2917 : i32 to index
    %swap3A_2919 = arith.constant 112 : index
    %swap3A_2920 = tpu.vector_load %arg5[%swap3A_2918, %swap3A_2919] {strides = array<i32>} : memref<26x128xi32, #tpu.memory_space<vmem>>, vector<1x16xi32>,
    %swap3A_2921 = vector.shape_cast %swap3A_2920 : vector<1x16xi32> to vector<16xi32>
    %swap3A_2922 = vector.shape_cast %add3A_2916 : vector<16xi32> to vector<1x16xi32>
    tpu.vector_store %arg5[%swap3A_2918, %swap3A_2919], %swap3A_2922 {strides = array<i32>} : memref<26x128xi32, #tpu.memory_space<vmem>>, vector<1x16xi32>,
    %get3A_2923 = arith.constant 25 : i32
    %get3A_2924 = arith.index_cast %get3A_2923 : i32 to index
    %get3A_2925 = arith.constant 0 : index
    %get3A_2926 = tpu.vector_load %arg5[%get3A_2924, %get3A_2925] {strides = array<i32>} : memref<26x128xi32, #tpu.memory_space<vmem>>, vector<1x16xi32>,
    %get3A_2927 = vector.shape_cast %get3A_2926 : vector<1x16xi32> to vector<16xi32>
    %add3A_2928 = arith.constant 2500000 : i32
    %add3A_2929 = vector.broadcast %add3A_2928 : i32 to vector<16xi32>
    %add3A_2930 = arith.addi %get3A_2927, %add3A_2929 : vector<16xi32>
    %swap3A_2931 = arith.constant 25 : i32
    %swap3A_2932 = arith.index_cast %swap3A_2931 : i32 to index
    %swap3A_2933 = arith.constant 0 : index
    %swap3A_2934 = tpu.vector_load %arg5[%swap3A_2932, %swap3A_2933] {strides = array<i32>} : memref<26x128xi32, #tpu.memory_space<vmem>>, vector<1x16xi32>,
    %swap3A_2935 = vector.shape_cast %swap3A_2934 : vector<1x16xi32> to vector<16xi32>
    %swap3A_2936 = vector.shape_cast %add3A_2930 : vector<16xi32> to vector<1x16xi32>
    tpu.vector_store %arg5[%swap3A_2932, %swap3A_2933], %swap3A_2936 {strides = array<i32>} : memref<26x128xi32, #tpu.memory_space<vmem>>, vector<1x16xi32>,
    %get3A_2937 = arith.constant 25 : i32
    %get3A_2938 = arith.index_cast %get3A_2937 : i32 to index
    %get3A_2939 = arith.constant 16 : index
    %get3A_2940 = tpu.vector_load %arg5[%get3A_2938, %get3A_2939] {strides = array<i32>} : memref<26x128xi32, #tpu.memory_space<vmem>>, vector<1x16xi32>,
    %get3A_2941 = vector.shape_cast %get3A_2940 : vector<1x16xi32> to vector<16xi32>
    %add3A_2942 = arith.constant 2500000 : i32
    %add3A_2943 = vector.broadcast %add3A_2942 : i32 to vector<16xi32>
    %add3A_2944 = arith.addi %get3A_2941, %add3A_2943 : vector<16xi32>
    %swap3A_2945 = arith.constant 25 : i32
    %swap3A_2946 = arith.index_cast %swap3A_2945 : i32 to index
    %swap3A_2947 = arith.constant 16 : index
    %swap3A_2948 = tpu.vector_load %arg5[%swap3A_2946, %swap3A_2947] {strides = array<i32>} : memref<26x128xi32, #tpu.memory_space<vmem>>, vector<1x16xi32>,
    %swap3A_2949 = vector.shape_cast %swap3A_2948 : vector<1x16xi32> to vector<16xi32>
    %swap3A_2950 = vector.shape_cast %add3A_2944 : vector<16xi32> to vector<1x16xi32>
    tpu.vector_store %arg5[%swap3A_2946, %swap3A_2947], %swap3A_2950 {strides = array<i32>} : memref<26x128xi32, #tpu.memory_space<vmem>>, vector<1x16xi32>,
    %get3A_2951 = arith.constant 25 : i32
    %get3A_2952 = arith.index_cast %get3A_2951 : i32 to index
    %get3A_2953 = arith.constant 32 : index
    %get3A_2954 = tpu.vector_load %arg5[%get3A_2952, %get3A_2953] {strides = array<i32>} : memref<26x128xi32, #tpu.memory_space<vmem>>, vector<1x16xi32>,
    %get3A_2955 = vector.shape_cast %get3A_2954 : vector<1x16xi32> to vector<16xi32>
    %add3A_2956 = arith.constant 2500000 : i32
    %add3A_2957 = vector.broadcast %add3A_2956 : i32 to vector<16xi32>
    %add3A_2958 = arith.addi %get3A_2955, %add3A_2957 : vector<16xi32>
    %swap3A_2959 = arith.constant 25 : i32
    %swap3A_2960 = arith.index_cast %swap3A_2959 : i32 to index
    %swap3A_2961 = arith.constant 32 : index
    %swap3A_2962 = tpu.vector_load %arg5[%swap3A_2960, %swap3A_2961] {strides = array<i32>} : memref<26x128xi32, #tpu.memory_space<vmem>>, vector<1x16xi32>,
    %swap3A_2963 = vector.shape_cast %swap3A_2962 : vector<1x16xi32> to vector<16xi32>
    %swap3A_2964 = vector.shape_cast %add3A_2958 : vector<16xi32> to vector<1x16xi32>
    tpu.vector_store %arg5[%swap3A_2960, %swap3A_2961], %swap3A_2964 {strides = array<i32>} : memref<26x128xi32, #tpu.memory_space<vmem>>, vector<1x16xi32>,
    %get3A_2965 = arith.constant 25 : i32
    %get3A_2966 = arith.index_cast %get3A_2965 : i32 to index
    %get3A_2967 = arith.constant 48 : index
    %get3A_2968 = tpu.vector_load %arg5[%get3A_2966, %get3A_2967] {strides = array<i32>} : memref<26x128xi32, #tpu.memory_space<vmem>>, vector<1x16xi32>,
    %get3A_2969 = vector.shape_cast %get3A_2968 : vector<1x16xi32> to vector<16xi32>
    %add3A_2970 = arith.constant 2500000 : i32
    %add3A_2971 = vector.broadcast %add3A_2970 : i32 to vector<16xi32>
    %add3A_2972 = arith.addi %get3A_2969, %add3A_2971 : vector<16xi32>
    %swap3A_2973 = arith.constant 25 : i32
    %swap3A_2974 = arith.index_cast %swap3A_2973 : i32 to index
    %swap3A_2975 = arith.constant 48 : index
    %swap3A_2976 = tpu.vector_load %arg5[%swap3A_2974, %swap3A_2975] {strides = array<i32>} : memref<26x128xi32, #tpu.memory_space<vmem>>, vector<1x16xi32>,
    %swap3A_2977 = vector.shape_cast %swap3A_2976 : vector<1x16xi32> to vector<16xi32>
    %swap3A_2978 = vector.shape_cast %add3A_2972 : vector<16xi32> to vector<1x16xi32>
    tpu.vector_store %arg5[%swap3A_2974, %swap3A_2975], %swap3A_2978 {strides = array<i32>} : memref<26x128xi32, #tpu.memory_space<vmem>>, vector<1x16xi32>,
    %get3A_2979 = arith.constant 25 : i32
    %get3A_2980 = arith.index_cast %get3A_2979 : i32 to index
    %get3A_2981 = arith.constant 64 : index
    %get3A_2982 = tpu.vector_load %arg5[%get3A_2980, %get3A_2981] {strides = array<i32>} : memref<26x128xi32, #tpu.memory_space<vmem>>, vector<1x16xi32>,
    %get3A_2983 = vector.shape_cast %get3A_2982 : vector<1x16xi32> to vector<16xi32>
    %add3A_2984 = arith.constant 2500000 : i32
    %add3A_2985 = vector.broadcast %add3A_2984 : i32 to vector<16xi32>
    %add3A_2986 = arith.addi %get3A_2983, %add3A_2985 : vector<16xi32>
    %swap3A_2987 = arith.constant 25 : i32
    %swap3A_2988 = arith.index_cast %swap3A_2987 : i32 to index
    %swap3A_2989 = arith.constant 64 : index
    %swap3A_2990 = tpu.vector_load %arg5[%swap3A_2988, %swap3A_2989] {strides = array<i32>} : memref<26x128xi32, #tpu.memory_space<vmem>>, vector<1x16xi32>,
    %swap3A_2991 = vector.shape_cast %swap3A_2990 : vector<1x16xi32> to vector<16xi32>
    %swap3A_2992 = vector.shape_cast %add3A_2986 : vector<16xi32> to vector<1x16xi32>
    tpu.vector_store %arg5[%swap3A_2988, %swap3A_2989], %swap3A_2992 {strides = array<i32>} : memref<26x128xi32, #tpu.memory_space<vmem>>, vector<1x16xi32>,
    %get3A_2993 = arith.constant 25 : i32
    %get3A_2994 = arith.index_cast %get3A_2993 : i32 to index
    %get3A_2995 = arith.constant 80 : index
    %get3A_2996 = tpu.vector_load %arg5[%get3A_2994, %get3A_2995] {strides = array<i32>} : memref<26x128xi32, #tpu.memory_space<vmem>>, vector<1x16xi32>,
    %get3A_2997 = vector.shape_cast %get3A_2996 : vector<1x16xi32> to vector<16xi32>
    %add3A_2998 = arith.constant 2500000 : i32
    %add3A_2999 = vector.broadcast %add3A_2998 : i32 to vector<16xi32>
    %add3A_3000 = arith.addi %get3A_2997, %add3A_2999 : vector<16xi32>
    %swap3A_3001 = arith.constant 25 : i32
    %swap3A_3002 = arith.index_cast %swap3A_3001 : i32 to index
    %swap3A_3003 = arith.constant 80 : index
    %swap3A_3004 = tpu.vector_load %arg5[%swap3A_3002, %swap3A_3003] {strides = array<i32>} : memref<26x128xi32, #tpu.memory_space<vmem>>, vector<1x16xi32>,
    %swap3A_3005 = vector.shape_cast %swap3A_3004 : vector<1x16xi32> to vector<16xi32>
    %swap3A_3006 = vector.shape_cast %add3A_3000 : vector<16xi32> to vector<1x16xi32>
    tpu.vector_store %arg5[%swap3A_3002, %swap3A_3003], %swap3A_3006 {strides = array<i32>} : memref<26x128xi32, #tpu.memory_space<vmem>>, vector<1x16xi32>,
    %get3A_3007 = arith.constant 25 : i32
    %get3A_3008 = arith.index_cast %get3A_3007 : i32 to index
    %get3A_3009 = arith.constant 96 : index
    %get3A_3010 = tpu.vector_load %arg5[%get3A_3008, %get3A_3009] {strides = array<i32>} : memref<26x128xi32, #tpu.memory_space<vmem>>, vector<1x16xi32>,
    %get3A_3011 = vector.shape_cast %get3A_3010 : vector<1x16xi32> to vector<16xi32>
    %add3A_3012 = arith.constant 2500000 : i32
    %add3A_3013 = vector.broadcast %add3A_3012 : i32 to vector<16xi32>
    %add3A_3014 = arith.addi %get3A_3011, %add3A_3013 : vector<16xi32>
    %swap3A_3015 = arith.constant 25 : i32
    %swap3A_3016 = arith.index_cast %swap3A_3015 : i32 to index
    %swap3A_3017 = arith.constant 96 : index
    %swap3A_3018 = tpu.vector_load %arg5[%swap3A_3016, %swap3A_3017] {strides = array<i32>} : memref<26x128xi32, #tpu.memory_space<vmem>>, vector<1x16xi32>,
    %swap3A_3019 = vector.shape_cast %swap3A_3018 : vector<1x16xi32> to vector<16xi32>
    %swap3A_3020 = vector.shape_cast %add3A_3014 : vector<16xi32> to vector<1x16xi32>
    tpu.vector_store %arg5[%swap3A_3016, %swap3A_3017], %swap3A_3020 {strides = array<i32>} : memref<26x128xi32, #tpu.memory_space<vmem>>, vector<1x16xi32>,
    %get3A_3021 = arith.constant 25 : i32
    %get3A_3022 = arith.index_cast %get3A_3021 : i32 to index
    %get3A_3023 = arith.constant 112 : index
    %get3A_3024 = tpu.vector_load %arg5[%get3A_3022, %get3A_3023] {strides = array<i32>} : memref<26x128xi32, #tpu.memory_space<vmem>>, vector<1x16xi32>,
    %get3A_3025 = vector.shape_cast %get3A_3024 : vector<1x16xi32> to vector<16xi32>
    %add3A_3026 = arith.constant 2500000 : i32
    %add3A_3027 = vector.broadcast %add3A_3026 : i32 to vector<16xi32>
    %add3A_3028 = arith.addi %get3A_3025, %add3A_3027 : vector<16xi32>
    %swap3A_3029 = arith.constant 25 : i32
    %swap3A_3030 = arith.index_cast %swap3A_3029 : i32 to index
    %swap3A_3031 = arith.constant 112 : index
    %swap3A_3032 = tpu.vector_load %arg5[%swap3A_3030, %swap3A_3031] {strides = array<i32>} : memref<26x128xi32, #tpu.memory_space<vmem>>, vector<1x16xi32>,
    %swap3A_3033 = vector.shape_cast %swap3A_3032 : vector<1x16xi32> to vector<16xi32>
    %swap3A_3034 = vector.shape_cast %add3A_3028 : vector<16xi32> to vector<1x16xi32>
    tpu.vector_store %arg5[%swap3A_3030, %swap3A_3031], %swap3A_3034 {strides = array<i32>} : memref<26x128xi32, #tpu.memory_space<vmem>>, vector<1x16xi32>,
    %dma_wait3A_3035 = arith.constant 0 : i32
    %dma_wait3A_3036 = arith.constant 0 : i32
    %dma_wait3A_3037 = arith.constant 0 : i32
    %dma_wait3A_3038 = arith.constant 0 : i32
    %dma_wait3A_3039 = tpu.memref_slice %arg6[%dma_wait3A_3036, %dma_wait3A_3037, %dma_wait3A_3038] : memref<7x128x128xf32, #tpu.memory_space<vmem>> -> memref<1x128x128xf32, #tpu.memory_space<vmem>>
    %dma_wait3A_3040 = tpu.memref_squeeze %dma_wait3A_3039 : memref<1x128x128xf32, #tpu.memory_space<vmem>> -> memref<128x128xf32, #tpu.memory_space<vmem>>
    %dma_wait3A_3041 = arith.constant 0 : i32
    %dma_wait3A_3042 = tpu.memref_slice %arg5[%dma_wait3A_3035, %dma_wait3A_3041] : memref<26x128xi32, #tpu.memory_space<vmem>> -> memref<1x128xi32, #tpu.memory_space<vmem>>
    %dma_wait3A_3043 = tpu.memref_squeeze %dma_wait3A_3042 : memref<1x128xi32, #tpu.memory_space<vmem>> -> memref<128xi32, #tpu.memory_space<vmem>>
    %dma_wait3A_3044 = arith.constant 0 : i32
    %dma_wait3A_3045 = arith.constant 0 : i32
    %dma_wait3A_3046 = tpu.memref_slice %arg3[%dma_wait3A_3044, %dma_wait3A_3045] : memref<2600000x128xf32, #tpu.memory_space<hbm>> -> memref<2600000x128xf32, #tpu.memory_space<hbm>>
    tpu.wait_indirect_dma semaphore(%arg7 : memref<!tpu.dma_semaphore, #tpu.memory_space<semaphore_mem>>) src(%dma_wait3A_3046 : memref<2600000x128xf32, #tpu.memory_space<hbm>>) dst(%dma_wait3A_3040 : memref<128x128xf32, #tpu.memory_space<vmem>>)
    %dma_start3A_3047 = arith.constant 0 : i32
    %dma_start3A_3048 = arith.constant 0 : i32
    %dma_start3A_3049 = arith.constant 0 : i32
    %dma_start3A_3050 = arith.constant 0 : i32
    %dma_start3A_3051 = tpu.memref_slice %arg6[%dma_start3A_3047, %dma_start3A_3049, %dma_start3A_3050] : memref<7x128x128xf32, #tpu.memory_space<vmem>> -> memref<1x128x128xf32, #tpu.memory_space<vmem>>
    %dma_start3A_3052 = tpu.memref_squeeze %dma_start3A_3051 : memref<1x128x128xf32, #tpu.memory_space<vmem>> -> memref<128x128xf32, #tpu.memory_space<vmem>>
    %dma_start3A_3053 = arith.constant 0 : i32
    %dma_start3A_3054 = tpu.memref_slice %arg4[%dma_start3A_3048, %mul3A_2, %dma_start3A_3053] : memref<26x4096x128xf32, #tpu.memory_space<hbm>> -> memref<1x128x128xf32, #tpu.memory_space<hbm>>
    %dma_start3A_3055 = tpu.memref_squeeze %dma_start3A_3054 : memref<1x128x128xf32, #tpu.memory_space<hbm>> -> memref<128x128xf32, #tpu.memory_space<hbm>>
    %dma_start3A_3056 = arith.constant 0 : i32
    %dma_start3A_3057 = tpu.memref_slice %arg4[%dma_start3A_3048, %mul3A_2, %dma_start3A_3056] : memref<26x4096x128xf32, #tpu.memory_space<hbm>> -> memref<1x128x128xf32, #tpu.memory_space<hbm>>
    %dma_start3A_3058 = tpu.memref_squeeze %dma_start3A_3057 : memref<1x128x128xf32, #tpu.memory_space<hbm>> -> memref<128x128xf32, #tpu.memory_space<hbm>>
    %dma_start3A_3059 = arith.constant 0 : i32
    %dma_start3A_3060 = arith.constant 0 : i32
    %dma_start3A_3061 = tpu.memref_slice %arg6[%dma_start3A_3047, %dma_start3A_3059, %dma_start3A_3060] : memref<7x128x128xf32, #tpu.memory_space<vmem>> -> memref<1x128x128xf32, #tpu.memory_space<vmem>>
    %dma_start3A_3062 = tpu.memref_squeeze %dma_start3A_3061 : memref<1x128x128xf32, #tpu.memory_space<vmem>> -> memref<128x128xf32, #tpu.memory_space<vmem>>
    tpu.enqueue_dma source(%dma_start3A_3062 : memref<128x128xf32, #tpu.memory_space<vmem>>) target(%dma_start3A_3058 : memref<128x128xf32, #tpu.memory_space<hbm>>) target_semaphore(%arg14 : memref<!tpu.dma_semaphore, #tpu.memory_space<semaphore_mem>>)
    %dma_wait3A_3063 = arith.constant 0 : i32
    %dma_wait3A_3064 = arith.constant 0 : i32
    %dma_wait3A_3065 = arith.constant 0 : i32
    %dma_wait3A_3066 = arith.constant 0 : i32
    %dma_wait3A_3067 = tpu.memref_slice %arg6[%dma_wait3A_3063, %dma_wait3A_3065, %dma_wait3A_3066] : memref<7x128x128xf32, #tpu.memory_space<vmem>> -> memref<1x128x128xf32, #tpu.memory_space<vmem>>
    %dma_wait3A_3068 = tpu.memref_squeeze %dma_wait3A_3067 : memref<1x128x128xf32, #tpu.memory_space<vmem>> -> memref<128x128xf32, #tpu.memory_space<vmem>>
    %dma_wait3A_3069 = arith.constant 0 : i32
    %dma_wait3A_3070 = tpu.memref_slice %arg4[%dma_wait3A_3064, %mul3A_2, %dma_wait3A_3069] : memref<26x4096x128xf32, #tpu.memory_space<hbm>> -> memref<1x128x128xf32, #tpu.memory_space<hbm>>
    %dma_wait3A_3071 = tpu.memref_squeeze %dma_wait3A_3070 : memref<1x128x128xf32, #tpu.memory_space<hbm>> -> memref<128x128xf32, #tpu.memory_space<hbm>>
    %dma_wait3A_3072 = arith.constant 0 : i32
    %dma_wait3A_3073 = tpu.memref_slice %arg4[%dma_wait3A_3064, %mul3A_2, %dma_wait3A_3072] : memref<26x4096x128xf32, #tpu.memory_space<hbm>> -> memref<1x128x128xf32, #tpu.memory_space<hbm>>
    %dma_wait3A_3074 = tpu.memref_squeeze %dma_wait3A_3073 : memref<1x128x128xf32, #tpu.memory_space<hbm>> -> memref<128x128xf32, #tpu.memory_space<hbm>>
    %dma_wait3A_3075 = arith.constant 0 : i32
    %dma_wait3A_3076 = arith.constant 0 : i32
    %dma_wait3A_3077 = tpu.memref_slice %arg6[%dma_wait3A_3063, %dma_wait3A_3075, %dma_wait3A_3076] : memref<7x128x128xf32, #tpu.memory_space<vmem>> -> memref<1x128x128xf32, #tpu.memory_space<vmem>>
    %dma_wait3A_3078 = tpu.memref_squeeze %dma_wait3A_3077 : memref<1x128x128xf32, #tpu.memory_space<vmem>> -> memref<128x128xf32, #tpu.memory_space<vmem>>
    tpu.wait_dma2 semaphore(%arg14 : memref<!tpu.dma_semaphore, #tpu.memory_space<semaphore_mem>>) src(%dma_wait3A_3078 : memref<128x128xf32, #tpu.memory_space<vmem>>) dst(%dma_wait3A_3074 : memref<128x128xf32, #tpu.memory_space<hbm>>)
    %dma_start3A_3079 = arith.constant 7 : i32
    %dma_start3A_3080 = arith.constant 0 : i32
    %dma_start3A_3081 = arith.constant 0 : i32
    %dma_start3A_3082 = arith.constant 0 : i32
    %dma_start3A_3083 = tpu.memref_slice %arg6[%dma_start3A_3080, %dma_start3A_3081, %dma_start3A_3082] : memref<7x128x128xf32, #tpu.memory_space<vmem>> -> memref<1x128x128xf32, #tpu.memory_space<vmem>>
    %dma_start3A_3084 = tpu.memref_squeeze %dma_start3A_3083 : memref<1x128x128xf32, #tpu.memory_space<vmem>> -> memref<128x128xf32, #tpu.memory_space<vmem>>
    %dma_start3A_3085 = arith.constant 0 : i32
    %dma_start3A_3086 = tpu.memref_slice %arg5[%dma_start3A_3079, %dma_start3A_3085] : memref<26x128xi32, #tpu.memory_space<vmem>> -> memref<1x128xi32, #tpu.memory_space<vmem>>
    %dma_start3A_3087 = tpu.memref_squeeze %dma_start3A_3086 : memref<1x128xi32, #tpu.memory_space<vmem>> -> memref<128xi32, #tpu.memory_space<vmem>>
    %dma_start3A_3088 = arith.constant 0 : i32
    %dma_start3A_3089 = arith.constant 0 : i32
    %dma_start3A_3090 = tpu.memref_slice %arg3[%dma_start3A_3088, %dma_start3A_3089] : memref<2600000x128xf32, #tpu.memory_space<hbm>> -> memref<2600000x128xf32, #tpu.memory_space<hbm>>
    tpu.enqueue_indirect_dma source(%dma_start3A_3090 : memref<2600000x128xf32, #tpu.memory_space<hbm>>) target(%dma_start3A_3084 : memref<128x128xf32, #tpu.memory_space<vmem>>) offsets(%dma_start3A_3087 : memref<128xi32, #tpu.memory_space<vmem>>) semaphore(%arg7 : memref<!tpu.dma_semaphore, #tpu.memory_space<semaphore_mem>>)
    %dma_wait3A_3091 = arith.constant 1 : i32
    %dma_wait3A_3092 = arith.constant 1 : i32
    %dma_wait3A_3093 = arith.constant 0 : i32
    %dma_wait3A_3094 = arith.constant 0 : i32
    %dma_wait3A_3095 = tpu.memref_slice %arg6[%dma_wait3A_3092, %dma_wait3A_3093, %dma_wait3A_3094] : memref<7x128x128xf32, #tpu.memory_space<vmem>> -> memref<1x128x128xf32, #tpu.memory_space<vmem>>
    %dma_wait3A_3096 = tpu.memref_squeeze %dma_wait3A_3095 : memref<1x128x128xf32, #tpu.memory_space<vmem>> -> memref<128x128xf32, #tpu.memory_space<vmem>>
    %dma_wait3A_3097 = arith.constant 0 : i32
    %dma_wait3A_3098 = tpu.memref_slice %arg5[%dma_wait3A_3091, %dma_wait3A_3097] : memref<26x128xi32, #tpu.memory_space<vmem>> -> memref<1x128xi32, #tpu.memory_space<vmem>>
    %dma_wait3A_3099 = tpu.memref_squeeze %dma_wait3A_3098 : memref<1x128xi32, #tpu.memory_space<vmem>> -> memref<128xi32, #tpu.memory_space<vmem>>
    %dma_wait3A_3100 = arith.constant 0 : i32
    %dma_wait3A_3101 = arith.constant 0 : i32
    %dma_wait3A_3102 = tpu.memref_slice %arg3[%dma_wait3A_3100, %dma_wait3A_3101] : memref<2600000x128xf32, #tpu.memory_space<hbm>> -> memref<2600000x128xf32, #tpu.memory_space<hbm>>
    tpu.wait_indirect_dma semaphore(%arg8 : memref<!tpu.dma_semaphore, #tpu.memory_space<semaphore_mem>>) src(%dma_wait3A_3102 : memref<2600000x128xf32, #tpu.memory_space<hbm>>) dst(%dma_wait3A_3096 : memref<128x128xf32, #tpu.memory_space<vmem>>)
    %dma_start3A_3103 = arith.constant 1 : i32
    %dma_start3A_3104 = arith.constant 1 : i32
    %dma_start3A_3105 = arith.constant 0 : i32
    %dma_start3A_3106 = arith.constant 0 : i32
    %dma_start3A_3107 = tpu.memref_slice %arg6[%dma_start3A_3103, %dma_start3A_3105, %dma_start3A_3106] : memref<7x128x128xf32, #tpu.memory_space<vmem>> -> memref<1x128x128xf32, #tpu.memory_space<vmem>>
    %dma_start3A_3108 = tpu.memref_squeeze %dma_start3A_3107 : memref<1x128x128xf32, #tpu.memory_space<vmem>> -> memref<128x128xf32, #tpu.memory_space<vmem>>
    %dma_start3A_3109 = arith.constant 0 : i32
    %dma_start3A_3110 = tpu.memref_slice %arg4[%dma_start3A_3104, %mul3A_2, %dma_start3A_3109] : memref<26x4096x128xf32, #tpu.memory_space<hbm>> -> memref<1x128x128xf32, #tpu.memory_space<hbm>>
    %dma_start3A_3111 = tpu.memref_squeeze %dma_start3A_3110 : memref<1x128x128xf32, #tpu.memory_space<hbm>> -> memref<128x128xf32, #tpu.memory_space<hbm>>
    %dma_start3A_3112 = arith.constant 0 : i32
    %dma_start3A_3113 = tpu.memref_slice %arg4[%dma_start3A_3104, %mul3A_2, %dma_start3A_3112] : memref<26x4096x128xf32, #tpu.memory_space<hbm>> -> memref<1x128x128xf32, #tpu.memory_space<hbm>>
    %dma_start3A_3114 = tpu.memref_squeeze %dma_start3A_3113 : memref<1x128x128xf32, #tpu.memory_space<hbm>> -> memref<128x128xf32, #tpu.memory_space<hbm>>
    %dma_start3A_3115 = arith.constant 0 : i32
    %dma_start3A_3116 = arith.constant 0 : i32
    %dma_start3A_3117 = tpu.memref_slice %arg6[%dma_start3A_3103, %dma_start3A_3115, %dma_start3A_3116] : memref<7x128x128xf32, #tpu.memory_space<vmem>> -> memref<1x128x128xf32, #tpu.memory_space<vmem>>
    %dma_start3A_3118 = tpu.memref_squeeze %dma_start3A_3117 : memref<1x128x128xf32, #tpu.memory_space<vmem>> -> memref<128x128xf32, #tpu.memory_space<vmem>>
    tpu.enqueue_dma source(%dma_start3A_3118 : memref<128x128xf32, #tpu.memory_space<vmem>>) target(%dma_start3A_3114 : memref<128x128xf32, #tpu.memory_space<hbm>>) target_semaphore(%arg15 : memref<!tpu.dma_semaphore, #tpu.memory_space<semaphore_mem>>)
    %dma_wait3A_3119 = arith.constant 1 : i32
    %dma_wait3A_3120 = arith.constant 1 : i32
    %dma_wait3A_3121 = arith.constant 0 : i32
    %dma_wait3A_3122 = arith.constant 0 : i32
    %dma_wait3A_3123 = tpu.memref_slice %arg6[%dma_wait3A_3119, %dma_wait3A_3121, %dma_wait3A_3122] : memref<7x128x128xf32, #tpu.memory_space<vmem>> -> memref<1x128x128xf32, #tpu.memory_space<vmem>>
    %dma_wait3A_3124 = tpu.memref_squeeze %dma_wait3A_3123 : memref<1x128x128xf32, #tpu.memory_space<vmem>> -> memref<128x128xf32, #tpu.memory_space<vmem>>
    %dma_wait3A_3125 = arith.constant 0 : i32
    %dma_wait3A_3126 = tpu.memref_slice %arg4[%dma_wait3A_3120, %mul3A_2, %dma_wait3A_3125] : memref<26x4096x128xf32, #tpu.memory_space<hbm>> -> memref<1x128x128xf32, #tpu.memory_space<hbm>>
    %dma_wait3A_3127 = tpu.memref_squeeze %dma_wait3A_3126 : memref<1x128x128xf32, #tpu.memory_space<hbm>> -> memref<128x128xf32, #tpu.memory_space<hbm>>
    %dma_wait3A_3128 = arith.constant 0 : i32
    %dma_wait3A_3129 = tpu.memref_slice %arg4[%dma_wait3A_3120, %mul3A_2, %dma_wait3A_3128] : memref<26x4096x128xf32, #tpu.memory_space<hbm>> -> memref<1x128x128xf32, #tpu.memory_space<hbm>>
    %dma_wait3A_3130 = tpu.memref_squeeze %dma_wait3A_3129 : memref<1x128x128xf32, #tpu.memory_space<hbm>> -> memref<128x128xf32, #tpu.memory_space<hbm>>
    %dma_wait3A_3131 = arith.constant 0 : i32
    %dma_wait3A_3132 = arith.constant 0 : i32
    %dma_wait3A_3133 = tpu.memref_slice %arg6[%dma_wait3A_3119, %dma_wait3A_3131, %dma_wait3A_3132] : memref<7x128x128xf32, #tpu.memory_space<vmem>> -> memref<1x128x128xf32, #tpu.memory_space<vmem>>
    %dma_wait3A_3134 = tpu.memref_squeeze %dma_wait3A_3133 : memref<1x128x128xf32, #tpu.memory_space<vmem>> -> memref<128x128xf32, #tpu.memory_space<vmem>>
    tpu.wait_dma2 semaphore(%arg15 : memref<!tpu.dma_semaphore, #tpu.memory_space<semaphore_mem>>) src(%dma_wait3A_3134 : memref<128x128xf32, #tpu.memory_space<vmem>>) dst(%dma_wait3A_3130 : memref<128x128xf32, #tpu.memory_space<hbm>>)
    %dma_start3A_3135 = arith.constant 8 : i32
    %dma_start3A_3136 = arith.constant 1 : i32
    %dma_start3A_3137 = arith.constant 0 : i32
    %dma_start3A_3138 = arith.constant 0 : i32
    %dma_start3A_3139 = tpu.memref_slice %arg6[%dma_start3A_3136, %dma_start3A_3137, %dma_start3A_3138] : memref<7x128x128xf32, #tpu.memory_space<vmem>> -> memref<1x128x128xf32, #tpu.memory_space<vmem>>
    %dma_start3A_3140 = tpu.memref_squeeze %dma_start3A_3139 : memref<1x128x128xf32, #tpu.memory_space<vmem>> -> memref<128x128xf32, #tpu.memory_space<vmem>>
    %dma_start3A_3141 = arith.constant 0 : i32
    %dma_start3A_3142 = tpu.memref_slice %arg5[%dma_start3A_3135, %dma_start3A_3141] : memref<26x128xi32, #tpu.memory_space<vmem>> -> memref<1x128xi32, #tpu.memory_space<vmem>>
    %dma_start3A_3143 = tpu.memref_squeeze %dma_start3A_3142 : memref<1x128xi32, #tpu.memory_space<vmem>> -> memref<128xi32, #tpu.memory_space<vmem>>
    %dma_start3A_3144 = arith.constant 0 : i32
    %dma_start3A_3145 = arith.constant 0 : i32
    %dma_start3A_3146 = tpu.memref_slice %arg3[%dma_start3A_3144, %dma_start3A_3145] : memref<2600000x128xf32, #tpu.memory_space<hbm>> -> memref<2600000x128xf32, #tpu.memory_space<hbm>>
    tpu.enqueue_indirect_dma source(%dma_start3A_3146 : memref<2600000x128xf32, #tpu.memory_space<hbm>>) target(%dma_start3A_3140 : memref<128x128xf32, #tpu.memory_space<vmem>>) offsets(%dma_start3A_3143 : memref<128xi32, #tpu.memory_space<vmem>>) semaphore(%arg8 : memref<!tpu.dma_semaphore, #tpu.memory_space<semaphore_mem>>)
    %dma_wait3A_3147 = arith.constant 2 : i32
    %dma_wait3A_3148 = arith.constant 2 : i32
    %dma_wait3A_3149 = arith.constant 0 : i32
    %dma_wait3A_3150 = arith.constant 0 : i32
    %dma_wait3A_3151 = tpu.memref_slice %arg6[%dma_wait3A_3148, %dma_wait3A_3149, %dma_wait3A_3150] : memref<7x128x128xf32, #tpu.memory_space<vmem>> -> memref<1x128x128xf32, #tpu.memory_space<vmem>>
    %dma_wait3A_3152 = tpu.memref_squeeze %dma_wait3A_3151 : memref<1x128x128xf32, #tpu.memory_space<vmem>> -> memref<128x128xf32, #tpu.memory_space<vmem>>
    %dma_wait3A_3153 = arith.constant 0 : i32
    %dma_wait3A_3154 = tpu.memref_slice %arg5[%dma_wait3A_3147, %dma_wait3A_3153] : memref<26x128xi32, #tpu.memory_space<vmem>> -> memref<1x128xi32, #tpu.memory_space<vmem>>
    %dma_wait3A_3155 = tpu.memref_squeeze %dma_wait3A_3154 : memref<1x128xi32, #tpu.memory_space<vmem>> -> memref<128xi32, #tpu.memory_space<vmem>>
    %dma_wait3A_3156 = arith.constant 0 : i32
    %dma_wait3A_3157 = arith.constant 0 : i32
    %dma_wait3A_3158 = tpu.memref_slice %arg3[%dma_wait3A_3156, %dma_wait3A_3157] : memref<2600000x128xf32, #tpu.memory_space<hbm>> -> memref<2600000x128xf32, #tpu.memory_space<hbm>>
    tpu.wait_indirect_dma semaphore(%arg9 : memref<!tpu.dma_semaphore, #tpu.memory_space<semaphore_mem>>) src(%dma_wait3A_3158 : memref<2600000x128xf32, #tpu.memory_space<hbm>>) dst(%dma_wait3A_3152 : memref<128x128xf32, #tpu.memory_space<vmem>>)
    %dma_start3A_3159 = arith.constant 2 : i32
    %dma_start3A_3160 = arith.constant 2 : i32
    %dma_start3A_3161 = arith.constant 0 : i32
    %dma_start3A_3162 = arith.constant 0 : i32
    %dma_start3A_3163 = tpu.memref_slice %arg6[%dma_start3A_3159, %dma_start3A_3161, %dma_start3A_3162] : memref<7x128x128xf32, #tpu.memory_space<vmem>> -> memref<1x128x128xf32, #tpu.memory_space<vmem>>
    %dma_start3A_3164 = tpu.memref_squeeze %dma_start3A_3163 : memref<1x128x128xf32, #tpu.memory_space<vmem>> -> memref<128x128xf32, #tpu.memory_space<vmem>>
    %dma_start3A_3165 = arith.constant 0 : i32
    %dma_start3A_3166 = tpu.memref_slice %arg4[%dma_start3A_3160, %mul3A_2, %dma_start3A_3165] : memref<26x4096x128xf32, #tpu.memory_space<hbm>> -> memref<1x128x128xf32, #tpu.memory_space<hbm>>
    %dma_start3A_3167 = tpu.memref_squeeze %dma_start3A_3166 : memref<1x128x128xf32, #tpu.memory_space<hbm>> -> memref<128x128xf32, #tpu.memory_space<hbm>>
    %dma_start3A_3168 = arith.constant 0 : i32
    %dma_start3A_3169 = tpu.memref_slice %arg4[%dma_start3A_3160, %mul3A_2, %dma_start3A_3168] : memref<26x4096x128xf32, #tpu.memory_space<hbm>> -> memref<1x128x128xf32, #tpu.memory_space<hbm>>
    %dma_start3A_3170 = tpu.memref_squeeze %dma_start3A_3169 : memref<1x128x128xf32, #tpu.memory_space<hbm>> -> memref<128x128xf32, #tpu.memory_space<hbm>>
    %dma_start3A_3171 = arith.constant 0 : i32
    %dma_start3A_3172 = arith.constant 0 : i32
    %dma_start3A_3173 = tpu.memref_slice %arg6[%dma_start3A_3159, %dma_start3A_3171, %dma_start3A_3172] : memref<7x128x128xf32, #tpu.memory_space<vmem>> -> memref<1x128x128xf32, #tpu.memory_space<vmem>>
    %dma_start3A_3174 = tpu.memref_squeeze %dma_start3A_3173 : memref<1x128x128xf32, #tpu.memory_space<vmem>> -> memref<128x128xf32, #tpu.memory_space<vmem>>
    tpu.enqueue_dma source(%dma_start3A_3174 : memref<128x128xf32, #tpu.memory_space<vmem>>) target(%dma_start3A_3170 : memref<128x128xf32, #tpu.memory_space<hbm>>) target_semaphore(%arg16 : memref<!tpu.dma_semaphore, #tpu.memory_space<semaphore_mem>>)
    %dma_wait3A_3175 = arith.constant 2 : i32
    %dma_wait3A_3176 = arith.constant 2 : i32
    %dma_wait3A_3177 = arith.constant 0 : i32
    %dma_wait3A_3178 = arith.constant 0 : i32
    %dma_wait3A_3179 = tpu.memref_slice %arg6[%dma_wait3A_3175, %dma_wait3A_3177, %dma_wait3A_3178] : memref<7x128x128xf32, #tpu.memory_space<vmem>> -> memref<1x128x128xf32, #tpu.memory_space<vmem>>
    %dma_wait3A_3180 = tpu.memref_squeeze %dma_wait3A_3179 : memref<1x128x128xf32, #tpu.memory_space<vmem>> -> memref<128x128xf32, #tpu.memory_space<vmem>>
    %dma_wait3A_3181 = arith.constant 0 : i32
    %dma_wait3A_3182 = tpu.memref_slice %arg4[%dma_wait3A_3176, %mul3A_2, %dma_wait3A_3181] : memref<26x4096x128xf32, #tpu.memory_space<hbm>> -> memref<1x128x128xf32, #tpu.memory_space<hbm>>
    %dma_wait3A_3183 = tpu.memref_squeeze %dma_wait3A_3182 : memref<1x128x128xf32, #tpu.memory_space<hbm>> -> memref<128x128xf32, #tpu.memory_space<hbm>>
    %dma_wait3A_3184 = arith.constant 0 : i32
    %dma_wait3A_3185 = tpu.memref_slice %arg4[%dma_wait3A_3176, %mul3A_2, %dma_wait3A_3184] : memref<26x4096x128xf32, #tpu.memory_space<hbm>> -> memref<1x128x128xf32, #tpu.memory_space<hbm>>
    %dma_wait3A_3186 = tpu.memref_squeeze %dma_wait3A_3185 : memref<1x128x128xf32, #tpu.memory_space<hbm>> -> memref<128x128xf32, #tpu.memory_space<hbm>>
    %dma_wait3A_3187 = arith.constant 0 : i32
    %dma_wait3A_3188 = arith.constant 0 : i32
    %dma_wait3A_3189 = tpu.memref_slice %arg6[%dma_wait3A_3175, %dma_wait3A_3187, %dma_wait3A_3188] : memref<7x128x128xf32, #tpu.memory_space<vmem>> -> memref<1x128x128xf32, #tpu.memory_space<vmem>>
    %dma_wait3A_3190 = tpu.memref_squeeze %dma_wait3A_3189 : memref<1x128x128xf32, #tpu.memory_space<vmem>> -> memref<128x128xf32, #tpu.memory_space<vmem>>
    tpu.wait_dma2 semaphore(%arg16 : memref<!tpu.dma_semaphore, #tpu.memory_space<semaphore_mem>>) src(%dma_wait3A_3190 : memref<128x128xf32, #tpu.memory_space<vmem>>) dst(%dma_wait3A_3186 : memref<128x128xf32, #tpu.memory_space<hbm>>)
    %dma_start3A_3191 = arith.constant 9 : i32
    %dma_start3A_3192 = arith.constant 2 : i32
    %dma_start3A_3193 = arith.constant 0 : i32
    %dma_start3A_3194 = arith.constant 0 : i32
    %dma_start3A_3195 = tpu.memref_slice %arg6[%dma_start3A_3192, %dma_start3A_3193, %dma_start3A_3194] : memref<7x128x128xf32, #tpu.memory_space<vmem>> -> memref<1x128x128xf32, #tpu.memory_space<vmem>>
    %dma_start3A_3196 = tpu.memref_squeeze %dma_start3A_3195 : memref<1x128x128xf32, #tpu.memory_space<vmem>> -> memref<128x128xf32, #tpu.memory_space<vmem>>
    %dma_start3A_3197 = arith.constant 0 : i32
    %dma_start3A_3198 = tpu.memref_slice %arg5[%dma_start3A_3191, %dma_start3A_3197] : memref<26x128xi32, #tpu.memory_space<vmem>> -> memref<1x128xi32, #tpu.memory_space<vmem>>
    %dma_start3A_3199 = tpu.memref_squeeze %dma_start3A_3198 : memref<1x128xi32, #tpu.memory_space<vmem>> -> memref<128xi32, #tpu.memory_space<vmem>>
    %dma_start3A_3200 = arith.constant 0 : i32
    %dma_start3A_3201 = arith.constant 0 : i32
    %dma_start3A_3202 = tpu.memref_slice %arg3[%dma_start3A_3200, %dma_start3A_3201] : memref<2600000x128xf32, #tpu.memory_space<hbm>> -> memref<2600000x128xf32, #tpu.memory_space<hbm>>
    tpu.enqueue_indirect_dma source(%dma_start3A_3202 : memref<2600000x128xf32, #tpu.memory_space<hbm>>) target(%dma_start3A_3196 : memref<128x128xf32, #tpu.memory_space<vmem>>) offsets(%dma_start3A_3199 : memref<128xi32, #tpu.memory_space<vmem>>) semaphore(%arg9 : memref<!tpu.dma_semaphore, #tpu.memory_space<semaphore_mem>>)
    %dma_wait3A_3203 = arith.constant 3 : i32
    %dma_wait3A_3204 = arith.constant 3 : i32
    %dma_wait3A_3205 = arith.constant 0 : i32
    %dma_wait3A_3206 = arith.constant 0 : i32
    %dma_wait3A_3207 = tpu.memref_slice %arg6[%dma_wait3A_3204, %dma_wait3A_3205, %dma_wait3A_3206] : memref<7x128x128xf32, #tpu.memory_space<vmem>> -> memref<1x128x128xf32, #tpu.memory_space<vmem>>
    %dma_wait3A_3208 = tpu.memref_squeeze %dma_wait3A_3207 : memref<1x128x128xf32, #tpu.memory_space<vmem>> -> memref<128x128xf32, #tpu.memory_space<vmem>>
    %dma_wait3A_3209 = arith.constant 0 : i32
    %dma_wait3A_3210 = tpu.memref_slice %arg5[%dma_wait3A_3203, %dma_wait3A_3209] : memref<26x128xi32, #tpu.memory_space<vmem>> -> memref<1x128xi32, #tpu.memory_space<vmem>>
    %dma_wait3A_3211 = tpu.memref_squeeze %dma_wait3A_3210 : memref<1x128xi32, #tpu.memory_space<vmem>> -> memref<128xi32, #tpu.memory_space<vmem>>
    %dma_wait3A_3212 = arith.constant 0 : i32
    %dma_wait3A_3213 = arith.constant 0 : i32
    %dma_wait3A_3214 = tpu.memref_slice %arg3[%dma_wait3A_3212, %dma_wait3A_3213] : memref<2600000x128xf32, #tpu.memory_space<hbm>> -> memref<2600000x128xf32, #tpu.memory_space<hbm>>
    tpu.wait_indirect_dma semaphore(%arg10 : memref<!tpu.dma_semaphore, #tpu.memory_space<semaphore_mem>>) src(%dma_wait3A_3214 : memref<2600000x128xf32, #tpu.memory_space<hbm>>) dst(%dma_wait3A_3208 : memref<128x128xf32, #tpu.memory_space<vmem>>)
    %dma_start3A_3215 = arith.constant 3 : i32
    %dma_start3A_3216 = arith.constant 3 : i32
    %dma_start3A_3217 = arith.constant 0 : i32
    %dma_start3A_3218 = arith.constant 0 : i32
    %dma_start3A_3219 = tpu.memref_slice %arg6[%dma_start3A_3215, %dma_start3A_3217, %dma_start3A_3218] : memref<7x128x128xf32, #tpu.memory_space<vmem>> -> memref<1x128x128xf32, #tpu.memory_space<vmem>>
    %dma_start3A_3220 = tpu.memref_squeeze %dma_start3A_3219 : memref<1x128x128xf32, #tpu.memory_space<vmem>> -> memref<128x128xf32, #tpu.memory_space<vmem>>
    %dma_start3A_3221 = arith.constant 0 : i32
    %dma_start3A_3222 = tpu.memref_slice %arg4[%dma_start3A_3216, %mul3A_2, %dma_start3A_3221] : memref<26x4096x128xf32, #tpu.memory_space<hbm>> -> memref<1x128x128xf32, #tpu.memory_space<hbm>>
    %dma_start3A_3223 = tpu.memref_squeeze %dma_start3A_3222 : memref<1x128x128xf32, #tpu.memory_space<hbm>> -> memref<128x128xf32, #tpu.memory_space<hbm>>
    %dma_start3A_3224 = arith.constant 0 : i32
    %dma_start3A_3225 = tpu.memref_slice %arg4[%dma_start3A_3216, %mul3A_2, %dma_start3A_3224] : memref<26x4096x128xf32, #tpu.memory_space<hbm>> -> memref<1x128x128xf32, #tpu.memory_space<hbm>>
    %dma_start3A_3226 = tpu.memref_squeeze %dma_start3A_3225 : memref<1x128x128xf32, #tpu.memory_space<hbm>> -> memref<128x128xf32, #tpu.memory_space<hbm>>
    %dma_start3A_3227 = arith.constant 0 : i32
    %dma_start3A_3228 = arith.constant 0 : i32
    %dma_start3A_3229 = tpu.memref_slice %arg6[%dma_start3A_3215, %dma_start3A_3227, %dma_start3A_3228] : memref<7x128x128xf32, #tpu.memory_space<vmem>> -> memref<1x128x128xf32, #tpu.memory_space<vmem>>
    %dma_start3A_3230 = tpu.memref_squeeze %dma_start3A_3229 : memref<1x128x128xf32, #tpu.memory_space<vmem>> -> memref<128x128xf32, #tpu.memory_space<vmem>>
    tpu.enqueue_dma source(%dma_start3A_3230 : memref<128x128xf32, #tpu.memory_space<vmem>>) target(%dma_start3A_3226 : memref<128x128xf32, #tpu.memory_space<hbm>>) target_semaphore(%arg17 : memref<!tpu.dma_semaphore, #tpu.memory_space<semaphore_mem>>)
    %dma_wait3A_3231 = arith.constant 3 : i32
    %dma_wait3A_3232 = arith.constant 3 : i32
    %dma_wait3A_3233 = arith.constant 0 : i32
    %dma_wait3A_3234 = arith.constant 0 : i32
    %dma_wait3A_3235 = tpu.memref_slice %arg6[%dma_wait3A_3231, %dma_wait3A_3233, %dma_wait3A_3234] : memref<7x128x128xf32, #tpu.memory_space<vmem>> -> memref<1x128x128xf32, #tpu.memory_space<vmem>>
    %dma_wait3A_3236 = tpu.memref_squeeze %dma_wait3A_3235 : memref<1x128x128xf32, #tpu.memory_space<vmem>> -> memref<128x128xf32, #tpu.memory_space<vmem>>
    %dma_wait3A_3237 = arith.constant 0 : i32
    %dma_wait3A_3238 = tpu.memref_slice %arg4[%dma_wait3A_3232, %mul3A_2, %dma_wait3A_3237] : memref<26x4096x128xf32, #tpu.memory_space<hbm>> -> memref<1x128x128xf32, #tpu.memory_space<hbm>>
    %dma_wait3A_3239 = tpu.memref_squeeze %dma_wait3A_3238 : memref<1x128x128xf32, #tpu.memory_space<hbm>> -> memref<128x128xf32, #tpu.memory_space<hbm>>
    %dma_wait3A_3240 = arith.constant 0 : i32
    %dma_wait3A_3241 = tpu.memref_slice %arg4[%dma_wait3A_3232, %mul3A_2, %dma_wait3A_3240] : memref<26x4096x128xf32, #tpu.memory_space<hbm>> -> memref<1x128x128xf32, #tpu.memory_space<hbm>>
    %dma_wait3A_3242 = tpu.memref_squeeze %dma_wait3A_3241 : memref<1x128x128xf32, #tpu.memory_space<hbm>> -> memref<128x128xf32, #tpu.memory_space<hbm>>
    %dma_wait3A_3243 = arith.constant 0 : i32
    %dma_wait3A_3244 = arith.constant 0 : i32
    %dma_wait3A_3245 = tpu.memref_slice %arg6[%dma_wait3A_3231, %dma_wait3A_3243, %dma_wait3A_3244] : memref<7x128x128xf32, #tpu.memory_space<vmem>> -> memref<1x128x128xf32, #tpu.memory_space<vmem>>
    %dma_wait3A_3246 = tpu.memref_squeeze %dma_wait3A_3245 : memref<1x128x128xf32, #tpu.memory_space<vmem>> -> memref<128x128xf32, #tpu.memory_space<vmem>>
    tpu.wait_dma2 semaphore(%arg17 : memref<!tpu.dma_semaphore, #tpu.memory_space<semaphore_mem>>) src(%dma_wait3A_3246 : memref<128x128xf32, #tpu.memory_space<vmem>>) dst(%dma_wait3A_3242 : memref<128x128xf32, #tpu.memory_space<hbm>>)
    %dma_start3A_3247 = arith.constant 10 : i32
    %dma_start3A_3248 = arith.constant 3 : i32
    %dma_start3A_3249 = arith.constant 0 : i32
    %dma_start3A_3250 = arith.constant 0 : i32
    %dma_start3A_3251 = tpu.memref_slice %arg6[%dma_start3A_3248, %dma_start3A_3249, %dma_start3A_3250] : memref<7x128x128xf32, #tpu.memory_space<vmem>> -> memref<1x128x128xf32, #tpu.memory_space<vmem>>
    %dma_start3A_3252 = tpu.memref_squeeze %dma_start3A_3251 : memref<1x128x128xf32, #tpu.memory_space<vmem>> -> memref<128x128xf32, #tpu.memory_space<vmem>>
    %dma_start3A_3253 = arith.constant 0 : i32
    %dma_start3A_3254 = tpu.memref_slice %arg5[%dma_start3A_3247, %dma_start3A_3253] : memref<26x128xi32, #tpu.memory_space<vmem>> -> memref<1x128xi32, #tpu.memory_space<vmem>>
    %dma_start3A_3255 = tpu.memref_squeeze %dma_start3A_3254 : memref<1x128xi32, #tpu.memory_space<vmem>> -> memref<128xi32, #tpu.memory_space<vmem>>
    %dma_start3A_3256 = arith.constant 0 : i32
    %dma_start3A_3257 = arith.constant 0 : i32
    %dma_start3A_3258 = tpu.memref_slice %arg3[%dma_start3A_3256, %dma_start3A_3257] : memref<2600000x128xf32, #tpu.memory_space<hbm>> -> memref<2600000x128xf32, #tpu.memory_space<hbm>>
    tpu.enqueue_indirect_dma source(%dma_start3A_3258 : memref<2600000x128xf32, #tpu.memory_space<hbm>>) target(%dma_start3A_3252 : memref<128x128xf32, #tpu.memory_space<vmem>>) offsets(%dma_start3A_3255 : memref<128xi32, #tpu.memory_space<vmem>>) semaphore(%arg10 : memref<!tpu.dma_semaphore, #tpu.memory_space<semaphore_mem>>)
    %dma_wait3A_3259 = arith.constant 4 : i32
    %dma_wait3A_3260 = arith.constant 4 : i32
    %dma_wait3A_3261 = arith.constant 0 : i32
    %dma_wait3A_3262 = arith.constant 0 : i32
    %dma_wait3A_3263 = tpu.memref_slice %arg6[%dma_wait3A_3260, %dma_wait3A_3261, %dma_wait3A_3262] : memref<7x128x128xf32, #tpu.memory_space<vmem>> -> memref<1x128x128xf32, #tpu.memory_space<vmem>>
    %dma_wait3A_3264 = tpu.memref_squeeze %dma_wait3A_3263 : memref<1x128x128xf32, #tpu.memory_space<vmem>> -> memref<128x128xf32, #tpu.memory_space<vmem>>
    %dma_wait3A_3265 = arith.constant 0 : i32
    %dma_wait3A_3266 = tpu.memref_slice %arg5[%dma_wait3A_3259, %dma_wait3A_3265] : memref<26x128xi32, #tpu.memory_space<vmem>> -> memref<1x128xi32, #tpu.memory_space<vmem>>
    %dma_wait3A_3267 = tpu.memref_squeeze %dma_wait3A_3266 : memref<1x128xi32, #tpu.memory_space<vmem>> -> memref<128xi32, #tpu.memory_space<vmem>>
    %dma_wait3A_3268 = arith.constant 0 : i32
    %dma_wait3A_3269 = arith.constant 0 : i32
    %dma_wait3A_3270 = tpu.memref_slice %arg3[%dma_wait3A_3268, %dma_wait3A_3269] : memref<2600000x128xf32, #tpu.memory_space<hbm>> -> memref<2600000x128xf32, #tpu.memory_space<hbm>>
    tpu.wait_indirect_dma semaphore(%arg11 : memref<!tpu.dma_semaphore, #tpu.memory_space<semaphore_mem>>) src(%dma_wait3A_3270 : memref<2600000x128xf32, #tpu.memory_space<hbm>>) dst(%dma_wait3A_3264 : memref<128x128xf32, #tpu.memory_space<vmem>>)
    %dma_start3A_3271 = arith.constant 4 : i32
    %dma_start3A_3272 = arith.constant 4 : i32
    %dma_start3A_3273 = arith.constant 0 : i32
    %dma_start3A_3274 = arith.constant 0 : i32
    %dma_start3A_3275 = tpu.memref_slice %arg6[%dma_start3A_3271, %dma_start3A_3273, %dma_start3A_3274] : memref<7x128x128xf32, #tpu.memory_space<vmem>> -> memref<1x128x128xf32, #tpu.memory_space<vmem>>
    %dma_start3A_3276 = tpu.memref_squeeze %dma_start3A_3275 : memref<1x128x128xf32, #tpu.memory_space<vmem>> -> memref<128x128xf32, #tpu.memory_space<vmem>>
    %dma_start3A_3277 = arith.constant 0 : i32
    %dma_start3A_3278 = tpu.memref_slice %arg4[%dma_start3A_3272, %mul3A_2, %dma_start3A_3277] : memref<26x4096x128xf32, #tpu.memory_space<hbm>> -> memref<1x128x128xf32, #tpu.memory_space<hbm>>
    %dma_start3A_3279 = tpu.memref_squeeze %dma_start3A_3278 : memref<1x128x128xf32, #tpu.memory_space<hbm>> -> memref<128x128xf32, #tpu.memory_space<hbm>>
    %dma_start3A_3280 = arith.constant 0 : i32
    %dma_start3A_3281 = tpu.memref_slice %arg4[%dma_start3A_3272, %mul3A_2, %dma_start3A_3280] : memref<26x4096x128xf32, #tpu.memory_space<hbm>> -> memref<1x128x128xf32, #tpu.memory_space<hbm>>
    %dma_start3A_3282 = tpu.memref_squeeze %dma_start3A_3281 : memref<1x128x128xf32, #tpu.memory_space<hbm>> -> memref<128x128xf32, #tpu.memory_space<hbm>>
    %dma_start3A_3283 = arith.constant 0 : i32
    %dma_start3A_3284 = arith.constant 0 : i32
    %dma_start3A_3285 = tpu.memref_slice %arg6[%dma_start3A_3271, %dma_start3A_3283, %dma_start3A_3284] : memref<7x128x128xf32, #tpu.memory_space<vmem>> -> memref<1x128x128xf32, #tpu.memory_space<vmem>>
    %dma_start3A_3286 = tpu.memref_squeeze %dma_start3A_3285 : memref<1x128x128xf32, #tpu.memory_space<vmem>> -> memref<128x128xf32, #tpu.memory_space<vmem>>
    tpu.enqueue_dma source(%dma_start3A_3286 : memref<128x128xf32, #tpu.memory_space<vmem>>) target(%dma_start3A_3282 : memref<128x128xf32, #tpu.memory_space<hbm>>) target_semaphore(%arg18 : memref<!tpu.dma_semaphore, #tpu.memory_space<semaphore_mem>>)
    %dma_wait3A_3287 = arith.constant 4 : i32
    %dma_wait3A_3288 = arith.constant 4 : i32
    %dma_wait3A_3289 = arith.constant 0 : i32
    %dma_wait3A_3290 = arith.constant 0 : i32
    %dma_wait3A_3291 = tpu.memref_slice %arg6[%dma_wait3A_3287, %dma_wait3A_3289, %dma_wait3A_3290] : memref<7x128x128xf32, #tpu.memory_space<vmem>> -> memref<1x128x128xf32, #tpu.memory_space<vmem>>
    %dma_wait3A_3292 = tpu.memref_squeeze %dma_wait3A_3291 : memref<1x128x128xf32, #tpu.memory_space<vmem>> -> memref<128x128xf32, #tpu.memory_space<vmem>>
    %dma_wait3A_3293 = arith.constant 0 : i32
    %dma_wait3A_3294 = tpu.memref_slice %arg4[%dma_wait3A_3288, %mul3A_2, %dma_wait3A_3293] : memref<26x4096x128xf32, #tpu.memory_space<hbm>> -> memref<1x128x128xf32, #tpu.memory_space<hbm>>
    %dma_wait3A_3295 = tpu.memref_squeeze %dma_wait3A_3294 : memref<1x128x128xf32, #tpu.memory_space<hbm>> -> memref<128x128xf32, #tpu.memory_space<hbm>>
    %dma_wait3A_3296 = arith.constant 0 : i32
    %dma_wait3A_3297 = tpu.memref_slice %arg4[%dma_wait3A_3288, %mul3A_2, %dma_wait3A_3296] : memref<26x4096x128xf32, #tpu.memory_space<hbm>> -> memref<1x128x128xf32, #tpu.memory_space<hbm>>
    %dma_wait3A_3298 = tpu.memref_squeeze %dma_wait3A_3297 : memref<1x128x128xf32, #tpu.memory_space<hbm>> -> memref<128x128xf32, #tpu.memory_space<hbm>>
    %dma_wait3A_3299 = arith.constant 0 : i32
    %dma_wait3A_3300 = arith.constant 0 : i32
    %dma_wait3A_3301 = tpu.memref_slice %arg6[%dma_wait3A_3287, %dma_wait3A_3299, %dma_wait3A_3300] : memref<7x128x128xf32, #tpu.memory_space<vmem>> -> memref<1x128x128xf32, #tpu.memory_space<vmem>>
    %dma_wait3A_3302 = tpu.memref_squeeze %dma_wait3A_3301 : memref<1x128x128xf32, #tpu.memory_space<vmem>> -> memref<128x128xf32, #tpu.memory_space<vmem>>
    tpu.wait_dma2 semaphore(%arg18 : memref<!tpu.dma_semaphore, #tpu.memory_space<semaphore_mem>>) src(%dma_wait3A_3302 : memref<128x128xf32, #tpu.memory_space<vmem>>) dst(%dma_wait3A_3298 : memref<128x128xf32, #tpu.memory_space<hbm>>)
    %dma_start3A_3303 = arith.constant 11 : i32
    %dma_start3A_3304 = arith.constant 4 : i32
    %dma_start3A_3305 = arith.constant 0 : i32
    %dma_start3A_3306 = arith.constant 0 : i32
    %dma_start3A_3307 = tpu.memref_slice %arg6[%dma_start3A_3304, %dma_start3A_3305, %dma_start3A_3306] : memref<7x128x128xf32, #tpu.memory_space<vmem>> -> memref<1x128x128xf32, #tpu.memory_space<vmem>>
    %dma_start3A_3308 = tpu.memref_squeeze %dma_start3A_3307 : memref<1x128x128xf32, #tpu.memory_space<vmem>> -> memref<128x128xf32, #tpu.memory_space<vmem>>
    %dma_start3A_3309 = arith.constant 0 : i32
    %dma_start3A_3310 = tpu.memref_slice %arg5[%dma_start3A_3303, %dma_start3A_3309] : memref<26x128xi32, #tpu.memory_space<vmem>> -> memref<1x128xi32, #tpu.memory_space<vmem>>
    %dma_start3A_3311 = tpu.memref_squeeze %dma_start3A_3310 : memref<1x128xi32, #tpu.memory_space<vmem>> -> memref<128xi32, #tpu.memory_space<vmem>>
    %dma_start3A_3312 = arith.constant 0 : i32
    %dma_start3A_3313 = arith.constant 0 : i32
    %dma_start3A_3314 = tpu.memref_slice %arg3[%dma_start3A_3312, %dma_start3A_3313] : memref<2600000x128xf32, #tpu.memory_space<hbm>> -> memref<2600000x128xf32, #tpu.memory_space<hbm>>
    tpu.enqueue_indirect_dma source(%dma_start3A_3314 : memref<2600000x128xf32, #tpu.memory_space<hbm>>) target(%dma_start3A_3308 : memref<128x128xf32, #tpu.memory_space<vmem>>) offsets(%dma_start3A_3311 : memref<128xi32, #tpu.memory_space<vmem>>) semaphore(%arg11 : memref<!tpu.dma_semaphore, #tpu.memory_space<semaphore_mem>>)
    %dma_wait3A_3315 = arith.constant 5 : i32
    %dma_wait3A_3316 = arith.constant 5 : i32
    %dma_wait3A_3317 = arith.constant 0 : i32
    %dma_wait3A_3318 = arith.constant 0 : i32
    %dma_wait3A_3319 = tpu.memref_slice %arg6[%dma_wait3A_3316, %dma_wait3A_3317, %dma_wait3A_3318] : memref<7x128x128xf32, #tpu.memory_space<vmem>> -> memref<1x128x128xf32, #tpu.memory_space<vmem>>
    %dma_wait3A_3320 = tpu.memref_squeeze %dma_wait3A_3319 : memref<1x128x128xf32, #tpu.memory_space<vmem>> -> memref<128x128xf32, #tpu.memory_space<vmem>>
    %dma_wait3A_3321 = arith.constant 0 : i32
    %dma_wait3A_3322 = tpu.memref_slice %arg5[%dma_wait3A_3315, %dma_wait3A_3321] : memref<26x128xi32, #tpu.memory_space<vmem>> -> memref<1x128xi32, #tpu.memory_space<vmem>>
    %dma_wait3A_3323 = tpu.memref_squeeze %dma_wait3A_3322 : memref<1x128xi32, #tpu.memory_space<vmem>> -> memref<128xi32, #tpu.memory_space<vmem>>
    %dma_wait3A_3324 = arith.constant 0 : i32
    %dma_wait3A_3325 = arith.constant 0 : i32
    %dma_wait3A_3326 = tpu.memref_slice %arg3[%dma_wait3A_3324, %dma_wait3A_3325] : memref<2600000x128xf32, #tpu.memory_space<hbm>> -> memref<2600000x128xf32, #tpu.memory_space<hbm>>
    tpu.wait_indirect_dma semaphore(%arg12 : memref<!tpu.dma_semaphore, #tpu.memory_space<semaphore_mem>>) src(%dma_wait3A_3326 : memref<2600000x128xf32, #tpu.memory_space<hbm>>) dst(%dma_wait3A_3320 : memref<128x128xf32, #tpu.memory_space<vmem>>)
    %dma_start3A_3327 = arith.constant 5 : i32
    %dma_start3A_3328 = arith.constant 5 : i32
    %dma_start3A_3329 = arith.constant 0 : i32
    %dma_start3A_3330 = arith.constant 0 : i32
    %dma_start3A_3331 = tpu.memref_slice %arg6[%dma_start3A_3327, %dma_start3A_3329, %dma_start3A_3330] : memref<7x128x128xf32, #tpu.memory_space<vmem>> -> memref<1x128x128xf32, #tpu.memory_space<vmem>>
    %dma_start3A_3332 = tpu.memref_squeeze %dma_start3A_3331 : memref<1x128x128xf32, #tpu.memory_space<vmem>> -> memref<128x128xf32, #tpu.memory_space<vmem>>
    %dma_start3A_3333 = arith.constant 0 : i32
    %dma_start3A_3334 = tpu.memref_slice %arg4[%dma_start3A_3328, %mul3A_2, %dma_start3A_3333] : memref<26x4096x128xf32, #tpu.memory_space<hbm>> -> memref<1x128x128xf32, #tpu.memory_space<hbm>>
    %dma_start3A_3335 = tpu.memref_squeeze %dma_start3A_3334 : memref<1x128x128xf32, #tpu.memory_space<hbm>> -> memref<128x128xf32, #tpu.memory_space<hbm>>
    %dma_start3A_3336 = arith.constant 0 : i32
    %dma_start3A_3337 = tpu.memref_slice %arg4[%dma_start3A_3328, %mul3A_2, %dma_start3A_3336] : memref<26x4096x128xf32, #tpu.memory_space<hbm>> -> memref<1x128x128xf32, #tpu.memory_space<hbm>>
    %dma_start3A_3338 = tpu.memref_squeeze %dma_start3A_3337 : memref<1x128x128xf32, #tpu.memory_space<hbm>> -> memref<128x128xf32, #tpu.memory_space<hbm>>
    %dma_start3A_3339 = arith.constant 0 : i32
    %dma_start3A_3340 = arith.constant 0 : i32
    %dma_start3A_3341 = tpu.memref_slice %arg6[%dma_start3A_3327, %dma_start3A_3339, %dma_start3A_3340] : memref<7x128x128xf32, #tpu.memory_space<vmem>> -> memref<1x128x128xf32, #tpu.memory_space<vmem>>
    %dma_start3A_3342 = tpu.memref_squeeze %dma_start3A_3341 : memref<1x128x128xf32, #tpu.memory_space<vmem>> -> memref<128x128xf32, #tpu.memory_space<vmem>>
    tpu.enqueue_dma source(%dma_start3A_3342 : memref<128x128xf32, #tpu.memory_space<vmem>>) target(%dma_start3A_3338 : memref<128x128xf32, #tpu.memory_space<hbm>>) target_semaphore(%arg19 : memref<!tpu.dma_semaphore, #tpu.memory_space<semaphore_mem>>)
    %dma_wait3A_3343 = arith.constant 5 : i32
    %dma_wait3A_3344 = arith.constant 5 : i32
    %dma_wait3A_3345 = arith.constant 0 : i32
    %dma_wait3A_3346 = arith.constant 0 : i32
    %dma_wait3A_3347 = tpu.memref_slice %arg6[%dma_wait3A_3343, %dma_wait3A_3345, %dma_wait3A_3346] : memref<7x128x128xf32, #tpu.memory_space<vmem>> -> memref<1x128x128xf32, #tpu.memory_space<vmem>>
    %dma_wait3A_3348 = tpu.memref_squeeze %dma_wait3A_3347 : memref<1x128x128xf32, #tpu.memory_space<vmem>> -> memref<128x128xf32, #tpu.memory_space<vmem>>
    %dma_wait3A_3349 = arith.constant 0 : i32
    %dma_wait3A_3350 = tpu.memref_slice %arg4[%dma_wait3A_3344, %mul3A_2, %dma_wait3A_3349] : memref<26x4096x128xf32, #tpu.memory_space<hbm>> -> memref<1x128x128xf32, #tpu.memory_space<hbm>>
    %dma_wait3A_3351 = tpu.memref_squeeze %dma_wait3A_3350 : memref<1x128x128xf32, #tpu.memory_space<hbm>> -> memref<128x128xf32, #tpu.memory_space<hbm>>
    %dma_wait3A_3352 = arith.constant 0 : i32
    %dma_wait3A_3353 = tpu.memref_slice %arg4[%dma_wait3A_3344, %mul3A_2, %dma_wait3A_3352] : memref<26x4096x128xf32, #tpu.memory_space<hbm>> -> memref<1x128x128xf32, #tpu.memory_space<hbm>>
    %dma_wait3A_3354 = tpu.memref_squeeze %dma_wait3A_3353 : memref<1x128x128xf32, #tpu.memory_space<hbm>> -> memref<128x128xf32, #tpu.memory_space<hbm>>
    %dma_wait3A_3355 = arith.constant 0 : i32
    %dma_wait3A_3356 = arith.constant 0 : i32
    %dma_wait3A_3357 = tpu.memref_slice %arg6[%dma_wait3A_3343, %dma_wait3A_3355, %dma_wait3A_3356] : memref<7x128x128xf32, #tpu.memory_space<vmem>> -> memref<1x128x128xf32, #tpu.memory_space<vmem>>
    %dma_wait3A_3358 = tpu.memref_squeeze %dma_wait3A_3357 : memref<1x128x128xf32, #tpu.memory_space<vmem>> -> memref<128x128xf32, #tpu.memory_space<vmem>>
    tpu.wait_dma2 semaphore(%arg19 : memref<!tpu.dma_semaphore, #tpu.memory_space<semaphore_mem>>) src(%dma_wait3A_3358 : memref<128x128xf32, #tpu.memory_space<vmem>>) dst(%dma_wait3A_3354 : memref<128x128xf32, #tpu.memory_space<hbm>>)
    %dma_start3A_3359 = arith.constant 12 : i32
    %dma_start3A_3360 = arith.constant 5 : i32
    %dma_start3A_3361 = arith.constant 0 : i32
    %dma_start3A_3362 = arith.constant 0 : i32
    %dma_start3A_3363 = tpu.memref_slice %arg6[%dma_start3A_3360, %dma_start3A_3361, %dma_start3A_3362] : memref<7x128x128xf32, #tpu.memory_space<vmem>> -> memref<1x128x128xf32, #tpu.memory_space<vmem>>
    %dma_start3A_3364 = tpu.memref_squeeze %dma_start3A_3363 : memref<1x128x128xf32, #tpu.memory_space<vmem>> -> memref<128x128xf32, #tpu.memory_space<vmem>>
    %dma_start3A_3365 = arith.constant 0 : i32
    %dma_start3A_3366 = tpu.memref_slice %arg5[%dma_start3A_3359, %dma_start3A_3365] : memref<26x128xi32, #tpu.memory_space<vmem>> -> memref<1x128xi32, #tpu.memory_space<vmem>>
    %dma_start3A_3367 = tpu.memref_squeeze %dma_start3A_3366 : memref<1x128xi32, #tpu.memory_space<vmem>> -> memref<128xi32, #tpu.memory_space<vmem>>
    %dma_start3A_3368 = arith.constant 0 : i32
    %dma_start3A_3369 = arith.constant 0 : i32
    %dma_start3A_3370 = tpu.memref_slice %arg3[%dma_start3A_3368, %dma_start3A_3369] : memref<2600000x128xf32, #tpu.memory_space<hbm>> -> memref<2600000x128xf32, #tpu.memory_space<hbm>>
    tpu.enqueue_indirect_dma source(%dma_start3A_3370 : memref<2600000x128xf32, #tpu.memory_space<hbm>>) target(%dma_start3A_3364 : memref<128x128xf32, #tpu.memory_space<vmem>>) offsets(%dma_start3A_3367 : memref<128xi32, #tpu.memory_space<vmem>>) semaphore(%arg12 : memref<!tpu.dma_semaphore, #tpu.memory_space<semaphore_mem>>)
    %dma_wait3A_3371 = arith.constant 6 : i32
    %dma_wait3A_3372 = arith.constant 6 : i32
    %dma_wait3A_3373 = arith.constant 0 : i32
    %dma_wait3A_3374 = arith.constant 0 : i32
    %dma_wait3A_3375 = tpu.memref_slice %arg6[%dma_wait3A_3372, %dma_wait3A_3373, %dma_wait3A_3374] : memref<7x128x128xf32, #tpu.memory_space<vmem>> -> memref<1x128x128xf32, #tpu.memory_space<vmem>>
    %dma_wait3A_3376 = tpu.memref_squeeze %dma_wait3A_3375 : memref<1x128x128xf32, #tpu.memory_space<vmem>> -> memref<128x128xf32, #tpu.memory_space<vmem>>
    %dma_wait3A_3377 = arith.constant 0 : i32
    %dma_wait3A_3378 = tpu.memref_slice %arg5[%dma_wait3A_3371, %dma_wait3A_3377] : memref<26x128xi32, #tpu.memory_space<vmem>> -> memref<1x128xi32, #tpu.memory_space<vmem>>
    %dma_wait3A_3379 = tpu.memref_squeeze %dma_wait3A_3378 : memref<1x128xi32, #tpu.memory_space<vmem>> -> memref<128xi32, #tpu.memory_space<vmem>>
    %dma_wait3A_3380 = arith.constant 0 : i32
    %dma_wait3A_3381 = arith.constant 0 : i32
    %dma_wait3A_3382 = tpu.memref_slice %arg3[%dma_wait3A_3380, %dma_wait3A_3381] : memref<2600000x128xf32, #tpu.memory_space<hbm>> -> memref<2600000x128xf32, #tpu.memory_space<hbm>>
    tpu.wait_indirect_dma semaphore(%arg13 : memref<!tpu.dma_semaphore, #tpu.memory_space<semaphore_mem>>) src(%dma_wait3A_3382 : memref<2600000x128xf32, #tpu.memory_space<hbm>>) dst(%dma_wait3A_3376 : memref<128x128xf32, #tpu.memory_space<vmem>>)
    %dma_start3A_3383 = arith.constant 6 : i32
    %dma_start3A_3384 = arith.constant 6 : i32
    %dma_start3A_3385 = arith.constant 0 : i32
    %dma_start3A_3386 = arith.constant 0 : i32
    %dma_start3A_3387 = tpu.memref_slice %arg6[%dma_start3A_3383, %dma_start3A_3385, %dma_start3A_3386] : memref<7x128x128xf32, #tpu.memory_space<vmem>> -> memref<1x128x128xf32, #tpu.memory_space<vmem>>
    %dma_start3A_3388 = tpu.memref_squeeze %dma_start3A_3387 : memref<1x128x128xf32, #tpu.memory_space<vmem>> -> memref<128x128xf32, #tpu.memory_space<vmem>>
    %dma_start3A_3389 = arith.constant 0 : i32
    %dma_start3A_3390 = tpu.memref_slice %arg4[%dma_start3A_3384, %mul3A_2, %dma_start3A_3389] : memref<26x4096x128xf32, #tpu.memory_space<hbm>> -> memref<1x128x128xf32, #tpu.memory_space<hbm>>
    %dma_start3A_3391 = tpu.memref_squeeze %dma_start3A_3390 : memref<1x128x128xf32, #tpu.memory_space<hbm>> -> memref<128x128xf32, #tpu.memory_space<hbm>>
    %dma_start3A_3392 = arith.constant 0 : i32
    %dma_start3A_3393 = tpu.memref_slice %arg4[%dma_start3A_3384, %mul3A_2, %dma_start3A_3392] : memref<26x4096x128xf32, #tpu.memory_space<hbm>> -> memref<1x128x128xf32, #tpu.memory_space<hbm>>
    %dma_start3A_3394 = tpu.memref_squeeze %dma_start3A_3393 : memref<1x128x128xf32, #tpu.memory_space<hbm>> -> memref<128x128xf32, #tpu.memory_space<hbm>>
    %dma_start3A_3395 = arith.constant 0 : i32
    %dma_start3A_3396 = arith.constant 0 : i32
    %dma_start3A_3397 = tpu.memref_slice %arg6[%dma_start3A_3383, %dma_start3A_3395, %dma_start3A_3396] : memref<7x128x128xf32, #tpu.memory_space<vmem>> -> memref<1x128x128xf32, #tpu.memory_space<vmem>>
    %dma_start3A_3398 = tpu.memref_squeeze %dma_start3A_3397 : memref<1x128x128xf32, #tpu.memory_space<vmem>> -> memref<128x128xf32, #tpu.memory_space<vmem>>
    tpu.enqueue_dma source(%dma_start3A_3398 : memref<128x128xf32, #tpu.memory_space<vmem>>) target(%dma_start3A_3394 : memref<128x128xf32, #tpu.memory_space<hbm>>) target_semaphore(%arg20 : memref<!tpu.dma_semaphore, #tpu.memory_space<semaphore_mem>>)
    %dma_wait3A_3399 = arith.constant 6 : i32
    %dma_wait3A_3400 = arith.constant 6 : i32
    %dma_wait3A_3401 = arith.constant 0 : i32
    %dma_wait3A_3402 = arith.constant 0 : i32
    %dma_wait3A_3403 = tpu.memref_slice %arg6[%dma_wait3A_3399, %dma_wait3A_3401, %dma_wait3A_3402] : memref<7x128x128xf32, #tpu.memory_space<vmem>> -> memref<1x128x128xf32, #tpu.memory_space<vmem>>
    %dma_wait3A_3404 = tpu.memref_squeeze %dma_wait3A_3403 : memref<1x128x128xf32, #tpu.memory_space<vmem>> -> memref<128x128xf32, #tpu.memory_space<vmem>>
    %dma_wait3A_3405 = arith.constant 0 : i32
    %dma_wait3A_3406 = tpu.memref_slice %arg4[%dma_wait3A_3400, %mul3A_2, %dma_wait3A_3405] : memref<26x4096x128xf32, #tpu.memory_space<hbm>> -> memref<1x128x128xf32, #tpu.memory_space<hbm>>
    %dma_wait3A_3407 = tpu.memref_squeeze %dma_wait3A_3406 : memref<1x128x128xf32, #tpu.memory_space<hbm>> -> memref<128x128xf32, #tpu.memory_space<hbm>>
    %dma_wait3A_3408 = arith.constant 0 : i32
    %dma_wait3A_3409 = tpu.memref_slice %arg4[%dma_wait3A_3400, %mul3A_2, %dma_wait3A_3408] : memref<26x4096x128xf32, #tpu.memory_space<hbm>> -> memref<1x128x128xf32, #tpu.memory_space<hbm>>
    %dma_wait3A_3410 = tpu.memref_squeeze %dma_wait3A_3409 : memref<1x128x128xf32, #tpu.memory_space<hbm>> -> memref<128x128xf32, #tpu.memory_space<hbm>>
    %dma_wait3A_3411 = arith.constant 0 : i32
    %dma_wait3A_3412 = arith.constant 0 : i32
    %dma_wait3A_3413 = tpu.memref_slice %arg6[%dma_wait3A_3399, %dma_wait3A_3411, %dma_wait3A_3412] : memref<7x128x128xf32, #tpu.memory_space<vmem>> -> memref<1x128x128xf32, #tpu.memory_space<vmem>>
    %dma_wait3A_3414 = tpu.memref_squeeze %dma_wait3A_3413 : memref<1x128x128xf32, #tpu.memory_space<vmem>> -> memref<128x128xf32, #tpu.memory_space<vmem>>
    tpu.wait_dma2 semaphore(%arg20 : memref<!tpu.dma_semaphore, #tpu.memory_space<semaphore_mem>>) src(%dma_wait3A_3414 : memref<128x128xf32, #tpu.memory_space<vmem>>) dst(%dma_wait3A_3410 : memref<128x128xf32, #tpu.memory_space<hbm>>)
    %dma_start3A_3415 = arith.constant 13 : i32
    %dma_start3A_3416 = arith.constant 6 : i32
    %dma_start3A_3417 = arith.constant 0 : i32
    %dma_start3A_3418 = arith.constant 0 : i32
    %dma_start3A_3419 = tpu.memref_slice %arg6[%dma_start3A_3416, %dma_start3A_3417, %dma_start3A_3418] : memref<7x128x128xf32, #tpu.memory_space<vmem>> -> memref<1x128x128xf32, #tpu.memory_space<vmem>>
    %dma_start3A_3420 = tpu.memref_squeeze %dma_start3A_3419 : memref<1x128x128xf32, #tpu.memory_space<vmem>> -> memref<128x128xf32, #tpu.memory_space<vmem>>
    %dma_start3A_3421 = arith.constant 0 : i32
    %dma_start3A_3422 = tpu.memref_slice %arg5[%dma_start3A_3415, %dma_start3A_3421] : memref<26x128xi32, #tpu.memory_space<vmem>> -> memref<1x128xi32, #tpu.memory_space<vmem>>
    %dma_start3A_3423 = tpu.memref_squeeze %dma_start3A_3422 : memref<1x128xi32, #tpu.memory_space<vmem>> -> memref<128xi32, #tpu.memory_space<vmem>>
    %dma_start3A_3424 = arith.constant 0 : i32
    %dma_start3A_3425 = arith.constant 0 : i32
    %dma_start3A_3426 = tpu.memref_slice %arg3[%dma_start3A_3424, %dma_start3A_3425] : memref<2600000x128xf32, #tpu.memory_space<hbm>> -> memref<2600000x128xf32, #tpu.memory_space<hbm>>
    tpu.enqueue_indirect_dma source(%dma_start3A_3426 : memref<2600000x128xf32, #tpu.memory_space<hbm>>) target(%dma_start3A_3420 : memref<128x128xf32, #tpu.memory_space<vmem>>) offsets(%dma_start3A_3423 : memref<128xi32, #tpu.memory_space<vmem>>) semaphore(%arg13 : memref<!tpu.dma_semaphore, #tpu.memory_space<semaphore_mem>>)
    %dma_wait3A_3427 = arith.constant 7 : i32
    %dma_wait3A_3428 = arith.constant 0 : i32
    %dma_wait3A_3429 = arith.constant 0 : i32
    %dma_wait3A_3430 = arith.constant 0 : i32
    %dma_wait3A_3431 = tpu.memref_slice %arg6[%dma_wait3A_3428, %dma_wait3A_3429, %dma_wait3A_3430] : memref<7x128x128xf32, #tpu.memory_space<vmem>> -> memref<1x128x128xf32, #tpu.memory_space<vmem>>
    %dma_wait3A_3432 = tpu.memref_squeeze %dma_wait3A_3431 : memref<1x128x128xf32, #tpu.memory_space<vmem>> -> memref<128x128xf32, #tpu.memory_space<vmem>>
    %dma_wait3A_3433 = arith.constant 0 : i32
    %dma_wait3A_3434 = tpu.memref_slice %arg5[%dma_wait3A_3427, %dma_wait3A_3433] : memref<26x128xi32, #tpu.memory_space<vmem>> -> memref<1x128xi32, #tpu.memory_space<vmem>>
    %dma_wait3A_3435 = tpu.memref_squeeze %dma_wait3A_3434 : memref<1x128xi32, #tpu.memory_space<vmem>> -> memref<128xi32, #tpu.memory_space<vmem>>
    %dma_wait3A_3436 = arith.constant 0 : i32
    %dma_wait3A_3437 = arith.constant 0 : i32
    %dma_wait3A_3438 = tpu.memref_slice %arg3[%dma_wait3A_3436, %dma_wait3A_3437] : memref<2600000x128xf32, #tpu.memory_space<hbm>> -> memref<2600000x128xf32, #tpu.memory_space<hbm>>
    tpu.wait_indirect_dma semaphore(%arg7 : memref<!tpu.dma_semaphore, #tpu.memory_space<semaphore_mem>>) src(%dma_wait3A_3438 : memref<2600000x128xf32, #tpu.memory_space<hbm>>) dst(%dma_wait3A_3432 : memref<128x128xf32, #tpu.memory_space<vmem>>)
    %dma_start3A_3439 = arith.constant 0 : i32
    %dma_start3A_3440 = arith.constant 7 : i32
    %dma_start3A_3441 = arith.constant 0 : i32
    %dma_start3A_3442 = arith.constant 0 : i32
    %dma_start3A_3443 = tpu.memref_slice %arg6[%dma_start3A_3439, %dma_start3A_3441, %dma_start3A_3442] : memref<7x128x128xf32, #tpu.memory_space<vmem>> -> memref<1x128x128xf32, #tpu.memory_space<vmem>>
    %dma_start3A_3444 = tpu.memref_squeeze %dma_start3A_3443 : memref<1x128x128xf32, #tpu.memory_space<vmem>> -> memref<128x128xf32, #tpu.memory_space<vmem>>
    %dma_start3A_3445 = arith.constant 0 : i32
    %dma_start3A_3446 = tpu.memref_slice %arg4[%dma_start3A_3440, %mul3A_2, %dma_start3A_3445] : memref<26x4096x128xf32, #tpu.memory_space<hbm>> -> memref<1x128x128xf32, #tpu.memory_space<hbm>>
    %dma_start3A_3447 = tpu.memref_squeeze %dma_start3A_3446 : memref<1x128x128xf32, #tpu.memory_space<hbm>> -> memref<128x128xf32, #tpu.memory_space<hbm>>
    %dma_start3A_3448 = arith.constant 0 : i32
    %dma_start3A_3449 = tpu.memref_slice %arg4[%dma_start3A_3440, %mul3A_2, %dma_start3A_3448] : memref<26x4096x128xf32, #tpu.memory_space<hbm>> -> memref<1x128x128xf32, #tpu.memory_space<hbm>>
    %dma_start3A_3450 = tpu.memref_squeeze %dma_start3A_3449 : memref<1x128x128xf32, #tpu.memory_space<hbm>> -> memref<128x128xf32, #tpu.memory_space<hbm>>
    %dma_start3A_3451 = arith.constant 0 : i32
    %dma_start3A_3452 = arith.constant 0 : i32
    %dma_start3A_3453 = tpu.memref_slice %arg6[%dma_start3A_3439, %dma_start3A_3451, %dma_start3A_3452] : memref<7x128x128xf32, #tpu.memory_space<vmem>> -> memref<1x128x128xf32, #tpu.memory_space<vmem>>
    %dma_start3A_3454 = tpu.memref_squeeze %dma_start3A_3453 : memref<1x128x128xf32, #tpu.memory_space<vmem>> -> memref<128x128xf32, #tpu.memory_space<vmem>>
    tpu.enqueue_dma source(%dma_start3A_3454 : memref<128x128xf32, #tpu.memory_space<vmem>>) target(%dma_start3A_3450 : memref<128x128xf32, #tpu.memory_space<hbm>>) target_semaphore(%arg14 : memref<!tpu.dma_semaphore, #tpu.memory_space<semaphore_mem>>)
    %dma_wait3A_3455 = arith.constant 0 : i32
    %dma_wait3A_3456 = arith.constant 7 : i32
    %dma_wait3A_3457 = arith.constant 0 : i32
    %dma_wait3A_3458 = arith.constant 0 : i32
    %dma_wait3A_3459 = tpu.memref_slice %arg6[%dma_wait3A_3455, %dma_wait3A_3457, %dma_wait3A_3458] : memref<7x128x128xf32, #tpu.memory_space<vmem>> -> memref<1x128x128xf32, #tpu.memory_space<vmem>>
    %dma_wait3A_3460 = tpu.memref_squeeze %dma_wait3A_3459 : memref<1x128x128xf32, #tpu.memory_space<vmem>> -> memref<128x128xf32, #tpu.memory_space<vmem>>
    %dma_wait3A_3461 = arith.constant 0 : i32
    %dma_wait3A_3462 = tpu.memref_slice %arg4[%dma_wait3A_3456, %mul3A_2, %dma_wait3A_3461] : memref<26x4096x128xf32, #tpu.memory_space<hbm>> -> memref<1x128x128xf32, #tpu.memory_space<hbm>>
    %dma_wait3A_3463 = tpu.memref_squeeze %dma_wait3A_3462 : memref<1x128x128xf32, #tpu.memory_space<hbm>> -> memref<128x128xf32, #tpu.memory_space<hbm>>
    %dma_wait3A_3464 = arith.constant 0 : i32
    %dma_wait3A_3465 = tpu.memref_slice %arg4[%dma_wait3A_3456, %mul3A_2, %dma_wait3A_3464] : memref<26x4096x128xf32, #tpu.memory_space<hbm>> -> memref<1x128x128xf32, #tpu.memory_space<hbm>>
    %dma_wait3A_3466 = tpu.memref_squeeze %dma_wait3A_3465 : memref<1x128x128xf32, #tpu.memory_space<hbm>> -> memref<128x128xf32, #tpu.memory_space<hbm>>
    %dma_wait3A_3467 = arith.constant 0 : i32
    %dma_wait3A_3468 = arith.constant 0 : i32
    %dma_wait3A_3469 = tpu.memref_slice %arg6[%dma_wait3A_3455, %dma_wait3A_3467, %dma_wait3A_3468] : memref<7x128x128xf32, #tpu.memory_space<vmem>> -> memref<1x128x128xf32, #tpu.memory_space<vmem>>
    %dma_wait3A_3470 = tpu.memref_squeeze %dma_wait3A_3469 : memref<1x128x128xf32, #tpu.memory_space<vmem>> -> memref<128x128xf32, #tpu.memory_space<vmem>>
    tpu.wait_dma2 semaphore(%arg14 : memref<!tpu.dma_semaphore, #tpu.memory_space<semaphore_mem>>) src(%dma_wait3A_3470 : memref<128x128xf32, #tpu.memory_space<vmem>>) dst(%dma_wait3A_3466 : memref<128x128xf32, #tpu.memory_space<hbm>>)
    %dma_start3A_3471 = arith.constant 14 : i32
    %dma_start3A_3472 = arith.constant 0 : i32
    %dma_start3A_3473 = arith.constant 0 : i32
    %dma_start3A_3474 = arith.constant 0 : i32
    %dma_start3A_3475 = tpu.memref_slice %arg6[%dma_start3A_3472, %dma_start3A_3473, %dma_start3A_3474] : memref<7x128x128xf32, #tpu.memory_space<vmem>> -> memref<1x128x128xf32, #tpu.memory_space<vmem>>
    %dma_start3A_3476 = tpu.memref_squeeze %dma_start3A_3475 : memref<1x128x128xf32, #tpu.memory_space<vmem>> -> memref<128x128xf32, #tpu.memory_space<vmem>>
    %dma_start3A_3477 = arith.constant 0 : i32
    %dma_start3A_3478 = tpu.memref_slice %arg5[%dma_start3A_3471, %dma_start3A_3477] : memref<26x128xi32, #tpu.memory_space<vmem>> -> memref<1x128xi32, #tpu.memory_space<vmem>>
    %dma_start3A_3479 = tpu.memref_squeeze %dma_start3A_3478 : memref<1x128xi32, #tpu.memory_space<vmem>> -> memref<128xi32, #tpu.memory_space<vmem>>
    %dma_start3A_3480 = arith.constant 0 : i32
    %dma_start3A_3481 = arith.constant 0 : i32
    %dma_start3A_3482 = tpu.memref_slice %arg3[%dma_start3A_3480, %dma_start3A_3481] : memref<2600000x128xf32, #tpu.memory_space<hbm>> -> memref<2600000x128xf32, #tpu.memory_space<hbm>>
    tpu.enqueue_indirect_dma source(%dma_start3A_3482 : memref<2600000x128xf32, #tpu.memory_space<hbm>>) target(%dma_start3A_3476 : memref<128x128xf32, #tpu.memory_space<vmem>>) offsets(%dma_start3A_3479 : memref<128xi32, #tpu.memory_space<vmem>>) semaphore(%arg7 : memref<!tpu.dma_semaphore, #tpu.memory_space<semaphore_mem>>)
    %dma_wait3A_3483 = arith.constant 8 : i32
    %dma_wait3A_3484 = arith.constant 1 : i32
    %dma_wait3A_3485 = arith.constant 0 : i32
    %dma_wait3A_3486 = arith.constant 0 : i32
    %dma_wait3A_3487 = tpu.memref_slice %arg6[%dma_wait3A_3484, %dma_wait3A_3485, %dma_wait3A_3486] : memref<7x128x128xf32, #tpu.memory_space<vmem>> -> memref<1x128x128xf32, #tpu.memory_space<vmem>>
    %dma_wait3A_3488 = tpu.memref_squeeze %dma_wait3A_3487 : memref<1x128x128xf32, #tpu.memory_space<vmem>> -> memref<128x128xf32, #tpu.memory_space<vmem>>
    %dma_wait3A_3489 = arith.constant 0 : i32
    %dma_wait3A_3490 = tpu.memref_slice %arg5[%dma_wait3A_3483, %dma_wait3A_3489] : memref<26x128xi32, #tpu.memory_space<vmem>> -> memref<1x128xi32, #tpu.memory_space<vmem>>
    %dma_wait3A_3491 = tpu.memref_squeeze %dma_wait3A_3490 : memref<1x128xi32, #tpu.memory_space<vmem>> -> memref<128xi32, #tpu.memory_space<vmem>>
    %dma_wait3A_3492 = arith.constant 0 : i32
    %dma_wait3A_3493 = arith.constant 0 : i32
    %dma_wait3A_3494 = tpu.memref_slice %arg3[%dma_wait3A_3492, %dma_wait3A_3493] : memref<2600000x128xf32, #tpu.memory_space<hbm>> -> memref<2600000x128xf32, #tpu.memory_space<hbm>>
    tpu.wait_indirect_dma semaphore(%arg8 : memref<!tpu.dma_semaphore, #tpu.memory_space<semaphore_mem>>) src(%dma_wait3A_3494 : memref<2600000x128xf32, #tpu.memory_space<hbm>>) dst(%dma_wait3A_3488 : memref<128x128xf32, #tpu.memory_space<vmem>>)
    %dma_start3A_3495 = arith.constant 1 : i32
    %dma_start3A_3496 = arith.constant 8 : i32
    %dma_start3A_3497 = arith.constant 0 : i32
    %dma_start3A_3498 = arith.constant 0 : i32
    %dma_start3A_3499 = tpu.memref_slice %arg6[%dma_start3A_3495, %dma_start3A_3497, %dma_start3A_3498] : memref<7x128x128xf32, #tpu.memory_space<vmem>> -> memref<1x128x128xf32, #tpu.memory_space<vmem>>
    %dma_start3A_3500 = tpu.memref_squeeze %dma_start3A_3499 : memref<1x128x128xf32, #tpu.memory_space<vmem>> -> memref<128x128xf32, #tpu.memory_space<vmem>>
    %dma_start3A_3501 = arith.constant 0 : i32
    %dma_start3A_3502 = tpu.memref_slice %arg4[%dma_start3A_3496, %mul3A_2, %dma_start3A_3501] : memref<26x4096x128xf32, #tpu.memory_space<hbm>> -> memref<1x128x128xf32, #tpu.memory_space<hbm>>
    %dma_start3A_3503 = tpu.memref_squeeze %dma_start3A_3502 : memref<1x128x128xf32, #tpu.memory_space<hbm>> -> memref<128x128xf32, #tpu.memory_space<hbm>>
    %dma_start3A_3504 = arith.constant 0 : i32
    %dma_start3A_3505 = tpu.memref_slice %arg4[%dma_start3A_3496, %mul3A_2, %dma_start3A_3504] : memref<26x4096x128xf32, #tpu.memory_space<hbm>> -> memref<1x128x128xf32, #tpu.memory_space<hbm>>
    %dma_start3A_3506 = tpu.memref_squeeze %dma_start3A_3505 : memref<1x128x128xf32, #tpu.memory_space<hbm>> -> memref<128x128xf32, #tpu.memory_space<hbm>>
    %dma_start3A_3507 = arith.constant 0 : i32
    %dma_start3A_3508 = arith.constant 0 : i32
    %dma_start3A_3509 = tpu.memref_slice %arg6[%dma_start3A_3495, %dma_start3A_3507, %dma_start3A_3508] : memref<7x128x128xf32, #tpu.memory_space<vmem>> -> memref<1x128x128xf32, #tpu.memory_space<vmem>>
    %dma_start3A_3510 = tpu.memref_squeeze %dma_start3A_3509 : memref<1x128x128xf32, #tpu.memory_space<vmem>> -> memref<128x128xf32, #tpu.memory_space<vmem>>
    tpu.enqueue_dma source(%dma_start3A_3510 : memref<128x128xf32, #tpu.memory_space<vmem>>) target(%dma_start3A_3506 : memref<128x128xf32, #tpu.memory_space<hbm>>) target_semaphore(%arg15 : memref<!tpu.dma_semaphore, #tpu.memory_space<semaphore_mem>>)
    %dma_wait3A_3511 = arith.constant 1 : i32
    %dma_wait3A_3512 = arith.constant 8 : i32
    %dma_wait3A_3513 = arith.constant 0 : i32
    %dma_wait3A_3514 = arith.constant 0 : i32
    %dma_wait3A_3515 = tpu.memref_slice %arg6[%dma_wait3A_3511, %dma_wait3A_3513, %dma_wait3A_3514] : memref<7x128x128xf32, #tpu.memory_space<vmem>> -> memref<1x128x128xf32, #tpu.memory_space<vmem>>
    %dma_wait3A_3516 = tpu.memref_squeeze %dma_wait3A_3515 : memref<1x128x128xf32, #tpu.memory_space<vmem>> -> memref<128x128xf32, #tpu.memory_space<vmem>>
    %dma_wait3A_3517 = arith.constant 0 : i32
    %dma_wait3A_3518 = tpu.memref_slice %arg4[%dma_wait3A_3512, %mul3A_2, %dma_wait3A_3517] : memref<26x4096x128xf32, #tpu.memory_space<hbm>> -> memref<1x128x128xf32, #tpu.memory_space<hbm>>
    %dma_wait3A_3519 = tpu.memref_squeeze %dma_wait3A_3518 : memref<1x128x128xf32, #tpu.memory_space<hbm>> -> memref<128x128xf32, #tpu.memory_space<hbm>>
    %dma_wait3A_3520 = arith.constant 0 : i32
    %dma_wait3A_3521 = tpu.memref_slice %arg4[%dma_wait3A_3512, %mul3A_2, %dma_wait3A_3520] : memref<26x4096x128xf32, #tpu.memory_space<hbm>> -> memref<1x128x128xf32, #tpu.memory_space<hbm>>
    %dma_wait3A_3522 = tpu.memref_squeeze %dma_wait3A_3521 : memref<1x128x128xf32, #tpu.memory_space<hbm>> -> memref<128x128xf32, #tpu.memory_space<hbm>>
    %dma_wait3A_3523 = arith.constant 0 : i32
    %dma_wait3A_3524 = arith.constant 0 : i32
    %dma_wait3A_3525 = tpu.memref_slice %arg6[%dma_wait3A_3511, %dma_wait3A_3523, %dma_wait3A_3524] : memref<7x128x128xf32, #tpu.memory_space<vmem>> -> memref<1x128x128xf32, #tpu.memory_space<vmem>>
    %dma_wait3A_3526 = tpu.memref_squeeze %dma_wait3A_3525 : memref<1x128x128xf32, #tpu.memory_space<vmem>> -> memref<128x128xf32, #tpu.memory_space<vmem>>
    tpu.wait_dma2 semaphore(%arg15 : memref<!tpu.dma_semaphore, #tpu.memory_space<semaphore_mem>>) src(%dma_wait3A_3526 : memref<128x128xf32, #tpu.memory_space<vmem>>) dst(%dma_wait3A_3522 : memref<128x128xf32, #tpu.memory_space<hbm>>)
    %dma_start3A_3527 = arith.constant 15 : i32
    %dma_start3A_3528 = arith.constant 1 : i32
    %dma_start3A_3529 = arith.constant 0 : i32
    %dma_start3A_3530 = arith.constant 0 : i32
    %dma_start3A_3531 = tpu.memref_slice %arg6[%dma_start3A_3528, %dma_start3A_3529, %dma_start3A_3530] : memref<7x128x128xf32, #tpu.memory_space<vmem>> -> memref<1x128x128xf32, #tpu.memory_space<vmem>>
    %dma_start3A_3532 = tpu.memref_squeeze %dma_start3A_3531 : memref<1x128x128xf32, #tpu.memory_space<vmem>> -> memref<128x128xf32, #tpu.memory_space<vmem>>
    %dma_start3A_3533 = arith.constant 0 : i32
    %dma_start3A_3534 = tpu.memref_slice %arg5[%dma_start3A_3527, %dma_start3A_3533] : memref<26x128xi32, #tpu.memory_space<vmem>> -> memref<1x128xi32, #tpu.memory_space<vmem>>
    %dma_start3A_3535 = tpu.memref_squeeze %dma_start3A_3534 : memref<1x128xi32, #tpu.memory_space<vmem>> -> memref<128xi32, #tpu.memory_space<vmem>>
    %dma_start3A_3536 = arith.constant 0 : i32
    %dma_start3A_3537 = arith.constant 0 : i32
    %dma_start3A_3538 = tpu.memref_slice %arg3[%dma_start3A_3536, %dma_start3A_3537] : memref<2600000x128xf32, #tpu.memory_space<hbm>> -> memref<2600000x128xf32, #tpu.memory_space<hbm>>
    tpu.enqueue_indirect_dma source(%dma_start3A_3538 : memref<2600000x128xf32, #tpu.memory_space<hbm>>) target(%dma_start3A_3532 : memref<128x128xf32, #tpu.memory_space<vmem>>) offsets(%dma_start3A_3535 : memref<128xi32, #tpu.memory_space<vmem>>) semaphore(%arg8 : memref<!tpu.dma_semaphore, #tpu.memory_space<semaphore_mem>>)
    %dma_wait3A_3539 = arith.constant 9 : i32
    %dma_wait3A_3540 = arith.constant 2 : i32
    %dma_wait3A_3541 = arith.constant 0 : i32
    %dma_wait3A_3542 = arith.constant 0 : i32
    %dma_wait3A_3543 = tpu.memref_slice %arg6[%dma_wait3A_3540, %dma_wait3A_3541, %dma_wait3A_3542] : memref<7x128x128xf32, #tpu.memory_space<vmem>> -> memref<1x128x128xf32, #tpu.memory_space<vmem>>
    %dma_wait3A_3544 = tpu.memref_squeeze %dma_wait3A_3543 : memref<1x128x128xf32, #tpu.memory_space<vmem>> -> memref<128x128xf32, #tpu.memory_space<vmem>>
    %dma_wait3A_3545 = arith.constant 0 : i32
    %dma_wait3A_3546 = tpu.memref_slice %arg5[%dma_wait3A_3539, %dma_wait3A_3545] : memref<26x128xi32, #tpu.memory_space<vmem>> -> memref<1x128xi32, #tpu.memory_space<vmem>>
    %dma_wait3A_3547 = tpu.memref_squeeze %dma_wait3A_3546 : memref<1x128xi32, #tpu.memory_space<vmem>> -> memref<128xi32, #tpu.memory_space<vmem>>
    %dma_wait3A_3548 = arith.constant 0 : i32
    %dma_wait3A_3549 = arith.constant 0 : i32
    %dma_wait3A_3550 = tpu.memref_slice %arg3[%dma_wait3A_3548, %dma_wait3A_3549] : memref<2600000x128xf32, #tpu.memory_space<hbm>> -> memref<2600000x128xf32, #tpu.memory_space<hbm>>
    tpu.wait_indirect_dma semaphore(%arg9 : memref<!tpu.dma_semaphore, #tpu.memory_space<semaphore_mem>>) src(%dma_wait3A_3550 : memref<2600000x128xf32, #tpu.memory_space<hbm>>) dst(%dma_wait3A_3544 : memref<128x128xf32, #tpu.memory_space<vmem>>)
    %dma_start3A_3551 = arith.constant 2 : i32
    %dma_start3A_3552 = arith.constant 9 : i32
    %dma_start3A_3553 = arith.constant 0 : i32
    %dma_start3A_3554 = arith.constant 0 : i32
    %dma_start3A_3555 = tpu.memref_slice %arg6[%dma_start3A_3551, %dma_start3A_3553, %dma_start3A_3554] : memref<7x128x128xf32, #tpu.memory_space<vmem>> -> memref<1x128x128xf32, #tpu.memory_space<vmem>>
    %dma_start3A_3556 = tpu.memref_squeeze %dma_start3A_3555 : memref<1x128x128xf32, #tpu.memory_space<vmem>> -> memref<128x128xf32, #tpu.memory_space<vmem>>
    %dma_start3A_3557 = arith.constant 0 : i32
    %dma_start3A_3558 = tpu.memref_slice %arg4[%dma_start3A_3552, %mul3A_2, %dma_start3A_3557] : memref<26x4096x128xf32, #tpu.memory_space<hbm>> -> memref<1x128x128xf32, #tpu.memory_space<hbm>>
    %dma_start3A_3559 = tpu.memref_squeeze %dma_start3A_3558 : memref<1x128x128xf32, #tpu.memory_space<hbm>> -> memref<128x128xf32, #tpu.memory_space<hbm>>
    %dma_start3A_3560 = arith.constant 0 : i32
    %dma_start3A_3561 = tpu.memref_slice %arg4[%dma_start3A_3552, %mul3A_2, %dma_start3A_3560] : memref<26x4096x128xf32, #tpu.memory_space<hbm>> -> memref<1x128x128xf32, #tpu.memory_space<hbm>>
    %dma_start3A_3562 = tpu.memref_squeeze %dma_start3A_3561 : memref<1x128x128xf32, #tpu.memory_space<hbm>> -> memref<128x128xf32, #tpu.memory_space<hbm>>
    %dma_start3A_3563 = arith.constant 0 : i32
    %dma_start3A_3564 = arith.constant 0 : i32
    %dma_start3A_3565 = tpu.memref_slice %arg6[%dma_start3A_3551, %dma_start3A_3563, %dma_start3A_3564] : memref<7x128x128xf32, #tpu.memory_space<vmem>> -> memref<1x128x128xf32, #tpu.memory_space<vmem>>
    %dma_start3A_3566 = tpu.memref_squeeze %dma_start3A_3565 : memref<1x128x128xf32, #tpu.memory_space<vmem>> -> memref<128x128xf32, #tpu.memory_space<vmem>>
    tpu.enqueue_dma source(%dma_start3A_3566 : memref<128x128xf32, #tpu.memory_space<vmem>>) target(%dma_start3A_3562 : memref<128x128xf32, #tpu.memory_space<hbm>>) target_semaphore(%arg16 : memref<!tpu.dma_semaphore, #tpu.memory_space<semaphore_mem>>)
    %dma_wait3A_3567 = arith.constant 2 : i32
    %dma_wait3A_3568 = arith.constant 9 : i32
    %dma_wait3A_3569 = arith.constant 0 : i32
    %dma_wait3A_3570 = arith.constant 0 : i32
    %dma_wait3A_3571 = tpu.memref_slice %arg6[%dma_wait3A_3567, %dma_wait3A_3569, %dma_wait3A_3570] : memref<7x128x128xf32, #tpu.memory_space<vmem>> -> memref<1x128x128xf32, #tpu.memory_space<vmem>>
    %dma_wait3A_3572 = tpu.memref_squeeze %dma_wait3A_3571 : memref<1x128x128xf32, #tpu.memory_space<vmem>> -> memref<128x128xf32, #tpu.memory_space<vmem>>
    %dma_wait3A_3573 = arith.constant 0 : i32
    %dma_wait3A_3574 = tpu.memref_slice %arg4[%dma_wait3A_3568, %mul3A_2, %dma_wait3A_3573] : memref<26x4096x128xf32, #tpu.memory_space<hbm>> -> memref<1x128x128xf32, #tpu.memory_space<hbm>>
    %dma_wait3A_3575 = tpu.memref_squeeze %dma_wait3A_3574 : memref<1x128x128xf32, #tpu.memory_space<hbm>> -> memref<128x128xf32, #tpu.memory_space<hbm>>
    %dma_wait3A_3576 = arith.constant 0 : i32
    %dma_wait3A_3577 = tpu.memref_slice %arg4[%dma_wait3A_3568, %mul3A_2, %dma_wait3A_3576] : memref<26x4096x128xf32, #tpu.memory_space<hbm>> -> memref<1x128x128xf32, #tpu.memory_space<hbm>>
    %dma_wait3A_3578 = tpu.memref_squeeze %dma_wait3A_3577 : memref<1x128x128xf32, #tpu.memory_space<hbm>> -> memref<128x128xf32, #tpu.memory_space<hbm>>
    %dma_wait3A_3579 = arith.constant 0 : i32
    %dma_wait3A_3580 = arith.constant 0 : i32
    %dma_wait3A_3581 = tpu.memref_slice %arg6[%dma_wait3A_3567, %dma_wait3A_3579, %dma_wait3A_3580] : memref<7x128x128xf32, #tpu.memory_space<vmem>> -> memref<1x128x128xf32, #tpu.memory_space<vmem>>
    %dma_wait3A_3582 = tpu.memref_squeeze %dma_wait3A_3581 : memref<1x128x128xf32, #tpu.memory_space<vmem>> -> memref<128x128xf32, #tpu.memory_space<vmem>>
    tpu.wait_dma2 semaphore(%arg16 : memref<!tpu.dma_semaphore, #tpu.memory_space<semaphore_mem>>) src(%dma_wait3A_3582 : memref<128x128xf32, #tpu.memory_space<vmem>>) dst(%dma_wait3A_3578 : memref<128x128xf32, #tpu.memory_space<hbm>>)
    %dma_start3A_3583 = arith.constant 16 : i32
    %dma_start3A_3584 = arith.constant 2 : i32
    %dma_start3A_3585 = arith.constant 0 : i32
    %dma_start3A_3586 = arith.constant 0 : i32
    %dma_start3A_3587 = tpu.memref_slice %arg6[%dma_start3A_3584, %dma_start3A_3585, %dma_start3A_3586] : memref<7x128x128xf32, #tpu.memory_space<vmem>> -> memref<1x128x128xf32, #tpu.memory_space<vmem>>
    %dma_start3A_3588 = tpu.memref_squeeze %dma_start3A_3587 : memref<1x128x128xf32, #tpu.memory_space<vmem>> -> memref<128x128xf32, #tpu.memory_space<vmem>>
    %dma_start3A_3589 = arith.constant 0 : i32
    %dma_start3A_3590 = tpu.memref_slice %arg5[%dma_start3A_3583, %dma_start3A_3589] : memref<26x128xi32, #tpu.memory_space<vmem>> -> memref<1x128xi32, #tpu.memory_space<vmem>>
    %dma_start3A_3591 = tpu.memref_squeeze %dma_start3A_3590 : memref<1x128xi32, #tpu.memory_space<vmem>> -> memref<128xi32, #tpu.memory_space<vmem>>
    %dma_start3A_3592 = arith.constant 0 : i32
    %dma_start3A_3593 = arith.constant 0 : i32
    %dma_start3A_3594 = tpu.memref_slice %arg3[%dma_start3A_3592, %dma_start3A_3593] : memref<2600000x128xf32, #tpu.memory_space<hbm>> -> memref<2600000x128xf32, #tpu.memory_space<hbm>>
    tpu.enqueue_indirect_dma source(%dma_start3A_3594 : memref<2600000x128xf32, #tpu.memory_space<hbm>>) target(%dma_start3A_3588 : memref<128x128xf32, #tpu.memory_space<vmem>>) offsets(%dma_start3A_3591 : memref<128xi32, #tpu.memory_space<vmem>>) semaphore(%arg9 : memref<!tpu.dma_semaphore, #tpu.memory_space<semaphore_mem>>)
    %dma_wait3A_3595 = arith.constant 10 : i32
    %dma_wait3A_3596 = arith.constant 3 : i32
    %dma_wait3A_3597 = arith.constant 0 : i32
    %dma_wait3A_3598 = arith.constant 0 : i32
    %dma_wait3A_3599 = tpu.memref_slice %arg6[%dma_wait3A_3596, %dma_wait3A_3597, %dma_wait3A_3598] : memref<7x128x128xf32, #tpu.memory_space<vmem>> -> memref<1x128x128xf32, #tpu.memory_space<vmem>>
    %dma_wait3A_3600 = tpu.memref_squeeze %dma_wait3A_3599 : memref<1x128x128xf32, #tpu.memory_space<vmem>> -> memref<128x128xf32, #tpu.memory_space<vmem>>
    %dma_wait3A_3601 = arith.constant 0 : i32
    %dma_wait3A_3602 = tpu.memref_slice %arg5[%dma_wait3A_3595, %dma_wait3A_3601] : memref<26x128xi32, #tpu.memory_space<vmem>> -> memref<1x128xi32, #tpu.memory_space<vmem>>
    %dma_wait3A_3603 = tpu.memref_squeeze %dma_wait3A_3602 : memref<1x128xi32, #tpu.memory_space<vmem>> -> memref<128xi32, #tpu.memory_space<vmem>>
    %dma_wait3A_3604 = arith.constant 0 : i32
    %dma_wait3A_3605 = arith.constant 0 : i32
    %dma_wait3A_3606 = tpu.memref_slice %arg3[%dma_wait3A_3604, %dma_wait3A_3605] : memref<2600000x128xf32, #tpu.memory_space<hbm>> -> memref<2600000x128xf32, #tpu.memory_space<hbm>>
    tpu.wait_indirect_dma semaphore(%arg10 : memref<!tpu.dma_semaphore, #tpu.memory_space<semaphore_mem>>) src(%dma_wait3A_3606 : memref<2600000x128xf32, #tpu.memory_space<hbm>>) dst(%dma_wait3A_3600 : memref<128x128xf32, #tpu.memory_space<vmem>>)
    %dma_start3A_3607 = arith.constant 3 : i32
    %dma_start3A_3608 = arith.constant 10 : i32
    %dma_start3A_3609 = arith.constant 0 : i32
    %dma_start3A_3610 = arith.constant 0 : i32
    %dma_start3A_3611 = tpu.memref_slice %arg6[%dma_start3A_3607, %dma_start3A_3609, %dma_start3A_3610] : memref<7x128x128xf32, #tpu.memory_space<vmem>> -> memref<1x128x128xf32, #tpu.memory_space<vmem>>
    %dma_start3A_3612 = tpu.memref_squeeze %dma_start3A_3611 : memref<1x128x128xf32, #tpu.memory_space<vmem>> -> memref<128x128xf32, #tpu.memory_space<vmem>>
    %dma_start3A_3613 = arith.constant 0 : i32
    %dma_start3A_3614 = tpu.memref_slice %arg4[%dma_start3A_3608, %mul3A_2, %dma_start3A_3613] : memref<26x4096x128xf32, #tpu.memory_space<hbm>> -> memref<1x128x128xf32, #tpu.memory_space<hbm>>
    %dma_start3A_3615 = tpu.memref_squeeze %dma_start3A_3614 : memref<1x128x128xf32, #tpu.memory_space<hbm>> -> memref<128x128xf32, #tpu.memory_space<hbm>>
    %dma_start3A_3616 = arith.constant 0 : i32
    %dma_start3A_3617 = tpu.memref_slice %arg4[%dma_start3A_3608, %mul3A_2, %dma_start3A_3616] : memref<26x4096x128xf32, #tpu.memory_space<hbm>> -> memref<1x128x128xf32, #tpu.memory_space<hbm>>
    %dma_start3A_3618 = tpu.memref_squeeze %dma_start3A_3617 : memref<1x128x128xf32, #tpu.memory_space<hbm>> -> memref<128x128xf32, #tpu.memory_space<hbm>>
    %dma_start3A_3619 = arith.constant 0 : i32
    %dma_start3A_3620 = arith.constant 0 : i32
    %dma_start3A_3621 = tpu.memref_slice %arg6[%dma_start3A_3607, %dma_start3A_3619, %dma_start3A_3620] : memref<7x128x128xf32, #tpu.memory_space<vmem>> -> memref<1x128x128xf32, #tpu.memory_space<vmem>>
    %dma_start3A_3622 = tpu.memref_squeeze %dma_start3A_3621 : memref<1x128x128xf32, #tpu.memory_space<vmem>> -> memref<128x128xf32, #tpu.memory_space<vmem>>
    tpu.enqueue_dma source(%dma_start3A_3622 : memref<128x128xf32, #tpu.memory_space<vmem>>) target(%dma_start3A_3618 : memref<128x128xf32, #tpu.memory_space<hbm>>) target_semaphore(%arg17 : memref<!tpu.dma_semaphore, #tpu.memory_space<semaphore_mem>>)
    %dma_wait3A_3623 = arith.constant 3 : i32
    %dma_wait3A_3624 = arith.constant 10 : i32
    %dma_wait3A_3625 = arith.constant 0 : i32
    %dma_wait3A_3626 = arith.constant 0 : i32
    %dma_wait3A_3627 = tpu.memref_slice %arg6[%dma_wait3A_3623, %dma_wait3A_3625, %dma_wait3A_3626] : memref<7x128x128xf32, #tpu.memory_space<vmem>> -> memref<1x128x128xf32, #tpu.memory_space<vmem>>
    %dma_wait3A_3628 = tpu.memref_squeeze %dma_wait3A_3627 : memref<1x128x128xf32, #tpu.memory_space<vmem>> -> memref<128x128xf32, #tpu.memory_space<vmem>>
    %dma_wait3A_3629 = arith.constant 0 : i32
    %dma_wait3A_3630 = tpu.memref_slice %arg4[%dma_wait3A_3624, %mul3A_2, %dma_wait3A_3629] : memref<26x4096x128xf32, #tpu.memory_space<hbm>> -> memref<1x128x128xf32, #tpu.memory_space<hbm>>
    %dma_wait3A_3631 = tpu.memref_squeeze %dma_wait3A_3630 : memref<1x128x128xf32, #tpu.memory_space<hbm>> -> memref<128x128xf32, #tpu.memory_space<hbm>>
    %dma_wait3A_3632 = arith.constant 0 : i32
    %dma_wait3A_3633 = tpu.memref_slice %arg4[%dma_wait3A_3624, %mul3A_2, %dma_wait3A_3632] : memref<26x4096x128xf32, #tpu.memory_space<hbm>> -> memref<1x128x128xf32, #tpu.memory_space<hbm>>
    %dma_wait3A_3634 = tpu.memref_squeeze %dma_wait3A_3633 : memref<1x128x128xf32, #tpu.memory_space<hbm>> -> memref<128x128xf32, #tpu.memory_space<hbm>>
    %dma_wait3A_3635 = arith.constant 0 : i32
    %dma_wait3A_3636 = arith.constant 0 : i32
    %dma_wait3A_3637 = tpu.memref_slice %arg6[%dma_wait3A_3623, %dma_wait3A_3635, %dma_wait3A_3636] : memref<7x128x128xf32, #tpu.memory_space<vmem>> -> memref<1x128x128xf32, #tpu.memory_space<vmem>>
    %dma_wait3A_3638 = tpu.memref_squeeze %dma_wait3A_3637 : memref<1x128x128xf32, #tpu.memory_space<vmem>> -> memref<128x128xf32, #tpu.memory_space<vmem>>
    tpu.wait_dma2 semaphore(%arg17 : memref<!tpu.dma_semaphore, #tpu.memory_space<semaphore_mem>>) src(%dma_wait3A_3638 : memref<128x128xf32, #tpu.memory_space<vmem>>) dst(%dma_wait3A_3634 : memref<128x128xf32, #tpu.memory_space<hbm>>)
    %dma_start3A_3639 = arith.constant 17 : i32
    %dma_start3A_3640 = arith.constant 3 : i32
    %dma_start3A_3641 = arith.constant 0 : i32
    %dma_start3A_3642 = arith.constant 0 : i32
    %dma_start3A_3643 = tpu.memref_slice %arg6[%dma_start3A_3640, %dma_start3A_3641, %dma_start3A_3642] : memref<7x128x128xf32, #tpu.memory_space<vmem>> -> memref<1x128x128xf32, #tpu.memory_space<vmem>>
    %dma_start3A_3644 = tpu.memref_squeeze %dma_start3A_3643 : memref<1x128x128xf32, #tpu.memory_space<vmem>> -> memref<128x128xf32, #tpu.memory_space<vmem>>
    %dma_start3A_3645 = arith.constant 0 : i32
    %dma_start3A_3646 = tpu.memref_slice %arg5[%dma_start3A_3639, %dma_start3A_3645] : memref<26x128xi32, #tpu.memory_space<vmem>> -> memref<1x128xi32, #tpu.memory_space<vmem>>
    %dma_start3A_3647 = tpu.memref_squeeze %dma_start3A_3646 : memref<1x128xi32, #tpu.memory_space<vmem>> -> memref<128xi32, #tpu.memory_space<vmem>>
    %dma_start3A_3648 = arith.constant 0 : i32
    %dma_start3A_3649 = arith.constant 0 : i32
    %dma_start3A_3650 = tpu.memref_slice %arg3[%dma_start3A_3648, %dma_start3A_3649] : memref<2600000x128xf32, #tpu.memory_space<hbm>> -> memref<2600000x128xf32, #tpu.memory_space<hbm>>
    tpu.enqueue_indirect_dma source(%dma_start3A_3650 : memref<2600000x128xf32, #tpu.memory_space<hbm>>) target(%dma_start3A_3644 : memref<128x128xf32, #tpu.memory_space<vmem>>) offsets(%dma_start3A_3647 : memref<128xi32, #tpu.memory_space<vmem>>) semaphore(%arg10 : memref<!tpu.dma_semaphore, #tpu.memory_space<semaphore_mem>>)
    %dma_wait3A_3651 = arith.constant 11 : i32
    %dma_wait3A_3652 = arith.constant 4 : i32
    %dma_wait3A_3653 = arith.constant 0 : i32
    %dma_wait3A_3654 = arith.constant 0 : i32
    %dma_wait3A_3655 = tpu.memref_slice %arg6[%dma_wait3A_3652, %dma_wait3A_3653, %dma_wait3A_3654] : memref<7x128x128xf32, #tpu.memory_space<vmem>> -> memref<1x128x128xf32, #tpu.memory_space<vmem>>
    %dma_wait3A_3656 = tpu.memref_squeeze %dma_wait3A_3655 : memref<1x128x128xf32, #tpu.memory_space<vmem>> -> memref<128x128xf32, #tpu.memory_space<vmem>>
    %dma_wait3A_3657 = arith.constant 0 : i32
    %dma_wait3A_3658 = tpu.memref_slice %arg5[%dma_wait3A_3651, %dma_wait3A_3657] : memref<26x128xi32, #tpu.memory_space<vmem>> -> memref<1x128xi32, #tpu.memory_space<vmem>>
    %dma_wait3A_3659 = tpu.memref_squeeze %dma_wait3A_3658 : memref<1x128xi32, #tpu.memory_space<vmem>> -> memref<128xi32, #tpu.memory_space<vmem>>
    %dma_wait3A_3660 = arith.constant 0 : i32
    %dma_wait3A_3661 = arith.constant 0 : i32
    %dma_wait3A_3662 = tpu.memref_slice %arg3[%dma_wait3A_3660, %dma_wait3A_3661] : memref<2600000x128xf32, #tpu.memory_space<hbm>> -> memref<2600000x128xf32, #tpu.memory_space<hbm>>
    tpu.wait_indirect_dma semaphore(%arg11 : memref<!tpu.dma_semaphore, #tpu.memory_space<semaphore_mem>>) src(%dma_wait3A_3662 : memref<2600000x128xf32, #tpu.memory_space<hbm>>) dst(%dma_wait3A_3656 : memref<128x128xf32, #tpu.memory_space<vmem>>)
    %dma_start3A_3663 = arith.constant 4 : i32
    %dma_start3A_3664 = arith.constant 11 : i32
    %dma_start3A_3665 = arith.constant 0 : i32
    %dma_start3A_3666 = arith.constant 0 : i32
    %dma_start3A_3667 = tpu.memref_slice %arg6[%dma_start3A_3663, %dma_start3A_3665, %dma_start3A_3666] : memref<7x128x128xf32, #tpu.memory_space<vmem>> -> memref<1x128x128xf32, #tpu.memory_space<vmem>>
    %dma_start3A_3668 = tpu.memref_squeeze %dma_start3A_3667 : memref<1x128x128xf32, #tpu.memory_space<vmem>> -> memref<128x128xf32, #tpu.memory_space<vmem>>
    %dma_start3A_3669 = arith.constant 0 : i32
    %dma_start3A_3670 = tpu.memref_slice %arg4[%dma_start3A_3664, %mul3A_2, %dma_start3A_3669] : memref<26x4096x128xf32, #tpu.memory_space<hbm>> -> memref<1x128x128xf32, #tpu.memory_space<hbm>>
    %dma_start3A_3671 = tpu.memref_squeeze %dma_start3A_3670 : memref<1x128x128xf32, #tpu.memory_space<hbm>> -> memref<128x128xf32, #tpu.memory_space<hbm>>
    %dma_start3A_3672 = arith.constant 0 : i32
    %dma_start3A_3673 = tpu.memref_slice %arg4[%dma_start3A_3664, %mul3A_2, %dma_start3A_3672] : memref<26x4096x128xf32, #tpu.memory_space<hbm>> -> memref<1x128x128xf32, #tpu.memory_space<hbm>>
    %dma_start3A_3674 = tpu.memref_squeeze %dma_start3A_3673 : memref<1x128x128xf32, #tpu.memory_space<hbm>> -> memref<128x128xf32, #tpu.memory_space<hbm>>
    %dma_start3A_3675 = arith.constant 0 : i32
    %dma_start3A_3676 = arith.constant 0 : i32
    %dma_start3A_3677 = tpu.memref_slice %arg6[%dma_start3A_3663, %dma_start3A_3675, %dma_start3A_3676] : memref<7x128x128xf32, #tpu.memory_space<vmem>> -> memref<1x128x128xf32, #tpu.memory_space<vmem>>
    %dma_start3A_3678 = tpu.memref_squeeze %dma_start3A_3677 : memref<1x128x128xf32, #tpu.memory_space<vmem>> -> memref<128x128xf32, #tpu.memory_space<vmem>>
    tpu.enqueue_dma source(%dma_start3A_3678 : memref<128x128xf32, #tpu.memory_space<vmem>>) target(%dma_start3A_3674 : memref<128x128xf32, #tpu.memory_space<hbm>>) target_semaphore(%arg18 : memref<!tpu.dma_semaphore, #tpu.memory_space<semaphore_mem>>)
    %dma_wait3A_3679 = arith.constant 4 : i32
    %dma_wait3A_3680 = arith.constant 11 : i32
    %dma_wait3A_3681 = arith.constant 0 : i32
    %dma_wait3A_3682 = arith.constant 0 : i32
    %dma_wait3A_3683 = tpu.memref_slice %arg6[%dma_wait3A_3679, %dma_wait3A_3681, %dma_wait3A_3682] : memref<7x128x128xf32, #tpu.memory_space<vmem>> -> memref<1x128x128xf32, #tpu.memory_space<vmem>>
    %dma_wait3A_3684 = tpu.memref_squeeze %dma_wait3A_3683 : memref<1x128x128xf32, #tpu.memory_space<vmem>> -> memref<128x128xf32, #tpu.memory_space<vmem>>
    %dma_wait3A_3685 = arith.constant 0 : i32
    %dma_wait3A_3686 = tpu.memref_slice %arg4[%dma_wait3A_3680, %mul3A_2, %dma_wait3A_3685] : memref<26x4096x128xf32, #tpu.memory_space<hbm>> -> memref<1x128x128xf32, #tpu.memory_space<hbm>>
    %dma_wait3A_3687 = tpu.memref_squeeze %dma_wait3A_3686 : memref<1x128x128xf32, #tpu.memory_space<hbm>> -> memref<128x128xf32, #tpu.memory_space<hbm>>
    %dma_wait3A_3688 = arith.constant 0 : i32
    %dma_wait3A_3689 = tpu.memref_slice %arg4[%dma_wait3A_3680, %mul3A_2, %dma_wait3A_3688] : memref<26x4096x128xf32, #tpu.memory_space<hbm>> -> memref<1x128x128xf32, #tpu.memory_space<hbm>>
    %dma_wait3A_3690 = tpu.memref_squeeze %dma_wait3A_3689 : memref<1x128x128xf32, #tpu.memory_space<hbm>> -> memref<128x128xf32, #tpu.memory_space<hbm>>
    %dma_wait3A_3691 = arith.constant 0 : i32
    %dma_wait3A_3692 = arith.constant 0 : i32
    %dma_wait3A_3693 = tpu.memref_slice %arg6[%dma_wait3A_3679, %dma_wait3A_3691, %dma_wait3A_3692] : memref<7x128x128xf32, #tpu.memory_space<vmem>> -> memref<1x128x128xf32, #tpu.memory_space<vmem>>
    %dma_wait3A_3694 = tpu.memref_squeeze %dma_wait3A_3693 : memref<1x128x128xf32, #tpu.memory_space<vmem>> -> memref<128x128xf32, #tpu.memory_space<vmem>>
    tpu.wait_dma2 semaphore(%arg18 : memref<!tpu.dma_semaphore, #tpu.memory_space<semaphore_mem>>) src(%dma_wait3A_3694 : memref<128x128xf32, #tpu.memory_space<vmem>>) dst(%dma_wait3A_3690 : memref<128x128xf32, #tpu.memory_space<hbm>>)
    %dma_start3A_3695 = arith.constant 18 : i32
    %dma_start3A_3696 = arith.constant 4 : i32
    %dma_start3A_3697 = arith.constant 0 : i32
    %dma_start3A_3698 = arith.constant 0 : i32
    %dma_start3A_3699 = tpu.memref_slice %arg6[%dma_start3A_3696, %dma_start3A_3697, %dma_start3A_3698] : memref<7x128x128xf32, #tpu.memory_space<vmem>> -> memref<1x128x128xf32, #tpu.memory_space<vmem>>
    %dma_start3A_3700 = tpu.memref_squeeze %dma_start3A_3699 : memref<1x128x128xf32, #tpu.memory_space<vmem>> -> memref<128x128xf32, #tpu.memory_space<vmem>>
    %dma_start3A_3701 = arith.constant 0 : i32
    %dma_start3A_3702 = tpu.memref_slice %arg5[%dma_start3A_3695, %dma_start3A_3701] : memref<26x128xi32, #tpu.memory_space<vmem>> -> memref<1x128xi32, #tpu.memory_space<vmem>>
    %dma_start3A_3703 = tpu.memref_squeeze %dma_start3A_3702 : memref<1x128xi32, #tpu.memory_space<vmem>> -> memref<128xi32, #tpu.memory_space<vmem>>
    %dma_start3A_3704 = arith.constant 0 : i32
    %dma_start3A_3705 = arith.constant 0 : i32
    %dma_start3A_3706 = tpu.memref_slice %arg3[%dma_start3A_3704, %dma_start3A_3705] : memref<2600000x128xf32, #tpu.memory_space<hbm>> -> memref<2600000x128xf32, #tpu.memory_space<hbm>>
    tpu.enqueue_indirect_dma source(%dma_start3A_3706 : memref<2600000x128xf32, #tpu.memory_space<hbm>>) target(%dma_start3A_3700 : memref<128x128xf32, #tpu.memory_space<vmem>>) offsets(%dma_start3A_3703 : memref<128xi32, #tpu.memory_space<vmem>>) semaphore(%arg11 : memref<!tpu.dma_semaphore, #tpu.memory_space<semaphore_mem>>)
    %dma_wait3A_3707 = arith.constant 12 : i32
    %dma_wait3A_3708 = arith.constant 5 : i32
    %dma_wait3A_3709 = arith.constant 0 : i32
    %dma_wait3A_3710 = arith.constant 0 : i32
    %dma_wait3A_3711 = tpu.memref_slice %arg6[%dma_wait3A_3708, %dma_wait3A_3709, %dma_wait3A_3710] : memref<7x128x128xf32, #tpu.memory_space<vmem>> -> memref<1x128x128xf32, #tpu.memory_space<vmem>>
    %dma_wait3A_3712 = tpu.memref_squeeze %dma_wait3A_3711 : memref<1x128x128xf32, #tpu.memory_space<vmem>> -> memref<128x128xf32, #tpu.memory_space<vmem>>
    %dma_wait3A_3713 = arith.constant 0 : i32
    %dma_wait3A_3714 = tpu.memref_slice %arg5[%dma_wait3A_3707, %dma_wait3A_3713] : memref<26x128xi32, #tpu.memory_space<vmem>> -> memref<1x128xi32, #tpu.memory_space<vmem>>
    %dma_wait3A_3715 = tpu.memref_squeeze %dma_wait3A_3714 : memref<1x128xi32, #tpu.memory_space<vmem>> -> memref<128xi32, #tpu.memory_space<vmem>>
    %dma_wait3A_3716 = arith.constant 0 : i32
    %dma_wait3A_3717 = arith.constant 0 : i32
    %dma_wait3A_3718 = tpu.memref_slice %arg3[%dma_wait3A_3716, %dma_wait3A_3717] : memref<2600000x128xf32, #tpu.memory_space<hbm>> -> memref<2600000x128xf32, #tpu.memory_space<hbm>>
    tpu.wait_indirect_dma semaphore(%arg12 : memref<!tpu.dma_semaphore, #tpu.memory_space<semaphore_mem>>) src(%dma_wait3A_3718 : memref<2600000x128xf32, #tpu.memory_space<hbm>>) dst(%dma_wait3A_3712 : memref<128x128xf32, #tpu.memory_space<vmem>>)
    %dma_start3A_3719 = arith.constant 5 : i32
    %dma_start3A_3720 = arith.constant 12 : i32
    %dma_start3A_3721 = arith.constant 0 : i32
    %dma_start3A_3722 = arith.constant 0 : i32
    %dma_start3A_3723 = tpu.memref_slice %arg6[%dma_start3A_3719, %dma_start3A_3721, %dma_start3A_3722] : memref<7x128x128xf32, #tpu.memory_space<vmem>> -> memref<1x128x128xf32, #tpu.memory_space<vmem>>
    %dma_start3A_3724 = tpu.memref_squeeze %dma_start3A_3723 : memref<1x128x128xf32, #tpu.memory_space<vmem>> -> memref<128x128xf32, #tpu.memory_space<vmem>>
    %dma_start3A_3725 = arith.constant 0 : i32
    %dma_start3A_3726 = tpu.memref_slice %arg4[%dma_start3A_3720, %mul3A_2, %dma_start3A_3725] : memref<26x4096x128xf32, #tpu.memory_space<hbm>> -> memref<1x128x128xf32, #tpu.memory_space<hbm>>
    %dma_start3A_3727 = tpu.memref_squeeze %dma_start3A_3726 : memref<1x128x128xf32, #tpu.memory_space<hbm>> -> memref<128x128xf32, #tpu.memory_space<hbm>>
    %dma_start3A_3728 = arith.constant 0 : i32
    %dma_start3A_3729 = tpu.memref_slice %arg4[%dma_start3A_3720, %mul3A_2, %dma_start3A_3728] : memref<26x4096x128xf32, #tpu.memory_space<hbm>> -> memref<1x128x128xf32, #tpu.memory_space<hbm>>
    %dma_start3A_3730 = tpu.memref_squeeze %dma_start3A_3729 : memref<1x128x128xf32, #tpu.memory_space<hbm>> -> memref<128x128xf32, #tpu.memory_space<hbm>>
    %dma_start3A_3731 = arith.constant 0 : i32
    %dma_start3A_3732 = arith.constant 0 : i32
    %dma_start3A_3733 = tpu.memref_slice %arg6[%dma_start3A_3719, %dma_start3A_3731, %dma_start3A_3732] : memref<7x128x128xf32, #tpu.memory_space<vmem>> -> memref<1x128x128xf32, #tpu.memory_space<vmem>>
    %dma_start3A_3734 = tpu.memref_squeeze %dma_start3A_3733 : memref<1x128x128xf32, #tpu.memory_space<vmem>> -> memref<128x128xf32, #tpu.memory_space<vmem>>
    tpu.enqueue_dma source(%dma_start3A_3734 : memref<128x128xf32, #tpu.memory_space<vmem>>) target(%dma_start3A_3730 : memref<128x128xf32, #tpu.memory_space<hbm>>) target_semaphore(%arg19 : memref<!tpu.dma_semaphore, #tpu.memory_space<semaphore_mem>>)
    %dma_wait3A_3735 = arith.constant 5 : i32
    %dma_wait3A_3736 = arith.constant 12 : i32
    %dma_wait3A_3737 = arith.constant 0 : i32
    %dma_wait3A_3738 = arith.constant 0 : i32
    %dma_wait3A_3739 = tpu.memref_slice %arg6[%dma_wait3A_3735, %dma_wait3A_3737, %dma_wait3A_3738] : memref<7x128x128xf32, #tpu.memory_space<vmem>> -> memref<1x128x128xf32, #tpu.memory_space<vmem>>
    %dma_wait3A_3740 = tpu.memref_squeeze %dma_wait3A_3739 : memref<1x128x128xf32, #tpu.memory_space<vmem>> -> memref<128x128xf32, #tpu.memory_space<vmem>>
    %dma_wait3A_3741 = arith.constant 0 : i32
    %dma_wait3A_3742 = tpu.memref_slice %arg4[%dma_wait3A_3736, %mul3A_2, %dma_wait3A_3741] : memref<26x4096x128xf32, #tpu.memory_space<hbm>> -> memref<1x128x128xf32, #tpu.memory_space<hbm>>
    %dma_wait3A_3743 = tpu.memref_squeeze %dma_wait3A_3742 : memref<1x128x128xf32, #tpu.memory_space<hbm>> -> memref<128x128xf32, #tpu.memory_space<hbm>>
    %dma_wait3A_3744 = arith.constant 0 : i32
    %dma_wait3A_3745 = tpu.memref_slice %arg4[%dma_wait3A_3736, %mul3A_2, %dma_wait3A_3744] : memref<26x4096x128xf32, #tpu.memory_space<hbm>> -> memref<1x128x128xf32, #tpu.memory_space<hbm>>
    %dma_wait3A_3746 = tpu.memref_squeeze %dma_wait3A_3745 : memref<1x128x128xf32, #tpu.memory_space<hbm>> -> memref<128x128xf32, #tpu.memory_space<hbm>>
    %dma_wait3A_3747 = arith.constant 0 : i32
    %dma_wait3A_3748 = arith.constant 0 : i32
    %dma_wait3A_3749 = tpu.memref_slice %arg6[%dma_wait3A_3735, %dma_wait3A_3747, %dma_wait3A_3748] : memref<7x128x128xf32, #tpu.memory_space<vmem>> -> memref<1x128x128xf32, #tpu.memory_space<vmem>>
    %dma_wait3A_3750 = tpu.memref_squeeze %dma_wait3A_3749 : memref<1x128x128xf32, #tpu.memory_space<vmem>> -> memref<128x128xf32, #tpu.memory_space<vmem>>
    tpu.wait_dma2 semaphore(%arg19 : memref<!tpu.dma_semaphore, #tpu.memory_space<semaphore_mem>>) src(%dma_wait3A_3750 : memref<128x128xf32, #tpu.memory_space<vmem>>) dst(%dma_wait3A_3746 : memref<128x128xf32, #tpu.memory_space<hbm>>)
    %dma_start3A_3751 = arith.constant 19 : i32
    %dma_start3A_3752 = arith.constant 5 : i32
    %dma_start3A_3753 = arith.constant 0 : i32
    %dma_start3A_3754 = arith.constant 0 : i32
    %dma_start3A_3755 = tpu.memref_slice %arg6[%dma_start3A_3752, %dma_start3A_3753, %dma_start3A_3754] : memref<7x128x128xf32, #tpu.memory_space<vmem>> -> memref<1x128x128xf32, #tpu.memory_space<vmem>>
    %dma_start3A_3756 = tpu.memref_squeeze %dma_start3A_3755 : memref<1x128x128xf32, #tpu.memory_space<vmem>> -> memref<128x128xf32, #tpu.memory_space<vmem>>
    %dma_start3A_3757 = arith.constant 0 : i32
    %dma_start3A_3758 = tpu.memref_slice %arg5[%dma_start3A_3751, %dma_start3A_3757] : memref<26x128xi32, #tpu.memory_space<vmem>> -> memref<1x128xi32, #tpu.memory_space<vmem>>
    %dma_start3A_3759 = tpu.memref_squeeze %dma_start3A_3758 : memref<1x128xi32, #tpu.memory_space<vmem>> -> memref<128xi32, #tpu.memory_space<vmem>>
    %dma_start3A_3760 = arith.constant 0 : i32
    %dma_start3A_3761 = arith.constant 0 : i32
    %dma_start3A_3762 = tpu.memref_slice %arg3[%dma_start3A_3760, %dma_start3A_3761] : memref<2600000x128xf32, #tpu.memory_space<hbm>> -> memref<2600000x128xf32, #tpu.memory_space<hbm>>
    tpu.enqueue_indirect_dma source(%dma_start3A_3762 : memref<2600000x128xf32, #tpu.memory_space<hbm>>) target(%dma_start3A_3756 : memref<128x128xf32, #tpu.memory_space<vmem>>) offsets(%dma_start3A_3759 : memref<128xi32, #tpu.memory_space<vmem>>) semaphore(%arg12 : memref<!tpu.dma_semaphore, #tpu.memory_space<semaphore_mem>>)
    %dma_wait3A_3763 = arith.constant 13 : i32
    %dma_wait3A_3764 = arith.constant 6 : i32
    %dma_wait3A_3765 = arith.constant 0 : i32
    %dma_wait3A_3766 = arith.constant 0 : i32
    %dma_wait3A_3767 = tpu.memref_slice %arg6[%dma_wait3A_3764, %dma_wait3A_3765, %dma_wait3A_3766] : memref<7x128x128xf32, #tpu.memory_space<vmem>> -> memref<1x128x128xf32, #tpu.memory_space<vmem>>
    %dma_wait3A_3768 = tpu.memref_squeeze %dma_wait3A_3767 : memref<1x128x128xf32, #tpu.memory_space<vmem>> -> memref<128x128xf32, #tpu.memory_space<vmem>>
    %dma_wait3A_3769 = arith.constant 0 : i32
    %dma_wait3A_3770 = tpu.memref_slice %arg5[%dma_wait3A_3763, %dma_wait3A_3769] : memref<26x128xi32, #tpu.memory_space<vmem>> -> memref<1x128xi32, #tpu.memory_space<vmem>>
    %dma_wait3A_3771 = tpu.memref_squeeze %dma_wait3A_3770 : memref<1x128xi32, #tpu.memory_space<vmem>> -> memref<128xi32, #tpu.memory_space<vmem>>
    %dma_wait3A_3772 = arith.constant 0 : i32
    %dma_wait3A_3773 = arith.constant 0 : i32
    %dma_wait3A_3774 = tpu.memref_slice %arg3[%dma_wait3A_3772, %dma_wait3A_3773] : memref<2600000x128xf32, #tpu.memory_space<hbm>> -> memref<2600000x128xf32, #tpu.memory_space<hbm>>
    tpu.wait_indirect_dma semaphore(%arg13 : memref<!tpu.dma_semaphore, #tpu.memory_space<semaphore_mem>>) src(%dma_wait3A_3774 : memref<2600000x128xf32, #tpu.memory_space<hbm>>) dst(%dma_wait3A_3768 : memref<128x128xf32, #tpu.memory_space<vmem>>)
    %dma_start3A_3775 = arith.constant 6 : i32
    %dma_start3A_3776 = arith.constant 13 : i32
    %dma_start3A_3777 = arith.constant 0 : i32
    %dma_start3A_3778 = arith.constant 0 : i32
    %dma_start3A_3779 = tpu.memref_slice %arg6[%dma_start3A_3775, %dma_start3A_3777, %dma_start3A_3778] : memref<7x128x128xf32, #tpu.memory_space<vmem>> -> memref<1x128x128xf32, #tpu.memory_space<vmem>>
    %dma_start3A_3780 = tpu.memref_squeeze %dma_start3A_3779 : memref<1x128x128xf32, #tpu.memory_space<vmem>> -> memref<128x128xf32, #tpu.memory_space<vmem>>
    %dma_start3A_3781 = arith.constant 0 : i32
    %dma_start3A_3782 = tpu.memref_slice %arg4[%dma_start3A_3776, %mul3A_2, %dma_start3A_3781] : memref<26x4096x128xf32, #tpu.memory_space<hbm>> -> memref<1x128x128xf32, #tpu.memory_space<hbm>>
    %dma_start3A_3783 = tpu.memref_squeeze %dma_start3A_3782 : memref<1x128x128xf32, #tpu.memory_space<hbm>> -> memref<128x128xf32, #tpu.memory_space<hbm>>
    %dma_start3A_3784 = arith.constant 0 : i32
    %dma_start3A_3785 = tpu.memref_slice %arg4[%dma_start3A_3776, %mul3A_2, %dma_start3A_3784] : memref<26x4096x128xf32, #tpu.memory_space<hbm>> -> memref<1x128x128xf32, #tpu.memory_space<hbm>>
    %dma_start3A_3786 = tpu.memref_squeeze %dma_start3A_3785 : memref<1x128x128xf32, #tpu.memory_space<hbm>> -> memref<128x128xf32, #tpu.memory_space<hbm>>
    %dma_start3A_3787 = arith.constant 0 : i32
    %dma_start3A_3788 = arith.constant 0 : i32
    %dma_start3A_3789 = tpu.memref_slice %arg6[%dma_start3A_3775, %dma_start3A_3787, %dma_start3A_3788] : memref<7x128x128xf32, #tpu.memory_space<vmem>> -> memref<1x128x128xf32, #tpu.memory_space<vmem>>
    %dma_start3A_3790 = tpu.memref_squeeze %dma_start3A_3789 : memref<1x128x128xf32, #tpu.memory_space<vmem>> -> memref<128x128xf32, #tpu.memory_space<vmem>>
    tpu.enqueue_dma source(%dma_start3A_3790 : memref<128x128xf32, #tpu.memory_space<vmem>>) target(%dma_start3A_3786 : memref<128x128xf32, #tpu.memory_space<hbm>>) target_semaphore(%arg20 : memref<!tpu.dma_semaphore, #tpu.memory_space<semaphore_mem>>)
    %dma_wait3A_3791 = arith.constant 6 : i32
    %dma_wait3A_3792 = arith.constant 13 : i32
    %dma_wait3A_3793 = arith.constant 0 : i32
    %dma_wait3A_3794 = arith.constant 0 : i32
    %dma_wait3A_3795 = tpu.memref_slice %arg6[%dma_wait3A_3791, %dma_wait3A_3793, %dma_wait3A_3794] : memref<7x128x128xf32, #tpu.memory_space<vmem>> -> memref<1x128x128xf32, #tpu.memory_space<vmem>>
    %dma_wait3A_3796 = tpu.memref_squeeze %dma_wait3A_3795 : memref<1x128x128xf32, #tpu.memory_space<vmem>> -> memref<128x128xf32, #tpu.memory_space<vmem>>
    %dma_wait3A_3797 = arith.constant 0 : i32
    %dma_wait3A_3798 = tpu.memref_slice %arg4[%dma_wait3A_3792, %mul3A_2, %dma_wait3A_3797] : memref<26x4096x128xf32, #tpu.memory_space<hbm>> -> memref<1x128x128xf32, #tpu.memory_space<hbm>>
    %dma_wait3A_3799 = tpu.memref_squeeze %dma_wait3A_3798 : memref<1x128x128xf32, #tpu.memory_space<hbm>> -> memref<128x128xf32, #tpu.memory_space<hbm>>
    %dma_wait3A_3800 = arith.constant 0 : i32
    %dma_wait3A_3801 = tpu.memref_slice %arg4[%dma_wait3A_3792, %mul3A_2, %dma_wait3A_3800] : memref<26x4096x128xf32, #tpu.memory_space<hbm>> -> memref<1x128x128xf32, #tpu.memory_space<hbm>>
    %dma_wait3A_3802 = tpu.memref_squeeze %dma_wait3A_3801 : memref<1x128x128xf32, #tpu.memory_space<hbm>> -> memref<128x128xf32, #tpu.memory_space<hbm>>
    %dma_wait3A_3803 = arith.constant 0 : i32
    %dma_wait3A_3804 = arith.constant 0 : i32
    %dma_wait3A_3805 = tpu.memref_slice %arg6[%dma_wait3A_3791, %dma_wait3A_3803, %dma_wait3A_3804] : memref<7x128x128xf32, #tpu.memory_space<vmem>> -> memref<1x128x128xf32, #tpu.memory_space<vmem>>
    %dma_wait3A_3806 = tpu.memref_squeeze %dma_wait3A_3805 : memref<1x128x128xf32, #tpu.memory_space<vmem>> -> memref<128x128xf32, #tpu.memory_space<vmem>>
    tpu.wait_dma2 semaphore(%arg20 : memref<!tpu.dma_semaphore, #tpu.memory_space<semaphore_mem>>) src(%dma_wait3A_3806 : memref<128x128xf32, #tpu.memory_space<vmem>>) dst(%dma_wait3A_3802 : memref<128x128xf32, #tpu.memory_space<hbm>>)
    %dma_start3A_3807 = arith.constant 20 : i32
    %dma_start3A_3808 = arith.constant 6 : i32
    %dma_start3A_3809 = arith.constant 0 : i32
    %dma_start3A_3810 = arith.constant 0 : i32
    %dma_start3A_3811 = tpu.memref_slice %arg6[%dma_start3A_3808, %dma_start3A_3809, %dma_start3A_3810] : memref<7x128x128xf32, #tpu.memory_space<vmem>> -> memref<1x128x128xf32, #tpu.memory_space<vmem>>
    %dma_start3A_3812 = tpu.memref_squeeze %dma_start3A_3811 : memref<1x128x128xf32, #tpu.memory_space<vmem>> -> memref<128x128xf32, #tpu.memory_space<vmem>>
    %dma_start3A_3813 = arith.constant 0 : i32
    %dma_start3A_3814 = tpu.memref_slice %arg5[%dma_start3A_3807, %dma_start3A_3813] : memref<26x128xi32, #tpu.memory_space<vmem>> -> memref<1x128xi32, #tpu.memory_space<vmem>>
    %dma_start3A_3815 = tpu.memref_squeeze %dma_start3A_3814 : memref<1x128xi32, #tpu.memory_space<vmem>> -> memref<128xi32, #tpu.memory_space<vmem>>
    %dma_start3A_3816 = arith.constant 0 : i32
    %dma_start3A_3817 = arith.constant 0 : i32
    %dma_start3A_3818 = tpu.memref_slice %arg3[%dma_start3A_3816, %dma_start3A_3817] : memref<2600000x128xf32, #tpu.memory_space<hbm>> -> memref<2600000x128xf32, #tpu.memory_space<hbm>>
    tpu.enqueue_indirect_dma source(%dma_start3A_3818 : memref<2600000x128xf32, #tpu.memory_space<hbm>>) target(%dma_start3A_3812 : memref<128x128xf32, #tpu.memory_space<vmem>>) offsets(%dma_start3A_3815 : memref<128xi32, #tpu.memory_space<vmem>>) semaphore(%arg13 : memref<!tpu.dma_semaphore, #tpu.memory_space<semaphore_mem>>)
    %dma_wait3A_3819 = arith.constant 14 : i32
    %dma_wait3A_3820 = arith.constant 0 : i32
    %dma_wait3A_3821 = arith.constant 0 : i32
    %dma_wait3A_3822 = arith.constant 0 : i32
    %dma_wait3A_3823 = tpu.memref_slice %arg6[%dma_wait3A_3820, %dma_wait3A_3821, %dma_wait3A_3822] : memref<7x128x128xf32, #tpu.memory_space<vmem>> -> memref<1x128x128xf32, #tpu.memory_space<vmem>>
    %dma_wait3A_3824 = tpu.memref_squeeze %dma_wait3A_3823 : memref<1x128x128xf32, #tpu.memory_space<vmem>> -> memref<128x128xf32, #tpu.memory_space<vmem>>
    %dma_wait3A_3825 = arith.constant 0 : i32
    %dma_wait3A_3826 = tpu.memref_slice %arg5[%dma_wait3A_3819, %dma_wait3A_3825] : memref<26x128xi32, #tpu.memory_space<vmem>> -> memref<1x128xi32, #tpu.memory_space<vmem>>
    %dma_wait3A_3827 = tpu.memref_squeeze %dma_wait3A_3826 : memref<1x128xi32, #tpu.memory_space<vmem>> -> memref<128xi32, #tpu.memory_space<vmem>>
    %dma_wait3A_3828 = arith.constant 0 : i32
    %dma_wait3A_3829 = arith.constant 0 : i32
    %dma_wait3A_3830 = tpu.memref_slice %arg3[%dma_wait3A_3828, %dma_wait3A_3829] : memref<2600000x128xf32, #tpu.memory_space<hbm>> -> memref<2600000x128xf32, #tpu.memory_space<hbm>>
    tpu.wait_indirect_dma semaphore(%arg7 : memref<!tpu.dma_semaphore, #tpu.memory_space<semaphore_mem>>) src(%dma_wait3A_3830 : memref<2600000x128xf32, #tpu.memory_space<hbm>>) dst(%dma_wait3A_3824 : memref<128x128xf32, #tpu.memory_space<vmem>>)
    %dma_start3A_3831 = arith.constant 0 : i32
    %dma_start3A_3832 = arith.constant 14 : i32
    %dma_start3A_3833 = arith.constant 0 : i32
    %dma_start3A_3834 = arith.constant 0 : i32
    %dma_start3A_3835 = tpu.memref_slice %arg6[%dma_start3A_3831, %dma_start3A_3833, %dma_start3A_3834] : memref<7x128x128xf32, #tpu.memory_space<vmem>> -> memref<1x128x128xf32, #tpu.memory_space<vmem>>
    %dma_start3A_3836 = tpu.memref_squeeze %dma_start3A_3835 : memref<1x128x128xf32, #tpu.memory_space<vmem>> -> memref<128x128xf32, #tpu.memory_space<vmem>>
    %dma_start3A_3837 = arith.constant 0 : i32
    %dma_start3A_3838 = tpu.memref_slice %arg4[%dma_start3A_3832, %mul3A_2, %dma_start3A_3837] : memref<26x4096x128xf32, #tpu.memory_space<hbm>> -> memref<1x128x128xf32, #tpu.memory_space<hbm>>
    %dma_start3A_3839 = tpu.memref_squeeze %dma_start3A_3838 : memref<1x128x128xf32, #tpu.memory_space<hbm>> -> memref<128x128xf32, #tpu.memory_space<hbm>>
    %dma_start3A_3840 = arith.constant 0 : i32
    %dma_start3A_3841 = tpu.memref_slice %arg4[%dma_start3A_3832, %mul3A_2, %dma_start3A_3840] : memref<26x4096x128xf32, #tpu.memory_space<hbm>> -> memref<1x128x128xf32, #tpu.memory_space<hbm>>
    %dma_start3A_3842 = tpu.memref_squeeze %dma_start3A_3841 : memref<1x128x128xf32, #tpu.memory_space<hbm>> -> memref<128x128xf32, #tpu.memory_space<hbm>>
    %dma_start3A_3843 = arith.constant 0 : i32
    %dma_start3A_3844 = arith.constant 0 : i32
    %dma_start3A_3845 = tpu.memref_slice %arg6[%dma_start3A_3831, %dma_start3A_3843, %dma_start3A_3844] : memref<7x128x128xf32, #tpu.memory_space<vmem>> -> memref<1x128x128xf32, #tpu.memory_space<vmem>>
    %dma_start3A_3846 = tpu.memref_squeeze %dma_start3A_3845 : memref<1x128x128xf32, #tpu.memory_space<vmem>> -> memref<128x128xf32, #tpu.memory_space<vmem>>
    tpu.enqueue_dma source(%dma_start3A_3846 : memref<128x128xf32, #tpu.memory_space<vmem>>) target(%dma_start3A_3842 : memref<128x128xf32, #tpu.memory_space<hbm>>) target_semaphore(%arg14 : memref<!tpu.dma_semaphore, #tpu.memory_space<semaphore_mem>>)
    %dma_wait3A_3847 = arith.constant 0 : i32
    %dma_wait3A_3848 = arith.constant 14 : i32
    %dma_wait3A_3849 = arith.constant 0 : i32
    %dma_wait3A_3850 = arith.constant 0 : i32
    %dma_wait3A_3851 = tpu.memref_slice %arg6[%dma_wait3A_3847, %dma_wait3A_3849, %dma_wait3A_3850] : memref<7x128x128xf32, #tpu.memory_space<vmem>> -> memref<1x128x128xf32, #tpu.memory_space<vmem>>
    %dma_wait3A_3852 = tpu.memref_squeeze %dma_wait3A_3851 : memref<1x128x128xf32, #tpu.memory_space<vmem>> -> memref<128x128xf32, #tpu.memory_space<vmem>>
    %dma_wait3A_3853 = arith.constant 0 : i32
    %dma_wait3A_3854 = tpu.memref_slice %arg4[%dma_wait3A_3848, %mul3A_2, %dma_wait3A_3853] : memref<26x4096x128xf32, #tpu.memory_space<hbm>> -> memref<1x128x128xf32, #tpu.memory_space<hbm>>
    %dma_wait3A_3855 = tpu.memref_squeeze %dma_wait3A_3854 : memref<1x128x128xf32, #tpu.memory_space<hbm>> -> memref<128x128xf32, #tpu.memory_space<hbm>>
    %dma_wait3A_3856 = arith.constant 0 : i32
    %dma_wait3A_3857 = tpu.memref_slice %arg4[%dma_wait3A_3848, %mul3A_2, %dma_wait3A_3856] : memref<26x4096x128xf32, #tpu.memory_space<hbm>> -> memref<1x128x128xf32, #tpu.memory_space<hbm>>
    %dma_wait3A_3858 = tpu.memref_squeeze %dma_wait3A_3857 : memref<1x128x128xf32, #tpu.memory_space<hbm>> -> memref<128x128xf32, #tpu.memory_space<hbm>>
    %dma_wait3A_3859 = arith.constant 0 : i32
    %dma_wait3A_3860 = arith.constant 0 : i32
    %dma_wait3A_3861 = tpu.memref_slice %arg6[%dma_wait3A_3847, %dma_wait3A_3859, %dma_wait3A_3860] : memref<7x128x128xf32, #tpu.memory_space<vmem>> -> memref<1x128x128xf32, #tpu.memory_space<vmem>>
    %dma_wait3A_3862 = tpu.memref_squeeze %dma_wait3A_3861 : memref<1x128x128xf32, #tpu.memory_space<vmem>> -> memref<128x128xf32, #tpu.memory_space<vmem>>
    tpu.wait_dma2 semaphore(%arg14 : memref<!tpu.dma_semaphore, #tpu.memory_space<semaphore_mem>>) src(%dma_wait3A_3862 : memref<128x128xf32, #tpu.memory_space<vmem>>) dst(%dma_wait3A_3858 : memref<128x128xf32, #tpu.memory_space<hbm>>)
    %dma_start3A_3863 = arith.constant 21 : i32
    %dma_start3A_3864 = arith.constant 0 : i32
    %dma_start3A_3865 = arith.constant 0 : i32
    %dma_start3A_3866 = arith.constant 0 : i32
    %dma_start3A_3867 = tpu.memref_slice %arg6[%dma_start3A_3864, %dma_start3A_3865, %dma_start3A_3866] : memref<7x128x128xf32, #tpu.memory_space<vmem>> -> memref<1x128x128xf32, #tpu.memory_space<vmem>>
    %dma_start3A_3868 = tpu.memref_squeeze %dma_start3A_3867 : memref<1x128x128xf32, #tpu.memory_space<vmem>> -> memref<128x128xf32, #tpu.memory_space<vmem>>
    %dma_start3A_3869 = arith.constant 0 : i32
    %dma_start3A_3870 = tpu.memref_slice %arg5[%dma_start3A_3863, %dma_start3A_3869] : memref<26x128xi32, #tpu.memory_space<vmem>> -> memref<1x128xi32, #tpu.memory_space<vmem>>
    %dma_start3A_3871 = tpu.memref_squeeze %dma_start3A_3870 : memref<1x128xi32, #tpu.memory_space<vmem>> -> memref<128xi32, #tpu.memory_space<vmem>>
    %dma_start3A_3872 = arith.constant 0 : i32
    %dma_start3A_3873 = arith.constant 0 : i32
    %dma_start3A_3874 = tpu.memref_slice %arg3[%dma_start3A_3872, %dma_start3A_3873] : memref<2600000x128xf32, #tpu.memory_space<hbm>> -> memref<2600000x128xf32, #tpu.memory_space<hbm>>
    tpu.enqueue_indirect_dma source(%dma_start3A_3874 : memref<2600000x128xf32, #tpu.memory_space<hbm>>) target(%dma_start3A_3868 : memref<128x128xf32, #tpu.memory_space<vmem>>) offsets(%dma_start3A_3871 : memref<128xi32, #tpu.memory_space<vmem>>) semaphore(%arg7 : memref<!tpu.dma_semaphore, #tpu.memory_space<semaphore_mem>>)
    %dma_wait3A_3875 = arith.constant 15 : i32
    %dma_wait3A_3876 = arith.constant 1 : i32
    %dma_wait3A_3877 = arith.constant 0 : i32
    %dma_wait3A_3878 = arith.constant 0 : i32
    %dma_wait3A_3879 = tpu.memref_slice %arg6[%dma_wait3A_3876, %dma_wait3A_3877, %dma_wait3A_3878] : memref<7x128x128xf32, #tpu.memory_space<vmem>> -> memref<1x128x128xf32, #tpu.memory_space<vmem>>
    %dma_wait3A_3880 = tpu.memref_squeeze %dma_wait3A_3879 : memref<1x128x128xf32, #tpu.memory_space<vmem>> -> memref<128x128xf32, #tpu.memory_space<vmem>>
    %dma_wait3A_3881 = arith.constant 0 : i32
    %dma_wait3A_3882 = tpu.memref_slice %arg5[%dma_wait3A_3875, %dma_wait3A_3881] : memref<26x128xi32, #tpu.memory_space<vmem>> -> memref<1x128xi32, #tpu.memory_space<vmem>>
    %dma_wait3A_3883 = tpu.memref_squeeze %dma_wait3A_3882 : memref<1x128xi32, #tpu.memory_space<vmem>> -> memref<128xi32, #tpu.memory_space<vmem>>
    %dma_wait3A_3884 = arith.constant 0 : i32
    %dma_wait3A_3885 = arith.constant 0 : i32
    %dma_wait3A_3886 = tpu.memref_slice %arg3[%dma_wait3A_3884, %dma_wait3A_3885] : memref<2600000x128xf32, #tpu.memory_space<hbm>> -> memref<2600000x128xf32, #tpu.memory_space<hbm>>
    tpu.wait_indirect_dma semaphore(%arg8 : memref<!tpu.dma_semaphore, #tpu.memory_space<semaphore_mem>>) src(%dma_wait3A_3886 : memref<2600000x128xf32, #tpu.memory_space<hbm>>) dst(%dma_wait3A_3880 : memref<128x128xf32, #tpu.memory_space<vmem>>)
    %dma_start3A_3887 = arith.constant 1 : i32
    %dma_start3A_3888 = arith.constant 15 : i32
    %dma_start3A_3889 = arith.constant 0 : i32
    %dma_start3A_3890 = arith.constant 0 : i32
    %dma_start3A_3891 = tpu.memref_slice %arg6[%dma_start3A_3887, %dma_start3A_3889, %dma_start3A_3890] : memref<7x128x128xf32, #tpu.memory_space<vmem>> -> memref<1x128x128xf32, #tpu.memory_space<vmem>>
    %dma_start3A_3892 = tpu.memref_squeeze %dma_start3A_3891 : memref<1x128x128xf32, #tpu.memory_space<vmem>> -> memref<128x128xf32, #tpu.memory_space<vmem>>
    %dma_start3A_3893 = arith.constant 0 : i32
    %dma_start3A_3894 = tpu.memref_slice %arg4[%dma_start3A_3888, %mul3A_2, %dma_start3A_3893] : memref<26x4096x128xf32, #tpu.memory_space<hbm>> -> memref<1x128x128xf32, #tpu.memory_space<hbm>>
    %dma_start3A_3895 = tpu.memref_squeeze %dma_start3A_3894 : memref<1x128x128xf32, #tpu.memory_space<hbm>> -> memref<128x128xf32, #tpu.memory_space<hbm>>
    %dma_start3A_3896 = arith.constant 0 : i32
    %dma_start3A_3897 = tpu.memref_slice %arg4[%dma_start3A_3888, %mul3A_2, %dma_start3A_3896] : memref<26x4096x128xf32, #tpu.memory_space<hbm>> -> memref<1x128x128xf32, #tpu.memory_space<hbm>>
    %dma_start3A_3898 = tpu.memref_squeeze %dma_start3A_3897 : memref<1x128x128xf32, #tpu.memory_space<hbm>> -> memref<128x128xf32, #tpu.memory_space<hbm>>
    %dma_start3A_3899 = arith.constant 0 : i32
    %dma_start3A_3900 = arith.constant 0 : i32
    %dma_start3A_3901 = tpu.memref_slice %arg6[%dma_start3A_3887, %dma_start3A_3899, %dma_start3A_3900] : memref<7x128x128xf32, #tpu.memory_space<vmem>> -> memref<1x128x128xf32, #tpu.memory_space<vmem>>
    %dma_start3A_3902 = tpu.memref_squeeze %dma_start3A_3901 : memref<1x128x128xf32, #tpu.memory_space<vmem>> -> memref<128x128xf32, #tpu.memory_space<vmem>>
    tpu.enqueue_dma source(%dma_start3A_3902 : memref<128x128xf32, #tpu.memory_space<vmem>>) target(%dma_start3A_3898 : memref<128x128xf32, #tpu.memory_space<hbm>>) target_semaphore(%arg15 : memref<!tpu.dma_semaphore, #tpu.memory_space<semaphore_mem>>)
    %dma_wait3A_3903 = arith.constant 1 : i32
    %dma_wait3A_3904 = arith.constant 15 : i32
    %dma_wait3A_3905 = arith.constant 0 : i32
    %dma_wait3A_3906 = arith.constant 0 : i32
    %dma_wait3A_3907 = tpu.memref_slice %arg6[%dma_wait3A_3903, %dma_wait3A_3905, %dma_wait3A_3906] : memref<7x128x128xf32, #tpu.memory_space<vmem>> -> memref<1x128x128xf32, #tpu.memory_space<vmem>>
    %dma_wait3A_3908 = tpu.memref_squeeze %dma_wait3A_3907 : memref<1x128x128xf32, #tpu.memory_space<vmem>> -> memref<128x128xf32, #tpu.memory_space<vmem>>
    %dma_wait3A_3909 = arith.constant 0 : i32
    %dma_wait3A_3910 = tpu.memref_slice %arg4[%dma_wait3A_3904, %mul3A_2, %dma_wait3A_3909] : memref<26x4096x128xf32, #tpu.memory_space<hbm>> -> memref<1x128x128xf32, #tpu.memory_space<hbm>>
    %dma_wait3A_3911 = tpu.memref_squeeze %dma_wait3A_3910 : memref<1x128x128xf32, #tpu.memory_space<hbm>> -> memref<128x128xf32, #tpu.memory_space<hbm>>
    %dma_wait3A_3912 = arith.constant 0 : i32
    %dma_wait3A_3913 = tpu.memref_slice %arg4[%dma_wait3A_3904, %mul3A_2, %dma_wait3A_3912] : memref<26x4096x128xf32, #tpu.memory_space<hbm>> -> memref<1x128x128xf32, #tpu.memory_space<hbm>>
    %dma_wait3A_3914 = tpu.memref_squeeze %dma_wait3A_3913 : memref<1x128x128xf32, #tpu.memory_space<hbm>> -> memref<128x128xf32, #tpu.memory_space<hbm>>
    %dma_wait3A_3915 = arith.constant 0 : i32
    %dma_wait3A_3916 = arith.constant 0 : i32
    %dma_wait3A_3917 = tpu.memref_slice %arg6[%dma_wait3A_3903, %dma_wait3A_3915, %dma_wait3A_3916] : memref<7x128x128xf32, #tpu.memory_space<vmem>> -> memref<1x128x128xf32, #tpu.memory_space<vmem>>
    %dma_wait3A_3918 = tpu.memref_squeeze %dma_wait3A_3917 : memref<1x128x128xf32, #tpu.memory_space<vmem>> -> memref<128x128xf32, #tpu.memory_space<vmem>>
    tpu.wait_dma2 semaphore(%arg15 : memref<!tpu.dma_semaphore, #tpu.memory_space<semaphore_mem>>) src(%dma_wait3A_3918 : memref<128x128xf32, #tpu.memory_space<vmem>>) dst(%dma_wait3A_3914 : memref<128x128xf32, #tpu.memory_space<hbm>>)
    %dma_start3A_3919 = arith.constant 22 : i32
    %dma_start3A_3920 = arith.constant 1 : i32
    %dma_start3A_3921 = arith.constant 0 : i32
    %dma_start3A_3922 = arith.constant 0 : i32
    %dma_start3A_3923 = tpu.memref_slice %arg6[%dma_start3A_3920, %dma_start3A_3921, %dma_start3A_3922] : memref<7x128x128xf32, #tpu.memory_space<vmem>> -> memref<1x128x128xf32, #tpu.memory_space<vmem>>
    %dma_start3A_3924 = tpu.memref_squeeze %dma_start3A_3923 : memref<1x128x128xf32, #tpu.memory_space<vmem>> -> memref<128x128xf32, #tpu.memory_space<vmem>>
    %dma_start3A_3925 = arith.constant 0 : i32
    %dma_start3A_3926 = tpu.memref_slice %arg5[%dma_start3A_3919, %dma_start3A_3925] : memref<26x128xi32, #tpu.memory_space<vmem>> -> memref<1x128xi32, #tpu.memory_space<vmem>>
    %dma_start3A_3927 = tpu.memref_squeeze %dma_start3A_3926 : memref<1x128xi32, #tpu.memory_space<vmem>> -> memref<128xi32, #tpu.memory_space<vmem>>
    %dma_start3A_3928 = arith.constant 0 : i32
    %dma_start3A_3929 = arith.constant 0 : i32
    %dma_start3A_3930 = tpu.memref_slice %arg3[%dma_start3A_3928, %dma_start3A_3929] : memref<2600000x128xf32, #tpu.memory_space<hbm>> -> memref<2600000x128xf32, #tpu.memory_space<hbm>>
    tpu.enqueue_indirect_dma source(%dma_start3A_3930 : memref<2600000x128xf32, #tpu.memory_space<hbm>>) target(%dma_start3A_3924 : memref<128x128xf32, #tpu.memory_space<vmem>>) offsets(%dma_start3A_3927 : memref<128xi32, #tpu.memory_space<vmem>>) semaphore(%arg8 : memref<!tpu.dma_semaphore, #tpu.memory_space<semaphore_mem>>)
    %dma_wait3A_3931 = arith.constant 16 : i32
    %dma_wait3A_3932 = arith.constant 2 : i32
    %dma_wait3A_3933 = arith.constant 0 : i32
    %dma_wait3A_3934 = arith.constant 0 : i32
    %dma_wait3A_3935 = tpu.memref_slice %arg6[%dma_wait3A_3932, %dma_wait3A_3933, %dma_wait3A_3934] : memref<7x128x128xf32, #tpu.memory_space<vmem>> -> memref<1x128x128xf32, #tpu.memory_space<vmem>>
    %dma_wait3A_3936 = tpu.memref_squeeze %dma_wait3A_3935 : memref<1x128x128xf32, #tpu.memory_space<vmem>> -> memref<128x128xf32, #tpu.memory_space<vmem>>
    %dma_wait3A_3937 = arith.constant 0 : i32
    %dma_wait3A_3938 = tpu.memref_slice %arg5[%dma_wait3A_3931, %dma_wait3A_3937] : memref<26x128xi32, #tpu.memory_space<vmem>> -> memref<1x128xi32, #tpu.memory_space<vmem>>
    %dma_wait3A_3939 = tpu.memref_squeeze %dma_wait3A_3938 : memref<1x128xi32, #tpu.memory_space<vmem>> -> memref<128xi32, #tpu.memory_space<vmem>>
    %dma_wait3A_3940 = arith.constant 0 : i32
    %dma_wait3A_3941 = arith.constant 0 : i32
    %dma_wait3A_3942 = tpu.memref_slice %arg3[%dma_wait3A_3940, %dma_wait3A_3941] : memref<2600000x128xf32, #tpu.memory_space<hbm>> -> memref<2600000x128xf32, #tpu.memory_space<hbm>>
    tpu.wait_indirect_dma semaphore(%arg9 : memref<!tpu.dma_semaphore, #tpu.memory_space<semaphore_mem>>) src(%dma_wait3A_3942 : memref<2600000x128xf32, #tpu.memory_space<hbm>>) dst(%dma_wait3A_3936 : memref<128x128xf32, #tpu.memory_space<vmem>>)
    %dma_start3A_3943 = arith.constant 2 : i32
    %dma_start3A_3944 = arith.constant 16 : i32
    %dma_start3A_3945 = arith.constant 0 : i32
    %dma_start3A_3946 = arith.constant 0 : i32
    %dma_start3A_3947 = tpu.memref_slice %arg6[%dma_start3A_3943, %dma_start3A_3945, %dma_start3A_3946] : memref<7x128x128xf32, #tpu.memory_space<vmem>> -> memref<1x128x128xf32, #tpu.memory_space<vmem>>
    %dma_start3A_3948 = tpu.memref_squeeze %dma_start3A_3947 : memref<1x128x128xf32, #tpu.memory_space<vmem>> -> memref<128x128xf32, #tpu.memory_space<vmem>>
    %dma_start3A_3949 = arith.constant 0 : i32
    %dma_start3A_3950 = tpu.memref_slice %arg4[%dma_start3A_3944, %mul3A_2, %dma_start3A_3949] : memref<26x4096x128xf32, #tpu.memory_space<hbm>> -> memref<1x128x128xf32, #tpu.memory_space<hbm>>
    %dma_start3A_3951 = tpu.memref_squeeze %dma_start3A_3950 : memref<1x128x128xf32, #tpu.memory_space<hbm>> -> memref<128x128xf32, #tpu.memory_space<hbm>>
    %dma_start3A_3952 = arith.constant 0 : i32
    %dma_start3A_3953 = tpu.memref_slice %arg4[%dma_start3A_3944, %mul3A_2, %dma_start3A_3952] : memref<26x4096x128xf32, #tpu.memory_space<hbm>> -> memref<1x128x128xf32, #tpu.memory_space<hbm>>
    %dma_start3A_3954 = tpu.memref_squeeze %dma_start3A_3953 : memref<1x128x128xf32, #tpu.memory_space<hbm>> -> memref<128x128xf32, #tpu.memory_space<hbm>>
    %dma_start3A_3955 = arith.constant 0 : i32
    %dma_start3A_3956 = arith.constant 0 : i32
    %dma_start3A_3957 = tpu.memref_slice %arg6[%dma_start3A_3943, %dma_start3A_3955, %dma_start3A_3956] : memref<7x128x128xf32, #tpu.memory_space<vmem>> -> memref<1x128x128xf32, #tpu.memory_space<vmem>>
    %dma_start3A_3958 = tpu.memref_squeeze %dma_start3A_3957 : memref<1x128x128xf32, #tpu.memory_space<vmem>> -> memref<128x128xf32, #tpu.memory_space<vmem>>
    tpu.enqueue_dma source(%dma_start3A_3958 : memref<128x128xf32, #tpu.memory_space<vmem>>) target(%dma_start3A_3954 : memref<128x128xf32, #tpu.memory_space<hbm>>) target_semaphore(%arg16 : memref<!tpu.dma_semaphore, #tpu.memory_space<semaphore_mem>>)
    %dma_wait3A_3959 = arith.constant 2 : i32
    %dma_wait3A_3960 = arith.constant 16 : i32
    %dma_wait3A_3961 = arith.constant 0 : i32
    %dma_wait3A_3962 = arith.constant 0 : i32
    %dma_wait3A_3963 = tpu.memref_slice %arg6[%dma_wait3A_3959, %dma_wait3A_3961, %dma_wait3A_3962] : memref<7x128x128xf32, #tpu.memory_space<vmem>> -> memref<1x128x128xf32, #tpu.memory_space<vmem>>
    %dma_wait3A_3964 = tpu.memref_squeeze %dma_wait3A_3963 : memref<1x128x128xf32, #tpu.memory_space<vmem>> -> memref<128x128xf32, #tpu.memory_space<vmem>>
    %dma_wait3A_3965 = arith.constant 0 : i32
    %dma_wait3A_3966 = tpu.memref_slice %arg4[%dma_wait3A_3960, %mul3A_2, %dma_wait3A_3965] : memref<26x4096x128xf32, #tpu.memory_space<hbm>> -> memref<1x128x128xf32, #tpu.memory_space<hbm>>
    %dma_wait3A_3967 = tpu.memref_squeeze %dma_wait3A_3966 : memref<1x128x128xf32, #tpu.memory_space<hbm>> -> memref<128x128xf32, #tpu.memory_space<hbm>>
    %dma_wait3A_3968 = arith.constant 0 : i32
    %dma_wait3A_3969 = tpu.memref_slice %arg4[%dma_wait3A_3960, %mul3A_2, %dma_wait3A_3968] : memref<26x4096x128xf32, #tpu.memory_space<hbm>> -> memref<1x128x128xf32, #tpu.memory_space<hbm>>
    %dma_wait3A_3970 = tpu.memref_squeeze %dma_wait3A_3969 : memref<1x128x128xf32, #tpu.memory_space<hbm>> -> memref<128x128xf32, #tpu.memory_space<hbm>>
    %dma_wait3A_3971 = arith.constant 0 : i32
    %dma_wait3A_3972 = arith.constant 0 : i32
    %dma_wait3A_3973 = tpu.memref_slice %arg6[%dma_wait3A_3959, %dma_wait3A_3971, %dma_wait3A_3972] : memref<7x128x128xf32, #tpu.memory_space<vmem>> -> memref<1x128x128xf32, #tpu.memory_space<vmem>>
    %dma_wait3A_3974 = tpu.memref_squeeze %dma_wait3A_3973 : memref<1x128x128xf32, #tpu.memory_space<vmem>> -> memref<128x128xf32, #tpu.memory_space<vmem>>
    tpu.wait_dma2 semaphore(%arg16 : memref<!tpu.dma_semaphore, #tpu.memory_space<semaphore_mem>>) src(%dma_wait3A_3974 : memref<128x128xf32, #tpu.memory_space<vmem>>) dst(%dma_wait3A_3970 : memref<128x128xf32, #tpu.memory_space<hbm>>)
    %dma_start3A_3975 = arith.constant 23 : i32
    %dma_start3A_3976 = arith.constant 2 : i32
    %dma_start3A_3977 = arith.constant 0 : i32
    %dma_start3A_3978 = arith.constant 0 : i32
    %dma_start3A_3979 = tpu.memref_slice %arg6[%dma_start3A_3976, %dma_start3A_3977, %dma_start3A_3978] : memref<7x128x128xf32, #tpu.memory_space<vmem>> -> memref<1x128x128xf32, #tpu.memory_space<vmem>>
    %dma_start3A_3980 = tpu.memref_squeeze %dma_start3A_3979 : memref<1x128x128xf32, #tpu.memory_space<vmem>> -> memref<128x128xf32, #tpu.memory_space<vmem>>
    %dma_start3A_3981 = arith.constant 0 : i32
    %dma_start3A_3982 = tpu.memref_slice %arg5[%dma_start3A_3975, %dma_start3A_3981] : memref<26x128xi32, #tpu.memory_space<vmem>> -> memref<1x128xi32, #tpu.memory_space<vmem>>
    %dma_start3A_3983 = tpu.memref_squeeze %dma_start3A_3982 : memref<1x128xi32, #tpu.memory_space<vmem>> -> memref<128xi32, #tpu.memory_space<vmem>>
    %dma_start3A_3984 = arith.constant 0 : i32
    %dma_start3A_3985 = arith.constant 0 : i32
    %dma_start3A_3986 = tpu.memref_slice %arg3[%dma_start3A_3984, %dma_start3A_3985] : memref<2600000x128xf32, #tpu.memory_space<hbm>> -> memref<2600000x128xf32, #tpu.memory_space<hbm>>
    tpu.enqueue_indirect_dma source(%dma_start3A_3986 : memref<2600000x128xf32, #tpu.memory_space<hbm>>) target(%dma_start3A_3980 : memref<128x128xf32, #tpu.memory_space<vmem>>) offsets(%dma_start3A_3983 : memref<128xi32, #tpu.memory_space<vmem>>) semaphore(%arg9 : memref<!tpu.dma_semaphore, #tpu.memory_space<semaphore_mem>>)
    %dma_wait3A_3987 = arith.constant 17 : i32
    %dma_wait3A_3988 = arith.constant 3 : i32
    %dma_wait3A_3989 = arith.constant 0 : i32
    %dma_wait3A_3990 = arith.constant 0 : i32
    %dma_wait3A_3991 = tpu.memref_slice %arg6[%dma_wait3A_3988, %dma_wait3A_3989, %dma_wait3A_3990] : memref<7x128x128xf32, #tpu.memory_space<vmem>> -> memref<1x128x128xf32, #tpu.memory_space<vmem>>
    %dma_wait3A_3992 = tpu.memref_squeeze %dma_wait3A_3991 : memref<1x128x128xf32, #tpu.memory_space<vmem>> -> memref<128x128xf32, #tpu.memory_space<vmem>>
    %dma_wait3A_3993 = arith.constant 0 : i32
    %dma_wait3A_3994 = tpu.memref_slice %arg5[%dma_wait3A_3987, %dma_wait3A_3993] : memref<26x128xi32, #tpu.memory_space<vmem>> -> memref<1x128xi32, #tpu.memory_space<vmem>>
    %dma_wait3A_3995 = tpu.memref_squeeze %dma_wait3A_3994 : memref<1x128xi32, #tpu.memory_space<vmem>> -> memref<128xi32, #tpu.memory_space<vmem>>
    %dma_wait3A_3996 = arith.constant 0 : i32
    %dma_wait3A_3997 = arith.constant 0 : i32
    %dma_wait3A_3998 = tpu.memref_slice %arg3[%dma_wait3A_3996, %dma_wait3A_3997] : memref<2600000x128xf32, #tpu.memory_space<hbm>> -> memref<2600000x128xf32, #tpu.memory_space<hbm>>
    tpu.wait_indirect_dma semaphore(%arg10 : memref<!tpu.dma_semaphore, #tpu.memory_space<semaphore_mem>>) src(%dma_wait3A_3998 : memref<2600000x128xf32, #tpu.memory_space<hbm>>) dst(%dma_wait3A_3992 : memref<128x128xf32, #tpu.memory_space<vmem>>)
    %dma_start3A_3999 = arith.constant 3 : i32
    %dma_start3A_4000 = arith.constant 17 : i32
    %dma_start3A_4001 = arith.constant 0 : i32
    %dma_start3A_4002 = arith.constant 0 : i32
    %dma_start3A_4003 = tpu.memref_slice %arg6[%dma_start3A_3999, %dma_start3A_4001, %dma_start3A_4002] : memref<7x128x128xf32, #tpu.memory_space<vmem>> -> memref<1x128x128xf32, #tpu.memory_space<vmem>>
    %dma_start3A_4004 = tpu.memref_squeeze %dma_start3A_4003 : memref<1x128x128xf32, #tpu.memory_space<vmem>> -> memref<128x128xf32, #tpu.memory_space<vmem>>
    %dma_start3A_4005 = arith.constant 0 : i32
    %dma_start3A_4006 = tpu.memref_slice %arg4[%dma_start3A_4000, %mul3A_2, %dma_start3A_4005] : memref<26x4096x128xf32, #tpu.memory_space<hbm>> -> memref<1x128x128xf32, #tpu.memory_space<hbm>>
    %dma_start3A_4007 = tpu.memref_squeeze %dma_start3A_4006 : memref<1x128x128xf32, #tpu.memory_space<hbm>> -> memref<128x128xf32, #tpu.memory_space<hbm>>
    %dma_start3A_4008 = arith.constant 0 : i32
    %dma_start3A_4009 = tpu.memref_slice %arg4[%dma_start3A_4000, %mul3A_2, %dma_start3A_4008] : memref<26x4096x128xf32, #tpu.memory_space<hbm>> -> memref<1x128x128xf32, #tpu.memory_space<hbm>>
    %dma_start3A_4010 = tpu.memref_squeeze %dma_start3A_4009 : memref<1x128x128xf32, #tpu.memory_space<hbm>> -> memref<128x128xf32, #tpu.memory_space<hbm>>
    %dma_start3A_4011 = arith.constant 0 : i32
    %dma_start3A_4012 = arith.constant 0 : i32
    %dma_start3A_4013 = tpu.memref_slice %arg6[%dma_start3A_3999, %dma_start3A_4011, %dma_start3A_4012] : memref<7x128x128xf32, #tpu.memory_space<vmem>> -> memref<1x128x128xf32, #tpu.memory_space<vmem>>
    %dma_start3A_4014 = tpu.memref_squeeze %dma_start3A_4013 : memref<1x128x128xf32, #tpu.memory_space<vmem>> -> memref<128x128xf32, #tpu.memory_space<vmem>>
    tpu.enqueue_dma source(%dma_start3A_4014 : memref<128x128xf32, #tpu.memory_space<vmem>>) target(%dma_start3A_4010 : memref<128x128xf32, #tpu.memory_space<hbm>>) target_semaphore(%arg17 : memref<!tpu.dma_semaphore, #tpu.memory_space<semaphore_mem>>)
    %dma_wait3A_4015 = arith.constant 3 : i32
    %dma_wait3A_4016 = arith.constant 17 : i32
    %dma_wait3A_4017 = arith.constant 0 : i32
    %dma_wait3A_4018 = arith.constant 0 : i32
    %dma_wait3A_4019 = tpu.memref_slice %arg6[%dma_wait3A_4015, %dma_wait3A_4017, %dma_wait3A_4018] : memref<7x128x128xf32, #tpu.memory_space<vmem>> -> memref<1x128x128xf32, #tpu.memory_space<vmem>>
    %dma_wait3A_4020 = tpu.memref_squeeze %dma_wait3A_4019 : memref<1x128x128xf32, #tpu.memory_space<vmem>> -> memref<128x128xf32, #tpu.memory_space<vmem>>
    %dma_wait3A_4021 = arith.constant 0 : i32
    %dma_wait3A_4022 = tpu.memref_slice %arg4[%dma_wait3A_4016, %mul3A_2, %dma_wait3A_4021] : memref<26x4096x128xf32, #tpu.memory_space<hbm>> -> memref<1x128x128xf32, #tpu.memory_space<hbm>>
    %dma_wait3A_4023 = tpu.memref_squeeze %dma_wait3A_4022 : memref<1x128x128xf32, #tpu.memory_space<hbm>> -> memref<128x128xf32, #tpu.memory_space<hbm>>
    %dma_wait3A_4024 = arith.constant 0 : i32
    %dma_wait3A_4025 = tpu.memref_slice %arg4[%dma_wait3A_4016, %mul3A_2, %dma_wait3A_4024] : memref<26x4096x128xf32, #tpu.memory_space<hbm>> -> memref<1x128x128xf32, #tpu.memory_space<hbm>>
    %dma_wait3A_4026 = tpu.memref_squeeze %dma_wait3A_4025 : memref<1x128x128xf32, #tpu.memory_space<hbm>> -> memref<128x128xf32, #tpu.memory_space<hbm>>
    %dma_wait3A_4027 = arith.constant 0 : i32
    %dma_wait3A_4028 = arith.constant 0 : i32
    %dma_wait3A_4029 = tpu.memref_slice %arg6[%dma_wait3A_4015, %dma_wait3A_4027, %dma_wait3A_4028] : memref<7x128x128xf32, #tpu.memory_space<vmem>> -> memref<1x128x128xf32, #tpu.memory_space<vmem>>
    %dma_wait3A_4030 = tpu.memref_squeeze %dma_wait3A_4029 : memref<1x128x128xf32, #tpu.memory_space<vmem>> -> memref<128x128xf32, #tpu.memory_space<vmem>>
    tpu.wait_dma2 semaphore(%arg17 : memref<!tpu.dma_semaphore, #tpu.memory_space<semaphore_mem>>) src(%dma_wait3A_4030 : memref<128x128xf32, #tpu.memory_space<vmem>>) dst(%dma_wait3A_4026 : memref<128x128xf32, #tpu.memory_space<hbm>>)
    %dma_start3A_4031 = arith.constant 24 : i32
    %dma_start3A_4032 = arith.constant 3 : i32
    %dma_start3A_4033 = arith.constant 0 : i32
    %dma_start3A_4034 = arith.constant 0 : i32
    %dma_start3A_4035 = tpu.memref_slice %arg6[%dma_start3A_4032, %dma_start3A_4033, %dma_start3A_4034] : memref<7x128x128xf32, #tpu.memory_space<vmem>> -> memref<1x128x128xf32, #tpu.memory_space<vmem>>
    %dma_start3A_4036 = tpu.memref_squeeze %dma_start3A_4035 : memref<1x128x128xf32, #tpu.memory_space<vmem>> -> memref<128x128xf32, #tpu.memory_space<vmem>>
    %dma_start3A_4037 = arith.constant 0 : i32
    %dma_start3A_4038 = tpu.memref_slice %arg5[%dma_start3A_4031, %dma_start3A_4037] : memref<26x128xi32, #tpu.memory_space<vmem>> -> memref<1x128xi32, #tpu.memory_space<vmem>>
    %dma_start3A_4039 = tpu.memref_squeeze %dma_start3A_4038 : memref<1x128xi32, #tpu.memory_space<vmem>> -> memref<128xi32, #tpu.memory_space<vmem>>
    %dma_start3A_4040 = arith.constant 0 : i32
    %dma_start3A_4041 = arith.constant 0 : i32
    %dma_start3A_4042 = tpu.memref_slice %arg3[%dma_start3A_4040, %dma_start3A_4041] : memref<2600000x128xf32, #tpu.memory_space<hbm>> -> memref<2600000x128xf32, #tpu.memory_space<hbm>>
    tpu.enqueue_indirect_dma source(%dma_start3A_4042 : memref<2600000x128xf32, #tpu.memory_space<hbm>>) target(%dma_start3A_4036 : memref<128x128xf32, #tpu.memory_space<vmem>>) offsets(%dma_start3A_4039 : memref<128xi32, #tpu.memory_space<vmem>>) semaphore(%arg10 : memref<!tpu.dma_semaphore, #tpu.memory_space<semaphore_mem>>)
    %dma_wait3A_4043 = arith.constant 18 : i32
    %dma_wait3A_4044 = arith.constant 4 : i32
    %dma_wait3A_4045 = arith.constant 0 : i32
    %dma_wait3A_4046 = arith.constant 0 : i32
    %dma_wait3A_4047 = tpu.memref_slice %arg6[%dma_wait3A_4044, %dma_wait3A_4045, %dma_wait3A_4046] : memref<7x128x128xf32, #tpu.memory_space<vmem>> -> memref<1x128x128xf32, #tpu.memory_space<vmem>>
    %dma_wait3A_4048 = tpu.memref_squeeze %dma_wait3A_4047 : memref<1x128x128xf32, #tpu.memory_space<vmem>> -> memref<128x128xf32, #tpu.memory_space<vmem>>
    %dma_wait3A_4049 = arith.constant 0 : i32
    %dma_wait3A_4050 = tpu.memref_slice %arg5[%dma_wait3A_4043, %dma_wait3A_4049] : memref<26x128xi32, #tpu.memory_space<vmem>> -> memref<1x128xi32, #tpu.memory_space<vmem>>
    %dma_wait3A_4051 = tpu.memref_squeeze %dma_wait3A_4050 : memref<1x128xi32, #tpu.memory_space<vmem>> -> memref<128xi32, #tpu.memory_space<vmem>>
    %dma_wait3A_4052 = arith.constant 0 : i32
    %dma_wait3A_4053 = arith.constant 0 : i32
    %dma_wait3A_4054 = tpu.memref_slice %arg3[%dma_wait3A_4052, %dma_wait3A_4053] : memref<2600000x128xf32, #tpu.memory_space<hbm>> -> memref<2600000x128xf32, #tpu.memory_space<hbm>>
    tpu.wait_indirect_dma semaphore(%arg11 : memref<!tpu.dma_semaphore, #tpu.memory_space<semaphore_mem>>) src(%dma_wait3A_4054 : memref<2600000x128xf32, #tpu.memory_space<hbm>>) dst(%dma_wait3A_4048 : memref<128x128xf32, #tpu.memory_space<vmem>>)
    %dma_start3A_4055 = arith.constant 4 : i32
    %dma_start3A_4056 = arith.constant 18 : i32
    %dma_start3A_4057 = arith.constant 0 : i32
    %dma_start3A_4058 = arith.constant 0 : i32
    %dma_start3A_4059 = tpu.memref_slice %arg6[%dma_start3A_4055, %dma_start3A_4057, %dma_start3A_4058] : memref<7x128x128xf32, #tpu.memory_space<vmem>> -> memref<1x128x128xf32, #tpu.memory_space<vmem>>
    %dma_start3A_4060 = tpu.memref_squeeze %dma_start3A_4059 : memref<1x128x128xf32, #tpu.memory_space<vmem>> -> memref<128x128xf32, #tpu.memory_space<vmem>>
    %dma_start3A_4061 = arith.constant 0 : i32
    %dma_start3A_4062 = tpu.memref_slice %arg4[%dma_start3A_4056, %mul3A_2, %dma_start3A_4061] : memref<26x4096x128xf32, #tpu.memory_space<hbm>> -> memref<1x128x128xf32, #tpu.memory_space<hbm>>
    %dma_start3A_4063 = tpu.memref_squeeze %dma_start3A_4062 : memref<1x128x128xf32, #tpu.memory_space<hbm>> -> memref<128x128xf32, #tpu.memory_space<hbm>>
    %dma_start3A_4064 = arith.constant 0 : i32
    %dma_start3A_4065 = tpu.memref_slice %arg4[%dma_start3A_4056, %mul3A_2, %dma_start3A_4064] : memref<26x4096x128xf32, #tpu.memory_space<hbm>> -> memref<1x128x128xf32, #tpu.memory_space<hbm>>
    %dma_start3A_4066 = tpu.memref_squeeze %dma_start3A_4065 : memref<1x128x128xf32, #tpu.memory_space<hbm>> -> memref<128x128xf32, #tpu.memory_space<hbm>>
    %dma_start3A_4067 = arith.constant 0 : i32
    %dma_start3A_4068 = arith.constant 0 : i32
    %dma_start3A_4069 = tpu.memref_slice %arg6[%dma_start3A_4055, %dma_start3A_4067, %dma_start3A_4068] : memref<7x128x128xf32, #tpu.memory_space<vmem>> -> memref<1x128x128xf32, #tpu.memory_space<vmem>>
    %dma_start3A_4070 = tpu.memref_squeeze %dma_start3A_4069 : memref<1x128x128xf32, #tpu.memory_space<vmem>> -> memref<128x128xf32, #tpu.memory_space<vmem>>
    tpu.enqueue_dma source(%dma_start3A_4070 : memref<128x128xf32, #tpu.memory_space<vmem>>) target(%dma_start3A_4066 : memref<128x128xf32, #tpu.memory_space<hbm>>) target_semaphore(%arg18 : memref<!tpu.dma_semaphore, #tpu.memory_space<semaphore_mem>>)
    %dma_wait3A_4071 = arith.constant 4 : i32
    %dma_wait3A_4072 = arith.constant 18 : i32
    %dma_wait3A_4073 = arith.constant 0 : i32
    %dma_wait3A_4074 = arith.constant 0 : i32
    %dma_wait3A_4075 = tpu.memref_slice %arg6[%dma_wait3A_4071, %dma_wait3A_4073, %dma_wait3A_4074] : memref<7x128x128xf32, #tpu.memory_space<vmem>> -> memref<1x128x128xf32, #tpu.memory_space<vmem>>
    %dma_wait3A_4076 = tpu.memref_squeeze %dma_wait3A_4075 : memref<1x128x128xf32, #tpu.memory_space<vmem>> -> memref<128x128xf32, #tpu.memory_space<vmem>>
    %dma_wait3A_4077 = arith.constant 0 : i32
    %dma_wait3A_4078 = tpu.memref_slice %arg4[%dma_wait3A_4072, %mul3A_2, %dma_wait3A_4077] : memref<26x4096x128xf32, #tpu.memory_space<hbm>> -> memref<1x128x128xf32, #tpu.memory_space<hbm>>
    %dma_wait3A_4079 = tpu.memref_squeeze %dma_wait3A_4078 : memref<1x128x128xf32, #tpu.memory_space<hbm>> -> memref<128x128xf32, #tpu.memory_space<hbm>>
    %dma_wait3A_4080 = arith.constant 0 : i32
    %dma_wait3A_4081 = tpu.memref_slice %arg4[%dma_wait3A_4072, %mul3A_2, %dma_wait3A_4080] : memref<26x4096x128xf32, #tpu.memory_space<hbm>> -> memref<1x128x128xf32, #tpu.memory_space<hbm>>
    %dma_wait3A_4082 = tpu.memref_squeeze %dma_wait3A_4081 : memref<1x128x128xf32, #tpu.memory_space<hbm>> -> memref<128x128xf32, #tpu.memory_space<hbm>>
    %dma_wait3A_4083 = arith.constant 0 : i32
    %dma_wait3A_4084 = arith.constant 0 : i32
    %dma_wait3A_4085 = tpu.memref_slice %arg6[%dma_wait3A_4071, %dma_wait3A_4083, %dma_wait3A_4084] : memref<7x128x128xf32, #tpu.memory_space<vmem>> -> memref<1x128x128xf32, #tpu.memory_space<vmem>>
    %dma_wait3A_4086 = tpu.memref_squeeze %dma_wait3A_4085 : memref<1x128x128xf32, #tpu.memory_space<vmem>> -> memref<128x128xf32, #tpu.memory_space<vmem>>
    tpu.wait_dma2 semaphore(%arg18 : memref<!tpu.dma_semaphore, #tpu.memory_space<semaphore_mem>>) src(%dma_wait3A_4086 : memref<128x128xf32, #tpu.memory_space<vmem>>) dst(%dma_wait3A_4082 : memref<128x128xf32, #tpu.memory_space<hbm>>)
    %dma_start3A_4087 = arith.constant 25 : i32
    %dma_start3A_4088 = arith.constant 4 : i32
    %dma_start3A_4089 = arith.constant 0 : i32
    %dma_start3A_4090 = arith.constant 0 : i32
    %dma_start3A_4091 = tpu.memref_slice %arg6[%dma_start3A_4088, %dma_start3A_4089, %dma_start3A_4090] : memref<7x128x128xf32, #tpu.memory_space<vmem>> -> memref<1x128x128xf32, #tpu.memory_space<vmem>>
    %dma_start3A_4092 = tpu.memref_squeeze %dma_start3A_4091 : memref<1x128x128xf32, #tpu.memory_space<vmem>> -> memref<128x128xf32, #tpu.memory_space<vmem>>
    %dma_start3A_4093 = arith.constant 0 : i32
    %dma_start3A_4094 = tpu.memref_slice %arg5[%dma_start3A_4087, %dma_start3A_4093] : memref<26x128xi32, #tpu.memory_space<vmem>> -> memref<1x128xi32, #tpu.memory_space<vmem>>
    %dma_start3A_4095 = tpu.memref_squeeze %dma_start3A_4094 : memref<1x128xi32, #tpu.memory_space<vmem>> -> memref<128xi32, #tpu.memory_space<vmem>>
    %dma_start3A_4096 = arith.constant 0 : i32
    %dma_start3A_4097 = arith.constant 0 : i32
    %dma_start3A_4098 = tpu.memref_slice %arg3[%dma_start3A_4096, %dma_start3A_4097] : memref<2600000x128xf32, #tpu.memory_space<hbm>> -> memref<2600000x128xf32, #tpu.memory_space<hbm>>
    tpu.enqueue_indirect_dma source(%dma_start3A_4098 : memref<2600000x128xf32, #tpu.memory_space<hbm>>) target(%dma_start3A_4092 : memref<128x128xf32, #tpu.memory_space<vmem>>) offsets(%dma_start3A_4095 : memref<128xi32, #tpu.memory_space<vmem>>) semaphore(%arg11 : memref<!tpu.dma_semaphore, #tpu.memory_space<semaphore_mem>>)
    %dma_wait3A_4099 = arith.constant 19 : i32
    %dma_wait3A_4100 = arith.constant 5 : i32
    %dma_wait3A_4101 = arith.constant 0 : i32
    %dma_wait3A_4102 = arith.constant 0 : i32
    %dma_wait3A_4103 = tpu.memref_slice %arg6[%dma_wait3A_4100, %dma_wait3A_4101, %dma_wait3A_4102] : memref<7x128x128xf32, #tpu.memory_space<vmem>> -> memref<1x128x128xf32, #tpu.memory_space<vmem>>
    %dma_wait3A_4104 = tpu.memref_squeeze %dma_wait3A_4103 : memref<1x128x128xf32, #tpu.memory_space<vmem>> -> memref<128x128xf32, #tpu.memory_space<vmem>>
    %dma_wait3A_4105 = arith.constant 0 : i32
    %dma_wait3A_4106 = tpu.memref_slice %arg5[%dma_wait3A_4099, %dma_wait3A_4105] : memref<26x128xi32, #tpu.memory_space<vmem>> -> memref<1x128xi32, #tpu.memory_space<vmem>>
    %dma_wait3A_4107 = tpu.memref_squeeze %dma_wait3A_4106 : memref<1x128xi32, #tpu.memory_space<vmem>> -> memref<128xi32, #tpu.memory_space<vmem>>
    %dma_wait3A_4108 = arith.constant 0 : i32
    %dma_wait3A_4109 = arith.constant 0 : i32
    %dma_wait3A_4110 = tpu.memref_slice %arg3[%dma_wait3A_4108, %dma_wait3A_4109] : memref<2600000x128xf32, #tpu.memory_space<hbm>> -> memref<2600000x128xf32, #tpu.memory_space<hbm>>
    tpu.wait_indirect_dma semaphore(%arg12 : memref<!tpu.dma_semaphore, #tpu.memory_space<semaphore_mem>>) src(%dma_wait3A_4110 : memref<2600000x128xf32, #tpu.memory_space<hbm>>) dst(%dma_wait3A_4104 : memref<128x128xf32, #tpu.memory_space<vmem>>)
    %dma_start3A_4111 = arith.constant 5 : i32
    %dma_start3A_4112 = arith.constant 19 : i32
    %dma_start3A_4113 = arith.constant 0 : i32
    %dma_start3A_4114 = arith.constant 0 : i32
    %dma_start3A_4115 = tpu.memref_slice %arg6[%dma_start3A_4111, %dma_start3A_4113, %dma_start3A_4114] : memref<7x128x128xf32, #tpu.memory_space<vmem>> -> memref<1x128x128xf32, #tpu.memory_space<vmem>>
    %dma_start3A_4116 = tpu.memref_squeeze %dma_start3A_4115 : memref<1x128x128xf32, #tpu.memory_space<vmem>> -> memref<128x128xf32, #tpu.memory_space<vmem>>
    %dma_start3A_4117 = arith.constant 0 : i32
    %dma_start3A_4118 = tpu.memref_slice %arg4[%dma_start3A_4112, %mul3A_2, %dma_start3A_4117] : memref<26x4096x128xf32, #tpu.memory_space<hbm>> -> memref<1x128x128xf32, #tpu.memory_space<hbm>>
    %dma_start3A_4119 = tpu.memref_squeeze %dma_start3A_4118 : memref<1x128x128xf32, #tpu.memory_space<hbm>> -> memref<128x128xf32, #tpu.memory_space<hbm>>
    %dma_start3A_4120 = arith.constant 0 : i32
    %dma_start3A_4121 = tpu.memref_slice %arg4[%dma_start3A_4112, %mul3A_2, %dma_start3A_4120] : memref<26x4096x128xf32, #tpu.memory_space<hbm>> -> memref<1x128x128xf32, #tpu.memory_space<hbm>>
    %dma_start3A_4122 = tpu.memref_squeeze %dma_start3A_4121 : memref<1x128x128xf32, #tpu.memory_space<hbm>> -> memref<128x128xf32, #tpu.memory_space<hbm>>
    %dma_start3A_4123 = arith.constant 0 : i32
    %dma_start3A_4124 = arith.constant 0 : i32
    %dma_start3A_4125 = tpu.memref_slice %arg6[%dma_start3A_4111, %dma_start3A_4123, %dma_start3A_4124] : memref<7x128x128xf32, #tpu.memory_space<vmem>> -> memref<1x128x128xf32, #tpu.memory_space<vmem>>
    %dma_start3A_4126 = tpu.memref_squeeze %dma_start3A_4125 : memref<1x128x128xf32, #tpu.memory_space<vmem>> -> memref<128x128xf32, #tpu.memory_space<vmem>>
    tpu.enqueue_dma source(%dma_start3A_4126 : memref<128x128xf32, #tpu.memory_space<vmem>>) target(%dma_start3A_4122 : memref<128x128xf32, #tpu.memory_space<hbm>>) target_semaphore(%arg19 : memref<!tpu.dma_semaphore, #tpu.memory_space<semaphore_mem>>)
    %dma_wait3A_4127 = arith.constant 20 : i32
    %dma_wait3A_4128 = arith.constant 6 : i32
    %dma_wait3A_4129 = arith.constant 0 : i32
    %dma_wait3A_4130 = arith.constant 0 : i32
    %dma_wait3A_4131 = tpu.memref_slice %arg6[%dma_wait3A_4128, %dma_wait3A_4129, %dma_wait3A_4130] : memref<7x128x128xf32, #tpu.memory_space<vmem>> -> memref<1x128x128xf32, #tpu.memory_space<vmem>>
    %dma_wait3A_4132 = tpu.memref_squeeze %dma_wait3A_4131 : memref<1x128x128xf32, #tpu.memory_space<vmem>> -> memref<128x128xf32, #tpu.memory_space<vmem>>
    %dma_wait3A_4133 = arith.constant 0 : i32
    %dma_wait3A_4134 = tpu.memref_slice %arg5[%dma_wait3A_4127, %dma_wait3A_4133] : memref<26x128xi32, #tpu.memory_space<vmem>> -> memref<1x128xi32, #tpu.memory_space<vmem>>
    %dma_wait3A_4135 = tpu.memref_squeeze %dma_wait3A_4134 : memref<1x128xi32, #tpu.memory_space<vmem>> -> memref<128xi32, #tpu.memory_space<vmem>>
    %dma_wait3A_4136 = arith.constant 0 : i32
    %dma_wait3A_4137 = arith.constant 0 : i32
    %dma_wait3A_4138 = tpu.memref_slice %arg3[%dma_wait3A_4136, %dma_wait3A_4137] : memref<2600000x128xf32, #tpu.memory_space<hbm>> -> memref<2600000x128xf32, #tpu.memory_space<hbm>>
    tpu.wait_indirect_dma semaphore(%arg13 : memref<!tpu.dma_semaphore, #tpu.memory_space<semaphore_mem>>) src(%dma_wait3A_4138 : memref<2600000x128xf32, #tpu.memory_space<hbm>>) dst(%dma_wait3A_4132 : memref<128x128xf32, #tpu.memory_space<vmem>>)
    %dma_start3A_4139 = arith.constant 6 : i32
    %dma_start3A_4140 = arith.constant 20 : i32
    %dma_start3A_4141 = arith.constant 0 : i32
    %dma_start3A_4142 = arith.constant 0 : i32
    %dma_start3A_4143 = tpu.memref_slice %arg6[%dma_start3A_4139, %dma_start3A_4141, %dma_start3A_4142] : memref<7x128x128xf32, #tpu.memory_space<vmem>> -> memref<1x128x128xf32, #tpu.memory_space<vmem>>
    %dma_start3A_4144 = tpu.memref_squeeze %dma_start3A_4143 : memref<1x128x128xf32, #tpu.memory_space<vmem>> -> memref<128x128xf32, #tpu.memory_space<vmem>>
    %dma_start3A_4145 = arith.constant 0 : i32
    %dma_start3A_4146 = tpu.memref_slice %arg4[%dma_start3A_4140, %mul3A_2, %dma_start3A_4145] : memref<26x4096x128xf32, #tpu.memory_space<hbm>> -> memref<1x128x128xf32, #tpu.memory_space<hbm>>
    %dma_start3A_4147 = tpu.memref_squeeze %dma_start3A_4146 : memref<1x128x128xf32, #tpu.memory_space<hbm>> -> memref<128x128xf32, #tpu.memory_space<hbm>>
    %dma_start3A_4148 = arith.constant 0 : i32
    %dma_start3A_4149 = tpu.memref_slice %arg4[%dma_start3A_4140, %mul3A_2, %dma_start3A_4148] : memref<26x4096x128xf32, #tpu.memory_space<hbm>> -> memref<1x128x128xf32, #tpu.memory_space<hbm>>
    %dma_start3A_4150 = tpu.memref_squeeze %dma_start3A_4149 : memref<1x128x128xf32, #tpu.memory_space<hbm>> -> memref<128x128xf32, #tpu.memory_space<hbm>>
    %dma_start3A_4151 = arith.constant 0 : i32
    %dma_start3A_4152 = arith.constant 0 : i32
    %dma_start3A_4153 = tpu.memref_slice %arg6[%dma_start3A_4139, %dma_start3A_4151, %dma_start3A_4152] : memref<7x128x128xf32, #tpu.memory_space<vmem>> -> memref<1x128x128xf32, #tpu.memory_space<vmem>>
    %dma_start3A_4154 = tpu.memref_squeeze %dma_start3A_4153 : memref<1x128x128xf32, #tpu.memory_space<vmem>> -> memref<128x128xf32, #tpu.memory_space<vmem>>
    tpu.enqueue_dma source(%dma_start3A_4154 : memref<128x128xf32, #tpu.memory_space<vmem>>) target(%dma_start3A_4150 : memref<128x128xf32, #tpu.memory_space<hbm>>) target_semaphore(%arg20 : memref<!tpu.dma_semaphore, #tpu.memory_space<semaphore_mem>>)
    %dma_wait3A_4155 = arith.constant 21 : i32
    %dma_wait3A_4156 = arith.constant 0 : i32
    %dma_wait3A_4157 = arith.constant 0 : i32
    %dma_wait3A_4158 = arith.constant 0 : i32
    %dma_wait3A_4159 = tpu.memref_slice %arg6[%dma_wait3A_4156, %dma_wait3A_4157, %dma_wait3A_4158] : memref<7x128x128xf32, #tpu.memory_space<vmem>> -> memref<1x128x128xf32, #tpu.memory_space<vmem>>
    %dma_wait3A_4160 = tpu.memref_squeeze %dma_wait3A_4159 : memref<1x128x128xf32, #tpu.memory_space<vmem>> -> memref<128x128xf32, #tpu.memory_space<vmem>>
    %dma_wait3A_4161 = arith.constant 0 : i32
    %dma_wait3A_4162 = tpu.memref_slice %arg5[%dma_wait3A_4155, %dma_wait3A_4161] : memref<26x128xi32, #tpu.memory_space<vmem>> -> memref<1x128xi32, #tpu.memory_space<vmem>>
    %dma_wait3A_4163 = tpu.memref_squeeze %dma_wait3A_4162 : memref<1x128xi32, #tpu.memory_space<vmem>> -> memref<128xi32, #tpu.memory_space<vmem>>
    %dma_wait3A_4164 = arith.constant 0 : i32
    %dma_wait3A_4165 = arith.constant 0 : i32
    %dma_wait3A_4166 = tpu.memref_slice %arg3[%dma_wait3A_4164, %dma_wait3A_4165] : memref<2600000x128xf32, #tpu.memory_space<hbm>> -> memref<2600000x128xf32, #tpu.memory_space<hbm>>
    tpu.wait_indirect_dma semaphore(%arg7 : memref<!tpu.dma_semaphore, #tpu.memory_space<semaphore_mem>>) src(%dma_wait3A_4166 : memref<2600000x128xf32, #tpu.memory_space<hbm>>) dst(%dma_wait3A_4160 : memref<128x128xf32, #tpu.memory_space<vmem>>)
    %dma_start3A_4167 = arith.constant 0 : i32
    %dma_start3A_4168 = arith.constant 21 : i32
    %dma_start3A_4169 = arith.constant 0 : i32
    %dma_start3A_4170 = arith.constant 0 : i32
    %dma_start3A_4171 = tpu.memref_slice %arg6[%dma_start3A_4167, %dma_start3A_4169, %dma_start3A_4170] : memref<7x128x128xf32, #tpu.memory_space<vmem>> -> memref<1x128x128xf32, #tpu.memory_space<vmem>>
    %dma_start3A_4172 = tpu.memref_squeeze %dma_start3A_4171 : memref<1x128x128xf32, #tpu.memory_space<vmem>> -> memref<128x128xf32, #tpu.memory_space<vmem>>
    %dma_start3A_4173 = arith.constant 0 : i32
    %dma_start3A_4174 = tpu.memref_slice %arg4[%dma_start3A_4168, %mul3A_2, %dma_start3A_4173] : memref<26x4096x128xf32, #tpu.memory_space<hbm>> -> memref<1x128x128xf32, #tpu.memory_space<hbm>>
    %dma_start3A_4175 = tpu.memref_squeeze %dma_start3A_4174 : memref<1x128x128xf32, #tpu.memory_space<hbm>> -> memref<128x128xf32, #tpu.memory_space<hbm>>
    %dma_start3A_4176 = arith.constant 0 : i32
    %dma_start3A_4177 = tpu.memref_slice %arg4[%dma_start3A_4168, %mul3A_2, %dma_start3A_4176] : memref<26x4096x128xf32, #tpu.memory_space<hbm>> -> memref<1x128x128xf32, #tpu.memory_space<hbm>>
    %dma_start3A_4178 = tpu.memref_squeeze %dma_start3A_4177 : memref<1x128x128xf32, #tpu.memory_space<hbm>> -> memref<128x128xf32, #tpu.memory_space<hbm>>
    %dma_start3A_4179 = arith.constant 0 : i32
    %dma_start3A_4180 = arith.constant 0 : i32
    %dma_start3A_4181 = tpu.memref_slice %arg6[%dma_start3A_4167, %dma_start3A_4179, %dma_start3A_4180] : memref<7x128x128xf32, #tpu.memory_space<vmem>> -> memref<1x128x128xf32, #tpu.memory_space<vmem>>
    %dma_start3A_4182 = tpu.memref_squeeze %dma_start3A_4181 : memref<1x128x128xf32, #tpu.memory_space<vmem>> -> memref<128x128xf32, #tpu.memory_space<vmem>>
    tpu.enqueue_dma source(%dma_start3A_4182 : memref<128x128xf32, #tpu.memory_space<vmem>>) target(%dma_start3A_4178 : memref<128x128xf32, #tpu.memory_space<hbm>>) target_semaphore(%arg14 : memref<!tpu.dma_semaphore, #tpu.memory_space<semaphore_mem>>)
    %dma_wait3A_4183 = arith.constant 22 : i32
    %dma_wait3A_4184 = arith.constant 1 : i32
    %dma_wait3A_4185 = arith.constant 0 : i32
    %dma_wait3A_4186 = arith.constant 0 : i32
    %dma_wait3A_4187 = tpu.memref_slice %arg6[%dma_wait3A_4184, %dma_wait3A_4185, %dma_wait3A_4186] : memref<7x128x128xf32, #tpu.memory_space<vmem>> -> memref<1x128x128xf32, #tpu.memory_space<vmem>>
    %dma_wait3A_4188 = tpu.memref_squeeze %dma_wait3A_4187 : memref<1x128x128xf32, #tpu.memory_space<vmem>> -> memref<128x128xf32, #tpu.memory_space<vmem>>
    %dma_wait3A_4189 = arith.constant 0 : i32
    %dma_wait3A_4190 = tpu.memref_slice %arg5[%dma_wait3A_4183, %dma_wait3A_4189] : memref<26x128xi32, #tpu.memory_space<vmem>> -> memref<1x128xi32, #tpu.memory_space<vmem>>
    %dma_wait3A_4191 = tpu.memref_squeeze %dma_wait3A_4190 : memref<1x128xi32, #tpu.memory_space<vmem>> -> memref<128xi32, #tpu.memory_space<vmem>>
    %dma_wait3A_4192 = arith.constant 0 : i32
    %dma_wait3A_4193 = arith.constant 0 : i32
    %dma_wait3A_4194 = tpu.memref_slice %arg3[%dma_wait3A_4192, %dma_wait3A_4193] : memref<2600000x128xf32, #tpu.memory_space<hbm>> -> memref<2600000x128xf32, #tpu.memory_space<hbm>>
    tpu.wait_indirect_dma semaphore(%arg8 : memref<!tpu.dma_semaphore, #tpu.memory_space<semaphore_mem>>) src(%dma_wait3A_4194 : memref<2600000x128xf32, #tpu.memory_space<hbm>>) dst(%dma_wait3A_4188 : memref<128x128xf32, #tpu.memory_space<vmem>>)
    %dma_start3A_4195 = arith.constant 1 : i32
    %dma_start3A_4196 = arith.constant 22 : i32
    %dma_start3A_4197 = arith.constant 0 : i32
    %dma_start3A_4198 = arith.constant 0 : i32
    %dma_start3A_4199 = tpu.memref_slice %arg6[%dma_start3A_4195, %dma_start3A_4197, %dma_start3A_4198] : memref<7x128x128xf32, #tpu.memory_space<vmem>> -> memref<1x128x128xf32, #tpu.memory_space<vmem>>
    %dma_start3A_4200 = tpu.memref_squeeze %dma_start3A_4199 : memref<1x128x128xf32, #tpu.memory_space<vmem>> -> memref<128x128xf32, #tpu.memory_space<vmem>>
    %dma_start3A_4201 = arith.constant 0 : i32
    %dma_start3A_4202 = tpu.memref_slice %arg4[%dma_start3A_4196, %mul3A_2, %dma_start3A_4201] : memref<26x4096x128xf32, #tpu.memory_space<hbm>> -> memref<1x128x128xf32, #tpu.memory_space<hbm>>
    %dma_start3A_4203 = tpu.memref_squeeze %dma_start3A_4202 : memref<1x128x128xf32, #tpu.memory_space<hbm>> -> memref<128x128xf32, #tpu.memory_space<hbm>>
    %dma_start3A_4204 = arith.constant 0 : i32
    %dma_start3A_4205 = tpu.memref_slice %arg4[%dma_start3A_4196, %mul3A_2, %dma_start3A_4204] : memref<26x4096x128xf32, #tpu.memory_space<hbm>> -> memref<1x128x128xf32, #tpu.memory_space<hbm>>
    %dma_start3A_4206 = tpu.memref_squeeze %dma_start3A_4205 : memref<1x128x128xf32, #tpu.memory_space<hbm>> -> memref<128x128xf32, #tpu.memory_space<hbm>>
    %dma_start3A_4207 = arith.constant 0 : i32
    %dma_start3A_4208 = arith.constant 0 : i32
    %dma_start3A_4209 = tpu.memref_slice %arg6[%dma_start3A_4195, %dma_start3A_4207, %dma_start3A_4208] : memref<7x128x128xf32, #tpu.memory_space<vmem>> -> memref<1x128x128xf32, #tpu.memory_space<vmem>>
    %dma_start3A_4210 = tpu.memref_squeeze %dma_start3A_4209 : memref<1x128x128xf32, #tpu.memory_space<vmem>> -> memref<128x128xf32, #tpu.memory_space<vmem>>
    tpu.enqueue_dma source(%dma_start3A_4210 : memref<128x128xf32, #tpu.memory_space<vmem>>) target(%dma_start3A_4206 : memref<128x128xf32, #tpu.memory_space<hbm>>) target_semaphore(%arg15 : memref<!tpu.dma_semaphore, #tpu.memory_space<semaphore_mem>>)
    %dma_wait3A_4211 = arith.constant 23 : i32
    %dma_wait3A_4212 = arith.constant 2 : i32
    %dma_wait3A_4213 = arith.constant 0 : i32
    %dma_wait3A_4214 = arith.constant 0 : i32
    %dma_wait3A_4215 = tpu.memref_slice %arg6[%dma_wait3A_4212, %dma_wait3A_4213, %dma_wait3A_4214] : memref<7x128x128xf32, #tpu.memory_space<vmem>> -> memref<1x128x128xf32, #tpu.memory_space<vmem>>
    %dma_wait3A_4216 = tpu.memref_squeeze %dma_wait3A_4215 : memref<1x128x128xf32, #tpu.memory_space<vmem>> -> memref<128x128xf32, #tpu.memory_space<vmem>>
    %dma_wait3A_4217 = arith.constant 0 : i32
    %dma_wait3A_4218 = tpu.memref_slice %arg5[%dma_wait3A_4211, %dma_wait3A_4217] : memref<26x128xi32, #tpu.memory_space<vmem>> -> memref<1x128xi32, #tpu.memory_space<vmem>>
    %dma_wait3A_4219 = tpu.memref_squeeze %dma_wait3A_4218 : memref<1x128xi32, #tpu.memory_space<vmem>> -> memref<128xi32, #tpu.memory_space<vmem>>
    %dma_wait3A_4220 = arith.constant 0 : i32
    %dma_wait3A_4221 = arith.constant 0 : i32
    %dma_wait3A_4222 = tpu.memref_slice %arg3[%dma_wait3A_4220, %dma_wait3A_4221] : memref<2600000x128xf32, #tpu.memory_space<hbm>> -> memref<2600000x128xf32, #tpu.memory_space<hbm>>
    tpu.wait_indirect_dma semaphore(%arg9 : memref<!tpu.dma_semaphore, #tpu.memory_space<semaphore_mem>>) src(%dma_wait3A_4222 : memref<2600000x128xf32, #tpu.memory_space<hbm>>) dst(%dma_wait3A_4216 : memref<128x128xf32, #tpu.memory_space<vmem>>)
    %dma_start3A_4223 = arith.constant 2 : i32
    %dma_start3A_4224 = arith.constant 23 : i32
    %dma_start3A_4225 = arith.constant 0 : i32
    %dma_start3A_4226 = arith.constant 0 : i32
    %dma_start3A_4227 = tpu.memref_slice %arg6[%dma_start3A_4223, %dma_start3A_4225, %dma_start3A_4226] : memref<7x128x128xf32, #tpu.memory_space<vmem>> -> memref<1x128x128xf32, #tpu.memory_space<vmem>>
    %dma_start3A_4228 = tpu.memref_squeeze %dma_start3A_4227 : memref<1x128x128xf32, #tpu.memory_space<vmem>> -> memref<128x128xf32, #tpu.memory_space<vmem>>
    %dma_start3A_4229 = arith.constant 0 : i32
    %dma_start3A_4230 = tpu.memref_slice %arg4[%dma_start3A_4224, %mul3A_2, %dma_start3A_4229] : memref<26x4096x128xf32, #tpu.memory_space<hbm>> -> memref<1x128x128xf32, #tpu.memory_space<hbm>>
    %dma_start3A_4231 = tpu.memref_squeeze %dma_start3A_4230 : memref<1x128x128xf32, #tpu.memory_space<hbm>> -> memref<128x128xf32, #tpu.memory_space<hbm>>
    %dma_start3A_4232 = arith.constant 0 : i32
    %dma_start3A_4233 = tpu.memref_slice %arg4[%dma_start3A_4224, %mul3A_2, %dma_start3A_4232] : memref<26x4096x128xf32, #tpu.memory_space<hbm>> -> memref<1x128x128xf32, #tpu.memory_space<hbm>>
    %dma_start3A_4234 = tpu.memref_squeeze %dma_start3A_4233 : memref<1x128x128xf32, #tpu.memory_space<hbm>> -> memref<128x128xf32, #tpu.memory_space<hbm>>
    %dma_start3A_4235 = arith.constant 0 : i32
    %dma_start3A_4236 = arith.constant 0 : i32
    %dma_start3A_4237 = tpu.memref_slice %arg6[%dma_start3A_4223, %dma_start3A_4235, %dma_start3A_4236] : memref<7x128x128xf32, #tpu.memory_space<vmem>> -> memref<1x128x128xf32, #tpu.memory_space<vmem>>
    %dma_start3A_4238 = tpu.memref_squeeze %dma_start3A_4237 : memref<1x128x128xf32, #tpu.memory_space<vmem>> -> memref<128x128xf32, #tpu.memory_space<vmem>>
    tpu.enqueue_dma source(%dma_start3A_4238 : memref<128x128xf32, #tpu.memory_space<vmem>>) target(%dma_start3A_4234 : memref<128x128xf32, #tpu.memory_space<hbm>>) target_semaphore(%arg16 : memref<!tpu.dma_semaphore, #tpu.memory_space<semaphore_mem>>)
    %dma_wait3A_4239 = arith.constant 24 : i32
    %dma_wait3A_4240 = arith.constant 3 : i32
    %dma_wait3A_4241 = arith.constant 0 : i32
    %dma_wait3A_4242 = arith.constant 0 : i32
    %dma_wait3A_4243 = tpu.memref_slice %arg6[%dma_wait3A_4240, %dma_wait3A_4241, %dma_wait3A_4242] : memref<7x128x128xf32, #tpu.memory_space<vmem>> -> memref<1x128x128xf32, #tpu.memory_space<vmem>>
    %dma_wait3A_4244 = tpu.memref_squeeze %dma_wait3A_4243 : memref<1x128x128xf32, #tpu.memory_space<vmem>> -> memref<128x128xf32, #tpu.memory_space<vmem>>
    %dma_wait3A_4245 = arith.constant 0 : i32
    %dma_wait3A_4246 = tpu.memref_slice %arg5[%dma_wait3A_4239, %dma_wait3A_4245] : memref<26x128xi32, #tpu.memory_space<vmem>> -> memref<1x128xi32, #tpu.memory_space<vmem>>
    %dma_wait3A_4247 = tpu.memref_squeeze %dma_wait3A_4246 : memref<1x128xi32, #tpu.memory_space<vmem>> -> memref<128xi32, #tpu.memory_space<vmem>>
    %dma_wait3A_4248 = arith.constant 0 : i32
    %dma_wait3A_4249 = arith.constant 0 : i32
    %dma_wait3A_4250 = tpu.memref_slice %arg3[%dma_wait3A_4248, %dma_wait3A_4249] : memref<2600000x128xf32, #tpu.memory_space<hbm>> -> memref<2600000x128xf32, #tpu.memory_space<hbm>>
    tpu.wait_indirect_dma semaphore(%arg10 : memref<!tpu.dma_semaphore, #tpu.memory_space<semaphore_mem>>) src(%dma_wait3A_4250 : memref<2600000x128xf32, #tpu.memory_space<hbm>>) dst(%dma_wait3A_4244 : memref<128x128xf32, #tpu.memory_space<vmem>>)
    %dma_start3A_4251 = arith.constant 3 : i32
    %dma_start3A_4252 = arith.constant 24 : i32
    %dma_start3A_4253 = arith.constant 0 : i32
    %dma_start3A_4254 = arith.constant 0 : i32
    %dma_start3A_4255 = tpu.memref_slice %arg6[%dma_start3A_4251, %dma_start3A_4253, %dma_start3A_4254] : memref<7x128x128xf32, #tpu.memory_space<vmem>> -> memref<1x128x128xf32, #tpu.memory_space<vmem>>
    %dma_start3A_4256 = tpu.memref_squeeze %dma_start3A_4255 : memref<1x128x128xf32, #tpu.memory_space<vmem>> -> memref<128x128xf32, #tpu.memory_space<vmem>>
    %dma_start3A_4257 = arith.constant 0 : i32
    %dma_start3A_4258 = tpu.memref_slice %arg4[%dma_start3A_4252, %mul3A_2, %dma_start3A_4257] : memref<26x4096x128xf32, #tpu.memory_space<hbm>> -> memref<1x128x128xf32, #tpu.memory_space<hbm>>
    %dma_start3A_4259 = tpu.memref_squeeze %dma_start3A_4258 : memref<1x128x128xf32, #tpu.memory_space<hbm>> -> memref<128x128xf32, #tpu.memory_space<hbm>>
    %dma_start3A_4260 = arith.constant 0 : i32
    %dma_start3A_4261 = tpu.memref_slice %arg4[%dma_start3A_4252, %mul3A_2, %dma_start3A_4260] : memref<26x4096x128xf32, #tpu.memory_space<hbm>> -> memref<1x128x128xf32, #tpu.memory_space<hbm>>
    %dma_start3A_4262 = tpu.memref_squeeze %dma_start3A_4261 : memref<1x128x128xf32, #tpu.memory_space<hbm>> -> memref<128x128xf32, #tpu.memory_space<hbm>>
    %dma_start3A_4263 = arith.constant 0 : i32
    %dma_start3A_4264 = arith.constant 0 : i32
    %dma_start3A_4265 = tpu.memref_slice %arg6[%dma_start3A_4251, %dma_start3A_4263, %dma_start3A_4264] : memref<7x128x128xf32, #tpu.memory_space<vmem>> -> memref<1x128x128xf32, #tpu.memory_space<vmem>>
    %dma_start3A_4266 = tpu.memref_squeeze %dma_start3A_4265 : memref<1x128x128xf32, #tpu.memory_space<vmem>> -> memref<128x128xf32, #tpu.memory_space<vmem>>
    tpu.enqueue_dma source(%dma_start3A_4266 : memref<128x128xf32, #tpu.memory_space<vmem>>) target(%dma_start3A_4262 : memref<128x128xf32, #tpu.memory_space<hbm>>) target_semaphore(%arg17 : memref<!tpu.dma_semaphore, #tpu.memory_space<semaphore_mem>>)
    %dma_wait3A_4267 = arith.constant 25 : i32
    %dma_wait3A_4268 = arith.constant 4 : i32
    %dma_wait3A_4269 = arith.constant 0 : i32
    %dma_wait3A_4270 = arith.constant 0 : i32
    %dma_wait3A_4271 = tpu.memref_slice %arg6[%dma_wait3A_4268, %dma_wait3A_4269, %dma_wait3A_4270] : memref<7x128x128xf32, #tpu.memory_space<vmem>> -> memref<1x128x128xf32, #tpu.memory_space<vmem>>
    %dma_wait3A_4272 = tpu.memref_squeeze %dma_wait3A_4271 : memref<1x128x128xf32, #tpu.memory_space<vmem>> -> memref<128x128xf32, #tpu.memory_space<vmem>>
    %dma_wait3A_4273 = arith.constant 0 : i32
    %dma_wait3A_4274 = tpu.memref_slice %arg5[%dma_wait3A_4267, %dma_wait3A_4273] : memref<26x128xi32, #tpu.memory_space<vmem>> -> memref<1x128xi32, #tpu.memory_space<vmem>>
    %dma_wait3A_4275 = tpu.memref_squeeze %dma_wait3A_4274 : memref<1x128xi32, #tpu.memory_space<vmem>> -> memref<128xi32, #tpu.memory_space<vmem>>
    %dma_wait3A_4276 = arith.constant 0 : i32
    %dma_wait3A_4277 = arith.constant 0 : i32
    %dma_wait3A_4278 = tpu.memref_slice %arg3[%dma_wait3A_4276, %dma_wait3A_4277] : memref<2600000x128xf32, #tpu.memory_space<hbm>> -> memref<2600000x128xf32, #tpu.memory_space<hbm>>
    tpu.wait_indirect_dma semaphore(%arg11 : memref<!tpu.dma_semaphore, #tpu.memory_space<semaphore_mem>>) src(%dma_wait3A_4278 : memref<2600000x128xf32, #tpu.memory_space<hbm>>) dst(%dma_wait3A_4272 : memref<128x128xf32, #tpu.memory_space<vmem>>)
    %dma_start3A_4279 = arith.constant 4 : i32
    %dma_start3A_4280 = arith.constant 25 : i32
    %dma_start3A_4281 = arith.constant 0 : i32
    %dma_start3A_4282 = arith.constant 0 : i32
    %dma_start3A_4283 = tpu.memref_slice %arg6[%dma_start3A_4279, %dma_start3A_4281, %dma_start3A_4282] : memref<7x128x128xf32, #tpu.memory_space<vmem>> -> memref<1x128x128xf32, #tpu.memory_space<vmem>>
    %dma_start3A_4284 = tpu.memref_squeeze %dma_start3A_4283 : memref<1x128x128xf32, #tpu.memory_space<vmem>> -> memref<128x128xf32, #tpu.memory_space<vmem>>
    %dma_start3A_4285 = arith.constant 0 : i32
    %dma_start3A_4286 = tpu.memref_slice %arg4[%dma_start3A_4280, %mul3A_2, %dma_start3A_4285] : memref<26x4096x128xf32, #tpu.memory_space<hbm>> -> memref<1x128x128xf32, #tpu.memory_space<hbm>>
    %dma_start3A_4287 = tpu.memref_squeeze %dma_start3A_4286 : memref<1x128x128xf32, #tpu.memory_space<hbm>> -> memref<128x128xf32, #tpu.memory_space<hbm>>
    %dma_start3A_4288 = arith.constant 0 : i32
    %dma_start3A_4289 = tpu.memref_slice %arg4[%dma_start3A_4280, %mul3A_2, %dma_start3A_4288] : memref<26x4096x128xf32, #tpu.memory_space<hbm>> -> memref<1x128x128xf32, #tpu.memory_space<hbm>>
    %dma_start3A_4290 = tpu.memref_squeeze %dma_start3A_4289 : memref<1x128x128xf32, #tpu.memory_space<hbm>> -> memref<128x128xf32, #tpu.memory_space<hbm>>
    %dma_start3A_4291 = arith.constant 0 : i32
    %dma_start3A_4292 = arith.constant 0 : i32
    %dma_start3A_4293 = tpu.memref_slice %arg6[%dma_start3A_4279, %dma_start3A_4291, %dma_start3A_4292] : memref<7x128x128xf32, #tpu.memory_space<vmem>> -> memref<1x128x128xf32, #tpu.memory_space<vmem>>
    %dma_start3A_4294 = tpu.memref_squeeze %dma_start3A_4293 : memref<1x128x128xf32, #tpu.memory_space<vmem>> -> memref<128x128xf32, #tpu.memory_space<vmem>>
    tpu.enqueue_dma source(%dma_start3A_4294 : memref<128x128xf32, #tpu.memory_space<vmem>>) target(%dma_start3A_4290 : memref<128x128xf32, #tpu.memory_space<hbm>>) target_semaphore(%arg18 : memref<!tpu.dma_semaphore, #tpu.memory_space<semaphore_mem>>)
    %dma_wait3A_4295 = arith.constant 5 : i32
    %dma_wait3A_4296 = arith.constant 19 : i32
    %dma_wait3A_4297 = arith.constant 0 : i32
    %dma_wait3A_4298 = arith.constant 0 : i32
    %dma_wait3A_4299 = tpu.memref_slice %arg6[%dma_wait3A_4295, %dma_wait3A_4297, %dma_wait3A_4298] : memref<7x128x128xf32, #tpu.memory_space<vmem>> -> memref<1x128x128xf32, #tpu.memory_space<vmem>>
    %dma_wait3A_4300 = tpu.memref_squeeze %dma_wait3A_4299 : memref<1x128x128xf32, #tpu.memory_space<vmem>> -> memref<128x128xf32, #tpu.memory_space<vmem>>
    %dma_wait3A_4301 = arith.constant 0 : i32
    %dma_wait3A_4302 = tpu.memref_slice %arg4[%dma_wait3A_4296, %mul3A_2, %dma_wait3A_4301] : memref<26x4096x128xf32, #tpu.memory_space<hbm>> -> memref<1x128x128xf32, #tpu.memory_space<hbm>>
    %dma_wait3A_4303 = tpu.memref_squeeze %dma_wait3A_4302 : memref<1x128x128xf32, #tpu.memory_space<hbm>> -> memref<128x128xf32, #tpu.memory_space<hbm>>
    %dma_wait3A_4304 = arith.constant 0 : i32
    %dma_wait3A_4305 = tpu.memref_slice %arg4[%dma_wait3A_4296, %mul3A_2, %dma_wait3A_4304] : memref<26x4096x128xf32, #tpu.memory_space<hbm>> -> memref<1x128x128xf32, #tpu.memory_space<hbm>>
    %dma_wait3A_4306 = tpu.memref_squeeze %dma_wait3A_4305 : memref<1x128x128xf32, #tpu.memory_space<hbm>> -> memref<128x128xf32, #tpu.memory_space<hbm>>
    %dma_wait3A_4307 = arith.constant 0 : i32
    %dma_wait3A_4308 = arith.constant 0 : i32
    %dma_wait3A_4309 = tpu.memref_slice %arg6[%dma_wait3A_4295, %dma_wait3A_4307, %dma_wait3A_4308] : memref<7x128x128xf32, #tpu.memory_space<vmem>> -> memref<1x128x128xf32, #tpu.memory_space<vmem>>
    %dma_wait3A_4310 = tpu.memref_squeeze %dma_wait3A_4309 : memref<1x128x128xf32, #tpu.memory_space<vmem>> -> memref<128x128xf32, #tpu.memory_space<vmem>>
    tpu.wait_dma2 semaphore(%arg19 : memref<!tpu.dma_semaphore, #tpu.memory_space<semaphore_mem>>) src(%dma_wait3A_4310 : memref<128x128xf32, #tpu.memory_space<vmem>>) dst(%dma_wait3A_4306 : memref<128x128xf32, #tpu.memory_space<hbm>>)
    %dma_wait3A_4311 = arith.constant 6 : i32
    %dma_wait3A_4312 = arith.constant 20 : i32
    %dma_wait3A_4313 = arith.constant 0 : i32
    %dma_wait3A_4314 = arith.constant 0 : i32
    %dma_wait3A_4315 = tpu.memref_slice %arg6[%dma_wait3A_4311, %dma_wait3A_4313, %dma_wait3A_4314] : memref<7x128x128xf32, #tpu.memory_space<vmem>> -> memref<1x128x128xf32, #tpu.memory_space<vmem>>
    %dma_wait3A_4316 = tpu.memref_squeeze %dma_wait3A_4315 : memref<1x128x128xf32, #tpu.memory_space<vmem>> -> memref<128x128xf32, #tpu.memory_space<vmem>>
    %dma_wait3A_4317 = arith.constant 0 : i32
    %dma_wait3A_4318 = tpu.memref_slice %arg4[%dma_wait3A_4312, %mul3A_2, %dma_wait3A_4317] : memref<26x4096x128xf32, #tpu.memory_space<hbm>> -> memref<1x128x128xf32, #tpu.memory_space<hbm>>
    %dma_wait3A_4319 = tpu.memref_squeeze %dma_wait3A_4318 : memref<1x128x128xf32, #tpu.memory_space<hbm>> -> memref<128x128xf32, #tpu.memory_space<hbm>>
    %dma_wait3A_4320 = arith.constant 0 : i32
    %dma_wait3A_4321 = tpu.memref_slice %arg4[%dma_wait3A_4312, %mul3A_2, %dma_wait3A_4320] : memref<26x4096x128xf32, #tpu.memory_space<hbm>> -> memref<1x128x128xf32, #tpu.memory_space<hbm>>
    %dma_wait3A_4322 = tpu.memref_squeeze %dma_wait3A_4321 : memref<1x128x128xf32, #tpu.memory_space<hbm>> -> memref<128x128xf32, #tpu.memory_space<hbm>>
    %dma_wait3A_4323 = arith.constant 0 : i32
    %dma_wait3A_4324 = arith.constant 0 : i32
    %dma_wait3A_4325 = tpu.memref_slice %arg6[%dma_wait3A_4311, %dma_wait3A_4323, %dma_wait3A_4324] : memref<7x128x128xf32, #tpu.memory_space<vmem>> -> memref<1x128x128xf32, #tpu.memory_space<vmem>>
    %dma_wait3A_4326 = tpu.memref_squeeze %dma_wait3A_4325 : memref<1x128x128xf32, #tpu.memory_space<vmem>> -> memref<128x128xf32, #tpu.memory_space<vmem>>
    tpu.wait_dma2 semaphore(%arg20 : memref<!tpu.dma_semaphore, #tpu.memory_space<semaphore_mem>>) src(%dma_wait3A_4326 : memref<128x128xf32, #tpu.memory_space<vmem>>) dst(%dma_wait3A_4322 : memref<128x128xf32, #tpu.memory_space<hbm>>)
    %dma_wait3A_4327 = arith.constant 0 : i32
    %dma_wait3A_4328 = arith.constant 21 : i32
    %dma_wait3A_4329 = arith.constant 0 : i32
    %dma_wait3A_4330 = arith.constant 0 : i32
    %dma_wait3A_4331 = tpu.memref_slice %arg6[%dma_wait3A_4327, %dma_wait3A_4329, %dma_wait3A_4330] : memref<7x128x128xf32, #tpu.memory_space<vmem>> -> memref<1x128x128xf32, #tpu.memory_space<vmem>>
    %dma_wait3A_4332 = tpu.memref_squeeze %dma_wait3A_4331 : memref<1x128x128xf32, #tpu.memory_space<vmem>> -> memref<128x128xf32, #tpu.memory_space<vmem>>
    %dma_wait3A_4333 = arith.constant 0 : i32
    %dma_wait3A_4334 = tpu.memref_slice %arg4[%dma_wait3A_4328, %mul3A_2, %dma_wait3A_4333] : memref<26x4096x128xf32, #tpu.memory_space<hbm>> -> memref<1x128x128xf32, #tpu.memory_space<hbm>>
    %dma_wait3A_4335 = tpu.memref_squeeze %dma_wait3A_4334 : memref<1x128x128xf32, #tpu.memory_space<hbm>> -> memref<128x128xf32, #tpu.memory_space<hbm>>
    %dma_wait3A_4336 = arith.constant 0 : i32
    %dma_wait3A_4337 = tpu.memref_slice %arg4[%dma_wait3A_4328, %mul3A_2, %dma_wait3A_4336] : memref<26x4096x128xf32, #tpu.memory_space<hbm>> -> memref<1x128x128xf32, #tpu.memory_space<hbm>>
    %dma_wait3A_4338 = tpu.memref_squeeze %dma_wait3A_4337 : memref<1x128x128xf32, #tpu.memory_space<hbm>> -> memref<128x128xf32, #tpu.memory_space<hbm>>
    %dma_wait3A_4339 = arith.constant 0 : i32
    %dma_wait3A_4340 = arith.constant 0 : i32
    %dma_wait3A_4341 = tpu.memref_slice %arg6[%dma_wait3A_4327, %dma_wait3A_4339, %dma_wait3A_4340] : memref<7x128x128xf32, #tpu.memory_space<vmem>> -> memref<1x128x128xf32, #tpu.memory_space<vmem>>
    %dma_wait3A_4342 = tpu.memref_squeeze %dma_wait3A_4341 : memref<1x128x128xf32, #tpu.memory_space<vmem>> -> memref<128x128xf32, #tpu.memory_space<vmem>>
    tpu.wait_dma2 semaphore(%arg14 : memref<!tpu.dma_semaphore, #tpu.memory_space<semaphore_mem>>) src(%dma_wait3A_4342 : memref<128x128xf32, #tpu.memory_space<vmem>>) dst(%dma_wait3A_4338 : memref<128x128xf32, #tpu.memory_space<hbm>>)
    %dma_wait3A_4343 = arith.constant 1 : i32
    %dma_wait3A_4344 = arith.constant 22 : i32
    %dma_wait3A_4345 = arith.constant 0 : i32
    %dma_wait3A_4346 = arith.constant 0 : i32
    %dma_wait3A_4347 = tpu.memref_slice %arg6[%dma_wait3A_4343, %dma_wait3A_4345, %dma_wait3A_4346] : memref<7x128x128xf32, #tpu.memory_space<vmem>> -> memref<1x128x128xf32, #tpu.memory_space<vmem>>
    %dma_wait3A_4348 = tpu.memref_squeeze %dma_wait3A_4347 : memref<1x128x128xf32, #tpu.memory_space<vmem>> -> memref<128x128xf32, #tpu.memory_space<vmem>>
    %dma_wait3A_4349 = arith.constant 0 : i32
    %dma_wait3A_4350 = tpu.memref_slice %arg4[%dma_wait3A_4344, %mul3A_2, %dma_wait3A_4349] : memref<26x4096x128xf32, #tpu.memory_space<hbm>> -> memref<1x128x128xf32, #tpu.memory_space<hbm>>
    %dma_wait3A_4351 = tpu.memref_squeeze %dma_wait3A_4350 : memref<1x128x128xf32, #tpu.memory_space<hbm>> -> memref<128x128xf32, #tpu.memory_space<hbm>>
    %dma_wait3A_4352 = arith.constant 0 : i32
    %dma_wait3A_4353 = tpu.memref_slice %arg4[%dma_wait3A_4344, %mul3A_2, %dma_wait3A_4352] : memref<26x4096x128xf32, #tpu.memory_space<hbm>> -> memref<1x128x128xf32, #tpu.memory_space<hbm>>
    %dma_wait3A_4354 = tpu.memref_squeeze %dma_wait3A_4353 : memref<1x128x128xf32, #tpu.memory_space<hbm>> -> memref<128x128xf32, #tpu.memory_space<hbm>>
    %dma_wait3A_4355 = arith.constant 0 : i32
    %dma_wait3A_4356 = arith.constant 0 : i32
    %dma_wait3A_4357 = tpu.memref_slice %arg6[%dma_wait3A_4343, %dma_wait3A_4355, %dma_wait3A_4356] : memref<7x128x128xf32, #tpu.memory_space<vmem>> -> memref<1x128x128xf32, #tpu.memory_space<vmem>>
    %dma_wait3A_4358 = tpu.memref_squeeze %dma_wait3A_4357 : memref<1x128x128xf32, #tpu.memory_space<vmem>> -> memref<128x128xf32, #tpu.memory_space<vmem>>
    tpu.wait_dma2 semaphore(%arg15 : memref<!tpu.dma_semaphore, #tpu.memory_space<semaphore_mem>>) src(%dma_wait3A_4358 : memref<128x128xf32, #tpu.memory_space<vmem>>) dst(%dma_wait3A_4354 : memref<128x128xf32, #tpu.memory_space<hbm>>)
    %dma_wait3A_4359 = arith.constant 2 : i32
    %dma_wait3A_4360 = arith.constant 23 : i32
    %dma_wait3A_4361 = arith.constant 0 : i32
    %dma_wait3A_4362 = arith.constant 0 : i32
    %dma_wait3A_4363 = tpu.memref_slice %arg6[%dma_wait3A_4359, %dma_wait3A_4361, %dma_wait3A_4362] : memref<7x128x128xf32, #tpu.memory_space<vmem>> -> memref<1x128x128xf32, #tpu.memory_space<vmem>>
    %dma_wait3A_4364 = tpu.memref_squeeze %dma_wait3A_4363 : memref<1x128x128xf32, #tpu.memory_space<vmem>> -> memref<128x128xf32, #tpu.memory_space<vmem>>
    %dma_wait3A_4365 = arith.constant 0 : i32
    %dma_wait3A_4366 = tpu.memref_slice %arg4[%dma_wait3A_4360, %mul3A_2, %dma_wait3A_4365] : memref<26x4096x128xf32, #tpu.memory_space<hbm>> -> memref<1x128x128xf32, #tpu.memory_space<hbm>>
    %dma_wait3A_4367 = tpu.memref_squeeze %dma_wait3A_4366 : memref<1x128x128xf32, #tpu.memory_space<hbm>> -> memref<128x128xf32, #tpu.memory_space<hbm>>
    %dma_wait3A_4368 = arith.constant 0 : i32
    %dma_wait3A_4369 = tpu.memref_slice %arg4[%dma_wait3A_4360, %mul3A_2, %dma_wait3A_4368] : memref<26x4096x128xf32, #tpu.memory_space<hbm>> -> memref<1x128x128xf32, #tpu.memory_space<hbm>>
    %dma_wait3A_4370 = tpu.memref_squeeze %dma_wait3A_4369 : memref<1x128x128xf32, #tpu.memory_space<hbm>> -> memref<128x128xf32, #tpu.memory_space<hbm>>
    %dma_wait3A_4371 = arith.constant 0 : i32
    %dma_wait3A_4372 = arith.constant 0 : i32
    %dma_wait3A_4373 = tpu.memref_slice %arg6[%dma_wait3A_4359, %dma_wait3A_4371, %dma_wait3A_4372] : memref<7x128x128xf32, #tpu.memory_space<vmem>> -> memref<1x128x128xf32, #tpu.memory_space<vmem>>
    %dma_wait3A_4374 = tpu.memref_squeeze %dma_wait3A_4373 : memref<1x128x128xf32, #tpu.memory_space<vmem>> -> memref<128x128xf32, #tpu.memory_space<vmem>>
    tpu.wait_dma2 semaphore(%arg16 : memref<!tpu.dma_semaphore, #tpu.memory_space<semaphore_mem>>) src(%dma_wait3A_4374 : memref<128x128xf32, #tpu.memory_space<vmem>>) dst(%dma_wait3A_4370 : memref<128x128xf32, #tpu.memory_space<hbm>>)
    %dma_wait3A_4375 = arith.constant 3 : i32
    %dma_wait3A_4376 = arith.constant 24 : i32
    %dma_wait3A_4377 = arith.constant 0 : i32
    %dma_wait3A_4378 = arith.constant 0 : i32
    %dma_wait3A_4379 = tpu.memref_slice %arg6[%dma_wait3A_4375, %dma_wait3A_4377, %dma_wait3A_4378] : memref<7x128x128xf32, #tpu.memory_space<vmem>> -> memref<1x128x128xf32, #tpu.memory_space<vmem>>
    %dma_wait3A_4380 = tpu.memref_squeeze %dma_wait3A_4379 : memref<1x128x128xf32, #tpu.memory_space<vmem>> -> memref<128x128xf32, #tpu.memory_space<vmem>>
    %dma_wait3A_4381 = arith.constant 0 : i32
    %dma_wait3A_4382 = tpu.memref_slice %arg4[%dma_wait3A_4376, %mul3A_2, %dma_wait3A_4381] : memref<26x4096x128xf32, #tpu.memory_space<hbm>> -> memref<1x128x128xf32, #tpu.memory_space<hbm>>
    %dma_wait3A_4383 = tpu.memref_squeeze %dma_wait3A_4382 : memref<1x128x128xf32, #tpu.memory_space<hbm>> -> memref<128x128xf32, #tpu.memory_space<hbm>>
    %dma_wait3A_4384 = arith.constant 0 : i32
    %dma_wait3A_4385 = tpu.memref_slice %arg4[%dma_wait3A_4376, %mul3A_2, %dma_wait3A_4384] : memref<26x4096x128xf32, #tpu.memory_space<hbm>> -> memref<1x128x128xf32, #tpu.memory_space<hbm>>
    %dma_wait3A_4386 = tpu.memref_squeeze %dma_wait3A_4385 : memref<1x128x128xf32, #tpu.memory_space<hbm>> -> memref<128x128xf32, #tpu.memory_space<hbm>>
    %dma_wait3A_4387 = arith.constant 0 : i32
    %dma_wait3A_4388 = arith.constant 0 : i32
    %dma_wait3A_4389 = tpu.memref_slice %arg6[%dma_wait3A_4375, %dma_wait3A_4387, %dma_wait3A_4388] : memref<7x128x128xf32, #tpu.memory_space<vmem>> -> memref<1x128x128xf32, #tpu.memory_space<vmem>>
    %dma_wait3A_4390 = tpu.memref_squeeze %dma_wait3A_4389 : memref<1x128x128xf32, #tpu.memory_space<vmem>> -> memref<128x128xf32, #tpu.memory_space<vmem>>
    tpu.wait_dma2 semaphore(%arg17 : memref<!tpu.dma_semaphore, #tpu.memory_space<semaphore_mem>>) src(%dma_wait3A_4390 : memref<128x128xf32, #tpu.memory_space<vmem>>) dst(%dma_wait3A_4386 : memref<128x128xf32, #tpu.memory_space<hbm>>)
    %dma_wait3A_4391 = arith.constant 4 : i32
    %dma_wait3A_4392 = arith.constant 25 : i32
    %dma_wait3A_4393 = arith.constant 0 : i32
    %dma_wait3A_4394 = arith.constant 0 : i32
    %dma_wait3A_4395 = tpu.memref_slice %arg6[%dma_wait3A_4391, %dma_wait3A_4393, %dma_wait3A_4394] : memref<7x128x128xf32, #tpu.memory_space<vmem>> -> memref<1x128x128xf32, #tpu.memory_space<vmem>>
    %dma_wait3A_4396 = tpu.memref_squeeze %dma_wait3A_4395 : memref<1x128x128xf32, #tpu.memory_space<vmem>> -> memref<128x128xf32, #tpu.memory_space<vmem>>
    %dma_wait3A_4397 = arith.constant 0 : i32
    %dma_wait3A_4398 = tpu.memref_slice %arg4[%dma_wait3A_4392, %mul3A_2, %dma_wait3A_4397] : memref<26x4096x128xf32, #tpu.memory_space<hbm>> -> memref<1x128x128xf32, #tpu.memory_space<hbm>>
    %dma_wait3A_4399 = tpu.memref_squeeze %dma_wait3A_4398 : memref<1x128x128xf32, #tpu.memory_space<hbm>> -> memref<128x128xf32, #tpu.memory_space<hbm>>
    %dma_wait3A_4400 = arith.constant 0 : i32
    %dma_wait3A_4401 = tpu.memref_slice %arg4[%dma_wait3A_4392, %mul3A_2, %dma_wait3A_4400] : memref<26x4096x128xf32, #tpu.memory_space<hbm>> -> memref<1x128x128xf32, #tpu.memory_space<hbm>>
    %dma_wait3A_4402 = tpu.memref_squeeze %dma_wait3A_4401 : memref<1x128x128xf32, #tpu.memory_space<hbm>> -> memref<128x128xf32, #tpu.memory_space<hbm>>
    %dma_wait3A_4403 = arith.constant 0 : i32
    %dma_wait3A_4404 = arith.constant 0 : i32
    %dma_wait3A_4405 = tpu.memref_slice %arg6[%dma_wait3A_4391, %dma_wait3A_4403, %dma_wait3A_4404] : memref<7x128x128xf32, #tpu.memory_space<vmem>> -> memref<1x128x128xf32, #tpu.memory_space<vmem>>
    %dma_wait3A_4406 = tpu.memref_squeeze %dma_wait3A_4405 : memref<1x128x128xf32, #tpu.memory_space<vmem>> -> memref<128x128xf32, #tpu.memory_space<vmem>>
    tpu.wait_dma2 semaphore(%arg18 : memref<!tpu.dma_semaphore, #tpu.memory_space<semaphore_mem>>) src(%dma_wait3A_4406 : memref<128x128xf32, #tpu.memory_space<vmem>>) dst(%dma_wait3A_4402 : memref<128x128xf32, #tpu.memory_space<hbm>>)
    return
  }
}

</mosaic_0001>

<sc_bundles>
// kernel: kernel.3.cloned.1.call-start
scs
__scs_entry_jumppad:
0x0: {  	(pc) =	sbr.rel $0x88, $3  }
0x1: {  	(tag) =	ssettag $0x0;
	lr =	simm.s32 $0x1  }
0x2: {  	[smem:$0x3F9F] =	sst lr;
	_ =	strace $0xD0000000  }
0x3: {  	_ = 	snop  }
0x4: {  	_ = 	snop  }
0x5: {  	_ = 	snop  }
0x6: {  	_ = 	snop  }
0x7: {  	_ = 	snop  }
__scs_overlays_trampoline_lowered:
0x8: {  	[smem:$0x3FAE] =	sst s0  }
0x9: {  	[smem:$0x3FAF] =	sst s1  }
0xa: {  	[smem:$0x3FB0] =	sst s2  }
0xb: {  	[smem:$0x3FB1] =	sst s3  }
0xc: {  	[smem:$0x3FB2] =	sst s4  }
0xd: {  	[smem:$0x3FB3] =	sst s5  }
0xe: {  	[smem:$0x3FB4] =	sst s6  }
0xf: {  	[smem:$0x3FB5] =	sst s7  }
0x10: {  	[smem:$0x3FB6] =	sst s8  }
0x11: {  	[smem:$0x3FB7] =	sst s9;
	s0 =	simm.s32 @!p0 $0x0  }
0x12: {  	s1 =	sld [smem:$0x3F9D];
	s0 =	simm.s32 @p0 $0x1  }
0x13: {  	[smem:$0x3FB8] =	sst s0;
	s0 =	simm.s32 @!p1 $0x0  }
0x14: {  	s2 =	sld [smem:$0x3F9C];
	s0 =	simm.s32 @p1 $0x1  }
0x15: {  	[smem:$0x3FB9] =	sst s0;
	s0 =	simm.s32 @!p2 $0x0  }
0x16: {  	s3 =	sld [smem:$0x3FDB];
	s0 =	simm.s32 @p2 $0x1  }
0x17: {  	s4 =	simm.s32 $0x1BF5;
	[smem:$0x3FBB] =	sst s0  }
0x18: {  	s0 =	sld [smem:$0x3F9E];
	_ =	swait.ge [sflag:s4], $0x0  }
0x19: {  	s7 =	sld [smem:$0x3F9F]  }
0x1a: {  	s8 =	sadd.s32 $0xFFFFE003, lr  }
0x1b: {  	s9 =	sadd.s32 $0xFFFFFEF7, lr;
	s5 =	simm.s32 $0xFFFFFFFF;
	p2 =	slt.u32 s8, $0xFFFFF086  }
0x1c: {  	p1 =	slt.u32 s9, $0xF7A;
	s5 =	simm.s32 @!p2 $0x0  }
0x1d: {  	s5 =	simm.s32 @p1 $0x1;
	p0 =	seq.s32 s7, s2  }
0x1e: {  	s7 =	smul.u32 @!p0 $0xF7A, s2;
	p2 =	seq.s32 @!p0 s5, $0x0  }
0x1f: {  	s9 =	smul.u32 $0xF7A, s1;
	s8 =	simm.s32 @!p0 $0x1BF5;
	p2 =	por !p2, p0  }
0x20: {  	[sflag:s8] =	ssyncset.s32 @!p0 $0xFFFFF086;
	s6 =	sadd.s32 @!p0 s3, s7;
	s7 =	simm.s32 @!p0 $0x108  }
0x21: {  	s3 =	sadd.s32 s3, s9;
	s6 =	sadd.s32 @!p0 $0x88, s6;
	s7 =	simm.s32 @p2 $0x1082  }
0x22: {  	[simem:s7], [sflag:s8] =	dma.local @!p0 [hbm:s6], $0xF7A  }
0x23: {  	s9 =	sor.u32 $0xD0000000, s2;
	s6 =	simm.s32 $0x108;
	_ =	swait.ge @!p0 [sflag:s8], $0x0  }
0x24: {  	s3 =	sadd.s32 $0x88, s3;
	s6 =	simm.s32 @!p1 $0x1082;
	[sflag:s4] =	ssyncset.s32 $0xFFFFF086  }
0x25: {  	[simem:s6], [sflag:s4] =	dma.local [hbm:s3], $0xF7A  }
0x26: {  	[smem:$0x3F9F] =	sst s1;
	(tag) =	ssettag s2;
	_ =	strace s9  }
0x27: {  	s1 =	sld [smem:$0x3FAF]  }
0x28: {  	s2 =	sld [smem:$0x3FB0]  }
0x29: {  	s4 =	sld [smem:$0x3FB2]  }
0x2a: {  	p0 =	seq.s32 s5, $0x0;
	s5 =	sld [smem:$0x3FB3]  }
0x2b: {  	s6 =	sld [smem:$0x3FB4]  }
0x2c: {  	s7 =	sld [smem:$0x3FB5]  }
0x2d: {  	s3 =	simm.s32 $0x108;
	s8 =	sld [smem:$0x3FB6]  }
0x2e: {  	s3 =	simm.s32 @!p0 $0x1082;
	s9 =	sld [smem:$0x3FB7]  }
0x2f: {  	lr =	sadd.s32 s0, s3;
	s0 =	sld [smem:$0x3FAE]  }
0x30: {  	s3 =	sld [smem:$0x3FB1]  }
0x31: {  	[smem:$0x3FBA] =	sst s10  }
0x32: {  	s10 =	sld [smem:$0x3FB8];
	_ =	sdelay $0x3  }
0x33: {  	p0 =	seq.s32 s10, $0x1;
	s10 =	sld [smem:$0x3FBA];
	_ =	sdelay $0x3  }
0x34: {  	[smem:$0x3FBA] =	sst s10  }
0x35: {  	s10 =	sld [smem:$0x3FB9];
	_ =	sdelay $0x3  }
0x36: {  	p1 =	seq.s32 s10, $0x1;
	s10 =	sld [smem:$0x3FBA];
	_ =	sdelay $0x3  }
0x37: {  	[smem:$0x3FBA] =	sst s10  }
0x38: {  	s10 =	sld [smem:$0x3FBB]  }
0x39: {  	_ = 	snop;
	(pc) =	sbr.ind lr, $3  }
0x3a: {  	_ = 	snop  }
0x3b: {  	_ = 	snop  }
0x3c: {  	p2 =	seq.s32 s10, $0x1;
	s10 =	sld [smem:$0x3FBA]  }
0x3d: {  	_ =	shalt  }
0x3e: {  	_ =	shalt  }
0x3f: {  	_ =	shalt  }
0x40: {  	_ =	shalt  }
0x41: {  	_ =	shalt  }
0x42: {  	_ =	shalt  }
0x43: {  	_ =	shalt  }
0x44: {  	_ =	shalt  }
0x45: {  	_ =	shalt  }
0x46: {  	_ =	shalt  }
0x47: {  	_ =	shalt  }
0x48: {  	_ =	shalt  }
0x49: {  	_ =	shalt  }
0x4a: {  	_ =	shalt  }
0x4b: {  	_ =	shalt  }
0x4c: {  	_ =	shalt  }
0x4d: {  	_ =	shalt  }
0x4e: {  	_ =	shalt  }
0x4f: {  	_ =	shalt  }
0x50: {  	_ =	shalt  }
0x51: {  	_ =	shalt  }
0x52: {  	_ =	shalt  }
0x53: {  	_ =	shalt  }
0x54: {  	_ =	shalt  }
0x55: {  	_ =	shalt  }
0x56: {  	_ =	shalt  }
0x57: {  	_ =	shalt  }
0x58: {  	_ =	shalt  }
0x59: {  	_ =	shalt  }
0x5a: {  	_ =	shalt  }
0x5b: {  	_ =	shalt  }
0x5c: {  	_ =	shalt  }
0x5d: {  	_ =	shalt  }
0x5e: {  	_ =	shalt  }
0x5f: {  	_ =	shalt  }
0x60: {  	_ =	shalt  }
0x61: {  	_ =	shalt  }
0x62: {  	_ =	shalt  }
0x63: {  	_ =	shalt  }
0x64: {  	_ =	shalt  }
0x65: {  	_ =	shalt  }
0x66: {  	_ =	shalt  }
0x67: {  	_ =	shalt  }
0x68: {  	_ =	shalt  }
0x69: {  	_ =	shalt  }
0x6a: {  	_ =	shalt  }
0x6b: {  	_ =	shalt  }
0x6c: {  	_ =	shalt  }
0x6d: {  	_ =	shalt  }
0x6e: {  	_ =	shalt  }
0x6f: {  	_ =	shalt  }
0x70: {  	_ =	shalt  }
0x71: {  	_ =	shalt  }
0x72: {  	_ =	shalt  }
0x73: {  	_ =	shalt  }
0x74: {  	_ =	shalt  }
0x75: {  	_ =	shalt  }
0x76: {  	_ =	shalt  }
0x77: {  	_ =	shalt  }
0x78: {  	_ =	shalt  }
0x79: {  	_ =	shalt  }
0x7a: {  	_ =	shalt  }
0x7b: {  	_ =	shalt  }
0x7c: {  	_ =	shalt  }
0x7d: {  	_ =	shalt  }
0x7e: {  	_ =	shalt  }
0x7f: {  	_ =	shalt  }
0x80: {  	_ =	shalt  }
0x81: {  	_ =	shalt  }
0x82: {  	_ =	shalt  }
0x83: {  	_ =	shalt  }
0x84: {  	_ =	shalt  }
0x85: {  	_ =	shalt  }
0x86: {  	_ =	shalt  }
0x87: {  	_ =	shalt  }
.Lfunc_end0:
.L_simem_size_0:
called_computation_lowered:
.L_overlay_start_0:
0x88: {  	s2 =	sld [smem:$0x3FD9]  }
0x89: {  	s3 =	sld [smem:$0x3FFE];
	_ =	sdelay $0x1  }
0x8a: {  	s1 =	srdreg.scid  }
0x8b: {  	s0 =	sand.u32 $0x1, s1  }
0x8c: {  	s18 =	sshll.u32 s0, $0xA;
	s2 =	sadd.s32 s3, s2  }
0x8d: {  	s2 =	sadd.s32 s2, s18  }
0x8e: {  	[smem:$0x3FC6] =	sst s2  }
0x8f: {  	_ = 	snop  }
0x90: {  	s2 =	sld [smem:$0x3FC9]  }
0x91: {  	s19 =	sld [smem:$0x3FC8]  }
0x92: {  	s4 =	sld [smem:$0x3FD0];
	(tm) =	ssettm $0x1  }
0x93: {  	s5 =	sld [smem:$0x3FFB];
	_ =	sdelay $0x3  }
0x94: {  	_ =	strace s5  }
0x95: {  	s5 =	sld [smem:$0x3FFC];
	_ =	sdelay $0x3  }
0x96: {  	_ =	strace s5  }
0x97: {  	s5 =	sld [smem:$0x3FFD];
	_ =	sdelay $0x3  }
0x98: {  	_ =	strace s5  }
0x99: {  	_ =	strace $0x8FFFFFFF  }
0x9a: {  	s20 =	sld [smem:$0x3FDB];
	_ =	sdelay $0x1  }
0x9b: {  	s6 =	simm.s32 $_scs_section_size  }
0x9c: {  	s7 =	simm.s32 $_size__tile_overlayer_lowered;
	s8 =	simm.s32 $_tile_overlayer_lowered  }
0x9d: {  	s23 =	simm.s32 $0x1BFF;
	s22 =	sshll.u32 s8, $0x1;
	s5 =	sadd.s32 s6, s20  }
0x9e: {  	s9 =	simm.s32 $0x0;
	s21 =	sshll.u32 s7, $0x1;
	s7 =	sadd.s32 s22, s5  }
0x9f: {  	[timem:s9], [sflag:s23] =	dma.local [hbm:s7], s21  }
0xa0: {  	_ =	swait.ge [sflag:s23], s21  }
0xa1: {  	s6 =	ssub.s32 $0x0, s21;
	[sflag:s23] =	ssyncset.done $0x0  }
0xa2: {  	[sflag:s23] =	ssyncadd.s32 s6;
	_ =	sdelay $0x1  }
0xa3: {  	s24 =	simm.s32 $0x1B8B  }
0xa4: {  	_ =	swait.ge [sflag:s24], $0x1  }
0xa5: {  	[sflag:s24] =	ssyncset.done $0x0  }
0xa6: {  	s25 =	simm.s32 $0x1B8E;
	[sflag:s24] =	ssyncadd.s32 $0xFFFFFFFF  }
0xa7: {  	s26 =	simm.s32 $execute0_lowered;
	[smem:$0x3FD2] =	sst s25  }
0xa8: {  	s6 =	sshll.u32 s26, $0x1;
	_ =	strace $0x80000046;
	[dreg:$0x1] =	wrdreg $0xFFFFFFFF  }
0xa9: {  	s28 =	simm.s32 $_size_execute0_lowered;
	s5 =	sadd.s32 s5, s6;
	[dreg:$0x0] =	wrdreg $0x0  }
0xaa: {  	s6 =	sshll.u32 s28, $0x1;
	[dreg:$0x2] =	wrdreg s5  }
0xab: {  	[dreg:$0x3] =	wrdreg s6  }
0xac: {  	[dreg:$0x4] =	wrdreg $0xC0  }
0xad: {  	_ =	task [dreg:s9], $0x5FFFF  }
0xae: {  	[dreg:$0x1] =	wrdreg $0xFFFFFFFF  }
0xaf: {  	[dreg:$0x0] =	wrdreg $0x60  }
0xb0: {  	[dreg:$0x2] =	wrdreg s2  }
0xb1: {  	[dreg:$0x3] =	wrdreg s19  }
0xb2: {  	[dreg:$0x4] =	wrdreg s4  }
0xb3: {  	[dreg:$0x5] =	wrdreg $0x9  }
0xb4: {  	_ =	task.clear_ibuf [dreg:s9], $0x6FFFF;
	_ =	strace $0x90000046  }
0xb5: {  	s29 =	simm.s32 $0x9;
	_ =	strace $0x80000048  }
0xb6: {  	_ =	swait.ge [sflag:s29], $0x1  }
0xb7: {  	[sflag:s29] =	ssyncadd.s32 $0xFFFFFFFF  }
0xb8: {  	_ =	strace $0x90000048  }
0xb9: {  	_ =	sfence  }
0xba: {  	s30 =	sld [smem:$0x0];
	_ =	sdelay $0x2  }
0xbb: {  	s31 =	sshll.u32 s1, $0xD;
	s1 =	sshrl.u32 s1, $0x2  }
0xbc: {  	s3 =	sand.u32 $0x4000, s31;
	s1 =	sadd.s32 s1, s30  }
0xbd: {  	s0 =	sor.u32 s3, s0;
	s1 =	sshll.u32 s1, $0x11  }
0xbe: {  	s0 =	sor.u32 s1, s0  }
0xbf: {  	s0 =	sadd.s32 $0x8F2B, s0  }
0xc0: {  	[sflag:s0] =	ssyncadd.remote.s32 $0x1  }
0xc1: {  	_ =	sfence.sel $0xFFFF  }
0xc2: {  	[dreg:$0x0] =	wrdreg $0xFFFFFFFF;
	(pc) =	sbr.abs _section_cstart, $3  }
0xc3: {  	[dreg:$0x1] =	wrdreg $0xFFFFFFFF  }
0xc4: {  	_ =	task.clear_ibuf [dreg:s9], $0x2FFFF;
	_ =	strace $0x9FFFFFFF  }
0xc5: {  	(tm) =	ssettm $0x7FFFFFFF  }
tec
execute0_lowered:
.L_overlay_start_1:
0x0: {  	(tag) =	ssettag $0x1  }
0x1: {  	s4 =	rddreg [dreg:$0x0];
	s1 =	srdreg.scid  }
0x2: {  	s2 =	rddreg [dreg:$0x1];
	s0 =	stileid.u32;
	s1 =	sand.u32 $0x1, s1  }
0x3: {  	s3 =	simm.s32 $0x0;
	s6 =	sshll.u32 s0, $0x8;
	s7 =	sshll.u32 s1, $0x7  }
0x4: {  	[smem:$0x7FF] =	sst s3;
	s6 =	sor.u32 s7, s6  }
0x5: {  	s5 =	rddreg [dreg:$0x2];
	_ =	strace $0x80000047;
	s20 =	sadd.s32 s4, s6  }
0x6: {  	s6 =	sshll.u32 s6, $0x4;
	s21 =	sadd.s32 $0x1000, s20;
	[smem:$0x7E8] =	sst s20  }
0x7: {  	s22 =	sadd.s32 $0x3000, s20;
	s5 =	sadd.s32 s5, s6;
	[dreg:$0x4] =	wrdreg s21  }
0x8: {  	[dreg:$0x5] =	wrdreg s22;
	s6 =	sadd.s32 $0x10000, s5  }
0x9: {  	s23 =	sadd.s32 $0x20000, s5;
	[dreg:$0x6] =	wrdreg s6  }
0xa: {  	s24 =	sadd.s32 $0x30000, s5;
	[dreg:$0x7] =	wrdreg s23  }
0xb: {  	s25 =	sadd.s32 $0x40000, s5;
	[dreg:$0x8] =	wrdreg s24  }
0xc: {  	s26 =	sadd.s32 $0x50000, s5;
	[dreg:$0x9] =	wrdreg s25  }
0xd: {  	s0 =	sadd.s32 $0x60000, s5;
	[dreg:$0xa] =	wrdreg s26  }
0xe: {  	s4 =	sadd.s32 $0x70000, s5;
	[dreg:$0xb] =	wrdreg s0  }
0xf: {  	s7 =	sadd.s32 $0x80000, s5;
	[dreg:$0xc] =	wrdreg s4  }
0x10: {  	s8 =	sadd.s32 $0x90000, s5;
	[dreg:$0xd] =	wrdreg s7  }
0x11: {  	s9 =	sadd.s32 $0xA0000, s5;
	[dreg:$0xe] =	wrdreg s8  }
0x12: {  	s10 =	sadd.s32 $0xB0000, s5;
	[dreg:$0xf] =	wrdreg s9  }
0x13: {  	s11 =	sadd.s32 $0xC0000, s5;
	[dreg:$0x10] =	wrdreg s10  }
0x14: {  	s12 =	sadd.s32 $0xD0000, s5;
	[dreg:$0x11] =	wrdreg s11  }
0x15: {  	s13 =	sadd.s32 $0xE0000, s5;
	[dreg:$0x12] =	wrdreg s12  }
0x16: {  	s14 =	sadd.s32 $0xF0000, s5;
	[dreg:$0x13] =	wrdreg s13  }
0x17: {  	s15 =	sadd.s32 $0x100000, s5;
	[dreg:$0x14] =	wrdreg s14  }
0x18: {  	s16 =	sadd.s32 $0x110000, s5;
	[dreg:$0x15] =	wrdreg s15  }
0x19: {  	s17 =	sadd.s32 $0x120000, s5;
	[dreg:$0x16] =	wrdreg s16  }
0x1a: {  	s18 =	sadd.s32 $0x130000, s5;
	[dreg:$0x17] =	wrdreg s17  }
0x1b: {  	s19 =	sadd.s32 $0x140000, s5;
	[dreg:$0x18] =	wrdreg s18  }
0x1c: {  	s20 =	sadd.s32 $0x150000, s5;
	[dreg:$0x19] =	wrdreg s19  }
0x1d: {  	s21 =	sadd.s32 $0x160000, s5;
	[dreg:$0x1a] =	wrdreg s20  }
0x1e: {  	s22 =	sadd.s32 $0x170000, s5;
	[dreg:$0x1b] =	wrdreg s21  }
0x1f: {  	[dreg:$0x1c] =	wrdreg s22;
	s23 =	sadd.s32 $0x180000, s5  }
0x20: {  	s24 =	sadd.s32 $0x190000, s5;
	[dreg:$0x1d] =	wrdreg s23  }
0x21: {  	s28 =	simm.s32 $0x6;
	s25 =	simm.s32 $0x8000;
	[dreg:$0x1e] =	wrdreg s24  }
0x22: {  	s29 =	simm.s32 $0xD;
	s26 =	simm.s32 $0x100;
	[dreg:$0x1f] =	wrdreg s25  }
0x23: {  	s30 =	simm.s32 $0x7;
	s4 =	simm.s32 $0x180;
	[smem:$0x7E9] =	sst s26  }
0x24: {  	s31 =	simm.s32 $0xE;
	s8 =	simm.s32 $0x200;
	[smem:$0x7EA] =	sst s4  }
0x25: {  	s1 =	ssub.s32 $0x2, s1;
	s9 =	simm.s32 $0x280;
	[smem:$0x7EB] =	sst s8  }
0x26: {  	s0 =	sshrl.u32 s1, $0x1;
	s10 =	simm.s32 $0x300;
	[smem:$0x7EC] =	sst s9  }
0x27: {  	s11 =	simm.s32 $0x380;
	s12 =	simm.s32 $0x480;
	[smem:$0x7ED] =	sst s10  }
0x28: {  	s13 =	simm.s32 $0x500;
	s14 =	simm.s32 $0x580;
	[smem:$0x7EE] =	sst s11  }
0x29: {  	s15 =	simm.s32 $0x600;
	s16 =	simm.s32 $0x680;
	[smem:$0x7EF] =	sst s12  }
0x2a: {  	s17 =	simm.s32 $0x700;
	s18 =	simm.s32 $0x780;
	[smem:$0x7F0] =	sst s13  }
0x2b: {  	s19 =	simm.s32 $0x800;
	s20 =	simm.s32 $0x880;
	[smem:$0x7F1] =	sst s14  }
0x2c: {  	s21 =	simm.s32 $0x900;
	s22 =	simm.s32 $0x980;
	[smem:$0x7F2] =	sst s15  }
0x2d: {  	s1 =	ssub.s32 s1, s0;
	s8 =	simm.s32 $0xC00;
	[smem:$0x7F3] =	sst s16  }
0x2e: {  	s9 =	simm.s32 $0x8;
	s10 =	simm.s32 $0x80;
	[smem:$0x7F4] =	sst s17  }
0x2f: {  	s11 =	simm.s32 $0x1000;
	s12 =	simm.s32 $0x5000;
	[smem:$0x7F5] =	sst s18  }
0x30: {  	s13 =	simm.s32 $0x9000;
	s14 =	simm.s32 $0xD000;
	[smem:$0x7F6] =	sst s19  }
0x31: {  	s15 =	simm.s32 $0x11000;
	s16 =	simm.s32 $0x15000;
	[smem:$0x7F7] =	sst s20  }
0x32: {  	s17 =	simm.s32 $0x19000;
	s18 =	simm.s32 $0x9;
	[smem:$0x7F8] =	sst s21  }
0x33: {  	s19 =	simm.s32 $0x1;
	s20 =	simm.s32 $0x2;
	[smem:$0x7F9] =	sst s22  }
0x34: {  	s23 =	simm.s32 $0xA00;
	s21 =	simm.s32 $0x3;
	s24 =	simm.s32 $0xA80  }
0x35: {  	s22 =	simm.s32 $0xA;
	s25 =	simm.s32 $0xB00;
	[smem:$0x7FA] =	sst s23  }
0x36: {  	s26 =	simm.s32 $0xB80;
	s6 =	smax.u32 s1, $0x1;
	[smem:$0x7FB] =	sst s24  }
0x37: {  	s23 =	simm.s32 $0x4;
	[smem:$0x7FC] =	sst s25;
	s24 =	simm.s32 $0xB  }
0x38: {  	[smem:$0x7FD] =	sst s26;
	s25 =	simm.s32 $0x5;
	s26 =	simm.s32 $0xC  }
.LBB2_1:
0x39: {  	s4 =	sld [smem:$0x7E8];
	_ =	sdelay $0x1  }
0x3a: {  	s0 =	rddreg [dreg:$0x4]  }
0x3b: {  	[tilespmem:s3], [sflag:$0x8] =	stream.linear.gather [hbm4b:s4+s3], $0x400, $0x38;
	[tilespmem:$0x1D000] =	vst v63  }
0x3c: {  	s1 =	rddreg [dreg:$0x1f];
	s4 =	simm.s32 $0x400  }
0x3d: {  	[tilespmem:s4], [sflag:$0x9] =	stream.strided.gather [hbm4b:s0+s4], $0x800, s1, s4, $0x38;
	[tilespmem:$0x1D000] =	vst v63  }
0x3e: {  	s7 =	rddreg [dreg:$0x5]  }
0x3f: {  	[tilespmem:s8], [sflag:$0x9] =	stream.linear.gather [hbm4b:s7+s3], $0x100, $0x38;
	[tilespmem:$0x1D000] =	vst v63  }
0x40: {  	_ =	swait.ge [sflag:s9], $0x400  }
0x41: {  	[sflag:s9] =	ssyncset.done $0x0  }
0x42: {  	[sflag:s9] =	ssyncadd.s32 $0xFFFFFC00  }
0x43: {  	[tilespmem:s11], [sflag:$0x1] =	stream.indirect.gather [hbm4b:s2+s10], $0x80, s3, s10, $0xb8;
	[tilespmem:$0x1D000] =	vst v63  }
0x44: {  	v0 =	vld [tilespmem:$0x80]  }
0x45: {  	v1 =	vld [tilespmem:$0x90]  }
0x46: {  	v2 =	vld [tilespmem:$0xA0]  }
0x47: {  	v3 =	vld [tilespmem:$0xB0]  }
0x48: {  	v4 =	vld [tilespmem:$0xC0]  }
0x49: {  	v5 =	vld [tilespmem:$0xD0];
	v0 =	vadd.s32 $0x186A0, v0  }
0x4a: {  	v19 =	vld [tilespmem:$0xE0];
	v18 =	vadd.s32 $0x186A0, v1;
	[tilespmem:$0x80] =	vst v0  }
0x4b: {  	v21 =	vld [tilespmem:$0xF0];
	v20 =	vadd.s32 $0x186A0, v2;
	[tilespmem:$0x90] =	vst v18  }
0x4c: {  	v22 =	vadd.s32 $0x186A0, v3;
	[tilespmem:$0xA0] =	vst v20  }
0x4d: {  	v23 =	vadd.s32 $0x186A0, v4;
	[tilespmem:$0xB0] =	vst v22  }
0x4e: {  	v24 =	vadd.s32 $0x186A0, v5;
	[tilespmem:$0xC0] =	vst v23  }
0x4f: {  	v25 =	vadd.s32 $0x186A0, v19;
	[tilespmem:$0xD0] =	vst v24  }
0x50: {  	v26 =	vadd.s32 $0x186A0, v21;
	[tilespmem:$0xE0] =	vst v25  }
0x51: {  	[tilespmem:$0xF0] =	vst v26  }
0x52: {  	[tilespmem:s12], [sflag:$0x2] =	stream.indirect.gather [hbm4b:s2+s10], $0x80, s10, s10, $0xb8;
	[tilespmem:$0x1D000] =	vst v63  }
0x53: {  	v27 =	vld [tilespmem:$0x100]  }
0x54: {  	v28 =	vld [tilespmem:$0x110]  }
0x55: {  	v29 =	vld [tilespmem:$0x120]  }
0x56: {  	v30 =	vld [tilespmem:$0x130]  }
0x57: {  	v31 =	vld [tilespmem:$0x140]  }
0x58: {  	v32 =	vld [tilespmem:$0x150];
	v0 =	vadd.s32 $0x30D40, v27  }
0x59: {  	v34 =	vld [tilespmem:$0x160];
	v33 =	vadd.s32 $0x30D40, v28;
	[tilespmem:$0x100] =	vst v0  }
0x5a: {  	v36 =	vld [tilespmem:$0x170];
	v35 =	vadd.s32 $0x30D40, v29;
	[tilespmem:$0x110] =	vst v33  }
0x5b: {  	v37 =	vadd.s32 $0x30D40, v30;
	[tilespmem:$0x120] =	vst v35  }
0x5c: {  	v38 =	vadd.s32 $0x30D40, v31;
	[tilespmem:$0x130] =	vst v37  }
0x5d: {  	v39 =	vadd.s32 $0x30D40, v32;
	[tilespmem:$0x140] =	vst v38  }
0x5e: {  	s1 =	sld [smem:$0x7E9];
	v40 =	vadd.s32 $0x30D40, v34;
	[tilespmem:$0x150] =	vst v39  }
0x5f: {  	v41 =	vadd.s32 $0x30D40, v36;
	[tilespmem:$0x160] =	vst v40  }
0x60: {  	[tilespmem:$0x170] =	vst v41  }
0x61: {  	[tilespmem:s13], [sflag:$0x3] =	stream.indirect.gather [hbm4b:s2+s10], $0x80, s1, s10, $0xb8;
	[tilespmem:$0x1D000] =	vst v63  }
0x62: {  	v42 =	vld [tilespmem:$0x180]  }
0x63: {  	v43 =	vld [tilespmem:$0x190]  }
0x64: {  	v44 =	vld [tilespmem:$0x1A0]  }
0x65: {  	v45 =	vld [tilespmem:$0x1B0]  }
0x66: {  	v46 =	vld [tilespmem:$0x1C0]  }
0x67: {  	v47 =	vld [tilespmem:$0x1D0];
	v0 =	vadd.s32 $0x493E0, v42  }
0x68: {  	v49 =	vld [tilespmem:$0x1E0];
	v48 =	vadd.s32 $0x493E0, v43;
	[tilespmem:$0x180] =	vst v0  }
0x69: {  	v51 =	vld [tilespmem:$0x1F0];
	v50 =	vadd.s32 $0x493E0, v44;
	[tilespmem:$0x190] =	vst v48  }
0x6a: {  	v52 =	vadd.s32 $0x493E0, v45;
	[tilespmem:$0x1A0] =	vst v50  }
0x6b: {  	v53 =	vadd.s32 $0x493E0, v46;
	[tilespmem:$0x1B0] =	vst v52  }
0x6c: {  	v54 =	vadd.s32 $0x493E0, v47;
	[tilespmem:$0x1C0] =	vst v53  }
0x6d: {  	s7 =	sld [smem:$0x7EA];
	v55 =	vadd.s32 $0x493E0, v49;
	[tilespmem:$0x1D0] =	vst v54  }
0x6e: {  	v56 =	vadd.s32 $0x493E0, v51;
	[tilespmem:$0x1E0] =	vst v55  }
0x6f: {  	[tilespmem:$0x1F0] =	vst v56  }
0x70: {  	[tilespmem:s14], [sflag:$0x4] =	stream.indirect.gather [hbm4b:s2+s10], $0x80, s7, s10, $0xb8;
	[tilespmem:$0x1D000] =	vst v63  }
0x71: {  	v57 =	vld [tilespmem:$0x200]  }
0x72: {  	v58 =	vld [tilespmem:$0x210]  }
0x73: {  	v59 =	vld [tilespmem:$0x220]  }
0x74: {  	v60 =	vld [tilespmem:$0x230]  }
0x75: {  	v61 =	vld [tilespmem:$0x240]  }
0x76: {  	v62 =	vld [tilespmem:$0x250];
	v0 =	vadd.s32 $0x61A80, v57  }
0x77: {  	v6 =	vld [tilespmem:$0x260];
	v63 =	vadd.s32 $0x61A80, v58;
	[tilespmem:$0x200] =	vst v0  }
0x78: {  	v8 =	vld [tilespmem:$0x270];
	v7 =	vadd.s32 $0x61A80, v59;
	[tilespmem:$0x210] =	vst v63  }
0x79: {  	v9 =	vadd.s32 $0x61A80, v60;
	[tilespmem:$0x220] =	vst v7  }
0x7a: {  	v10 =	vadd.s32 $0x61A80, v61;
	[tilespmem:$0x230] =	vst v9  }
0x7b: {  	v11 =	vadd.s32 $0x61A80, v62;
	[tilespmem:$0x240] =	vst v10  }
0x7c: {  	s1 =	sld [smem:$0x7EB];
	v12 =	vadd.s32 $0x61A80, v6;
	[tilespmem:$0x250] =	vst v11  }
0x7d: {  	v13 =	vadd.s32 $0x61A80, v8;
	[tilespmem:$0x260] =	vst v12  }
0x7e: {  	[tilespmem:$0x270] =	vst v13  }
0x7f: {  	[tilespmem:s15], [sflag:$0x5] =	stream.indirect.gather [hbm4b:s2+s10], $0x80, s1, s10, $0xb8;
	[tilespmem:$0x1D000] =	vst v63  }
0x80: {  	v14 =	vld [tilespmem:$0x280]  }
0x81: {  	v15 =	vld [tilespmem:$0x290]  }
0x82: {  	v16 =	vld [tilespmem:$0x2A0]  }
0x83: {  	v17 =	vld [tilespmem:$0x2B0]  }
0x84: {  	v18 =	vld [tilespmem:$0x2C0]  }
0x85: {  	v19 =	vld [tilespmem:$0x2D0];
	v0 =	vadd.s32 $0x7A120, v14  }
0x86: {  	v21 =	vld [tilespmem:$0x2E0];
	v20 =	vadd.s32 $0x7A120, v15;
	[tilespmem:$0x280] =	vst v0  }
0x87: {  	v23 =	vld [tilespmem:$0x2F0];
	v22 =	vadd.s32 $0x7A120, v16;
	[tilespmem:$0x290] =	vst v20  }
0x88: {  	v24 =	vadd.s32 $0x7A120, v17;
	[tilespmem:$0x2A0] =	vst v22  }
0x89: {  	v25 =	vadd.s32 $0x7A120, v18;
	[tilespmem:$0x2B0] =	vst v24  }
0x8a: {  	v26 =	vadd.s32 $0x7A120, v19;
	[tilespmem:$0x2C0] =	vst v25  }
0x8b: {  	s7 =	sld [smem:$0x7EC];
	v27 =	vadd.s32 $0x7A120, v21;
	[tilespmem:$0x2D0] =	vst v26  }
0x8c: {  	v28 =	vadd.s32 $0x7A120, v23;
	[tilespmem:$0x2E0] =	vst v27  }
0x8d: {  	[tilespmem:$0x2F0] =	vst v28  }
0x8e: {  	[tilespmem:s16], [sflag:$0x6] =	stream.indirect.gather [hbm4b:s2+s10], $0x80, s7, s10, $0xb8;
	[tilespmem:$0x1D000] =	vst v63  }
0x8f: {  	v29 =	vld [tilespmem:$0x300]  }
0x90: {  	v30 =	vld [tilespmem:$0x310]  }
0x91: {  	v31 =	vld [tilespmem:$0x320]  }
0x92: {  	v32 =	vld [tilespmem:$0x330]  }
0x93: {  	v33 =	vld [tilespmem:$0x340]  }
0x94: {  	v34 =	vld [tilespmem:$0x350];
	v0 =	vadd.s32 $0x927C0, v29  }
0x95: {  	v36 =	vld [tilespmem:$0x360];
	v35 =	vadd.s32 $0x927C0, v30;
	[tilespmem:$0x300] =	vst v0  }
0x96: {  	v37 =	vadd.s32 $0x927C0, v31;
	[tilespmem:$0x310] =	vst v35  }
0x97: {  	v38 =	vadd.s32 $0x927C0, v32;
	[tilespmem:$0x320] =	vst v37  }
0x98: {  	v39 =	vadd.s32 $0x927C0, v33;
	[tilespmem:$0x330] =	vst v38  }
0x99: {  	v40 =	vadd.s32 $0x927C0, v34;
	[tilespmem:$0x340] =	vst v39  }
0x9a: {  	v41 =	vadd.s32 $0x927C0, v36;
	[tilespmem:$0x350] =	vst v40  }
0x9b: {  	[tilespmem:$0x360] =	vst v41  }
0x9c: {  	v0 =	vld [tilespmem:$0x370];
	_ =	sdelay $0x3  }
0x9d: {  	s1 =	sld [smem:$0x7ED]  }
0x9e: {  	v0 =	vadd.s32 $0x927C0, v0  }
0x9f: {  	[tilespmem:$0x370] =	vst v0  }
0xa0: {  	[tilespmem:s17], [sflag:$0x7] =	stream.indirect.gather [hbm4b:s2+s10], $0x80, s1, s10, $0xb8;
	[tilespmem:$0x1D000] =	vst v63  }
0xa1: {  	_ =	swait.ge [sflag:s18], $0x900  }
0xa2: {  	[sflag:s18] =	ssyncset.done $0x0  }
0xa3: {  	[sflag:s18] =	ssyncadd.s32 $0xFFFFF700  }
0xa4: {  	v42 =	vld [tilespmem:$0x380]  }
0xa5: {  	v43 =	vld [tilespmem:$0x390]  }
0xa6: {  	v44 =	vld [tilespmem:$0x3A0]  }
0xa7: {  	v45 =	vld [tilespmem:$0x3B0]  }
0xa8: {  	v46 =	vld [tilespmem:$0x3C0]  }
0xa9: {  	v47 =	vld [tilespmem:$0x3D0];
	v0 =	vadd.s32 $0xAAE60, v42  }
0xaa: {  	v49 =	vld [tilespmem:$0x3E0];
	v48 =	vadd.s32 $0xAAE60, v43;
	[tilespmem:$0x380] =	vst v0  }
0xab: {  	v51 =	vld [tilespmem:$0x3F0];
	v50 =	vadd.s32 $0xAAE60, v44;
	[tilespmem:$0x390] =	vst v48  }
0xac: {  	v53 =	vld [tilespmem:$0x400];
	v52 =	vadd.s32 $0xAAE60, v45;
	[tilespmem:$0x3A0] =	vst v50  }
0xad: {  	v55 =	vld [tilespmem:$0x410];
	v54 =	vadd.s32 $0xAAE60, v46;
	[tilespmem:$0x3B0] =	vst v52  }
0xae: {  	v57 =	vld [tilespmem:$0x420];
	v56 =	vadd.s32 $0xAAE60, v47;
	[tilespmem:$0x3C0] =	vst v54  }
0xaf: {  	v59 =	vld [tilespmem:$0x430];
	v58 =	vadd.s32 $0xAAE60, v49;
	[tilespmem:$0x3D0] =	vst v56  }
0xb0: {  	v61 =	vld [tilespmem:$0x440];
	v60 =	vadd.s32 $0xAAE60, v51;
	[tilespmem:$0x3E0] =	vst v58  }
0xb1: {  	v63 =	vld [tilespmem:$0x450];
	v62 =	vadd.s32 $0xC3500, v53;
	[tilespmem:$0x3F0] =	vst v60  }
0xb2: {  	v9 =	vld [tilespmem:$0x460];
	v8 =	vadd.s32 $0xC3500, v55;
	[tilespmem:$0x400] =	vst v62  }
0xb3: {  	v11 =	vld [tilespmem:$0x470];
	v10 =	vadd.s32 $0xC3500, v57;
	[tilespmem:$0x410] =	vst v8  }
0xb4: {  	v13 =	vld [tilespmem:$0x480];
	v12 =	vadd.s32 $0xC3500, v59;
	[tilespmem:$0x420] =	vst v10  }
0xb5: {  	v15 =	vld [tilespmem:$0x490];
	v14 =	vadd.s32 $0xC3500, v61;
	[tilespmem:$0x430] =	vst v12  }
0xb6: {  	v17 =	vld [tilespmem:$0x4A0];
	v16 =	vadd.s32 $0xC3500, v63;
	[tilespmem:$0x440] =	vst v14  }
0xb7: {  	v19 =	vld [tilespmem:$0x4B0];
	v18 =	vadd.s32 $0xC3500, v9;
	[tilespmem:$0x450] =	vst v16  }
0xb8: {  	v21 =	vld [tilespmem:$0x4C0];
	v20 =	vadd.s32 $0xC3500, v11;
	[tilespmem:$0x460] =	vst v18  }
0xb9: {  	v23 =	vld [tilespmem:$0x4D0];
	v22 =	vadd.s32 $0xDBBA0, v13;
	[tilespmem:$0x470] =	vst v20  }
0xba: {  	v25 =	vld [tilespmem:$0x4E0];
	v24 =	vadd.s32 $0xDBBA0, v15;
	[tilespmem:$0x480] =	vst v22  }
0xbb: {  	v27 =	vld [tilespmem:$0x4F0];
	v26 =	vadd.s32 $0xDBBA0, v17;
	[tilespmem:$0x490] =	vst v24  }
0xbc: {  	v29 =	vld [tilespmem:$0x500];
	v28 =	vadd.s32 $0xDBBA0, v19;
	[tilespmem:$0x4A0] =	vst v26  }
0xbd: {  	v31 =	vld [tilespmem:$0x510];
	v30 =	vadd.s32 $0xDBBA0, v21;
	[tilespmem:$0x4B0] =	vst v28  }
0xbe: {  	v33 =	vld [tilespmem:$0x520];
	v32 =	vadd.s32 $0xDBBA0, v23;
	[tilespmem:$0x4C0] =	vst v30  }
0xbf: {  	v35 =	vld [tilespmem:$0x530];
	v34 =	vadd.s32 $0xDBBA0, v25;
	[tilespmem:$0x4D0] =	vst v32  }
0xc0: {  	v37 =	vld [tilespmem:$0x540];
	v36 =	vadd.s32 $0xDBBA0, v27;
	[tilespmem:$0x4E0] =	vst v34  }
0xc1: {  	v39 =	vld [tilespmem:$0x550];
	v38 =	vadd.s32 $0xF4240, v29;
	[tilespmem:$0x4F0] =	vst v36  }
0xc2: {  	v41 =	vld [tilespmem:$0x560];
	v40 =	vadd.s32 $0xF4240, v31;
	[tilespmem:$0x500] =	vst v38  }
0xc3: {  	v42 =	vadd.s32 $0xF4240, v33;
	v43 =	vld [tilespmem:$0x570];
	[tilespmem:$0x510] =	vst v40  }
0xc4: {  	v44 =	vadd.s32 $0xF4240, v35;
	v45 =	vld [tilespmem:$0x580];
	[tilespmem:$0x520] =	vst v42  }
0xc5: {  	v46 =	vadd.s32 $0xF4240, v37;
	v47 =	vld [tilespmem:$0x590];
	[tilespmem:$0x530] =	vst v44  }
0xc6: {  	v49 =	vld [tilespmem:$0x5A0];
	[tilespmem:$0x540] =	vst v46;
	v48 =	vadd.s32 $0xF4240, v39  }
0xc7: {  	v51 =	vld [tilespmem:$0x5B0];
	v50 =	vadd.s32 $0xF4240, v41;
	[tilespmem:$0x550] =	vst v48  }
0xc8: {  	v53 =	vld [tilespmem:$0x5C0];
	[tilespmem:$0x560] =	vst v50;
	v52 =	vadd.s32 $0xF4240, v43  }
0xc9: {  	v55 =	vld [tilespmem:$0x5D0];
	v54 =	vadd.s32 $0x10C8E0, v45;
	[tilespmem:$0x570] =	vst v52  }
0xca: {  	v57 =	vld [tilespmem:$0x5E0];
	v56 =	vadd.s32 $0x10C8E0, v47;
	[tilespmem:$0x580] =	vst v54  }
0xcb: {  	v59 =	vld [tilespmem:$0x5F0];
	v58 =	vadd.s32 $0x10C8E0, v49;
	[tilespmem:$0x590] =	vst v56  }
0xcc: {  	v61 =	vld [tilespmem:$0x600];
	v60 =	vadd.s32 $0x10C8E0, v51;
	[tilespmem:$0x5A0] =	vst v58  }
0xcd: {  	v63 =	vld [tilespmem:$0x610];
	v62 =	vadd.s32 $0x10C8E0, v53;
	[tilespmem:$0x5B0] =	vst v60  }
0xce: {  	v9 =	vld [tilespmem:$0x620];
	v8 =	vadd.s32 $0x10C8E0, v55;
	[tilespmem:$0x5C0] =	vst v62  }
0xcf: {  	v11 =	vld [tilespmem:$0x630];
	v10 =	vadd.s32 $0x10C8E0, v57;
	[tilespmem:$0x5D0] =	vst v8  }
0xd0: {  	v13 =	vld [tilespmem:$0x640];
	v12 =	vadd.s32 $0x10C8E0, v59;
	[tilespmem:$0x5E0] =	vst v10  }
0xd1: {  	v15 =	vld [tilespmem:$0x650];
	v14 =	vadd.s32 $0x124F80, v61;
	[tilespmem:$0x5F0] =	vst v12  }
0xd2: {  	v17 =	vld [tilespmem:$0x660];
	v16 =	vadd.s32 $0x124F80, v63;
	[tilespmem:$0x600] =	vst v14  }
0xd3: {  	v19 =	vld [tilespmem:$0x670];
	v18 =	vadd.s32 $0x124F80, v9;
	[tilespmem:$0x610] =	vst v16  }
0xd4: {  	v21 =	vld [tilespmem:$0x680];
	v20 =	vadd.s32 $0x124F80, v11;
	[tilespmem:$0x620] =	vst v18  }
0xd5: {  	v23 =	vld [tilespmem:$0x690];
	v22 =	vadd.s32 $0x124F80, v13;
	[tilespmem:$0x630] =	vst v20  }
0xd6: {  	v25 =	vld [tilespmem:$0x6A0];
	v24 =	vadd.s32 $0x124F80, v15;
	[tilespmem:$0x640] =	vst v22  }
0xd7: {  	v27 =	vld [tilespmem:$0x6B0];
	v26 =	vadd.s32 $0x124F80, v17;
	[tilespmem:$0x650] =	vst v24  }
0xd8: {  	v29 =	vld [tilespmem:$0x6C0];
	v28 =	vadd.s32 $0x124F80, v19;
	[tilespmem:$0x660] =	vst v26  }
0xd9: {  	v31 =	vld [tilespmem:$0x6D0];
	v30 =	vadd.s32 $0x13D620, v21;
	[tilespmem:$0x670] =	vst v28  }
0xda: {  	v33 =	vld [tilespmem:$0x6E0];
	v32 =	vadd.s32 $0x13D620, v23;
	[tilespmem:$0x680] =	vst v30  }
0xdb: {  	v35 =	vld [tilespmem:$0x6F0];
	v34 =	vadd.s32 $0x13D620, v25;
	[tilespmem:$0x690] =	vst v32  }
0xdc: {  	v37 =	vld [tilespmem:$0x700];
	v36 =	vadd.s32 $0x13D620, v27;
	[tilespmem:$0x6A0] =	vst v34  }
0xdd: {  	v39 =	vld [tilespmem:$0x710];
	v38 =	vadd.s32 $0x13D620, v29;
	[tilespmem:$0x6B0] =	vst v36  }
0xde: {  	v41 =	vld [tilespmem:$0x720];
	v40 =	vadd.s32 $0x13D620, v31;
	[tilespmem:$0x6C0] =	vst v38  }
0xdf: {  	v42 =	vadd.s32 $0x13D620, v33;
	v43 =	vld [tilespmem:$0x730];
	[tilespmem:$0x6D0] =	vst v40  }
0xe0: {  	v44 =	vadd.s32 $0x13D620, v35;
	v45 =	vld [tilespmem:$0x740];
	[tilespmem:$0x6E0] =	vst v42  }
0xe1: {  	v46 =	vadd.s32 $0x155CC0, v37;
	v47 =	vld [tilespmem:$0x750];
	[tilespmem:$0x6F0] =	vst v44  }
0xe2: {  	v49 =	vld [tilespmem:$0x760];
	[tilespmem:$0x700] =	vst v46;
	v48 =	vadd.s32 $0x155CC0, v39  }
0xe3: {  	v51 =	vld [tilespmem:$0x770];
	v50 =	vadd.s32 $0x155CC0, v41;
	[tilespmem:$0x710] =	vst v48  }
0xe4: {  	v53 =	vld [tilespmem:$0x780];
	[tilespmem:$0x720] =	vst v50;
	v52 =	vadd.s32 $0x155CC0, v43  }
0xe5: {  	v55 =	vld [tilespmem:$0x790];
	v54 =	vadd.s32 $0x155CC0, v45;
	[tilespmem:$0x730] =	vst v52  }
0xe6: {  	v57 =	vld [tilespmem:$0x7A0];
	v56 =	vadd.s32 $0x155CC0, v47;
	[tilespmem:$0x740] =	vst v54  }
0xe7: {  	v59 =	vld [tilespmem:$0x7B0];
	v58 =	vadd.s32 $0x155CC0, v49;
	[tilespmem:$0x750] =	vst v56  }
0xe8: {  	v61 =	vld [tilespmem:$0x7C0];
	v60 =	vadd.s32 $0x155CC0, v51;
	[tilespmem:$0x760] =	vst v58  }
0xe9: {  	v63 =	vld [tilespmem:$0x7D0];
	v62 =	vadd.s32 $0x16E360, v53;
	[tilespmem:$0x770] =	vst v60  }
0xea: {  	v9 =	vld [tilespmem:$0x7E0];
	v8 =	vadd.s32 $0x16E360, v55;
	[tilespmem:$0x780] =	vst v62  }
0xeb: {  	v11 =	vld [tilespmem:$0x7F0];
	v10 =	vadd.s32 $0x16E360, v57;
	[tilespmem:$0x790] =	vst v8  }
0xec: {  	v13 =	vld [tilespmem:$0x800];
	v12 =	vadd.s32 $0x16E360, v59;
	[tilespmem:$0x7A0] =	vst v10  }
0xed: {  	v15 =	vld [tilespmem:$0x810];
	v14 =	vadd.s32 $0x16E360, v61;
	[tilespmem:$0x7B0] =	vst v12  }
0xee: {  	v17 =	vld [tilespmem:$0x820];
	v16 =	vadd.s32 $0x16E360, v63;
	[tilespmem:$0x7C0] =	vst v14  }
0xef: {  	v19 =	vld [tilespmem:$0x830];
	v18 =	vadd.s32 $0x16E360, v9;
	[tilespmem:$0x7D0] =	vst v16  }
0xf0: {  	v21 =	vld [tilespmem:$0x840];
	v20 =	vadd.s32 $0x16E360, v11;
	[tilespmem:$0x7E0] =	vst v18  }
0xf1: {  	v23 =	vld [tilespmem:$0x850];
	v22 =	vadd.s32 $0x186A00, v13;
	[tilespmem:$0x7F0] =	vst v20  }
0xf2: {  	v25 =	vld [tilespmem:$0x860];
	v24 =	vadd.s32 $0x186A00, v15;
	[tilespmem:$0x800] =	vst v22  }
0xf3: {  	v27 =	vld [tilespmem:$0x870];
	v26 =	vadd.s32 $0x186A00, v17;
	[tilespmem:$0x810] =	vst v24  }
0xf4: {  	v29 =	vld [tilespmem:$0x880];
	v28 =	vadd.s32 $0x186A00, v19;
	[tilespmem:$0x820] =	vst v26  }
0xf5: {  	v31 =	vld [tilespmem:$0x890];
	v30 =	vadd.s32 $0x186A00, v21;
	[tilespmem:$0x830] =	vst v28  }
0xf6: {  	v33 =	vld [tilespmem:$0x8A0];
	v32 =	vadd.s32 $0x186A00, v23;
	[tilespmem:$0x840] =	vst v30  }
0xf7: {  	v35 =	vld [tilespmem:$0x8B0];
	v34 =	vadd.s32 $0x186A00, v25;
	[tilespmem:$0x850] =	vst v32  }
0xf8: {  	v37 =	vld [tilespmem:$0x8C0];
	v36 =	vadd.s32 $0x186A00, v27;
	[tilespmem:$0x860] =	vst v34  }
0xf9: {  	v39 =	vld [tilespmem:$0x8D0];
	v38 =	vadd.s32 $0x19F0A0, v29;
	[tilespmem:$0x870] =	vst v36  }
0xfa: {  	v41 =	vld [tilespmem:$0x8E0];
	v40 =	vadd.s32 $0x19F0A0, v31;
	[tilespmem:$0x880] =	vst v38  }
0xfb: {  	v42 =	vadd.s32 $0x19F0A0, v33;
	v43 =	vld [tilespmem:$0x8F0];
	[tilespmem:$0x890] =	vst v40  }
0xfc: {  	v44 =	vadd.s32 $0x19F0A0, v35;
	v45 =	vld [tilespmem:$0x900];
	[tilespmem:$0x8A0] =	vst v42  }
0xfd: {  	v46 =	vadd.s32 $0x19F0A0, v37;
	v47 =	vld [tilespmem:$0x910];
	[tilespmem:$0x8B0] =	vst v44  }
0xfe: {  	v49 =	vld [tilespmem:$0x920];
	[tilespmem:$0x8C0] =	vst v46;
	v48 =	vadd.s32 $0x19F0A0, v39  }
0xff: {  	v51 =	vld [tilespmem:$0x930];
	v50 =	vadd.s32 $0x19F0A0, v41;
	[tilespmem:$0x8D0] =	vst v48  }
0x100: {  	v53 =	vld [tilespmem:$0x940];
	[tilespmem:$0x8E0] =	vst v50;
	v52 =	vadd.s32 $0x19F0A0, v43  }
0x101: {  	v55 =	vld [tilespmem:$0x950];
	v54 =	vadd.s32 $0x1B7740, v45;
	[tilespmem:$0x8F0] =	vst v52  }
0x102: {  	v57 =	vld [tilespmem:$0x960];
	v56 =	vadd.s32 $0x1B7740, v47;
	[tilespmem:$0x900] =	vst v54  }
0x103: {  	v59 =	vld [tilespmem:$0x970];
	v58 =	vadd.s32 $0x1B7740, v49;
	[tilespmem:$0x910] =	vst v56  }
0x104: {  	v61 =	vld [tilespmem:$0x980];
	v60 =	vadd.s32 $0x1B7740, v51;
	[tilespmem:$0x920] =	vst v58  }
0x105: {  	v63 =	vld [tilespmem:$0x990];
	v62 =	vadd.s32 $0x1B7740, v53;
	[tilespmem:$0x930] =	vst v60  }
0x106: {  	v9 =	vld [tilespmem:$0x9A0];
	v8 =	vadd.s32 $0x1B7740, v55;
	[tilespmem:$0x940] =	vst v62  }
0x107: {  	v11 =	vld [tilespmem:$0x9B0];
	v10 =	vadd.s32 $0x1B7740, v57;
	[tilespmem:$0x950] =	vst v8  }
0x108: {  	v13 =	vld [tilespmem:$0x9C0];
	v12 =	vadd.s32 $0x1B7740, v59;
	[tilespmem:$0x960] =	vst v10  }
0x109: {  	v15 =	vld [tilespmem:$0x9D0];
	v14 =	vadd.s32 $0x1CFDE0, v61;
	[tilespmem:$0x970] =	vst v12  }
0x10a: {  	v17 =	vld [tilespmem:$0x9E0];
	v16 =	vadd.s32 $0x1CFDE0, v63;
	[tilespmem:$0x980] =	vst v14  }
0x10b: {  	v19 =	vld [tilespmem:$0x9F0];
	v18 =	vadd.s32 $0x1CFDE0, v9;
	[tilespmem:$0x990] =	vst v16  }
0x10c: {  	v21 =	vld [tilespmem:$0xA00];
	v20 =	vadd.s32 $0x1CFDE0, v11;
	[tilespmem:$0x9A0] =	vst v18  }
0x10d: {  	v23 =	vld [tilespmem:$0xA10];
	v22 =	vadd.s32 $0x1CFDE0, v13;
	[tilespmem:$0x9B0] =	vst v20  }
0x10e: {  	v25 =	vld [tilespmem:$0xA20];
	v24 =	vadd.s32 $0x1CFDE0, v15;
	[tilespmem:$0x9C0] =	vst v22  }
0x10f: {  	v27 =	vld [tilespmem:$0xA30];
	v26 =	vadd.s32 $0x1CFDE0, v17;
	[tilespmem:$0x9D0] =	vst v24  }
0x110: {  	v29 =	vld [tilespmem:$0xA40];
	v28 =	vadd.s32 $0x1CFDE0, v19;
	[tilespmem:$0x9E0] =	vst v26  }
0x111: {  	v31 =	vld [tilespmem:$0xA50];
	v30 =	vadd.s32 $0x1E8480, v21;
	[tilespmem:$0x9F0] =	vst v28  }
0x112: {  	v33 =	vld [tilespmem:$0xA60];
	v32 =	vadd.s32 $0x1E8480, v23;
	[tilespmem:$0xA00] =	vst v30  }
0x113: {  	v35 =	vld [tilespmem:$0xA70];
	v34 =	vadd.s32 $0x1E8480, v25;
	[tilespmem:$0xA10] =	vst v32  }
0x114: {  	v37 =	vld [tilespmem:$0xA80];
	v36 =	vadd.s32 $0x1E8480, v27;
	[tilespmem:$0xA20] =	vst v34  }
0x115: {  	v39 =	vld [tilespmem:$0xA90];
	v38 =	vadd.s32 $0x1E8480, v29;
	[tilespmem:$0xA30] =	vst v36  }
0x116: {  	v41 =	vld [tilespmem:$0xAA0];
	v40 =	vadd.s32 $0x1E8480, v31;
	[tilespmem:$0xA40] =	vst v38  }
0x117: {  	v42 =	vadd.s32 $0x1E8480, v33;
	v43 =	vld [tilespmem:$0xAB0];
	[tilespmem:$0xA50] =	vst v40  }
0x118: {  	v44 =	vadd.s32 $0x1E8480, v35;
	v45 =	vld [tilespmem:$0xAC0];
	[tilespmem:$0xA60] =	vst v42  }
0x119: {  	v46 =	vadd.s32 $0x200B20, v37;
	v47 =	vld [tilespmem:$0xAD0];
	[tilespmem:$0xA70] =	vst v44  }
0x11a: {  	v49 =	vld [tilespmem:$0xAE0];
	[tilespmem:$0xA80] =	vst v46;
	v48 =	vadd.s32 $0x200B20, v39  }
0x11b: {  	v51 =	vld [tilespmem:$0xAF0];
	v50 =	vadd.s32 $0x200B20, v41;
	[tilespmem:$0xA90] =	vst v48  }
0x11c: {  	v53 =	vld [tilespmem:$0xB00];
	[tilespmem:$0xAA0] =	vst v50;
	v52 =	vadd.s32 $0x200B20, v43  }
0x11d: {  	v55 =	vld [tilespmem:$0xB10];
	v54 =	vadd.s32 $0x200B20, v45;
	[tilespmem:$0xAB0] =	vst v52  }
0x11e: {  	v57 =	vld [tilespmem:$0xB20];
	v56 =	vadd.s32 $0x200B20, v47;
	[tilespmem:$0xAC0] =	vst v54  }
0x11f: {  	v59 =	vld [tilespmem:$0xB30];
	v58 =	vadd.s32 $0x200B20, v49;
	[tilespmem:$0xAD0] =	vst v56  }
0x120: {  	v61 =	vld [tilespmem:$0xB40];
	v60 =	vadd.s32 $0x200B20, v51;
	[tilespmem:$0xAE0] =	vst v58  }
0x121: {  	v63 =	vld [tilespmem:$0xB50];
	v62 =	vadd.s32 $0x2191C0, v53;
	[tilespmem:$0xAF0] =	vst v60  }
0x122: {  	v8 =	vld [tilespmem:$0xB60];
	v7 =	vadd.s32 $0x2191C0, v55;
	[tilespmem:$0xB00] =	vst v62  }
0x123: {  	v10 =	vld [tilespmem:$0xB70];
	v9 =	vadd.s32 $0x2191C0, v57;
	[tilespmem:$0xB10] =	vst v7  }
0x124: {  	v12 =	vld [tilespmem:$0xB80];
	v11 =	vadd.s32 $0x2191C0, v59;
	[tilespmem:$0xB20] =	vst v9  }
0x125: {  	v14 =	vld [tilespmem:$0xB90];
	v13 =	vadd.s32 $0x2191C0, v61;
	[tilespmem:$0xB30] =	vst v11  }
0x126: {  	v16 =	vld [tilespmem:$0xBA0];
	v15 =	vadd.s32 $0x2191C0, v63;
	[tilespmem:$0xB40] =	vst v13  }
0x127: {  	v18 =	vld [tilespmem:$0xBB0];
	[tilespmem:$0xB50] =	vst v15;
	v17 =	vadd.s32 $0x2191C0, v8  }
0x128: {  	v20 =	vld [tilespmem:$0xBC0];
	v19 =	vadd.s32 $0x2191C0, v10;
	[tilespmem:$0xB60] =	vst v17  }
0x129: {  	v22 =	vld [tilespmem:$0xBD0];
	v21 =	vadd.s32 $0x231860, v12;
	[tilespmem:$0xB70] =	vst v19  }
0x12a: {  	v24 =	vld [tilespmem:$0xBE0];
	v23 =	vadd.s32 $0x231860, v14;
	[tilespmem:$0xB80] =	vst v21  }
0x12b: {  	v26 =	vld [tilespmem:$0xBF0];
	v25 =	vadd.s32 $0x231860, v16;
	[tilespmem:$0xB90] =	vst v23  }
0x12c: {  	v28 =	vld [tilespmem:$0xC00];
	v27 =	vadd.s32 $0x231860, v18;
	[tilespmem:$0xBA0] =	vst v25  }
0x12d: {  	v30 =	vld [tilespmem:$0xC10];
	v29 =	vadd.s32 $0x231860, v20;
	[tilespmem:$0xBB0] =	vst v27  }
0x12e: {  	v32 =	vld [tilespmem:$0xC20];
	v31 =	vadd.s32 $0x231860, v22;
	[tilespmem:$0xBC0] =	vst v29  }
0x12f: {  	v34 =	vld [tilespmem:$0xC30];
	v33 =	vadd.s32 $0x231860, v24;
	[tilespmem:$0xBD0] =	vst v31  }
0x130: {  	v36 =	vld [tilespmem:$0xC40];
	v35 =	vadd.s32 $0x231860, v26;
	[tilespmem:$0xBE0] =	vst v33  }
0x131: {  	v38 =	vld [tilespmem:$0xC50];
	v37 =	vadd.s32 $0x249F00, v28;
	[tilespmem:$0xBF0] =	vst v35  }
0x132: {  	v40 =	vld [tilespmem:$0xC60];
	v39 =	vadd.s32 $0x249F00, v30;
	[tilespmem:$0xC00] =	vst v37  }
0x133: {  	v42 =	vld [tilespmem:$0xC70];
	v41 =	vadd.s32 $0x249F00, v32;
	[tilespmem:$0xC10] =	vst v39  }
0x134: {  	v44 =	vld [tilespmem:$0xC80];
	v43 =	vadd.s32 $0x249F00, v34;
	[tilespmem:$0xC20] =	vst v41  }
0x135: {  	v46 =	vld [tilespmem:$0xC90];
	v45 =	vadd.s32 $0x249F00, v36;
	[tilespmem:$0xC30] =	vst v43  }
0x136: {  	v48 =	vld [tilespmem:$0xCA0];
	v47 =	vadd.s32 $0x249F00, v38;
	[tilespmem:$0xC40] =	vst v45  }
0x137: {  	v50 =	vld [tilespmem:$0xCB0];
	v49 =	vadd.s32 $0x249F00, v40;
	[tilespmem:$0xC50] =	vst v47  }
0x138: {  	v51 =	vadd.s32 $0x249F00, v42;
	v52 =	vld [tilespmem:$0xCC0];
	[tilespmem:$0xC60] =	vst v49  }
0x139: {  	v53 =	vadd.s32 $0x2625A0, v44;
	v54 =	vld [tilespmem:$0xCD0];
	[tilespmem:$0xC70] =	vst v51  }
0x13a: {  	v55 =	vadd.s32 $0x2625A0, v46;
	v56 =	vld [tilespmem:$0xCE0];
	[tilespmem:$0xC80] =	vst v53  }
0x13b: {  	v58 =	vld [tilespmem:$0xCF0];
	[tilespmem:$0xC90] =	vst v55;
	v57 =	vadd.s32 $0x2625A0, v48  }
0x13c: {  	v59 =	vadd.s32 $0x2625A0, v50;
	[tilespmem:$0xCA0] =	vst v57  }
0x13d: {  	[tilespmem:$0xCB0] =	vst v59;
	v60 =	vadd.s32 $0x2625A0, v52  }
0x13e: {  	v61 =	vadd.s32 $0x2625A0, v54;
	[tilespmem:$0xCC0] =	vst v60  }
0x13f: {  	v62 =	vadd.s32 $0x2625A0, v56;
	[tilespmem:$0xCD0] =	vst v61  }
0x140: {  	v63 =	vadd.s32 $0x2625A0, v58;
	[tilespmem:$0xCE0] =	vst v62  }
0x141: {  	[tilespmem:$0xCF0] =	vst v63  }
0x142: {  	_ =	swait.ge [sflag:s19], $0x4000  }
0x143: {  	[sflag:s19] =	ssyncset.done $0x0  }
0x144: {  	[sflag:s19] =	ssyncadd.s32 $0xFFFFC000  }
0x145: {  	[hbm4b:s5+s3] =	stream.linear.scatter [tilespmem:s11], [sflag:$0x8], $0x4000, $0x38;
	[tilespmem:$0x1D000] =	vst v63  }
0x146: {  	_ =	swait.ge [sflag:s9], $0x4000  }
0x147: {  	s7 =	sld [smem:$0x7EE]  }
0x148: {  	[sflag:s9] =	ssyncset.done $0x0  }
0x149: {  	[sflag:s9] =	ssyncadd.s32 $0xFFFFC000  }
0x14a: {  	[tilespmem:s11], [sflag:$0x1] =	stream.indirect.gather [hbm4b:s2+s10], $0x80, s7, s10, $0xb8;
	[tilespmem:$0x1D000] =	vst v63  }
0x14b: {  	_ =	swait.ge [sflag:s20], $0x4000  }
0x14c: {  	[sflag:s20] =	ssyncset.done $0x0  }
0x14d: {  	s1 =	rddreg [dreg:$0x6];
	[sflag:s20] =	ssyncadd.s32 $0xFFFFC000  }
0x14e: {  	[hbm4b:s1+s3] =	stream.linear.scatter [tilespmem:s12], [sflag:$0x9], $0x4000, $0x38;
	[tilespmem:$0x1D000] =	vst v63  }
0x14f: {  	_ =	swait.ge [sflag:s18], $0x4000  }
0x150: {  	[sflag:s18] =	ssyncset.done $0x0  }
0x151: {  	[sflag:s18] =	ssyncadd.s32 $0xFFFFC000  }
0x152: {  	[tilespmem:s12], [sflag:$0x2] =	stream.indirect.gather [hbm4b:s2+s10], $0x80, s4, s10, $0xb8;
	[tilespmem:$0x1D000] =	vst v63  }
0x153: {  	_ =	swait.ge [sflag:s21], $0x4000  }
0x154: {  	[sflag:s21] =	ssyncset.done $0x0  }
0x155: {  	s7 =	rddreg [dreg:$0x7];
	[sflag:s21] =	ssyncadd.s32 $0xFFFFC000  }
0x156: {  	[hbm4b:s7+s3] =	stream.linear.scatter [tilespmem:s13], [sflag:$0xA], $0x4000, $0x38;
	[tilespmem:$0x1D000] =	vst v63  }
0x157: {  	_ =	swait.ge [sflag:s22], $0x4000  }
0x158: {  	s1 =	sld [smem:$0x7EF]  }
0x159: {  	[sflag:s22] =	ssyncset.done $0x0  }
0x15a: {  	[sflag:s22] =	ssyncadd.s32 $0xFFFFC000  }
0x15b: {  	[tilespmem:s13], [sflag:$0x3] =	stream.indirect.gather [hbm4b:s2+s10], $0x80, s1, s10, $0xb8;
	[tilespmem:$0x1D000] =	vst v63  }
0x15c: {  	_ =	swait.ge [sflag:s23], $0x4000  }
0x15d: {  	[sflag:s23] =	ssyncset.done $0x0  }
0x15e: {  	s4 =	rddreg [dreg:$0x8];
	[sflag:s23] =	ssyncadd.s32 $0xFFFFC000  }
0x15f: {  	[hbm4b:s4+s3] =	stream.linear.scatter [tilespmem:s14], [sflag:$0xB], $0x4000, $0x38;
	[tilespmem:$0x1D000] =	vst v63  }
0x160: {  	_ =	swait.ge [sflag:s24], $0x4000  }
0x161: {  	s7 =	sld [smem:$0x7F0]  }
0x162: {  	[sflag:s24] =	ssyncset.done $0x0  }
0x163: {  	[sflag:s24] =	ssyncadd.s32 $0xFFFFC000  }
0x164: {  	[tilespmem:s14], [sflag:$0x4] =	stream.indirect.gather [hbm4b:s2+s10], $0x80, s7, s10, $0xb8;
	[tilespmem:$0x1D000] =	vst v63  }
0x165: {  	_ =	swait.ge [sflag:s25], $0x4000  }
0x166: {  	[sflag:s25] =	ssyncset.done $0x0  }
0x167: {  	s1 =	rddreg [dreg:$0x9];
	[sflag:s25] =	ssyncadd.s32 $0xFFFFC000  }
0x168: {  	[hbm4b:s1+s3] =	stream.linear.scatter [tilespmem:s15], [sflag:$0xC], $0x4000, $0x38;
	[tilespmem:$0x1D000] =	vst v63  }
0x169: {  	_ =	swait.ge [sflag:s26], $0x4000  }
0x16a: {  	s4 =	sld [smem:$0x7F1]  }
0x16b: {  	[sflag:s26] =	ssyncset.done $0x0  }
0x16c: {  	[sflag:s26] =	ssyncadd.s32 $0xFFFFC000  }
0x16d: {  	[tilespmem:s15], [sflag:$0x5] =	stream.indirect.gather [hbm4b:s2+s10], $0x80, s4, s10, $0xb8;
	[tilespmem:$0x1D000] =	vst v63  }
0x16e: {  	_ =	swait.ge [sflag:s28], $0x4000  }
0x16f: {  	[sflag:s28] =	ssyncset.done $0x0  }
0x170: {  	s7 =	rddreg [dreg:$0xa];
	[sflag:s28] =	ssyncadd.s32 $0xFFFFC000  }
0x171: {  	[hbm4b:s7+s3] =	stream.linear.scatter [tilespmem:s16], [sflag:$0xD], $0x4000, $0x38;
	[tilespmem:$0x1D000] =	vst v63  }
0x172: {  	_ =	swait.ge [sflag:s29], $0x4000  }
0x173: {  	s1 =	sld [smem:$0x7F2]  }
0x174: {  	[sflag:s29] =	ssyncset.done $0x0  }
0x175: {  	[sflag:s29] =	ssyncadd.s32 $0xFFFFC000  }
0x176: {  	[tilespmem:s16], [sflag:$0x6] =	stream.indirect.gather [hbm4b:s2+s10], $0x80, s1, s10, $0xb8;
	[tilespmem:$0x1D000] =	vst v63  }
0x177: {  	_ =	swait.ge [sflag:s30], $0x4000  }
0x178: {  	[sflag:s30] =	ssyncset.done $0x0  }
0x179: {  	s4 =	rddreg [dreg:$0xb];
	[sflag:s30] =	ssyncadd.s32 $0xFFFFC000  }
0x17a: {  	[hbm4b:s4+s3] =	stream.linear.scatter [tilespmem:s17], [sflag:$0xE], $0x4000, $0x38;
	[tilespmem:$0x1D000] =	vst v63  }
0x17b: {  	_ =	swait.ge [sflag:s31], $0x4000  }
0x17c: {  	s7 =	sld [smem:$0x7F3]  }
0x17d: {  	[sflag:s31] =	ssyncset.done $0x0  }
0x17e: {  	[sflag:s31] =	ssyncadd.s32 $0xFFFFC000  }
0x17f: {  	[tilespmem:s17], [sflag:$0x7] =	stream.indirect.gather [hbm4b:s2+s10], $0x80, s7, s10, $0xb8;
	[tilespmem:$0x1D000] =	vst v63  }
0x180: {  	_ =	swait.ge [sflag:s19], $0x4000  }
0x181: {  	[sflag:s19] =	ssyncset.done $0x0  }
0x182: {  	s1 =	rddreg [dreg:$0xc];
	[sflag:s19] =	ssyncadd.s32 $0xFFFFC000  }
0x183: {  	[hbm4b:s1+s3] =	stream.linear.scatter [tilespmem:s11], [sflag:$0x8], $0x4000, $0x38;
	[tilespmem:$0x1D000] =	vst v63  }
0x184: {  	_ =	swait.ge [sflag:s9], $0x4000  }
0x185: {  	s4 =	sld [smem:$0x7F4]  }
0x186: {  	[sflag:s9] =	ssyncset.done $0x0  }
0x187: {  	[sflag:s9] =	ssyncadd.s32 $0xFFFFC000  }
0x188: {  	[tilespmem:s11], [sflag:$0x1] =	stream.indirect.gather [hbm4b:s2+s10], $0x80, s4, s10, $0xb8;
	[tilespmem:$0x1D000] =	vst v63  }
0x189: {  	_ =	swait.ge [sflag:s20], $0x4000  }
0x18a: {  	[sflag:s20] =	ssyncset.done $0x0  }
0x18b: {  	s7 =	rddreg [dreg:$0xd];
	[sflag:s20] =	ssyncadd.s32 $0xFFFFC000  }
0x18c: {  	[hbm4b:s7+s3] =	stream.linear.scatter [tilespmem:s12], [sflag:$0x9], $0x4000, $0x38;
	[tilespmem:$0x1D000] =	vst v63  }
0x18d: {  	_ =	swait.ge [sflag:s18], $0x4000  }
0x18e: {  	s1 =	sld [smem:$0x7F5]  }
0x18f: {  	[sflag:s18] =	ssyncset.done $0x0  }
0x190: {  	[sflag:s18] =	ssyncadd.s32 $0xFFFFC000  }
0x191: {  	[tilespmem:s12], [sflag:$0x2] =	stream.indirect.gather [hbm4b:s2+s10], $0x80, s1, s10, $0xb8;
	[tilespmem:$0x1D000] =	vst v63  }
0x192: {  	_ =	swait.ge [sflag:s21], $0x4000  }
0x193: {  	[sflag:s21] =	ssyncset.done $0x0  }
0x194: {  	s4 =	rddreg [dreg:$0xe];
	[sflag:s21] =	ssyncadd.s32 $0xFFFFC000  }
0x195: {  	[hbm4b:s4+s3] =	stream.linear.scatter [tilespmem:s13], [sflag:$0xA], $0x4000, $0x38;
	[tilespmem:$0x1D000] =	vst v63  }
0x196: {  	_ =	swait.ge [sflag:s22], $0x4000  }
0x197: {  	s7 =	sld [smem:$0x7F6]  }
0x198: {  	[sflag:s22] =	ssyncset.done $0x0  }
0x199: {  	[sflag:s22] =	ssyncadd.s32 $0xFFFFC000  }
0x19a: {  	[tilespmem:s13], [sflag:$0x3] =	stream.indirect.gather [hbm4b:s2+s10], $0x80, s7, s10, $0xb8;
	[tilespmem:$0x1D000] =	vst v63  }
0x19b: {  	_ =	swait.ge [sflag:s23], $0x4000  }
0x19c: {  	[sflag:s23] =	ssyncset.done $0x0  }
0x19d: {  	s1 =	rddreg [dreg:$0xf];
	[sflag:s23] =	ssyncadd.s32 $0xFFFFC000  }
0x19e: {  	[hbm4b:s1+s3] =	stream.linear.scatter [tilespmem:s14], [sflag:$0xB], $0x4000, $0x38;
	[tilespmem:$0x1D000] =	vst v63  }
0x19f: {  	_ =	swait.ge [sflag:s24], $0x4000  }
0x1a0: {  	s4 =	sld [smem:$0x7F7]  }
0x1a1: {  	[sflag:s24] =	ssyncset.done $0x0  }
0x1a2: {  	[sflag:s24] =	ssyncadd.s32 $0xFFFFC000  }
0x1a3: {  	[tilespmem:s14], [sflag:$0x4] =	stream.indirect.gather [hbm4b:s2+s10], $0x80, s4, s10, $0xb8;
	[tilespmem:$0x1D000] =	vst v63  }
0x1a4: {  	_ =	swait.ge [sflag:s25], $0x4000  }
0x1a5: {  	[sflag:s25] =	ssyncset.done $0x0  }
0x1a6: {  	s7 =	rddreg [dreg:$0x10];
	[sflag:s25] =	ssyncadd.s32 $0xFFFFC000  }
0x1a7: {  	[hbm4b:s7+s3] =	stream.linear.scatter [tilespmem:s15], [sflag:$0xC], $0x4000, $0x38;
	[tilespmem:$0x1D000] =	vst v63  }
0x1a8: {  	_ =	swait.ge [sflag:s26], $0x4000  }
0x1a9: {  	s1 =	sld [smem:$0x7F8]  }
0x1aa: {  	[sflag:s26] =	ssyncset.done $0x0  }
0x1ab: {  	[sflag:s26] =	ssyncadd.s32 $0xFFFFC000  }
0x1ac: {  	[tilespmem:s15], [sflag:$0x5] =	stream.indirect.gather [hbm4b:s2+s10], $0x80, s1, s10, $0xb8;
	[tilespmem:$0x1D000] =	vst v63  }
0x1ad: {  	_ =	swait.ge [sflag:s28], $0x4000  }
0x1ae: {  	[sflag:s28] =	ssyncset.done $0x0  }
0x1af: {  	s4 =	rddreg [dreg:$0x11];
	[sflag:s28] =	ssyncadd.s32 $0xFFFFC000  }
0x1b0: {  	[hbm4b:s4+s3] =	stream.linear.scatter [tilespmem:s16], [sflag:$0xD], $0x4000, $0x38;
	[tilespmem:$0x1D000] =	vst v63  }
0x1b1: {  	_ =	swait.ge [sflag:s29], $0x4000  }
0x1b2: {  	s7 =	sld [smem:$0x7F9]  }
0x1b3: {  	[sflag:s29] =	ssyncset.done $0x0  }
0x1b4: {  	[sflag:s29] =	ssyncadd.s32 $0xFFFFC000  }
0x1b5: {  	[tilespmem:s16], [sflag:$0x6] =	stream.indirect.gather [hbm4b:s2+s10], $0x80, s7, s10, $0xb8;
	[tilespmem:$0x1D000] =	vst v63  }
0x1b6: {  	_ =	swait.ge [sflag:s30], $0x4000  }
0x1b7: {  	[sflag:s30] =	ssyncset.done $0x0  }
0x1b8: {  	s1 =	rddreg [dreg:$0x12];
	[sflag:s30] =	ssyncadd.s32 $0xFFFFC000  }
0x1b9: {  	[hbm4b:s1+s3] =	stream.linear.scatter [tilespmem:s17], [sflag:$0xE], $0x4000, $0x38;
	[tilespmem:$0x1D000] =	vst v63  }
0x1ba: {  	_ =	swait.ge [sflag:s31], $0x4000  }
0x1bb: {  	s4 =	sld [smem:$0x7FA]  }
0x1bc: {  	[sflag:s31] =	ssyncset.done $0x0  }
0x1bd: {  	[sflag:s31] =	ssyncadd.s32 $0xFFFFC000  }
0x1be: {  	[tilespmem:s17], [sflag:$0x7] =	stream.indirect.gather [hbm4b:s2+s10], $0x80, s4, s10, $0xb8;
	[tilespmem:$0x1D000] =	vst v63  }
0x1bf: {  	_ =	swait.ge [sflag:s19], $0x4000  }
0x1c0: {  	[sflag:s19] =	ssyncset.done $0x0  }
0x1c1: {  	s7 =	rddreg [dreg:$0x13];
	[sflag:s19] =	ssyncadd.s32 $0xFFFFC000  }
0x1c2: {  	[hbm4b:s7+s3] =	stream.linear.scatter [tilespmem:s11], [sflag:$0x8], $0x4000, $0x38;
	[tilespmem:$0x1D000] =	vst v63  }
0x1c3: {  	_ =	swait.ge [sflag:s9], $0x4000  }
0x1c4: {  	s1 =	sld [smem:$0x7FB]  }
0x1c5: {  	[sflag:s9] =	ssyncset.done $0x0  }
0x1c6: {  	[sflag:s9] =	ssyncadd.s32 $0xFFFFC000  }
0x1c7: {  	[tilespmem:s11], [sflag:$0x1] =	stream.indirect.gather [hbm4b:s2+s10], $0x80, s1, s10, $0xb8;
	[tilespmem:$0x1D000] =	vst v63  }
0x1c8: {  	_ =	swait.ge [sflag:s20], $0x4000  }
0x1c9: {  	[sflag:s20] =	ssyncset.done $0x0  }
0x1ca: {  	s4 =	rddreg [dreg:$0x14];
	[sflag:s20] =	ssyncadd.s32 $0xFFFFC000  }
0x1cb: {  	[hbm4b:s4+s3] =	stream.linear.scatter [tilespmem:s12], [sflag:$0x9], $0x4000, $0x38;
	[tilespmem:$0x1D000] =	vst v63  }
0x1cc: {  	_ =	swait.ge [sflag:s18], $0x4000  }
0x1cd: {  	s7 =	sld [smem:$0x7FC]  }
0x1ce: {  	[sflag:s18] =	ssyncset.done $0x0  }
0x1cf: {  	[sflag:s18] =	ssyncadd.s32 $0xFFFFC000  }
0x1d0: {  	[tilespmem:s12], [sflag:$0x2] =	stream.indirect.gather [hbm4b:s2+s10], $0x80, s7, s10, $0xb8;
	[tilespmem:$0x1D000] =	vst v63  }
0x1d1: {  	_ =	swait.ge [sflag:s21], $0x4000  }
0x1d2: {  	[sflag:s21] =	ssyncset.done $0x0  }
0x1d3: {  	s1 =	rddreg [dreg:$0x15];
	[sflag:s21] =	ssyncadd.s32 $0xFFFFC000  }
0x1d4: {  	[hbm4b:s1+s3] =	stream.linear.scatter [tilespmem:s13], [sflag:$0xA], $0x4000, $0x38;
	[tilespmem:$0x1D000] =	vst v63  }
0x1d5: {  	_ =	swait.ge [sflag:s22], $0x4000  }
0x1d6: {  	s4 =	sld [smem:$0x7FD]  }
0x1d7: {  	[sflag:s22] =	ssyncset.done $0x0  }
0x1d8: {  	[sflag:s22] =	ssyncadd.s32 $0xFFFFC000  }
0x1d9: {  	[tilespmem:s13], [sflag:$0x3] =	stream.indirect.gather [hbm4b:s2+s10], $0x80, s4, s10, $0xb8;
	[tilespmem:$0x1D000] =	vst v63  }
0x1da: {  	_ =	swait.ge [sflag:s23], $0x4000  }
0x1db: {  	[sflag:s23] =	ssyncset.done $0x0  }
0x1dc: {  	s7 =	rddreg [dreg:$0x16];
	[sflag:s23] =	ssyncadd.s32 $0xFFFFC000  }
0x1dd: {  	[hbm4b:s7+s3] =	stream.linear.scatter [tilespmem:s14], [sflag:$0xB], $0x4000, $0x38;
	[tilespmem:$0x1D000] =	vst v63  }
0x1de: {  	_ =	swait.ge [sflag:s24], $0x4000  }
0x1df: {  	[sflag:s24] =	ssyncset.done $0x0  }
0x1e0: {  	[sflag:s24] =	ssyncadd.s32 $0xFFFFC000  }
0x1e1: {  	[tilespmem:s14], [sflag:$0x4] =	stream.indirect.gather [hbm4b:s2+s10], $0x80, s8, s10, $0xb8;
	[tilespmem:$0x1D000] =	vst v63  }
0x1e2: {  	_ =	swait.ge [sflag:s25], $0x4000  }
0x1e3: {  	[sflag:s25] =	ssyncset.done $0x0  }
0x1e4: {  	s1 =	rddreg [dreg:$0x17];
	[sflag:s25] =	ssyncadd.s32 $0xFFFFC000  }
0x1e5: {  	[hbm4b:s1+s3] =	stream.linear.scatter [tilespmem:s15], [sflag:$0xC], $0x4000, $0x38;
	[tilespmem:$0x1D000] =	vst v63  }
0x1e6: {  	_ =	swait.ge [sflag:s26], $0x4000  }
0x1e7: {  	[sflag:s26] =	ssyncset.done $0x0  }
0x1e8: {  	s4 =	simm.s32 $0xC80;
	[sflag:s26] =	ssyncadd.s32 $0xFFFFC000  }
0x1e9: {  	[tilespmem:s15], [sflag:$0x5] =	stream.indirect.gather [hbm4b:s2+s10], $0x80, s4, s10, $0xb8;
	[tilespmem:$0x1D000] =	vst v63  }
0x1ea: {  	_ =	swait.ge [sflag:s28], $0x4000  }
0x1eb: {  	[sflag:s28] =	ssyncset.done $0x0  }
0x1ec: {  	s7 =	rddreg [dreg:$0x18];
	[sflag:s28] =	ssyncadd.s32 $0xFFFFC000  }
0x1ed: {  	[hbm4b:s7+s3] =	stream.linear.scatter [tilespmem:s16], [sflag:$0xD], $0x4000, $0x38;
	[tilespmem:$0x1D000] =	vst v63  }
0x1ee: {  	_ =	swait.ge [sflag:s30], $0x4000  }
0x1ef: {  	[sflag:s30] =	ssyncset.done $0x0  }
0x1f0: {  	s1 =	rddreg [dreg:$0x19];
	[sflag:s30] =	ssyncadd.s32 $0xFFFFC000  }
0x1f1: {  	[hbm4b:s1+s3] =	stream.linear.scatter [tilespmem:s17], [sflag:$0xE], $0x4000, $0x38;
	[tilespmem:$0x1D000] =	vst v63  }
0x1f2: {  	_ =	swait.ge [sflag:s19], $0x4000  }
0x1f3: {  	[sflag:s19] =	ssyncset.done $0x0  }
0x1f4: {  	s4 =	rddreg [dreg:$0x1a];
	[sflag:s19] =	ssyncadd.s32 $0xFFFFC000  }
0x1f5: {  	[hbm4b:s4+s3] =	stream.linear.scatter [tilespmem:s11], [sflag:$0x8], $0x4000, $0x38;
	[tilespmem:$0x1D000] =	vst v63  }
0x1f6: {  	_ =	swait.ge [sflag:s20], $0x4000  }
0x1f7: {  	[sflag:s20] =	ssyncset.done $0x0  }
0x1f8: {  	s7 =	rddreg [dreg:$0x1b];
	[sflag:s20] =	ssyncadd.s32 $0xFFFFC000  }
0x1f9: {  	[hbm4b:s7+s3] =	stream.linear.scatter [tilespmem:s12], [sflag:$0x9], $0x4000, $0x38;
	[tilespmem:$0x1D000] =	vst v63  }
0x1fa: {  	_ =	swait.ge [sflag:s21], $0x4000  }
0x1fb: {  	[sflag:s21] =	ssyncset.done $0x0  }
0x1fc: {  	s1 =	rddreg [dreg:$0x1c];
	[sflag:s21] =	ssyncadd.s32 $0xFFFFC000  }
0x1fd: {  	[hbm4b:s1+s3] =	stream.linear.scatter [tilespmem:s13], [sflag:$0xA], $0x4000, $0x38;
	[tilespmem:$0x1D000] =	vst v63  }
0x1fe: {  	_ =	swait.ge [sflag:s23], $0x4000  }
0x1ff: {  	[sflag:s23] =	ssyncset.done $0x0  }
0x200: {  	s4 =	rddreg [dreg:$0x1d];
	[sflag:s23] =	ssyncadd.s32 $0xFFFFC000  }
0x201: {  	[hbm4b:s4+s3] =	stream.linear.scatter [tilespmem:s14], [sflag:$0xB], $0x4000, $0x38;
	[tilespmem:$0x1D000] =	vst v63  }
0x202: {  	_ =	swait.ge [sflag:s25], $0x4000  }
0x203: {  	[sflag:s25] =	ssyncset.done $0x0  }
0x204: {  	s7 =	rddreg [dreg:$0x1e];
	[sflag:s25] =	ssyncadd.s32 $0xFFFFC000  }
0x205: {  	[hbm4b:s7+s3] =	stream.linear.scatter [tilespmem:s15], [sflag:$0xC], $0x4000, $0x38;
	[tilespmem:$0x1D000] =	vst v63  }
0x206: {  	_ =	swait.ge [sflag:s29], $0x4000  }
0x207: {  	[sflag:s29] =	ssyncset.done $0x0  }
0x208: {  	[sflag:s29] =	ssyncadd.s32 $0xFFFFC000  }
0x209: {  	_ =	swait.ge [sflag:s31], $0x4000  }
0x20a: {  	[sflag:s31] =	ssyncset.done $0x0  }
0x20b: {  	[sflag:s31] =	ssyncadd.s32 $0xFFFFC000  }
0x20c: {  	_ =	swait.ge [sflag:s9], $0x4000  }
0x20d: {  	[sflag:s9] =	ssyncset.done $0x0  }
0x20e: {  	[sflag:s9] =	ssyncadd.s32 $0xFFFFC000  }
0x20f: {  	_ =	swait.ge [sflag:s18], $0x4000  }
0x210: {  	[sflag:s18] =	ssyncset.done $0x0  }
0x211: {  	[sflag:s18] =	ssyncadd.s32 $0xFFFFC000  }
0x212: {  	_ =	swait.ge [sflag:s22], $0x4000  }
0x213: {  	[sflag:s22] =	ssyncset.done $0x0  }
0x214: {  	[sflag:s22] =	ssyncadd.s32 $0xFFFFC000  }
0x215: {  	p0 =	sne.s32 s6, $0x1;
	_ =	swait.ge [sflag:s24], $0x4000  }
.Ltmp0:
0x216: {  	[sflag:s24] =	ssyncset.done $0x0;
	(pc) =	sbr.rel @p0 .LBB2_1-.Ltmp0, $4  }
0x217: {  	[sflag:s24] =	ssyncadd.s32 $0xFFFFC000  }
0x218: {  	_ =	swait.ge [sflag:s26], $0x4000  }
0x219: {  	[sflag:s26] =	ssyncset.done $0x0  }
0x21a: {  	s6 =	sadd.s32 $0xFFFFFFFF, s6;
	[sflag:s26] =	ssyncadd.s32 $0xFFFFC000  }
0x21b: {  	_ =	sfence.sel $0x180000  }
0x21c: {  	[bflag:$0x0] =	sbarrier.arrive $0xFFFF  }
0x21d: {  	_ =	strace $0x90000047  }
0x21e: {  	s0 =	stileid.u32;
	[bflag:$0x2] =	sbarrier.arrive $0xFFFF  }
0x21f: {  	p0 =	sne.s32 s0, $0x0;
	s0 =	rddreg [dreg:$0x3]  }
0x220: {  	s0 =	sadd.s32 @!p0 $0x100000, s0  }
0x221: {  	[sflag:s0] =	ssyncadd.tile.s32 @!p0 $0x1;
	_ =	shalt  }
.Lfunc_end2:
_tile_overlayer_lowered:
.L_overlay_start_2:
0x222: {  	(tag) =	ssettag $0x2  }
0x223: {  	s0 =	rddreg [dreg:$0x0];
	s2 =	stileid.u32  }
0x224: {  	s1 =	rddreg [dreg:$0x1];
	p0 =	sne.s32 s2, $0x0  }
0x225: {  	s3 =	rddreg [dreg:$0x2];
	[bflag:$0x3] =	sbarrier.arrive $0xFFFF;
	s2 =	simm.s32 @!p0 $0x1C0F  }
0x226: {  	[timem:s3], [sflag:s2] =	dma.local @!p0 [hbm:s0], s1  }
0x227: {  	s0 =	simm.s32 @!p0 $0xF  }
0x228: {  	_ =	swait.ge @!p0 [sflag:s0], s1  }
0x229: {  	s1 =	ssub.s32 @!p0 $0x0, s1;
	[sflag:s0] =	ssyncset.done @!p0 $0x0  }
0x22a: {  	[sflag:s0] =	ssyncadd.s32 @!p0 s1  }
0x22b: {  	[bflag:$0x3] =	sbarrier.arrive $0xFFFF  }
0x22c: {  	_ =	shalt  }

</sc_bundles>
